<compile_context>
chip_gen: v7x
topology: tpu7x:2x2x1
jax: 0.10.2.dev20260603
libtpu: 0.0.44.dev20260713+nightly
codegen_flags: <defaults>
</compile_context>

<pallas_src>
import functools

import jax
import jax.numpy as jnp
from jax import lax
from jax.experimental import pallas as pl
from jax.experimental.pallas import tpu as pltpu
from jax.experimental.pallas import tpu_sc as plsc

_NC = 2
_NS = 16
_NW = _NC * _NS


def _proj_body(D_H, nf_ref, wkv_ref, wqf_ref, pkv_ref, pqf_ref):
    nf = nf_ref[...]
    kv = jax.lax.dot_general(
        nf, wkv_ref[...], (((1,), (0,)), ((), ())),
        preferred_element_type=jnp.float32)
    kw = jax.lax.bitcast_convert_type(
        kv[:, :D_H].astype(jnp.bfloat16), jnp.uint16).astype(jnp.uint32)
    vw = jax.lax.bitcast_convert_type(
        kv[:, D_H:].astype(jnp.bfloat16), jnp.uint16).astype(jnp.uint32)
    pkv_ref[...] = jax.lax.bitcast_convert_type(
        kw | (vw << 16), jnp.int32)
    pqf_ref[...] = jax.lax.dot_general(
        nf, wqf_ref[...], (((1,), (0,)), ((), ())),
        preferred_element_type=jnp.float32)


def _gather_body(C, SPW, K, nodes_hbm, misc_hbm, pkv_hbm, pqf_hbm, ef_hbm,
                 kv_out, e_out, t_out, qf_out,
                 idx_v, misc_v, qf_v, kv_v, e_v,
                 semL1a, semL1b, semL2a, semL2b, semSta, semStb):
    wid = lax.axis_index("s") * _NC + lax.axis_index("c")
    base = wid * SPW
    semL1 = (semL1a, semL1b)
    semL2 = (semL2a, semL2b)
    semSt = (semSta, semStb)
    NB = SPW // (2 * C)

    def store_descs(b, s0):
        out = [
            pltpu.make_async_copy(kv_v.at[b], kv_out.at[pl.ds(s0 + b * C, C)],
                                  semSt[b]),
            pltpu.make_async_copy(e_v.at[b], e_out.at[pl.ds(s0 + b * C, C)],
                                  semSt[b]),
        ]
        if b == 1:
            out.append(pltpu.make_async_copy(
                misc_v, t_out.at[pl.ds(s0, 2 * C)], semSt[b]))
            out.append(pltpu.make_async_copy(
                qf_v, qf_out.at[pl.ds(s0, 2 * C)], semSt[b]))
        return out

    def body(j, _):
        s0 = base + j * 2 * C
        @pl.when(j > 0)
        def _drain():
            for b in (0, 1):
                for d in store_descs(b, base + (j - 1) * 2 * C):
                    d.wait()
        pltpu.sync_copy(nodes_hbm.at[pl.ds(s0, 2 * C)], idx_v)
        d1 = pltpu.async_copy(misc_hbm.at[idx_v], misc_v, semL1[0])
        d2 = pltpu.async_copy(pqf_hbm.at[idx_v], qf_v, semL1[0])
        d1.wait()
        d2.wait()
        l2 = []
        for b in (0, 1):
            ds = []
            for i in range(C):
                ds.append(pltpu.async_copy(
                    pkv_hbm.at[misc_v.at[b * C + i, pl.ds(0, K)]],
                    kv_v.at[b, i], semL2[b]))
                ds.append(pltpu.async_copy(
                    ef_hbm.at[misc_v.at[b * C + i, pl.ds(32, K)]],
                    e_v.at[b, i], semL2[b]))
            l2.append(ds)
        for b in (0, 1):
            for d in l2[b]:
                d.wait()
            for d in store_descs(b, s0):
                d.start()
        return _

    lax.fori_loop(0, NB, body, 0)
    for b in (0, 1):
        for d in store_descs(b, base + (NB - 1) * 2 * C):
            d.wait()


def _fast_cos(x):
    n = jnp.round(x * 0.15915494309189535)
    r = x - n * 6.28125
    r = r - n * 1.9353071795864769e-03
    z = r * r
    p = jnp.float32(4.779477332387385e-14)
    for c in (-1.1470745597729725e-11, 2.08767569878681e-09,
              -2.755731922398589e-07, 2.48015873015873e-05,
              -1.388888888888889e-03, 4.1666666666666664e-02,
              -0.5, 1.0):
        p = p * z + c
    return p


def _attn_body(S, K, T, D_H, kv_ref, e_ref, dt_ref, qf_ref, w_ref,
               b_ref, cwt_ref, cwe_ref, wqt_ref, f1_ref, f1b_ref, f2_ref,
               f2b_ref, out_ref):
    b = b_ref[...]
    targ = dt_ref[...] * w_ref[...] + b
    tenc = _fast_cos(targ)
    proj = jax.lax.dot_general(
        tenc, cwt_ref[...], (((1,), (0,)), ((), ())),
        preferred_element_type=jnp.float32)
    proj += jax.lax.dot_general(
        e_ref[...].reshape(S * K, 128),
        cwe_ref[...], (((1,), (0,)), ((), ())),
        preferred_element_type=jnp.float32)
    kvp = jax.lax.bitcast_convert_type(kv_ref[...], jnp.uint32)
    kf = jax.lax.bitcast_convert_type(
        (kvp & jnp.uint32(0xFFFF)).astype(jnp.uint16),
        jnp.bfloat16).astype(jnp.float32)
    vf = jax.lax.bitcast_convert_type(
        (kvp >> 16).astype(jnp.uint16), jnp.bfloat16).astype(jnp.float32)
    kmat = kf + proj[:, :D_H].reshape(S, K, D_H)
    vmat = vf + proj[:, D_H:].reshape(S, K, D_H)
    qc = jax.lax.dot_general(
        jnp.cos(b), wqt_ref[...], (((1,), (0,)), ((), ())),
        preferred_element_type=jnp.float32)
    q = qf_ref[:, :D_H] + qc
    attn = jnp.sum(q[:, None, :] * kmat, axis=-1) * (D_H ** -0.5)
    m = jnp.max(attn, axis=-1, keepdims=True)
    p = jnp.exp2((attn - m) * 1.4426950408889634)
    a = p / jnp.sum(p, axis=-1, keepdims=True)
    agg = jnp.sum(a[:, :, None] * vmat, axis=1)
    h = jax.lax.dot_general(
        agg, f1_ref[...], (((1,), (0,)), ((), ())),
        preferred_element_type=jnp.float32)
    h = jnp.maximum(h + qf_ref[:, D_H:] + f1b_ref[0, :], 0.0)
    out = jax.lax.dot_general(
        h, f2_ref[...], (((1,), (0,)), ((), ())),
        preferred_element_type=jnp.float32)
    out_ref[...] = out + f2b_ref[0, :]


def kernel(source_nodes, destination_nodes, edge_times, edge_idxs,
           neighbor_nodes, neighbor_edge_idxs, neighbor_times,
           node_features, edge_features, time_w, time_b,
           Wq, Wk, Wv, fc1_w, fc1_b, fc2_w, fc2_b):
    del edge_idxs
    B = source_nodes.shape[0]
    N, K = neighbor_nodes.shape
    D = node_features.shape[1]
    D_E = edge_features.shape[1]
    T = time_w.shape[0]
    D_H = Wq.shape[1]

    nodes = jnp.concatenate([source_nodes, destination_nodes]).astype(jnp.int32)
    nbrn = neighbor_nodes.astype(jnp.int32)
    nbre = neighbor_edge_idxs.astype(jnp.int32)
    tbits = jax.lax.bitcast_convert_type(neighbor_times, jnp.int32)
    zpad = jnp.zeros((N, 32 - K), jnp.int32)
    misc_tab = jnp.concatenate(
        [nbrn, zpad, nbre, zpad, tbits, zpad,
         jnp.zeros((N, 32), jnp.int32)], axis=1)
    e_tab = jnp.pad(edge_features, ((0, 0), (0, 128 - D_E)))

    wkv = jnp.concatenate([Wk[:D], Wv[:D]], axis=1)
    wqf = jnp.concatenate([Wq[:D], fc1_w[D_H:]], axis=1)
    cwt = jnp.concatenate([Wk[D + D_E:], Wv[D + D_E:]], axis=1)
    cwe = jnp.concatenate([
        jnp.concatenate([Wk[D:D + D_E], Wv[D:D + D_E]], axis=1),
        jnp.zeros((128 - D_E, 2 * D_H), jnp.float32)], axis=0)
    wqt = Wq[D:]

    pkv, pqf = pl.pallas_call(
        functools.partial(_proj_body, D_H),
        out_shape=(
            jax.ShapeDtypeStruct((N, D_H), jnp.int32),
            jax.ShapeDtypeStruct((N, 2 * D_H), jnp.float32),
        ),
    )(node_features, wkv, wqf)

    SPW = B // _NW
    C = 4
    mesh = plsc.VectorSubcoreMesh(core_axis_name="c", subcore_axis_name="s")
    gather = pl.kernel(
        functools.partial(_gather_body, C, SPW, K),
        out_type=(
            jax.ShapeDtypeStruct((B, K, 128), jnp.int32),
            jax.ShapeDtypeStruct((B, K, 128), jnp.float32),
            jax.ShapeDtypeStruct((B, 128), jnp.int32),
            jax.ShapeDtypeStruct((B, 2 * D_H), jnp.float32),
        ),
        mesh=mesh,
        scratch_types=[
            pltpu.VMEM((2 * C,), jnp.int32),
            pltpu.VMEM((2 * C, 128), jnp.int32),
            pltpu.VMEM((2 * C, 2 * D_H), jnp.float32),
            pltpu.VMEM((2, C, K, 128), jnp.int32),
            pltpu.VMEM((2, C, K, 128), jnp.float32),
            pltpu.SemaphoreType.DMA,
            pltpu.SemaphoreType.DMA,
            pltpu.SemaphoreType.DMA,
            pltpu.SemaphoreType.DMA,
            pltpu.SemaphoreType.DMA,
            pltpu.SemaphoreType.DMA,
        ],
    )
    S = 256
    attn = pl.pallas_call(
        functools.partial(_attn_body, S, K, T, D_H),
        grid=(B // S,),
        in_specs=[
            pl.BlockSpec((S, K, 128), lambda i: (i, 0, 0)),
            pl.BlockSpec((S, K, 128), lambda i: (i, 0, 0)),
            pl.BlockSpec((S * K, 1), lambda i: (i, 0)),
            pl.BlockSpec((S, 2 * D_H), lambda i: (i, 0)),
            pl.BlockSpec((1, T), lambda i: (0, 0)),
            pl.BlockSpec((1, T), lambda i: (0, 0)),
            pl.BlockSpec((T, 2 * D_H), lambda i: (0, 0)),
            pl.BlockSpec((128, 2 * D_H), lambda i: (0, 0)),
            pl.BlockSpec((T, D_H), lambda i: (0, 0)),
            pl.BlockSpec((D_H, D), lambda i: (0, 0)),
            pl.BlockSpec((1, D), lambda i: (0, 0)),
            pl.BlockSpec((D, D), lambda i: (0, 0)),
            pl.BlockSpec((1, D), lambda i: (0, 0)),
        ],
        out_specs=pl.BlockSpec((S, D), lambda i: (i, 0)),
        out_shape=jax.ShapeDtypeStruct((B, D), jnp.float32),
    )

    ts1 = edge_times.reshape(B, 1)
    gathered = [gather(n, misc_tab, pkv, pqf, e_tab)
                for n in (nodes[:B], nodes[B:])]
    embs = []
    for kv_g, e_g, t_g, qf_g in gathered:
        tg = jax.lax.bitcast_convert_type(t_g, jnp.float32)[:, 64:64 + K]
        dtf = (ts1 - tg).reshape(B * K, 1)
        embs.append(attn(
            kv_g, e_g, dtf, qf_g, time_w.reshape(1, T), time_b.reshape(1, T),
            cwt, cwe, wqt, fc1_w[:D_H], fc1_b.reshape(1, D), fc2_w,
            fc2_b.reshape(1, D)))

    return (embs[0], embs[1])

# --- scband reference (transcript-rebuilt; emitter-appended) ---
"""Pipeline reference for scband-stg-34720515621133 (READ-ONLY COPY).

The authoritative reference and input builder live on the scoring server;
editing this copy changes nothing except your own understanding.
"""

import jax, jax.numpy as jnp
import numpy as np

N_NODES = 10000
N_EDGES = 320000
D = 128
D_E = 16
T = 100
K = 20
B = 8192
D_H = 128


def time_encode(t, w, b):
    # TGN-style time encoder: cos(t * w + b)
    return jnp.cos(t[..., None] * w + b)


def setup_inputs(seed: int = 0) -> dict:
    key = jax.random.key(seed)
    ks = jax.random.split(key, 20)
    return {
        "source_nodes": jax.random.randint(ks[0], (B,), 0, N_NODES, dtype=jnp.int64) if jax.config.jax_enable_x64 else jax.random.randint(ks[0], (B,), 0, N_NODES),
        "destination_nodes": jax.random.randint(ks[1], (B,), 0, N_NODES),
        "edge_times": jax.random.uniform(ks[2], (B,), dtype=jnp.float32) * 1e4,
        "edge_idxs": jax.random.randint(ks[3], (B,), 0, N_EDGES),
        "neighbor_nodes": jax.random.randint(ks[4], (N_NODES, K), 0, N_NODES),
        "neighbor_edge_idxs": jax.random.randint(ks[5], (N_NODES, K), 0, N_EDGES),
        "neighbor_times": jax.random.uniform(ks[6], (N_NODES, K), dtype=jnp.float32) * 1e4,
        "node_features": jax.random.normal(ks[7], (N_NODES, D), dtype=jnp.float32) * 0.1,
        "edge_features": jax.random.normal(ks[8], (N_EDGES, D_E), dtype=jnp.float32) * 0.1,
        "time_w": jax.random.normal(ks[9], (T,), dtype=jnp.float32),
        "time_b": jax.random.normal(ks[10], (T,), dtype=jnp.float32),
        "Wq": jax.random.normal(ks[11], (D + T, D_H), dtype=jnp.float32) * 0.05,
        "Wk": jax.random.normal(ks[12], (D + D_E + T, D_H), dtype=jnp.float32) * 0.05,
        "Wv": jax.random.normal(ks[13], (D + D_E + T, D_H), dtype=jnp.float32) * 0.05,
        "fc1_w": jax.random.normal(ks[14], (D_H + D, D), dtype=jnp.float32) * 0.05,
        "fc1_b": jnp.zeros((D,), dtype=jnp.float32),
        "fc2_w": jax.random.normal(ks[15], (D, D), dtype=jnp.float32) * 0.05,
        "fc2_b": jnp.zeros((D,), dtype=jnp.float32),
    }


def reference(source_nodes, destination_nodes, edge_times, edge_idxs,
              neighbor_nodes, neighbor_edge_idxs, neighbor_times,
              node_features, edge_features, time_w, time_b,
              Wq, Wk, Wv, fc1_w, fc1_b, fc2_w, fc2_b):
    n_samples = source_nodes.shape[0]
    # compute_temporal_embeddings: concat src and dst queries
    nodes = jnp.concatenate([source_nodes, destination_nodes])          # [2B]
    ts = jnp.concatenate([edge_times, edge_times])                       # [2B]
    # gather source node raw features (SparseCore gather)
    src_feat = jnp.take(node_features, nodes, axis=0)                    # [2B, D]
    src_time = time_encode(jnp.zeros_like(ts), time_w, time_b)           # [2B, T]
    # temporal neighbor lookup (precomputed neighbor_finder tables)
    nbr = jnp.take(neighbor_nodes, nodes, axis=0)                        # [2B, K]
    nbr_e = jnp.take(neighbor_edge_idxs, nodes, axis=0)                  # [2B, K]
    nbr_t = jnp.take(neighbor_times, nodes, axis=0)                      # [2B, K]
    nbr_feat = jnp.take(node_features, nbr, axis=0)                      # [2B, K, D]
    e_feat = jnp.take(edge_features, nbr_e, axis=0)                      # [2B, K, D_E]
    dt = ts[:, None] - nbr_t                                             # [2B, K]
    t_enc = time_encode(dt, time_w, time_b)                              # [2B, K, T]
    # temporal graph attention (single layer, n_layers=1)
    q = jnp.concatenate([src_feat, src_time], axis=-1) @ Wq              # [2B, D_H]
    kcat = jnp.concatenate([nbr_feat, e_feat, t_enc], axis=-1)           # [2B, K, D+D_E+T]
    kmat = kcat @ Wk                                                     # [2B, K, D_H]
    vmat = kcat @ Wv                                                     # [2B, K, D_H]
    attn = jnp.einsum("nd,nkd->nk", q, kmat) / jnp.sqrt(float(D_H))
    a = jax.nn.softmax(attn, axis=-1)
    agg = jnp.einsum("nk,nkd->nd", a, vmat)                              # [2B, D_H]
    h = jnp.concatenate([agg, src_feat], axis=-1)
    h = jax.nn.relu(h @ fc1_w + fc1_b)
    emb = h @ fc2_w + fc2_b                                              # [2B, D]
    source_node_embedding = emb[:n_samples]
    destination_node_embedding = emb[n_samples:2 * n_samples]
    return (source_node_embedding, destination_node_embedding)

if __name__ == "__main__":
    import jax
    _d = setup_inputs()
    print(jax.jit(kernel)(*tuple(_d.values())))

</pallas_src>

<mosaic_0001>
#map = affine_map<(d0, d1) -> (0)>
#map1 = affine_map<(d0, d1) -> (0, 0)>
#map2 = affine_map<(d0, d1) -> (0, 0, 0)>
module attributes {stable_mosaic.version = 14 : i64} {
  func.func @_gather_body(%arg0: i32, %arg1: i32, %arg2: memref<8192xi32, #tpu.memory_space<hbm>>, %arg3: memref<10000x128xi32, #tpu.memory_space<hbm>>, %arg4: memref<10000x128xi32, #tpu.memory_space<hbm>>, %arg5: memref<10000x256xf32, #tpu.memory_space<hbm>>, %arg6: memref<320000x128xf32, #tpu.memory_space<hbm>>, %arg7: memref<8192x20x128xi32, #tpu.memory_space<hbm>>, %arg8: memref<8192x20x128xf32, #tpu.memory_space<hbm>>, %arg9: memref<8192x128xi32, #tpu.memory_space<hbm>>, %arg10: memref<8192x256xf32, #tpu.memory_space<hbm>>, %arg11: memref<8xi32, #tpu.memory_space<vmem>>, %arg12: memref<8x128xi32, #tpu.memory_space<vmem>>, %arg13: memref<8x256xf32, #tpu.memory_space<vmem>>, %arg14: memref<2x4x20x128xi32, #tpu.memory_space<vmem>>, %arg15: memref<2x4x20x128xf32, #tpu.memory_space<vmem>>, %arg16: memref<!tpu.dma_semaphore, #tpu.memory_space<semaphore_mem>>, %arg17: memref<!tpu.dma_semaphore, #tpu.memory_space<semaphore_mem>>, %arg18: memref<!tpu.dma_semaphore, #tpu.memory_space<semaphore_mem>>, %arg19: memref<!tpu.dma_semaphore, #tpu.memory_space<semaphore_mem>>, %arg20: memref<!tpu.dma_semaphore, #tpu.memory_space<semaphore_mem>>, %arg21: memref<!tpu.dma_semaphore, #tpu.memory_space<semaphore_mem>>) attributes {dimension_semantics = [#tpu.dimension_semantics<core_parallel>, #tpu.dimension_semantics<subcore_parallel>], iteration_bounds = array<i64: 2, 16>, scalar_prefetch = 0 : i64, scratch_operands = 11 : i64, tpu.core_type = #tpu.core_type<sc_vector_subcore>, window_params = [{transform_indices = #map}, {transform_indices = #map1}, {transform_indices = #map1}, {transform_indices = #map1}, {transform_indices = #map1}, {transform_indices = #map2}, {transform_indices = #map2}, {transform_indices = #map1}, {transform_indices = #map1}]} {
    %mul3A = arith.constant 2 : i32
    %mul3A_0 = arith.muli %arg1, %mul3A : i32
    %add3A = arith.addi %mul3A_0, %arg0 : i32
    %mul3A_1 = arith.constant 256 : i32
    %mul3A_2 = arith.muli %add3A, %mul3A_1 : i32
    %scan3A = arith.constant 0 : i32
    %scan3A_3 = arith.constant 0 : i32
    %scan3A_4 = arith.constant 32 : i32
    %scan3A_5 = arith.addi %scan3A_3, %scan3A_4 : i32
    %scan3A_6 = arith.constant 1 : i32
    scf.for %scan3A_95 = %scan3A_3 to %scan3A_5 step %scan3A_6  : i32 {
      %mul3A_96 = arith.constant 2 : i32
      %mul3A_97 = arith.muli %scan3A_95, %mul3A_96 : i32
      %mul3A_98 = arith.constant 4 : i32
      %mul3A_99 = arith.muli %mul3A_97, %mul3A_98 : i32
      %add3A_100 = arith.addi %mul3A_2, %mul3A_99 : i32
      %gt3A = arith.constant 0 : i32
      %gt3A_101 = arith.cmpi sgt, %scan3A_95, %gt3A : i32
      %convert_element_type3A = arith.extui %gt3A_101 : i1 to i32
      %cond3A = arith.constant 0 : i32
      %cond3A_102 = arith.cmpi ne, %convert_element_type3A, %cond3A : i32
      scf.if %cond3A_102 {
        %sub3A = arith.constant 1 : i32
        %sub3A_614 = arith.subi %scan3A_95, %sub3A : i32
        %mul3A_615 = arith.constant 2 : i32
        %mul3A_616 = arith.muli %sub3A_614, %mul3A_615 : i32
        %mul3A_617 = arith.constant 4 : i32
        %mul3A_618 = arith.muli %mul3A_616, %mul3A_617 : i32
        %add3A_619 = arith.addi %mul3A_2, %mul3A_618 : i32
        %add3A_620 = arith.constant 0 : i32
        %add3A_621 = arith.addi %add3A_619, %add3A_620 : i32
        %add3A_622 = arith.constant 0 : i32
        %add3A_623 = arith.addi %add3A_619, %add3A_622 : i32
        %dma_wait3A_624 = arith.constant 0 : i32
        %dma_wait3A_625 = arith.constant 0 : i32
        %dma_wait3A_626 = arith.constant 0 : i32
        %dma_wait3A_627 = arith.constant 0 : i32
        %dma_wait3A_628 = tpu.memref_slice %arg14[%dma_wait3A_624, %dma_wait3A_625, %dma_wait3A_626, %dma_wait3A_627] : memref<2x4x20x128xi32, #tpu.memory_space<vmem>> -> memref<1x4x20x128xi32, #tpu.memory_space<vmem>>
        %dma_wait3A_629 = tpu.memref_squeeze %dma_wait3A_628 : memref<1x4x20x128xi32, #tpu.memory_space<vmem>> -> memref<4x20x128xi32, #tpu.memory_space<vmem>>
        %dma_wait3A_630 = arith.constant 0 : i32
        %dma_wait3A_631 = arith.constant 0 : i32
        %dma_wait3A_632 = tpu.memref_slice %arg7[%add3A_621, %dma_wait3A_630, %dma_wait3A_631] : memref<8192x20x128xi32, #tpu.memory_space<hbm>> -> memref<4x20x128xi32, #tpu.memory_space<hbm>>
        %dma_wait3A_633 = arith.constant 0 : i32
        %dma_wait3A_634 = arith.constant 0 : i32
        %dma_wait3A_635 = tpu.memref_slice %arg7[%add3A_621, %dma_wait3A_633, %dma_wait3A_634] : memref<8192x20x128xi32, #tpu.memory_space<hbm>> -> memref<4x20x128xi32, #tpu.memory_space<hbm>>
        %dma_wait3A_636 = arith.constant 0 : i32
        %dma_wait3A_637 = arith.constant 0 : i32
        %dma_wait3A_638 = arith.constant 0 : i32
        %dma_wait3A_639 = tpu.memref_slice %arg14[%dma_wait3A_624, %dma_wait3A_636, %dma_wait3A_637, %dma_wait3A_638] : memref<2x4x20x128xi32, #tpu.memory_space<vmem>> -> memref<1x4x20x128xi32, #tpu.memory_space<vmem>>
        %dma_wait3A_640 = tpu.memref_squeeze %dma_wait3A_639 : memref<1x4x20x128xi32, #tpu.memory_space<vmem>> -> memref<4x20x128xi32, #tpu.memory_space<vmem>>
        tpu.wait_dma2 semaphore(%arg20 : memref<!tpu.dma_semaphore, #tpu.memory_space<semaphore_mem>>) src(%dma_wait3A_640 : memref<4x20x128xi32, #tpu.memory_space<vmem>>) dst(%dma_wait3A_635 : memref<4x20x128xi32, #tpu.memory_space<hbm>>)
        %dma_wait3A_641 = arith.constant 0 : i32
        %dma_wait3A_642 = arith.constant 0 : i32
        %dma_wait3A_643 = arith.constant 0 : i32
        %dma_wait3A_644 = arith.constant 0 : i32
        %dma_wait3A_645 = tpu.memref_slice %arg15[%dma_wait3A_641, %dma_wait3A_642, %dma_wait3A_643, %dma_wait3A_644] : memref<2x4x20x128xf32, #tpu.memory_space<vmem>> -> memref<1x4x20x128xf32, #tpu.memory_space<vmem>>
        %dma_wait3A_646 = tpu.memref_squeeze %dma_wait3A_645 : memref<1x4x20x128xf32, #tpu.memory_space<vmem>> -> memref<4x20x128xf32, #tpu.memory_space<vmem>>
        %dma_wait3A_647 = arith.constant 0 : i32
        %dma_wait3A_648 = arith.constant 0 : i32
        %dma_wait3A_649 = tpu.memref_slice %arg8[%add3A_623, %dma_wait3A_647, %dma_wait3A_648] : memref<8192x20x128xf32, #tpu.memory_space<hbm>> -> memref<4x20x128xf32, #tpu.memory_space<hbm>>
        %dma_wait3A_650 = arith.constant 0 : i32
        %dma_wait3A_651 = arith.constant 0 : i32
        %dma_wait3A_652 = tpu.memref_slice %arg8[%add3A_623, %dma_wait3A_650, %dma_wait3A_651] : memref<8192x20x128xf32, #tpu.memory_space<hbm>> -> memref<4x20x128xf32, #tpu.memory_space<hbm>>
        %dma_wait3A_653 = arith.constant 0 : i32
        %dma_wait3A_654 = arith.constant 0 : i32
        %dma_wait3A_655 = arith.constant 0 : i32
        %dma_wait3A_656 = tpu.memref_slice %arg15[%dma_wait3A_641, %dma_wait3A_653, %dma_wait3A_654, %dma_wait3A_655] : memref<2x4x20x128xf32, #tpu.memory_space<vmem>> -> memref<1x4x20x128xf32, #tpu.memory_space<vmem>>
        %dma_wait3A_657 = tpu.memref_squeeze %dma_wait3A_656 : memref<1x4x20x128xf32, #tpu.memory_space<vmem>> -> memref<4x20x128xf32, #tpu.memory_space<vmem>>
        tpu.wait_dma2 semaphore(%arg20 : memref<!tpu.dma_semaphore, #tpu.memory_space<semaphore_mem>>) src(%dma_wait3A_657 : memref<4x20x128xf32, #tpu.memory_space<vmem>>) dst(%dma_wait3A_652 : memref<4x20x128xf32, #tpu.memory_space<hbm>>)
        %sub3A_658 = arith.constant 1 : i32
        %sub3A_659 = arith.subi %scan3A_95, %sub3A_658 : i32
        %mul3A_660 = arith.constant 2 : i32
        %mul3A_661 = arith.muli %sub3A_659, %mul3A_660 : i32
        %mul3A_662 = arith.constant 4 : i32
        %mul3A_663 = arith.muli %mul3A_661, %mul3A_662 : i32
        %add3A_664 = arith.addi %mul3A_2, %mul3A_663 : i32
        %add3A_665 = arith.constant 4 : i32
        %add3A_666 = arith.addi %add3A_664, %add3A_665 : i32
        %add3A_667 = arith.constant 4 : i32
        %add3A_668 = arith.addi %add3A_664, %add3A_667 : i32
        %dma_wait3A_669 = arith.constant 1 : i32
        %dma_wait3A_670 = arith.constant 0 : i32
        %dma_wait3A_671 = arith.constant 0 : i32
        %dma_wait3A_672 = arith.constant 0 : i32
        %dma_wait3A_673 = tpu.memref_slice %arg14[%dma_wait3A_669, %dma_wait3A_670, %dma_wait3A_671, %dma_wait3A_672] : memref<2x4x20x128xi32, #tpu.memory_space<vmem>> -> memref<1x4x20x128xi32, #tpu.memory_space<vmem>>
        %dma_wait3A_674 = tpu.memref_squeeze %dma_wait3A_673 : memref<1x4x20x128xi32, #tpu.memory_space<vmem>> -> memref<4x20x128xi32, #tpu.memory_space<vmem>>
        %dma_wait3A_675 = arith.constant 0 : i32
        %dma_wait3A_676 = arith.constant 0 : i32
        %dma_wait3A_677 = tpu.memref_slice %arg7[%add3A_666, %dma_wait3A_675, %dma_wait3A_676] : memref<8192x20x128xi32, #tpu.memory_space<hbm>> -> memref<4x20x128xi32, #tpu.memory_space<hbm>>
        %dma_wait3A_678 = arith.constant 0 : i32
        %dma_wait3A_679 = arith.constant 0 : i32
        %dma_wait3A_680 = tpu.memref_slice %arg7[%add3A_666, %dma_wait3A_678, %dma_wait3A_679] : memref<8192x20x128xi32, #tpu.memory_space<hbm>> -> memref<4x20x128xi32, #tpu.memory_space<hbm>>
        %dma_wait3A_681 = arith.constant 0 : i32
        %dma_wait3A_682 = arith.constant 0 : i32
        %dma_wait3A_683 = arith.constant 0 : i32
        %dma_wait3A_684 = tpu.memref_slice %arg14[%dma_wait3A_669, %dma_wait3A_681, %dma_wait3A_682, %dma_wait3A_683] : memref<2x4x20x128xi32, #tpu.memory_space<vmem>> -> memref<1x4x20x128xi32, #tpu.memory_space<vmem>>
        %dma_wait3A_685 = tpu.memref_squeeze %dma_wait3A_684 : memref<1x4x20x128xi32, #tpu.memory_space<vmem>> -> memref<4x20x128xi32, #tpu.memory_space<vmem>>
        tpu.wait_dma2 semaphore(%arg21 : memref<!tpu.dma_semaphore, #tpu.memory_space<semaphore_mem>>) src(%dma_wait3A_685 : memref<4x20x128xi32, #tpu.memory_space<vmem>>) dst(%dma_wait3A_680 : memref<4x20x128xi32, #tpu.memory_space<hbm>>)
        %dma_wait3A_686 = arith.constant 1 : i32
        %dma_wait3A_687 = arith.constant 0 : i32
        %dma_wait3A_688 = arith.constant 0 : i32
        %dma_wait3A_689 = arith.constant 0 : i32
        %dma_wait3A_690 = tpu.memref_slice %arg15[%dma_wait3A_686, %dma_wait3A_687, %dma_wait3A_688, %dma_wait3A_689] : memref<2x4x20x128xf32, #tpu.memory_space<vmem>> -> memref<1x4x20x128xf32, #tpu.memory_space<vmem>>
        %dma_wait3A_691 = tpu.memref_squeeze %dma_wait3A_690 : memref<1x4x20x128xf32, #tpu.memory_space<vmem>> -> memref<4x20x128xf32, #tpu.memory_space<vmem>>
        %dma_wait3A_692 = arith.constant 0 : i32
        %dma_wait3A_693 = arith.constant 0 : i32
        %dma_wait3A_694 = tpu.memref_slice %arg8[%add3A_668, %dma_wait3A_692, %dma_wait3A_693] : memref<8192x20x128xf32, #tpu.memory_space<hbm>> -> memref<4x20x128xf32, #tpu.memory_space<hbm>>
        %dma_wait3A_695 = arith.constant 0 : i32
        %dma_wait3A_696 = arith.constant 0 : i32
        %dma_wait3A_697 = tpu.memref_slice %arg8[%add3A_668, %dma_wait3A_695, %dma_wait3A_696] : memref<8192x20x128xf32, #tpu.memory_space<hbm>> -> memref<4x20x128xf32, #tpu.memory_space<hbm>>
        %dma_wait3A_698 = arith.constant 0 : i32
        %dma_wait3A_699 = arith.constant 0 : i32
        %dma_wait3A_700 = arith.constant 0 : i32
        %dma_wait3A_701 = tpu.memref_slice %arg15[%dma_wait3A_686, %dma_wait3A_698, %dma_wait3A_699, %dma_wait3A_700] : memref<2x4x20x128xf32, #tpu.memory_space<vmem>> -> memref<1x4x20x128xf32, #tpu.memory_space<vmem>>
        %dma_wait3A_702 = tpu.memref_squeeze %dma_wait3A_701 : memref<1x4x20x128xf32, #tpu.memory_space<vmem>> -> memref<4x20x128xf32, #tpu.memory_space<vmem>>
        tpu.wait_dma2 semaphore(%arg21 : memref<!tpu.dma_semaphore, #tpu.memory_space<semaphore_mem>>) src(%dma_wait3A_702 : memref<4x20x128xf32, #tpu.memory_space<vmem>>) dst(%dma_wait3A_697 : memref<4x20x128xf32, #tpu.memory_space<hbm>>)
        %dma_wait3A_703 = arith.constant 0 : i32
        %dma_wait3A_704 = tpu.memref_slice %arg9[%add3A_664, %dma_wait3A_703] : memref<8192x128xi32, #tpu.memory_space<hbm>> -> memref<8x128xi32, #tpu.memory_space<hbm>>
        %dma_wait3A_705 = arith.constant 0 : i32
        %dma_wait3A_706 = tpu.memref_slice %arg9[%add3A_664, %dma_wait3A_705] : memref<8192x128xi32, #tpu.memory_space<hbm>> -> memref<8x128xi32, #tpu.memory_space<hbm>>
        tpu.wait_dma2 semaphore(%arg21 : memref<!tpu.dma_semaphore, #tpu.memory_space<semaphore_mem>>) src(%arg12 : memref<8x128xi32, #tpu.memory_space<vmem>>) dst(%dma_wait3A_706 : memref<8x128xi32, #tpu.memory_space<hbm>>)
        %dma_wait3A_707 = arith.constant 0 : i32
        %dma_wait3A_708 = tpu.memref_slice %arg10[%add3A_664, %dma_wait3A_707] : memref<8192x256xf32, #tpu.memory_space<hbm>> -> memref<8x256xf32, #tpu.memory_space<hbm>>
        %dma_wait3A_709 = arith.constant 0 : i32
        %dma_wait3A_710 = tpu.memref_slice %arg10[%add3A_664, %dma_wait3A_709] : memref<8192x256xf32, #tpu.memory_space<hbm>> -> memref<8x256xf32, #tpu.memory_space<hbm>>
        tpu.wait_dma2 semaphore(%arg21 : memref<!tpu.dma_semaphore, #tpu.memory_space<semaphore_mem>>) src(%arg13 : memref<8x256xf32, #tpu.memory_space<vmem>>) dst(%dma_wait3A_710 : memref<8x256xf32, #tpu.memory_space<hbm>>)
      } else {
      }
      "tpu.region"() ({
        %run_scoped3A = tpu.sem_alloc : memref<!tpu.dma_semaphore, #tpu.memory_space<semaphore_mem>>
        %dma_start3A_614 = tpu.memref_slice %arg2[%add3A_100] : memref<8192xi32, #tpu.memory_space<hbm>> -> memref<8xi32, #tpu.memory_space<hbm>>
        %dma_start3A_615 = tpu.memref_slice %arg2[%add3A_100] : memref<8192xi32, #tpu.memory_space<hbm>> -> memref<8xi32, #tpu.memory_space<hbm>>
        tpu.enqueue_dma source(%dma_start3A_615 : memref<8xi32, #tpu.memory_space<hbm>>) target(%arg11 : memref<8xi32, #tpu.memory_space<vmem>>) target_semaphore(%run_scoped3A : memref<!tpu.dma_semaphore, #tpu.memory_space<semaphore_mem>>)
        %dma_wait3A_616 = tpu.memref_slice %arg2[%add3A_100] : memref<8192xi32, #tpu.memory_space<hbm>> -> memref<8xi32, #tpu.memory_space<hbm>>
        %dma_wait3A_617 = tpu.memref_slice %arg2[%add3A_100] : memref<8192xi32, #tpu.memory_space<hbm>> -> memref<8xi32, #tpu.memory_space<hbm>>
        tpu.wait_dma2 semaphore(%run_scoped3A : memref<!tpu.dma_semaphore, #tpu.memory_space<semaphore_mem>>) src(%dma_wait3A_617 : memref<8xi32, #tpu.memory_space<hbm>>) dst(%arg11 : memref<8xi32, #tpu.memory_space<vmem>>)
        tpu.yield
      }) : () -> ()
      %dma_start3A = arith.constant 0 : i32
      %dma_start3A_103 = arith.constant 0 : i32
      %dma_start3A_104 = tpu.memref_slice %arg3[%dma_start3A, %dma_start3A_103] : memref<10000x128xi32, #tpu.memory_space<hbm>> -> memref<10000x128xi32, #tpu.memory_space<hbm>>
      tpu.enqueue_indirect_dma source(%dma_start3A_104 : memref<10000x128xi32, #tpu.memory_space<hbm>>) target(%arg12 : memref<8x128xi32, #tpu.memory_space<vmem>>) offsets(%arg11 : memref<8xi32, #tpu.memory_space<vmem>>) semaphore(%arg16 : memref<!tpu.dma_semaphore, #tpu.memory_space<semaphore_mem>>)
      %dma_start3A_105 = arith.constant 0 : i32
      %dma_start3A_106 = arith.constant 0 : i32
      %dma_start3A_107 = tpu.memref_slice %arg5[%dma_start3A_105, %dma_start3A_106] : memref<10000x256xf32, #tpu.memory_space<hbm>> -> memref<10000x256xf32, #tpu.memory_space<hbm>>
      tpu.enqueue_indirect_dma source(%dma_start3A_107 : memref<10000x256xf32, #tpu.memory_space<hbm>>) target(%arg13 : memref<8x256xf32, #tpu.memory_space<vmem>>) offsets(%arg11 : memref<8xi32, #tpu.memory_space<vmem>>) semaphore(%arg16 : memref<!tpu.dma_semaphore, #tpu.memory_space<semaphore_mem>>)
      %dma_wait3A_108 = arith.constant 0 : i32
      %dma_wait3A_109 = arith.constant 0 : i32
      %dma_wait3A_110 = tpu.memref_slice %arg3[%dma_wait3A_108, %dma_wait3A_109] : memref<10000x128xi32, #tpu.memory_space<hbm>> -> memref<10000x128xi32, #tpu.memory_space<hbm>>
      tpu.wait_indirect_dma semaphore(%arg16 : memref<!tpu.dma_semaphore, #tpu.memory_space<semaphore_mem>>) src(%dma_wait3A_110 : memref<10000x128xi32, #tpu.memory_space<hbm>>) dst(%arg12 : memref<8x128xi32, #tpu.memory_space<vmem>>)
      %dma_wait3A_111 = arith.constant 0 : i32
      %dma_wait3A_112 = arith.constant 0 : i32
      %dma_wait3A_113 = tpu.memref_slice %arg5[%dma_wait3A_111, %dma_wait3A_112] : memref<10000x256xf32, #tpu.memory_space<hbm>> -> memref<10000x256xf32, #tpu.memory_space<hbm>>
      tpu.wait_indirect_dma semaphore(%arg16 : memref<!tpu.dma_semaphore, #tpu.memory_space<semaphore_mem>>) src(%dma_wait3A_113 : memref<10000x256xf32, #tpu.memory_space<hbm>>) dst(%arg13 : memref<8x256xf32, #tpu.memory_space<vmem>>)
      %dma_start3A_114 = arith.constant 0 : i32
      %dma_start3A_115 = arith.constant 0 : i32
      %dma_start3A_116 = arith.constant 0 : i32
      %dma_start3A_117 = arith.constant 0 : i32
      %dma_start3A_118 = arith.constant 0 : i32
      %dma_start3A_119 = tpu.memref_slice %arg14[%dma_start3A_115, %dma_start3A_116, %dma_start3A_117, %dma_start3A_118] : memref<2x4x20x128xi32, #tpu.memory_space<vmem>> -> memref<1x1x20x128xi32, #tpu.memory_space<vmem>>
      %dma_start3A_120 = tpu.memref_squeeze %dma_start3A_119 : memref<1x1x20x128xi32, #tpu.memory_space<vmem>> -> memref<20x128xi32, #tpu.memory_space<vmem>>
      %dma_start3A_121 = arith.constant 0 : i32
      %dma_start3A_122 = tpu.memref_slice %arg12[%dma_start3A_114, %dma_start3A_121] : memref<8x128xi32, #tpu.memory_space<vmem>> -> memref<1x20xi32, #tpu.memory_space<vmem>>
      %dma_start3A_123 = tpu.memref_squeeze %dma_start3A_122 : memref<1x20xi32, #tpu.memory_space<vmem>> -> memref<20xi32, #tpu.memory_space<vmem>>
      %dma_start3A_124 = arith.constant 0 : i32
      %dma_start3A_125 = arith.constant 0 : i32
      %dma_start3A_126 = tpu.memref_slice %arg4[%dma_start3A_124, %dma_start3A_125] : memref<10000x128xi32, #tpu.memory_space<hbm>> -> memref<10000x128xi32, #tpu.memory_space<hbm>>
      tpu.enqueue_indirect_dma source(%dma_start3A_126 : memref<10000x128xi32, #tpu.memory_space<hbm>>) target(%dma_start3A_120 : memref<20x128xi32, #tpu.memory_space<vmem>>) offsets(%dma_start3A_123 : memref<20xi32, #tpu.memory_space<vmem>>) semaphore(%arg18 : memref<!tpu.dma_semaphore, #tpu.memory_space<semaphore_mem>>)
      %dma_start3A_127 = arith.constant 0 : i32
      %dma_start3A_128 = arith.constant 0 : i32
      %dma_start3A_129 = arith.constant 0 : i32
      %dma_start3A_130 = arith.constant 0 : i32
      %dma_start3A_131 = arith.constant 0 : i32
      %dma_start3A_132 = tpu.memref_slice %arg15[%dma_start3A_128, %dma_start3A_129, %dma_start3A_130, %dma_start3A_131] : memref<2x4x20x128xf32, #tpu.memory_space<vmem>> -> memref<1x1x20x128xf32, #tpu.memory_space<vmem>>
      %dma_start3A_133 = tpu.memref_squeeze %dma_start3A_132 : memref<1x1x20x128xf32, #tpu.memory_space<vmem>> -> memref<20x128xf32, #tpu.memory_space<vmem>>
      %dma_start3A_134 = arith.constant 32 : i32
      %dma_start3A_135 = tpu.memref_slice %arg12[%dma_start3A_127, %dma_start3A_134] : memref<8x128xi32, #tpu.memory_space<vmem>> -> memref<1x20xi32, #tpu.memory_space<vmem>>
      %dma_start3A_136 = tpu.memref_squeeze %dma_start3A_135 : memref<1x20xi32, #tpu.memory_space<vmem>> -> memref<20xi32, #tpu.memory_space<vmem>>
      %dma_start3A_137 = arith.constant 0 : i32
      %dma_start3A_138 = arith.constant 0 : i32
      %dma_start3A_139 = tpu.memref_slice %arg6[%dma_start3A_137, %dma_start3A_138] : memref<320000x128xf32, #tpu.memory_space<hbm>> -> memref<320000x128xf32, #tpu.memory_space<hbm>>
      tpu.enqueue_indirect_dma source(%dma_start3A_139 : memref<320000x128xf32, #tpu.memory_space<hbm>>) target(%dma_start3A_133 : memref<20x128xf32, #tpu.memory_space<vmem>>) offsets(%dma_start3A_136 : memref<20xi32, #tpu.memory_space<vmem>>) semaphore(%arg18 : memref<!tpu.dma_semaphore, #tpu.memory_space<semaphore_mem>>)
      %dma_start3A_140 = arith.constant 1 : i32
      %dma_start3A_141 = arith.constant 0 : i32
      %dma_start3A_142 = arith.constant 1 : i32
      %dma_start3A_143 = arith.constant 0 : i32
      %dma_start3A_144 = arith.constant 0 : i32
      %dma_start3A_145 = tpu.memref_slice %arg14[%dma_start3A_141, %dma_start3A_142, %dma_start3A_143, %dma_start3A_144] : memref<2x4x20x128xi32, #tpu.memory_space<vmem>> -> memref<1x1x20x128xi32, #tpu.memory_space<vmem>>
      %dma_start3A_146 = tpu.memref_squeeze %dma_start3A_145 : memref<1x1x20x128xi32, #tpu.memory_space<vmem>> -> memref<20x128xi32, #tpu.memory_space<vmem>>
      %dma_start3A_147 = arith.constant 0 : i32
      %dma_start3A_148 = tpu.memref_slice %arg12[%dma_start3A_140, %dma_start3A_147] : memref<8x128xi32, #tpu.memory_space<vmem>> -> memref<1x20xi32, #tpu.memory_space<vmem>>
      %dma_start3A_149 = tpu.memref_squeeze %dma_start3A_148 : memref<1x20xi32, #tpu.memory_space<vmem>> -> memref<20xi32, #tpu.memory_space<vmem>>
      %dma_start3A_150 = arith.constant 0 : i32
      %dma_start3A_151 = arith.constant 0 : i32
      %dma_start3A_152 = tpu.memref_slice %arg4[%dma_start3A_150, %dma_start3A_151] : memref<10000x128xi32, #tpu.memory_space<hbm>> -> memref<10000x128xi32, #tpu.memory_space<hbm>>
      tpu.enqueue_indirect_dma source(%dma_start3A_152 : memref<10000x128xi32, #tpu.memory_space<hbm>>) target(%dma_start3A_146 : memref<20x128xi32, #tpu.memory_space<vmem>>) offsets(%dma_start3A_149 : memref<20xi32, #tpu.memory_space<vmem>>) semaphore(%arg18 : memref<!tpu.dma_semaphore, #tpu.memory_space<semaphore_mem>>)
      %dma_start3A_153 = arith.constant 1 : i32
      %dma_start3A_154 = arith.constant 0 : i32
      %dma_start3A_155 = arith.constant 1 : i32
      %dma_start3A_156 = arith.constant 0 : i32
      %dma_start3A_157 = arith.constant 0 : i32
      %dma_start3A_158 = tpu.memref_slice %arg15[%dma_start3A_154, %dma_start3A_155, %dma_start3A_156, %dma_start3A_157] : memref<2x4x20x128xf32, #tpu.memory_space<vmem>> -> memref<1x1x20x128xf32, #tpu.memory_space<vmem>>
      %dma_start3A_159 = tpu.memref_squeeze %dma_start3A_158 : memref<1x1x20x128xf32, #tpu.memory_space<vmem>> -> memref<20x128xf32, #tpu.memory_space<vmem>>
      %dma_start3A_160 = arith.constant 32 : i32
      %dma_start3A_161 = tpu.memref_slice %arg12[%dma_start3A_153, %dma_start3A_160] : memref<8x128xi32, #tpu.memory_space<vmem>> -> memref<1x20xi32, #tpu.memory_space<vmem>>
      %dma_start3A_162 = tpu.memref_squeeze %dma_start3A_161 : memref<1x20xi32, #tpu.memory_space<vmem>> -> memref<20xi32, #tpu.memory_space<vmem>>
      %dma_start3A_163 = arith.constant 0 : i32
      %dma_start3A_164 = arith.constant 0 : i32
      %dma_start3A_165 = tpu.memref_slice %arg6[%dma_start3A_163, %dma_start3A_164] : memref<320000x128xf32, #tpu.memory_space<hbm>> -> memref<320000x128xf32, #tpu.memory_space<hbm>>
      tpu.enqueue_indirect_dma source(%dma_start3A_165 : memref<320000x128xf32, #tpu.memory_space<hbm>>) target(%dma_start3A_159 : memref<20x128xf32, #tpu.memory_space<vmem>>) offsets(%dma_start3A_162 : memref<20xi32, #tpu.memory_space<vmem>>) semaphore(%arg18 : memref<!tpu.dma_semaphore, #tpu.memory_space<semaphore_mem>>)
      %dma_start3A_166 = arith.constant 2 : i32
      %dma_start3A_167 = arith.constant 0 : i32
      %dma_start3A_168 = arith.constant 2 : i32
      %dma_start3A_169 = arith.constant 0 : i32
      %dma_start3A_170 = arith.constant 0 : i32
      %dma_start3A_171 = tpu.memref_slice %arg14[%dma_start3A_167, %dma_start3A_168, %dma_start3A_169, %dma_start3A_170] : memref<2x4x20x128xi32, #tpu.memory_space<vmem>> -> memref<1x1x20x128xi32, #tpu.memory_space<vmem>>
      %dma_start3A_172 = tpu.memref_squeeze %dma_start3A_171 : memref<1x1x20x128xi32, #tpu.memory_space<vmem>> -> memref<20x128xi32, #tpu.memory_space<vmem>>
      %dma_start3A_173 = arith.constant 0 : i32
      %dma_start3A_174 = tpu.memref_slice %arg12[%dma_start3A_166, %dma_start3A_173] : memref<8x128xi32, #tpu.memory_space<vmem>> -> memref<1x20xi32, #tpu.memory_space<vmem>>
      %dma_start3A_175 = tpu.memref_squeeze %dma_start3A_174 : memref<1x20xi32, #tpu.memory_space<vmem>> -> memref<20xi32, #tpu.memory_space<vmem>>
      %dma_start3A_176 = arith.constant 0 : i32
      %dma_start3A_177 = arith.constant 0 : i32
      %dma_start3A_178 = tpu.memref_slice %arg4[%dma_start3A_176, %dma_start3A_177] : memref<10000x128xi32, #tpu.memory_space<hbm>> -> memref<10000x128xi32, #tpu.memory_space<hbm>>
      tpu.enqueue_indirect_dma source(%dma_start3A_178 : memref<10000x128xi32, #tpu.memory_space<hbm>>) target(%dma_start3A_172 : memref<20x128xi32, #tpu.memory_space<vmem>>) offsets(%dma_start3A_175 : memref<20xi32, #tpu.memory_space<vmem>>) semaphore(%arg18 : memref<!tpu.dma_semaphore, #tpu.memory_space<semaphore_mem>>)
      %dma_start3A_179 = arith.constant 2 : i32
      %dma_start3A_180 = arith.constant 0 : i32
      %dma_start3A_181 = arith.constant 2 : i32
      %dma_start3A_182 = arith.constant 0 : i32
      %dma_start3A_183 = arith.constant 0 : i32
      %dma_start3A_184 = tpu.memref_slice %arg15[%dma_start3A_180, %dma_start3A_181, %dma_start3A_182, %dma_start3A_183] : memref<2x4x20x128xf32, #tpu.memory_space<vmem>> -> memref<1x1x20x128xf32, #tpu.memory_space<vmem>>
      %dma_start3A_185 = tpu.memref_squeeze %dma_start3A_184 : memref<1x1x20x128xf32, #tpu.memory_space<vmem>> -> memref<20x128xf32, #tpu.memory_space<vmem>>
      %dma_start3A_186 = arith.constant 32 : i32
      %dma_start3A_187 = tpu.memref_slice %arg12[%dma_start3A_179, %dma_start3A_186] : memref<8x128xi32, #tpu.memory_space<vmem>> -> memref<1x20xi32, #tpu.memory_space<vmem>>
      %dma_start3A_188 = tpu.memref_squeeze %dma_start3A_187 : memref<1x20xi32, #tpu.memory_space<vmem>> -> memref<20xi32, #tpu.memory_space<vmem>>
      %dma_start3A_189 = arith.constant 0 : i32
      %dma_start3A_190 = arith.constant 0 : i32
      %dma_start3A_191 = tpu.memref_slice %arg6[%dma_start3A_189, %dma_start3A_190] : memref<320000x128xf32, #tpu.memory_space<hbm>> -> memref<320000x128xf32, #tpu.memory_space<hbm>>
      tpu.enqueue_indirect_dma source(%dma_start3A_191 : memref<320000x128xf32, #tpu.memory_space<hbm>>) target(%dma_start3A_185 : memref<20x128xf32, #tpu.memory_space<vmem>>) offsets(%dma_start3A_188 : memref<20xi32, #tpu.memory_space<vmem>>) semaphore(%arg18 : memref<!tpu.dma_semaphore, #tpu.memory_space<semaphore_mem>>)
      %dma_start3A_192 = arith.constant 3 : i32
      %dma_start3A_193 = arith.constant 0 : i32
      %dma_start3A_194 = arith.constant 3 : i32
      %dma_start3A_195 = arith.constant 0 : i32
      %dma_start3A_196 = arith.constant 0 : i32
      %dma_start3A_197 = tpu.memref_slice %arg14[%dma_start3A_193, %dma_start3A_194, %dma_start3A_195, %dma_start3A_196] : memref<2x4x20x128xi32, #tpu.memory_space<vmem>> -> memref<1x1x20x128xi32, #tpu.memory_space<vmem>>
      %dma_start3A_198 = tpu.memref_squeeze %dma_start3A_197 : memref<1x1x20x128xi32, #tpu.memory_space<vmem>> -> memref<20x128xi32, #tpu.memory_space<vmem>>
      %dma_start3A_199 = arith.constant 0 : i32
      %dma_start3A_200 = tpu.memref_slice %arg12[%dma_start3A_192, %dma_start3A_199] : memref<8x128xi32, #tpu.memory_space<vmem>> -> memref<1x20xi32, #tpu.memory_space<vmem>>
      %dma_start3A_201 = tpu.memref_squeeze %dma_start3A_200 : memref<1x20xi32, #tpu.memory_space<vmem>> -> memref<20xi32, #tpu.memory_space<vmem>>
      %dma_start3A_202 = arith.constant 0 : i32
      %dma_start3A_203 = arith.constant 0 : i32
      %dma_start3A_204 = tpu.memref_slice %arg4[%dma_start3A_202, %dma_start3A_203] : memref<10000x128xi32, #tpu.memory_space<hbm>> -> memref<10000x128xi32, #tpu.memory_space<hbm>>
      tpu.enqueue_indirect_dma source(%dma_start3A_204 : memref<10000x128xi32, #tpu.memory_space<hbm>>) target(%dma_start3A_198 : memref<20x128xi32, #tpu.memory_space<vmem>>) offsets(%dma_start3A_201 : memref<20xi32, #tpu.memory_space<vmem>>) semaphore(%arg18 : memref<!tpu.dma_semaphore, #tpu.memory_space<semaphore_mem>>)
      %dma_start3A_205 = arith.constant 3 : i32
      %dma_start3A_206 = arith.constant 0 : i32
      %dma_start3A_207 = arith.constant 3 : i32
      %dma_start3A_208 = arith.constant 0 : i32
      %dma_start3A_209 = arith.constant 0 : i32
      %dma_start3A_210 = tpu.memref_slice %arg15[%dma_start3A_206, %dma_start3A_207, %dma_start3A_208, %dma_start3A_209] : memref<2x4x20x128xf32, #tpu.memory_space<vmem>> -> memref<1x1x20x128xf32, #tpu.memory_space<vmem>>
      %dma_start3A_211 = tpu.memref_squeeze %dma_start3A_210 : memref<1x1x20x128xf32, #tpu.memory_space<vmem>> -> memref<20x128xf32, #tpu.memory_space<vmem>>
      %dma_start3A_212 = arith.constant 32 : i32
      %dma_start3A_213 = tpu.memref_slice %arg12[%dma_start3A_205, %dma_start3A_212] : memref<8x128xi32, #tpu.memory_space<vmem>> -> memref<1x20xi32, #tpu.memory_space<vmem>>
      %dma_start3A_214 = tpu.memref_squeeze %dma_start3A_213 : memref<1x20xi32, #tpu.memory_space<vmem>> -> memref<20xi32, #tpu.memory_space<vmem>>
      %dma_start3A_215 = arith.constant 0 : i32
      %dma_start3A_216 = arith.constant 0 : i32
      %dma_start3A_217 = tpu.memref_slice %arg6[%dma_start3A_215, %dma_start3A_216] : memref<320000x128xf32, #tpu.memory_space<hbm>> -> memref<320000x128xf32, #tpu.memory_space<hbm>>
      tpu.enqueue_indirect_dma source(%dma_start3A_217 : memref<320000x128xf32, #tpu.memory_space<hbm>>) target(%dma_start3A_211 : memref<20x128xf32, #tpu.memory_space<vmem>>) offsets(%dma_start3A_214 : memref<20xi32, #tpu.memory_space<vmem>>) semaphore(%arg18 : memref<!tpu.dma_semaphore, #tpu.memory_space<semaphore_mem>>)
      %dma_start3A_218 = arith.constant 4 : i32
      %dma_start3A_219 = arith.constant 1 : i32
      %dma_start3A_220 = arith.constant 0 : i32
      %dma_start3A_221 = arith.constant 0 : i32
      %dma_start3A_222 = arith.constant 0 : i32
      %dma_start3A_223 = tpu.memref_slice %arg14[%dma_start3A_219, %dma_start3A_220, %dma_start3A_221, %dma_start3A_222] : memref<2x4x20x128xi32, #tpu.memory_space<vmem>> -> memref<1x1x20x128xi32, #tpu.memory_space<vmem>>
      %dma_start3A_224 = tpu.memref_squeeze %dma_start3A_223 : memref<1x1x20x128xi32, #tpu.memory_space<vmem>> -> memref<20x128xi32, #tpu.memory_space<vmem>>
      %dma_start3A_225 = arith.constant 0 : i32
      %dma_start3A_226 = tpu.memref_slice %arg12[%dma_start3A_218, %dma_start3A_225] : memref<8x128xi32, #tpu.memory_space<vmem>> -> memref<1x20xi32, #tpu.memory_space<vmem>>
      %dma_start3A_227 = tpu.memref_squeeze %dma_start3A_226 : memref<1x20xi32, #tpu.memory_space<vmem>> -> memref<20xi32, #tpu.memory_space<vmem>>
      %dma_start3A_228 = arith.constant 0 : i32
      %dma_start3A_229 = arith.constant 0 : i32
      %dma_start3A_230 = tpu.memref_slice %arg4[%dma_start3A_228, %dma_start3A_229] : memref<10000x128xi32, #tpu.memory_space<hbm>> -> memref<10000x128xi32, #tpu.memory_space<hbm>>
      tpu.enqueue_indirect_dma source(%dma_start3A_230 : memref<10000x128xi32, #tpu.memory_space<hbm>>) target(%dma_start3A_224 : memref<20x128xi32, #tpu.memory_space<vmem>>) offsets(%dma_start3A_227 : memref<20xi32, #tpu.memory_space<vmem>>) semaphore(%arg19 : memref<!tpu.dma_semaphore, #tpu.memory_space<semaphore_mem>>)
      %dma_start3A_231 = arith.constant 4 : i32
      %dma_start3A_232 = arith.constant 1 : i32
      %dma_start3A_233 = arith.constant 0 : i32
      %dma_start3A_234 = arith.constant 0 : i32
      %dma_start3A_235 = arith.constant 0 : i32
      %dma_start3A_236 = tpu.memref_slice %arg15[%dma_start3A_232, %dma_start3A_233, %dma_start3A_234, %dma_start3A_235] : memref<2x4x20x128xf32, #tpu.memory_space<vmem>> -> memref<1x1x20x128xf32, #tpu.memory_space<vmem>>
      %dma_start3A_237 = tpu.memref_squeeze %dma_start3A_236 : memref<1x1x20x128xf32, #tpu.memory_space<vmem>> -> memref<20x128xf32, #tpu.memory_space<vmem>>
      %dma_start3A_238 = arith.constant 32 : i32
      %dma_start3A_239 = tpu.memref_slice %arg12[%dma_start3A_231, %dma_start3A_238] : memref<8x128xi32, #tpu.memory_space<vmem>> -> memref<1x20xi32, #tpu.memory_space<vmem>>
      %dma_start3A_240 = tpu.memref_squeeze %dma_start3A_239 : memref<1x20xi32, #tpu.memory_space<vmem>> -> memref<20xi32, #tpu.memory_space<vmem>>
      %dma_start3A_241 = arith.constant 0 : i32
      %dma_start3A_242 = arith.constant 0 : i32
      %dma_start3A_243 = tpu.memref_slice %arg6[%dma_start3A_241, %dma_start3A_242] : memref<320000x128xf32, #tpu.memory_space<hbm>> -> memref<320000x128xf32, #tpu.memory_space<hbm>>
      tpu.enqueue_indirect_dma source(%dma_start3A_243 : memref<320000x128xf32, #tpu.memory_space<hbm>>) target(%dma_start3A_237 : memref<20x128xf32, #tpu.memory_space<vmem>>) offsets(%dma_start3A_240 : memref<20xi32, #tpu.memory_space<vmem>>) semaphore(%arg19 : memref<!tpu.dma_semaphore, #tpu.memory_space<semaphore_mem>>)
      %dma_start3A_244 = arith.constant 5 : i32
      %dma_start3A_245 = arith.constant 1 : i32
      %dma_start3A_246 = arith.constant 1 : i32
      %dma_start3A_247 = arith.constant 0 : i32
      %dma_start3A_248 = arith.constant 0 : i32
      %dma_start3A_249 = tpu.memref_slice %arg14[%dma_start3A_245, %dma_start3A_246, %dma_start3A_247, %dma_start3A_248] : memref<2x4x20x128xi32, #tpu.memory_space<vmem>> -> memref<1x1x20x128xi32, #tpu.memory_space<vmem>>
      %dma_start3A_250 = tpu.memref_squeeze %dma_start3A_249 : memref<1x1x20x128xi32, #tpu.memory_space<vmem>> -> memref<20x128xi32, #tpu.memory_space<vmem>>
      %dma_start3A_251 = arith.constant 0 : i32
      %dma_start3A_252 = tpu.memref_slice %arg12[%dma_start3A_244, %dma_start3A_251] : memref<8x128xi32, #tpu.memory_space<vmem>> -> memref<1x20xi32, #tpu.memory_space<vmem>>
      %dma_start3A_253 = tpu.memref_squeeze %dma_start3A_252 : memref<1x20xi32, #tpu.memory_space<vmem>> -> memref<20xi32, #tpu.memory_space<vmem>>
      %dma_start3A_254 = arith.constant 0 : i32
      %dma_start3A_255 = arith.constant 0 : i32
      %dma_start3A_256 = tpu.memref_slice %arg4[%dma_start3A_254, %dma_start3A_255] : memref<10000x128xi32, #tpu.memory_space<hbm>> -> memref<10000x128xi32, #tpu.memory_space<hbm>>
      tpu.enqueue_indirect_dma source(%dma_start3A_256 : memref<10000x128xi32, #tpu.memory_space<hbm>>) target(%dma_start3A_250 : memref<20x128xi32, #tpu.memory_space<vmem>>) offsets(%dma_start3A_253 : memref<20xi32, #tpu.memory_space<vmem>>) semaphore(%arg19 : memref<!tpu.dma_semaphore, #tpu.memory_space<semaphore_mem>>)
      %dma_start3A_257 = arith.constant 5 : i32
      %dma_start3A_258 = arith.constant 1 : i32
      %dma_start3A_259 = arith.constant 1 : i32
      %dma_start3A_260 = arith.constant 0 : i32
      %dma_start3A_261 = arith.constant 0 : i32
      %dma_start3A_262 = tpu.memref_slice %arg15[%dma_start3A_258, %dma_start3A_259, %dma_start3A_260, %dma_start3A_261] : memref<2x4x20x128xf32, #tpu.memory_space<vmem>> -> memref<1x1x20x128xf32, #tpu.memory_space<vmem>>
      %dma_start3A_263 = tpu.memref_squeeze %dma_start3A_262 : memref<1x1x20x128xf32, #tpu.memory_space<vmem>> -> memref<20x128xf32, #tpu.memory_space<vmem>>
      %dma_start3A_264 = arith.constant 32 : i32
      %dma_start3A_265 = tpu.memref_slice %arg12[%dma_start3A_257, %dma_start3A_264] : memref<8x128xi32, #tpu.memory_space<vmem>> -> memref<1x20xi32, #tpu.memory_space<vmem>>
      %dma_start3A_266 = tpu.memref_squeeze %dma_start3A_265 : memref<1x20xi32, #tpu.memory_space<vmem>> -> memref<20xi32, #tpu.memory_space<vmem>>
      %dma_start3A_267 = arith.constant 0 : i32
      %dma_start3A_268 = arith.constant 0 : i32
      %dma_start3A_269 = tpu.memref_slice %arg6[%dma_start3A_267, %dma_start3A_268] : memref<320000x128xf32, #tpu.memory_space<hbm>> -> memref<320000x128xf32, #tpu.memory_space<hbm>>
      tpu.enqueue_indirect_dma source(%dma_start3A_269 : memref<320000x128xf32, #tpu.memory_space<hbm>>) target(%dma_start3A_263 : memref<20x128xf32, #tpu.memory_space<vmem>>) offsets(%dma_start3A_266 : memref<20xi32, #tpu.memory_space<vmem>>) semaphore(%arg19 : memref<!tpu.dma_semaphore, #tpu.memory_space<semaphore_mem>>)
      %dma_start3A_270 = arith.constant 6 : i32
      %dma_start3A_271 = arith.constant 1 : i32
      %dma_start3A_272 = arith.constant 2 : i32
      %dma_start3A_273 = arith.constant 0 : i32
      %dma_start3A_274 = arith.constant 0 : i32
      %dma_start3A_275 = tpu.memref_slice %arg14[%dma_start3A_271, %dma_start3A_272, %dma_start3A_273, %dma_start3A_274] : memref<2x4x20x128xi32, #tpu.memory_space<vmem>> -> memref<1x1x20x128xi32, #tpu.memory_space<vmem>>
      %dma_start3A_276 = tpu.memref_squeeze %dma_start3A_275 : memref<1x1x20x128xi32, #tpu.memory_space<vmem>> -> memref<20x128xi32, #tpu.memory_space<vmem>>
      %dma_start3A_277 = arith.constant 0 : i32
      %dma_start3A_278 = tpu.memref_slice %arg12[%dma_start3A_270, %dma_start3A_277] : memref<8x128xi32, #tpu.memory_space<vmem>> -> memref<1x20xi32, #tpu.memory_space<vmem>>
      %dma_start3A_279 = tpu.memref_squeeze %dma_start3A_278 : memref<1x20xi32, #tpu.memory_space<vmem>> -> memref<20xi32, #tpu.memory_space<vmem>>
      %dma_start3A_280 = arith.constant 0 : i32
      %dma_start3A_281 = arith.constant 0 : i32
      %dma_start3A_282 = tpu.memref_slice %arg4[%dma_start3A_280, %dma_start3A_281] : memref<10000x128xi32, #tpu.memory_space<hbm>> -> memref<10000x128xi32, #tpu.memory_space<hbm>>
      tpu.enqueue_indirect_dma source(%dma_start3A_282 : memref<10000x128xi32, #tpu.memory_space<hbm>>) target(%dma_start3A_276 : memref<20x128xi32, #tpu.memory_space<vmem>>) offsets(%dma_start3A_279 : memref<20xi32, #tpu.memory_space<vmem>>) semaphore(%arg19 : memref<!tpu.dma_semaphore, #tpu.memory_space<semaphore_mem>>)
      %dma_start3A_283 = arith.constant 6 : i32
      %dma_start3A_284 = arith.constant 1 : i32
      %dma_start3A_285 = arith.constant 2 : i32
      %dma_start3A_286 = arith.constant 0 : i32
      %dma_start3A_287 = arith.constant 0 : i32
      %dma_start3A_288 = tpu.memref_slice %arg15[%dma_start3A_284, %dma_start3A_285, %dma_start3A_286, %dma_start3A_287] : memref<2x4x20x128xf32, #tpu.memory_space<vmem>> -> memref<1x1x20x128xf32, #tpu.memory_space<vmem>>
      %dma_start3A_289 = tpu.memref_squeeze %dma_start3A_288 : memref<1x1x20x128xf32, #tpu.memory_space<vmem>> -> memref<20x128xf32, #tpu.memory_space<vmem>>
      %dma_start3A_290 = arith.constant 32 : i32
      %dma_start3A_291 = tpu.memref_slice %arg12[%dma_start3A_283, %dma_start3A_290] : memref<8x128xi32, #tpu.memory_space<vmem>> -> memref<1x20xi32, #tpu.memory_space<vmem>>
      %dma_start3A_292 = tpu.memref_squeeze %dma_start3A_291 : memref<1x20xi32, #tpu.memory_space<vmem>> -> memref<20xi32, #tpu.memory_space<vmem>>
      %dma_start3A_293 = arith.constant 0 : i32
      %dma_start3A_294 = arith.constant 0 : i32
      %dma_start3A_295 = tpu.memref_slice %arg6[%dma_start3A_293, %dma_start3A_294] : memref<320000x128xf32, #tpu.memory_space<hbm>> -> memref<320000x128xf32, #tpu.memory_space<hbm>>
      tpu.enqueue_indirect_dma source(%dma_start3A_295 : memref<320000x128xf32, #tpu.memory_space<hbm>>) target(%dma_start3A_289 : memref<20x128xf32, #tpu.memory_space<vmem>>) offsets(%dma_start3A_292 : memref<20xi32, #tpu.memory_space<vmem>>) semaphore(%arg19 : memref<!tpu.dma_semaphore, #tpu.memory_space<semaphore_mem>>)
      %dma_start3A_296 = arith.constant 7 : i32
      %dma_start3A_297 = arith.constant 1 : i32
      %dma_start3A_298 = arith.constant 3 : i32
      %dma_start3A_299 = arith.constant 0 : i32
      %dma_start3A_300 = arith.constant 0 : i32
      %dma_start3A_301 = tpu.memref_slice %arg14[%dma_start3A_297, %dma_start3A_298, %dma_start3A_299, %dma_start3A_300] : memref<2x4x20x128xi32, #tpu.memory_space<vmem>> -> memref<1x1x20x128xi32, #tpu.memory_space<vmem>>
      %dma_start3A_302 = tpu.memref_squeeze %dma_start3A_301 : memref<1x1x20x128xi32, #tpu.memory_space<vmem>> -> memref<20x128xi32, #tpu.memory_space<vmem>>
      %dma_start3A_303 = arith.constant 0 : i32
      %dma_start3A_304 = tpu.memref_slice %arg12[%dma_start3A_296, %dma_start3A_303] : memref<8x128xi32, #tpu.memory_space<vmem>> -> memref<1x20xi32, #tpu.memory_space<vmem>>
      %dma_start3A_305 = tpu.memref_squeeze %dma_start3A_304 : memref<1x20xi32, #tpu.memory_space<vmem>> -> memref<20xi32, #tpu.memory_space<vmem>>
      %dma_start3A_306 = arith.constant 0 : i32
      %dma_start3A_307 = arith.constant 0 : i32
      %dma_start3A_308 = tpu.memref_slice %arg4[%dma_start3A_306, %dma_start3A_307] : memref<10000x128xi32, #tpu.memory_space<hbm>> -> memref<10000x128xi32, #tpu.memory_space<hbm>>
      tpu.enqueue_indirect_dma source(%dma_start3A_308 : memref<10000x128xi32, #tpu.memory_space<hbm>>) target(%dma_start3A_302 : memref<20x128xi32, #tpu.memory_space<vmem>>) offsets(%dma_start3A_305 : memref<20xi32, #tpu.memory_space<vmem>>) semaphore(%arg19 : memref<!tpu.dma_semaphore, #tpu.memory_space<semaphore_mem>>)
      %dma_start3A_309 = arith.constant 7 : i32
      %dma_start3A_310 = arith.constant 1 : i32
      %dma_start3A_311 = arith.constant 3 : i32
      %dma_start3A_312 = arith.constant 0 : i32
      %dma_start3A_313 = arith.constant 0 : i32
      %dma_start3A_314 = tpu.memref_slice %arg15[%dma_start3A_310, %dma_start3A_311, %dma_start3A_312, %dma_start3A_313] : memref<2x4x20x128xf32, #tpu.memory_space<vmem>> -> memref<1x1x20x128xf32, #tpu.memory_space<vmem>>
      %dma_start3A_315 = tpu.memref_squeeze %dma_start3A_314 : memref<1x1x20x128xf32, #tpu.memory_space<vmem>> -> memref<20x128xf32, #tpu.memory_space<vmem>>
      %dma_start3A_316 = arith.constant 32 : i32
      %dma_start3A_317 = tpu.memref_slice %arg12[%dma_start3A_309, %dma_start3A_316] : memref<8x128xi32, #tpu.memory_space<vmem>> -> memref<1x20xi32, #tpu.memory_space<vmem>>
      %dma_start3A_318 = tpu.memref_squeeze %dma_start3A_317 : memref<1x20xi32, #tpu.memory_space<vmem>> -> memref<20xi32, #tpu.memory_space<vmem>>
      %dma_start3A_319 = arith.constant 0 : i32
      %dma_start3A_320 = arith.constant 0 : i32
      %dma_start3A_321 = tpu.memref_slice %arg6[%dma_start3A_319, %dma_start3A_320] : memref<320000x128xf32, #tpu.memory_space<hbm>> -> memref<320000x128xf32, #tpu.memory_space<hbm>>
      tpu.enqueue_indirect_dma source(%dma_start3A_321 : memref<320000x128xf32, #tpu.memory_space<hbm>>) target(%dma_start3A_315 : memref<20x128xf32, #tpu.memory_space<vmem>>) offsets(%dma_start3A_318 : memref<20xi32, #tpu.memory_space<vmem>>) semaphore(%arg19 : memref<!tpu.dma_semaphore, #tpu.memory_space<semaphore_mem>>)
      %dma_wait3A_322 = arith.constant 0 : i32
      %dma_wait3A_323 = arith.constant 0 : i32
      %dma_wait3A_324 = arith.constant 0 : i32
      %dma_wait3A_325 = arith.constant 0 : i32
      %dma_wait3A_326 = arith.constant 0 : i32
      %dma_wait3A_327 = tpu.memref_slice %arg14[%dma_wait3A_323, %dma_wait3A_324, %dma_wait3A_325, %dma_wait3A_326] : memref<2x4x20x128xi32, #tpu.memory_space<vmem>> -> memref<1x1x20x128xi32, #tpu.memory_space<vmem>>
      %dma_wait3A_328 = tpu.memref_squeeze %dma_wait3A_327 : memref<1x1x20x128xi32, #tpu.memory_space<vmem>> -> memref<20x128xi32, #tpu.memory_space<vmem>>
      %dma_wait3A_329 = arith.constant 0 : i32
      %dma_wait3A_330 = tpu.memref_slice %arg12[%dma_wait3A_322, %dma_wait3A_329] : memref<8x128xi32, #tpu.memory_space<vmem>> -> memref<1x20xi32, #tpu.memory_space<vmem>>
      %dma_wait3A_331 = tpu.memref_squeeze %dma_wait3A_330 : memref<1x20xi32, #tpu.memory_space<vmem>> -> memref<20xi32, #tpu.memory_space<vmem>>
      %dma_wait3A_332 = arith.constant 0 : i32
      %dma_wait3A_333 = arith.constant 0 : i32
      %dma_wait3A_334 = tpu.memref_slice %arg4[%dma_wait3A_332, %dma_wait3A_333] : memref<10000x128xi32, #tpu.memory_space<hbm>> -> memref<10000x128xi32, #tpu.memory_space<hbm>>
      tpu.wait_indirect_dma semaphore(%arg18 : memref<!tpu.dma_semaphore, #tpu.memory_space<semaphore_mem>>) src(%dma_wait3A_334 : memref<10000x128xi32, #tpu.memory_space<hbm>>) dst(%dma_wait3A_328 : memref<20x128xi32, #tpu.memory_space<vmem>>)
      %dma_wait3A_335 = arith.constant 0 : i32
      %dma_wait3A_336 = arith.constant 0 : i32
      %dma_wait3A_337 = arith.constant 0 : i32
      %dma_wait3A_338 = arith.constant 0 : i32
      %dma_wait3A_339 = arith.constant 0 : i32
      %dma_wait3A_340 = tpu.memref_slice %arg15[%dma_wait3A_336, %dma_wait3A_337, %dma_wait3A_338, %dma_wait3A_339] : memref<2x4x20x128xf32, #tpu.memory_space<vmem>> -> memref<1x1x20x128xf32, #tpu.memory_space<vmem>>
      %dma_wait3A_341 = tpu.memref_squeeze %dma_wait3A_340 : memref<1x1x20x128xf32, #tpu.memory_space<vmem>> -> memref<20x128xf32, #tpu.memory_space<vmem>>
      %dma_wait3A_342 = arith.constant 32 : i32
      %dma_wait3A_343 = tpu.memref_slice %arg12[%dma_wait3A_335, %dma_wait3A_342] : memref<8x128xi32, #tpu.memory_space<vmem>> -> memref<1x20xi32, #tpu.memory_space<vmem>>
      %dma_wait3A_344 = tpu.memref_squeeze %dma_wait3A_343 : memref<1x20xi32, #tpu.memory_space<vmem>> -> memref<20xi32, #tpu.memory_space<vmem>>
      %dma_wait3A_345 = arith.constant 0 : i32
      %dma_wait3A_346 = arith.constant 0 : i32
      %dma_wait3A_347 = tpu.memref_slice %arg6[%dma_wait3A_345, %dma_wait3A_346] : memref<320000x128xf32, #tpu.memory_space<hbm>> -> memref<320000x128xf32, #tpu.memory_space<hbm>>
      tpu.wait_indirect_dma semaphore(%arg18 : memref<!tpu.dma_semaphore, #tpu.memory_space<semaphore_mem>>) src(%dma_wait3A_347 : memref<320000x128xf32, #tpu.memory_space<hbm>>) dst(%dma_wait3A_341 : memref<20x128xf32, #tpu.memory_space<vmem>>)
      %dma_wait3A_348 = arith.constant 1 : i32
      %dma_wait3A_349 = arith.constant 0 : i32
      %dma_wait3A_350 = arith.constant 1 : i32
      %dma_wait3A_351 = arith.constant 0 : i32
      %dma_wait3A_352 = arith.constant 0 : i32
      %dma_wait3A_353 = tpu.memref_slice %arg14[%dma_wait3A_349, %dma_wait3A_350, %dma_wait3A_351, %dma_wait3A_352] : memref<2x4x20x128xi32, #tpu.memory_space<vmem>> -> memref<1x1x20x128xi32, #tpu.memory_space<vmem>>
      %dma_wait3A_354 = tpu.memref_squeeze %dma_wait3A_353 : memref<1x1x20x128xi32, #tpu.memory_space<vmem>> -> memref<20x128xi32, #tpu.memory_space<vmem>>
      %dma_wait3A_355 = arith.constant 0 : i32
      %dma_wait3A_356 = tpu.memref_slice %arg12[%dma_wait3A_348, %dma_wait3A_355] : memref<8x128xi32, #tpu.memory_space<vmem>> -> memref<1x20xi32, #tpu.memory_space<vmem>>
      %dma_wait3A_357 = tpu.memref_squeeze %dma_wait3A_356 : memref<1x20xi32, #tpu.memory_space<vmem>> -> memref<20xi32, #tpu.memory_space<vmem>>
      %dma_wait3A_358 = arith.constant 0 : i32
      %dma_wait3A_359 = arith.constant 0 : i32
      %dma_wait3A_360 = tpu.memref_slice %arg4[%dma_wait3A_358, %dma_wait3A_359] : memref<10000x128xi32, #tpu.memory_space<hbm>> -> memref<10000x128xi32, #tpu.memory_space<hbm>>
      tpu.wait_indirect_dma semaphore(%arg18 : memref<!tpu.dma_semaphore, #tpu.memory_space<semaphore_mem>>) src(%dma_wait3A_360 : memref<10000x128xi32, #tpu.memory_space<hbm>>) dst(%dma_wait3A_354 : memref<20x128xi32, #tpu.memory_space<vmem>>)
      %dma_wait3A_361 = arith.constant 1 : i32
      %dma_wait3A_362 = arith.constant 0 : i32
      %dma_wait3A_363 = arith.constant 1 : i32
      %dma_wait3A_364 = arith.constant 0 : i32
      %dma_wait3A_365 = arith.constant 0 : i32
      %dma_wait3A_366 = tpu.memref_slice %arg15[%dma_wait3A_362, %dma_wait3A_363, %dma_wait3A_364, %dma_wait3A_365] : memref<2x4x20x128xf32, #tpu.memory_space<vmem>> -> memref<1x1x20x128xf32, #tpu.memory_space<vmem>>
      %dma_wait3A_367 = tpu.memref_squeeze %dma_wait3A_366 : memref<1x1x20x128xf32, #tpu.memory_space<vmem>> -> memref<20x128xf32, #tpu.memory_space<vmem>>
      %dma_wait3A_368 = arith.constant 32 : i32
      %dma_wait3A_369 = tpu.memref_slice %arg12[%dma_wait3A_361, %dma_wait3A_368] : memref<8x128xi32, #tpu.memory_space<vmem>> -> memref<1x20xi32, #tpu.memory_space<vmem>>
      %dma_wait3A_370 = tpu.memref_squeeze %dma_wait3A_369 : memref<1x20xi32, #tpu.memory_space<vmem>> -> memref<20xi32, #tpu.memory_space<vmem>>
      %dma_wait3A_371 = arith.constant 0 : i32
      %dma_wait3A_372 = arith.constant 0 : i32
      %dma_wait3A_373 = tpu.memref_slice %arg6[%dma_wait3A_371, %dma_wait3A_372] : memref<320000x128xf32, #tpu.memory_space<hbm>> -> memref<320000x128xf32, #tpu.memory_space<hbm>>
      tpu.wait_indirect_dma semaphore(%arg18 : memref<!tpu.dma_semaphore, #tpu.memory_space<semaphore_mem>>) src(%dma_wait3A_373 : memref<320000x128xf32, #tpu.memory_space<hbm>>) dst(%dma_wait3A_367 : memref<20x128xf32, #tpu.memory_space<vmem>>)
      %dma_wait3A_374 = arith.constant 2 : i32
      %dma_wait3A_375 = arith.constant 0 : i32
      %dma_wait3A_376 = arith.constant 2 : i32
      %dma_wait3A_377 = arith.constant 0 : i32
      %dma_wait3A_378 = arith.constant 0 : i32
      %dma_wait3A_379 = tpu.memref_slice %arg14[%dma_wait3A_375, %dma_wait3A_376, %dma_wait3A_377, %dma_wait3A_378] : memref<2x4x20x128xi32, #tpu.memory_space<vmem>> -> memref<1x1x20x128xi32, #tpu.memory_space<vmem>>
      %dma_wait3A_380 = tpu.memref_squeeze %dma_wait3A_379 : memref<1x1x20x128xi32, #tpu.memory_space<vmem>> -> memref<20x128xi32, #tpu.memory_space<vmem>>
      %dma_wait3A_381 = arith.constant 0 : i32
      %dma_wait3A_382 = tpu.memref_slice %arg12[%dma_wait3A_374, %dma_wait3A_381] : memref<8x128xi32, #tpu.memory_space<vmem>> -> memref<1x20xi32, #tpu.memory_space<vmem>>
      %dma_wait3A_383 = tpu.memref_squeeze %dma_wait3A_382 : memref<1x20xi32, #tpu.memory_space<vmem>> -> memref<20xi32, #tpu.memory_space<vmem>>
      %dma_wait3A_384 = arith.constant 0 : i32
      %dma_wait3A_385 = arith.constant 0 : i32
      %dma_wait3A_386 = tpu.memref_slice %arg4[%dma_wait3A_384, %dma_wait3A_385] : memref<10000x128xi32, #tpu.memory_space<hbm>> -> memref<10000x128xi32, #tpu.memory_space<hbm>>
      tpu.wait_indirect_dma semaphore(%arg18 : memref<!tpu.dma_semaphore, #tpu.memory_space<semaphore_mem>>) src(%dma_wait3A_386 : memref<10000x128xi32, #tpu.memory_space<hbm>>) dst(%dma_wait3A_380 : memref<20x128xi32, #tpu.memory_space<vmem>>)
      %dma_wait3A_387 = arith.constant 2 : i32
      %dma_wait3A_388 = arith.constant 0 : i32
      %dma_wait3A_389 = arith.constant 2 : i32
      %dma_wait3A_390 = arith.constant 0 : i32
      %dma_wait3A_391 = arith.constant 0 : i32
      %dma_wait3A_392 = tpu.memref_slice %arg15[%dma_wait3A_388, %dma_wait3A_389, %dma_wait3A_390, %dma_wait3A_391] : memref<2x4x20x128xf32, #tpu.memory_space<vmem>> -> memref<1x1x20x128xf32, #tpu.memory_space<vmem>>
      %dma_wait3A_393 = tpu.memref_squeeze %dma_wait3A_392 : memref<1x1x20x128xf32, #tpu.memory_space<vmem>> -> memref<20x128xf32, #tpu.memory_space<vmem>>
      %dma_wait3A_394 = arith.constant 32 : i32
      %dma_wait3A_395 = tpu.memref_slice %arg12[%dma_wait3A_387, %dma_wait3A_394] : memref<8x128xi32, #tpu.memory_space<vmem>> -> memref<1x20xi32, #tpu.memory_space<vmem>>
      %dma_wait3A_396 = tpu.memref_squeeze %dma_wait3A_395 : memref<1x20xi32, #tpu.memory_space<vmem>> -> memref<20xi32, #tpu.memory_space<vmem>>
      %dma_wait3A_397 = arith.constant 0 : i32
      %dma_wait3A_398 = arith.constant 0 : i32
      %dma_wait3A_399 = tpu.memref_slice %arg6[%dma_wait3A_397, %dma_wait3A_398] : memref<320000x128xf32, #tpu.memory_space<hbm>> -> memref<320000x128xf32, #tpu.memory_space<hbm>>
      tpu.wait_indirect_dma semaphore(%arg18 : memref<!tpu.dma_semaphore, #tpu.memory_space<semaphore_mem>>) src(%dma_wait3A_399 : memref<320000x128xf32, #tpu.memory_space<hbm>>) dst(%dma_wait3A_393 : memref<20x128xf32, #tpu.memory_space<vmem>>)
      %dma_wait3A_400 = arith.constant 3 : i32
      %dma_wait3A_401 = arith.constant 0 : i32
      %dma_wait3A_402 = arith.constant 3 : i32
      %dma_wait3A_403 = arith.constant 0 : i32
      %dma_wait3A_404 = arith.constant 0 : i32
      %dma_wait3A_405 = tpu.memref_slice %arg14[%dma_wait3A_401, %dma_wait3A_402, %dma_wait3A_403, %dma_wait3A_404] : memref<2x4x20x128xi32, #tpu.memory_space<vmem>> -> memref<1x1x20x128xi32, #tpu.memory_space<vmem>>
      %dma_wait3A_406 = tpu.memref_squeeze %dma_wait3A_405 : memref<1x1x20x128xi32, #tpu.memory_space<vmem>> -> memref<20x128xi32, #tpu.memory_space<vmem>>
      %dma_wait3A_407 = arith.constant 0 : i32
      %dma_wait3A_408 = tpu.memref_slice %arg12[%dma_wait3A_400, %dma_wait3A_407] : memref<8x128xi32, #tpu.memory_space<vmem>> -> memref<1x20xi32, #tpu.memory_space<vmem>>
      %dma_wait3A_409 = tpu.memref_squeeze %dma_wait3A_408 : memref<1x20xi32, #tpu.memory_space<vmem>> -> memref<20xi32, #tpu.memory_space<vmem>>
      %dma_wait3A_410 = arith.constant 0 : i32
      %dma_wait3A_411 = arith.constant 0 : i32
      %dma_wait3A_412 = tpu.memref_slice %arg4[%dma_wait3A_410, %dma_wait3A_411] : memref<10000x128xi32, #tpu.memory_space<hbm>> -> memref<10000x128xi32, #tpu.memory_space<hbm>>
      tpu.wait_indirect_dma semaphore(%arg18 : memref<!tpu.dma_semaphore, #tpu.memory_space<semaphore_mem>>) src(%dma_wait3A_412 : memref<10000x128xi32, #tpu.memory_space<hbm>>) dst(%dma_wait3A_406 : memref<20x128xi32, #tpu.memory_space<vmem>>)
      %dma_wait3A_413 = arith.constant 3 : i32
      %dma_wait3A_414 = arith.constant 0 : i32
      %dma_wait3A_415 = arith.constant 3 : i32
      %dma_wait3A_416 = arith.constant 0 : i32
      %dma_wait3A_417 = arith.constant 0 : i32
      %dma_wait3A_418 = tpu.memref_slice %arg15[%dma_wait3A_414, %dma_wait3A_415, %dma_wait3A_416, %dma_wait3A_417] : memref<2x4x20x128xf32, #tpu.memory_space<vmem>> -> memref<1x1x20x128xf32, #tpu.memory_space<vmem>>
      %dma_wait3A_419 = tpu.memref_squeeze %dma_wait3A_418 : memref<1x1x20x128xf32, #tpu.memory_space<vmem>> -> memref<20x128xf32, #tpu.memory_space<vmem>>
      %dma_wait3A_420 = arith.constant 32 : i32
      %dma_wait3A_421 = tpu.memref_slice %arg12[%dma_wait3A_413, %dma_wait3A_420] : memref<8x128xi32, #tpu.memory_space<vmem>> -> memref<1x20xi32, #tpu.memory_space<vmem>>
      %dma_wait3A_422 = tpu.memref_squeeze %dma_wait3A_421 : memref<1x20xi32, #tpu.memory_space<vmem>> -> memref<20xi32, #tpu.memory_space<vmem>>
      %dma_wait3A_423 = arith.constant 0 : i32
      %dma_wait3A_424 = arith.constant 0 : i32
      %dma_wait3A_425 = tpu.memref_slice %arg6[%dma_wait3A_423, %dma_wait3A_424] : memref<320000x128xf32, #tpu.memory_space<hbm>> -> memref<320000x128xf32, #tpu.memory_space<hbm>>
      tpu.wait_indirect_dma semaphore(%arg18 : memref<!tpu.dma_semaphore, #tpu.memory_space<semaphore_mem>>) src(%dma_wait3A_425 : memref<320000x128xf32, #tpu.memory_space<hbm>>) dst(%dma_wait3A_419 : memref<20x128xf32, #tpu.memory_space<vmem>>)
      %add3A_426 = arith.constant 0 : i32
      %add3A_427 = arith.addi %add3A_100, %add3A_426 : i32
      %add3A_428 = arith.constant 0 : i32
      %add3A_429 = arith.addi %add3A_100, %add3A_428 : i32
      %dma_start3A_430 = arith.constant 0 : i32
      %dma_start3A_431 = arith.constant 0 : i32
      %dma_start3A_432 = arith.constant 0 : i32
      %dma_start3A_433 = arith.constant 0 : i32
      %dma_start3A_434 = tpu.memref_slice %arg14[%dma_start3A_430, %dma_start3A_431, %dma_start3A_432, %dma_start3A_433] : memref<2x4x20x128xi32, #tpu.memory_space<vmem>> -> memref<1x4x20x128xi32, #tpu.memory_space<vmem>>
      %dma_start3A_435 = tpu.memref_squeeze %dma_start3A_434 : memref<1x4x20x128xi32, #tpu.memory_space<vmem>> -> memref<4x20x128xi32, #tpu.memory_space<vmem>>
      %dma_start3A_436 = arith.constant 0 : i32
      %dma_start3A_437 = arith.constant 0 : i32
      %dma_start3A_438 = tpu.memref_slice %arg7[%add3A_427, %dma_start3A_436, %dma_start3A_437] : memref<8192x20x128xi32, #tpu.memory_space<hbm>> -> memref<4x20x128xi32, #tpu.memory_space<hbm>>
      %dma_start3A_439 = arith.constant 0 : i32
      %dma_start3A_440 = arith.constant 0 : i32
      %dma_start3A_441 = tpu.memref_slice %arg7[%add3A_427, %dma_start3A_439, %dma_start3A_440] : memref<8192x20x128xi32, #tpu.memory_space<hbm>> -> memref<4x20x128xi32, #tpu.memory_space<hbm>>
      %dma_start3A_442 = arith.constant 0 : i32
      %dma_start3A_443 = arith.constant 0 : i32
      %dma_start3A_444 = arith.constant 0 : i32
      %dma_start3A_445 = tpu.memref_slice %arg14[%dma_start3A_430, %dma_start3A_442, %dma_start3A_443, %dma_start3A_444] : memref<2x4x20x128xi32, #tpu.memory_space<vmem>> -> memref<1x4x20x128xi32, #tpu.memory_space<vmem>>
      %dma_start3A_446 = tpu.memref_squeeze %dma_start3A_445 : memref<1x4x20x128xi32, #tpu.memory_space<vmem>> -> memref<4x20x128xi32, #tpu.memory_space<vmem>>
      tpu.enqueue_dma source(%dma_start3A_446 : memref<4x20x128xi32, #tpu.memory_space<vmem>>) target(%dma_start3A_441 : memref<4x20x128xi32, #tpu.memory_space<hbm>>) target_semaphore(%arg20 : memref<!tpu.dma_semaphore, #tpu.memory_space<semaphore_mem>>)
      %dma_start3A_447 = arith.constant 0 : i32
      %dma_start3A_448 = arith.constant 0 : i32
      %dma_start3A_449 = arith.constant 0 : i32
      %dma_start3A_450 = arith.constant 0 : i32
      %dma_start3A_451 = tpu.memref_slice %arg15[%dma_start3A_447, %dma_start3A_448, %dma_start3A_449, %dma_start3A_450] : memref<2x4x20x128xf32, #tpu.memory_space<vmem>> -> memref<1x4x20x128xf32, #tpu.memory_space<vmem>>
      %dma_start3A_452 = tpu.memref_squeeze %dma_start3A_451 : memref<1x4x20x128xf32, #tpu.memory_space<vmem>> -> memref<4x20x128xf32, #tpu.memory_space<vmem>>
      %dma_start3A_453 = arith.constant 0 : i32
      %dma_start3A_454 = arith.constant 0 : i32
      %dma_start3A_455 = tpu.memref_slice %arg8[%add3A_429, %dma_start3A_453, %dma_start3A_454] : memref<8192x20x128xf32, #tpu.memory_space<hbm>> -> memref<4x20x128xf32, #tpu.memory_space<hbm>>
      %dma_start3A_456 = arith.constant 0 : i32
      %dma_start3A_457 = arith.constant 0 : i32
      %dma_start3A_458 = tpu.memref_slice %arg8[%add3A_429, %dma_start3A_456, %dma_start3A_457] : memref<8192x20x128xf32, #tpu.memory_space<hbm>> -> memref<4x20x128xf32, #tpu.memory_space<hbm>>
      %dma_start3A_459 = arith.constant 0 : i32
      %dma_start3A_460 = arith.constant 0 : i32
      %dma_start3A_461 = arith.constant 0 : i32
      %dma_start3A_462 = tpu.memref_slice %arg15[%dma_start3A_447, %dma_start3A_459, %dma_start3A_460, %dma_start3A_461] : memref<2x4x20x128xf32, #tpu.memory_space<vmem>> -> memref<1x4x20x128xf32, #tpu.memory_space<vmem>>
      %dma_start3A_463 = tpu.memref_squeeze %dma_start3A_462 : memref<1x4x20x128xf32, #tpu.memory_space<vmem>> -> memref<4x20x128xf32, #tpu.memory_space<vmem>>
      tpu.enqueue_dma source(%dma_start3A_463 : memref<4x20x128xf32, #tpu.memory_space<vmem>>) target(%dma_start3A_458 : memref<4x20x128xf32, #tpu.memory_space<hbm>>) target_semaphore(%arg20 : memref<!tpu.dma_semaphore, #tpu.memory_space<semaphore_mem>>)
      %dma_wait3A_464 = arith.constant 4 : i32
      %dma_wait3A_465 = arith.constant 1 : i32
      %dma_wait3A_466 = arith.constant 0 : i32
      %dma_wait3A_467 = arith.constant 0 : i32
      %dma_wait3A_468 = arith.constant 0 : i32
      %dma_wait3A_469 = tpu.memref_slice %arg14[%dma_wait3A_465, %dma_wait3A_466, %dma_wait3A_467, %dma_wait3A_468] : memref<2x4x20x128xi32, #tpu.memory_space<vmem>> -> memref<1x1x20x128xi32, #tpu.memory_space<vmem>>
      %dma_wait3A_470 = tpu.memref_squeeze %dma_wait3A_469 : memref<1x1x20x128xi32, #tpu.memory_space<vmem>> -> memref<20x128xi32, #tpu.memory_space<vmem>>
      %dma_wait3A_471 = arith.constant 0 : i32
      %dma_wait3A_472 = tpu.memref_slice %arg12[%dma_wait3A_464, %dma_wait3A_471] : memref<8x128xi32, #tpu.memory_space<vmem>> -> memref<1x20xi32, #tpu.memory_space<vmem>>
      %dma_wait3A_473 = tpu.memref_squeeze %dma_wait3A_472 : memref<1x20xi32, #tpu.memory_space<vmem>> -> memref<20xi32, #tpu.memory_space<vmem>>
      %dma_wait3A_474 = arith.constant 0 : i32
      %dma_wait3A_475 = arith.constant 0 : i32
      %dma_wait3A_476 = tpu.memref_slice %arg4[%dma_wait3A_474, %dma_wait3A_475] : memref<10000x128xi32, #tpu.memory_space<hbm>> -> memref<10000x128xi32, #tpu.memory_space<hbm>>
      tpu.wait_indirect_dma semaphore(%arg19 : memref<!tpu.dma_semaphore, #tpu.memory_space<semaphore_mem>>) src(%dma_wait3A_476 : memref<10000x128xi32, #tpu.memory_space<hbm>>) dst(%dma_wait3A_470 : memref<20x128xi32, #tpu.memory_space<vmem>>)
      %dma_wait3A_477 = arith.constant 4 : i32
      %dma_wait3A_478 = arith.constant 1 : i32
      %dma_wait3A_479 = arith.constant 0 : i32
      %dma_wait3A_480 = arith.constant 0 : i32
      %dma_wait3A_481 = arith.constant 0 : i32
      %dma_wait3A_482 = tpu.memref_slice %arg15[%dma_wait3A_478, %dma_wait3A_479, %dma_wait3A_480, %dma_wait3A_481] : memref<2x4x20x128xf32, #tpu.memory_space<vmem>> -> memref<1x1x20x128xf32, #tpu.memory_space<vmem>>
      %dma_wait3A_483 = tpu.memref_squeeze %dma_wait3A_482 : memref<1x1x20x128xf32, #tpu.memory_space<vmem>> -> memref<20x128xf32, #tpu.memory_space<vmem>>
      %dma_wait3A_484 = arith.constant 32 : i32
      %dma_wait3A_485 = tpu.memref_slice %arg12[%dma_wait3A_477, %dma_wait3A_484] : memref<8x128xi32, #tpu.memory_space<vmem>> -> memref<1x20xi32, #tpu.memory_space<vmem>>
      %dma_wait3A_486 = tpu.memref_squeeze %dma_wait3A_485 : memref<1x20xi32, #tpu.memory_space<vmem>> -> memref<20xi32, #tpu.memory_space<vmem>>
      %dma_wait3A_487 = arith.constant 0 : i32
      %dma_wait3A_488 = arith.constant 0 : i32
      %dma_wait3A_489 = tpu.memref_slice %arg6[%dma_wait3A_487, %dma_wait3A_488] : memref<320000x128xf32, #tpu.memory_space<hbm>> -> memref<320000x128xf32, #tpu.memory_space<hbm>>
      tpu.wait_indirect_dma semaphore(%arg19 : memref<!tpu.dma_semaphore, #tpu.memory_space<semaphore_mem>>) src(%dma_wait3A_489 : memref<320000x128xf32, #tpu.memory_space<hbm>>) dst(%dma_wait3A_483 : memref<20x128xf32, #tpu.memory_space<vmem>>)
      %dma_wait3A_490 = arith.constant 5 : i32
      %dma_wait3A_491 = arith.constant 1 : i32
      %dma_wait3A_492 = arith.constant 1 : i32
      %dma_wait3A_493 = arith.constant 0 : i32
      %dma_wait3A_494 = arith.constant 0 : i32
      %dma_wait3A_495 = tpu.memref_slice %arg14[%dma_wait3A_491, %dma_wait3A_492, %dma_wait3A_493, %dma_wait3A_494] : memref<2x4x20x128xi32, #tpu.memory_space<vmem>> -> memref<1x1x20x128xi32, #tpu.memory_space<vmem>>
      %dma_wait3A_496 = tpu.memref_squeeze %dma_wait3A_495 : memref<1x1x20x128xi32, #tpu.memory_space<vmem>> -> memref<20x128xi32, #tpu.memory_space<vmem>>
      %dma_wait3A_497 = arith.constant 0 : i32
      %dma_wait3A_498 = tpu.memref_slice %arg12[%dma_wait3A_490, %dma_wait3A_497] : memref<8x128xi32, #tpu.memory_space<vmem>> -> memref<1x20xi32, #tpu.memory_space<vmem>>
      %dma_wait3A_499 = tpu.memref_squeeze %dma_wait3A_498 : memref<1x20xi32, #tpu.memory_space<vmem>> -> memref<20xi32, #tpu.memory_space<vmem>>
      %dma_wait3A_500 = arith.constant 0 : i32
      %dma_wait3A_501 = arith.constant 0 : i32
      %dma_wait3A_502 = tpu.memref_slice %arg4[%dma_wait3A_500, %dma_wait3A_501] : memref<10000x128xi32, #tpu.memory_space<hbm>> -> memref<10000x128xi32, #tpu.memory_space<hbm>>
      tpu.wait_indirect_dma semaphore(%arg19 : memref<!tpu.dma_semaphore, #tpu.memory_space<semaphore_mem>>) src(%dma_wait3A_502 : memref<10000x128xi32, #tpu.memory_space<hbm>>) dst(%dma_wait3A_496 : memref<20x128xi32, #tpu.memory_space<vmem>>)
      %dma_wait3A_503 = arith.constant 5 : i32
      %dma_wait3A_504 = arith.constant 1 : i32
      %dma_wait3A_505 = arith.constant 1 : i32
      %dma_wait3A_506 = arith.constant 0 : i32
      %dma_wait3A_507 = arith.constant 0 : i32
      %dma_wait3A_508 = tpu.memref_slice %arg15[%dma_wait3A_504, %dma_wait3A_505, %dma_wait3A_506, %dma_wait3A_507] : memref<2x4x20x128xf32, #tpu.memory_space<vmem>> -> memref<1x1x20x128xf32, #tpu.memory_space<vmem>>
      %dma_wait3A_509 = tpu.memref_squeeze %dma_wait3A_508 : memref<1x1x20x128xf32, #tpu.memory_space<vmem>> -> memref<20x128xf32, #tpu.memory_space<vmem>>
      %dma_wait3A_510 = arith.constant 32 : i32
      %dma_wait3A_511 = tpu.memref_slice %arg12[%dma_wait3A_503, %dma_wait3A_510] : memref<8x128xi32, #tpu.memory_space<vmem>> -> memref<1x20xi32, #tpu.memory_space<vmem>>
      %dma_wait3A_512 = tpu.memref_squeeze %dma_wait3A_511 : memref<1x20xi32, #tpu.memory_space<vmem>> -> memref<20xi32, #tpu.memory_space<vmem>>
      %dma_wait3A_513 = arith.constant 0 : i32
      %dma_wait3A_514 = arith.constant 0 : i32
      %dma_wait3A_515 = tpu.memref_slice %arg6[%dma_wait3A_513, %dma_wait3A_514] : memref<320000x128xf32, #tpu.memory_space<hbm>> -> memref<320000x128xf32, #tpu.memory_space<hbm>>
      tpu.wait_indirect_dma semaphore(%arg19 : memref<!tpu.dma_semaphore, #tpu.memory_space<semaphore_mem>>) src(%dma_wait3A_515 : memref<320000x128xf32, #tpu.memory_space<hbm>>) dst(%dma_wait3A_509 : memref<20x128xf32, #tpu.memory_space<vmem>>)
      %dma_wait3A_516 = arith.constant 6 : i32
      %dma_wait3A_517 = arith.constant 1 : i32
      %dma_wait3A_518 = arith.constant 2 : i32
      %dma_wait3A_519 = arith.constant 0 : i32
      %dma_wait3A_520 = arith.constant 0 : i32
      %dma_wait3A_521 = tpu.memref_slice %arg14[%dma_wait3A_517, %dma_wait3A_518, %dma_wait3A_519, %dma_wait3A_520] : memref<2x4x20x128xi32, #tpu.memory_space<vmem>> -> memref<1x1x20x128xi32, #tpu.memory_space<vmem>>
      %dma_wait3A_522 = tpu.memref_squeeze %dma_wait3A_521 : memref<1x1x20x128xi32, #tpu.memory_space<vmem>> -> memref<20x128xi32, #tpu.memory_space<vmem>>
      %dma_wait3A_523 = arith.constant 0 : i32
      %dma_wait3A_524 = tpu.memref_slice %arg12[%dma_wait3A_516, %dma_wait3A_523] : memref<8x128xi32, #tpu.memory_space<vmem>> -> memref<1x20xi32, #tpu.memory_space<vmem>>
      %dma_wait3A_525 = tpu.memref_squeeze %dma_wait3A_524 : memref<1x20xi32, #tpu.memory_space<vmem>> -> memref<20xi32, #tpu.memory_space<vmem>>
      %dma_wait3A_526 = arith.constant 0 : i32
      %dma_wait3A_527 = arith.constant 0 : i32
      %dma_wait3A_528 = tpu.memref_slice %arg4[%dma_wait3A_526, %dma_wait3A_527] : memref<10000x128xi32, #tpu.memory_space<hbm>> -> memref<10000x128xi32, #tpu.memory_space<hbm>>
      tpu.wait_indirect_dma semaphore(%arg19 : memref<!tpu.dma_semaphore, #tpu.memory_space<semaphore_mem>>) src(%dma_wait3A_528 : memref<10000x128xi32, #tpu.memory_space<hbm>>) dst(%dma_wait3A_522 : memref<20x128xi32, #tpu.memory_space<vmem>>)
      %dma_wait3A_529 = arith.constant 6 : i32
      %dma_wait3A_530 = arith.constant 1 : i32
      %dma_wait3A_531 = arith.constant 2 : i32
      %dma_wait3A_532 = arith.constant 0 : i32
      %dma_wait3A_533 = arith.constant 0 : i32
      %dma_wait3A_534 = tpu.memref_slice %arg15[%dma_wait3A_530, %dma_wait3A_531, %dma_wait3A_532, %dma_wait3A_533] : memref<2x4x20x128xf32, #tpu.memory_space<vmem>> -> memref<1x1x20x128xf32, #tpu.memory_space<vmem>>
      %dma_wait3A_535 = tpu.memref_squeeze %dma_wait3A_534 : memref<1x1x20x128xf32, #tpu.memory_space<vmem>> -> memref<20x128xf32, #tpu.memory_space<vmem>>
      %dma_wait3A_536 = arith.constant 32 : i32
      %dma_wait3A_537 = tpu.memref_slice %arg12[%dma_wait3A_529, %dma_wait3A_536] : memref<8x128xi32, #tpu.memory_space<vmem>> -> memref<1x20xi32, #tpu.memory_space<vmem>>
      %dma_wait3A_538 = tpu.memref_squeeze %dma_wait3A_537 : memref<1x20xi32, #tpu.memory_space<vmem>> -> memref<20xi32, #tpu.memory_space<vmem>>
      %dma_wait3A_539 = arith.constant 0 : i32
      %dma_wait3A_540 = arith.constant 0 : i32
      %dma_wait3A_541 = tpu.memref_slice %arg6[%dma_wait3A_539, %dma_wait3A_540] : memref<320000x128xf32, #tpu.memory_space<hbm>> -> memref<320000x128xf32, #tpu.memory_space<hbm>>
      tpu.wait_indirect_dma semaphore(%arg19 : memref<!tpu.dma_semaphore, #tpu.memory_space<semaphore_mem>>) src(%dma_wait3A_541 : memref<320000x128xf32, #tpu.memory_space<hbm>>) dst(%dma_wait3A_535 : memref<20x128xf32, #tpu.memory_space<vmem>>)
      %dma_wait3A_542 = arith.constant 7 : i32
      %dma_wait3A_543 = arith.constant 1 : i32
      %dma_wait3A_544 = arith.constant 3 : i32
      %dma_wait3A_545 = arith.constant 0 : i32
      %dma_wait3A_546 = arith.constant 0 : i32
      %dma_wait3A_547 = tpu.memref_slice %arg14[%dma_wait3A_543, %dma_wait3A_544, %dma_wait3A_545, %dma_wait3A_546] : memref<2x4x20x128xi32, #tpu.memory_space<vmem>> -> memref<1x1x20x128xi32, #tpu.memory_space<vmem>>
      %dma_wait3A_548 = tpu.memref_squeeze %dma_wait3A_547 : memref<1x1x20x128xi32, #tpu.memory_space<vmem>> -> memref<20x128xi32, #tpu.memory_space<vmem>>
      %dma_wait3A_549 = arith.constant 0 : i32
      %dma_wait3A_550 = tpu.memref_slice %arg12[%dma_wait3A_542, %dma_wait3A_549] : memref<8x128xi32, #tpu.memory_space<vmem>> -> memref<1x20xi32, #tpu.memory_space<vmem>>
      %dma_wait3A_551 = tpu.memref_squeeze %dma_wait3A_550 : memref<1x20xi32, #tpu.memory_space<vmem>> -> memref<20xi32, #tpu.memory_space<vmem>>
      %dma_wait3A_552 = arith.constant 0 : i32
      %dma_wait3A_553 = arith.constant 0 : i32
      %dma_wait3A_554 = tpu.memref_slice %arg4[%dma_wait3A_552, %dma_wait3A_553] : memref<10000x128xi32, #tpu.memory_space<hbm>> -> memref<10000x128xi32, #tpu.memory_space<hbm>>
      tpu.wait_indirect_dma semaphore(%arg19 : memref<!tpu.dma_semaphore, #tpu.memory_space<semaphore_mem>>) src(%dma_wait3A_554 : memref<10000x128xi32, #tpu.memory_space<hbm>>) dst(%dma_wait3A_548 : memref<20x128xi32, #tpu.memory_space<vmem>>)
      %dma_wait3A_555 = arith.constant 7 : i32
      %dma_wait3A_556 = arith.constant 1 : i32
      %dma_wait3A_557 = arith.constant 3 : i32
      %dma_wait3A_558 = arith.constant 0 : i32
      %dma_wait3A_559 = arith.constant 0 : i32
      %dma_wait3A_560 = tpu.memref_slice %arg15[%dma_wait3A_556, %dma_wait3A_557, %dma_wait3A_558, %dma_wait3A_559] : memref<2x4x20x128xf32, #tpu.memory_space<vmem>> -> memref<1x1x20x128xf32, #tpu.memory_space<vmem>>
      %dma_wait3A_561 = tpu.memref_squeeze %dma_wait3A_560 : memref<1x1x20x128xf32, #tpu.memory_space<vmem>> -> memref<20x128xf32, #tpu.memory_space<vmem>>
      %dma_wait3A_562 = arith.constant 32 : i32
      %dma_wait3A_563 = tpu.memref_slice %arg12[%dma_wait3A_555, %dma_wait3A_562] : memref<8x128xi32, #tpu.memory_space<vmem>> -> memref<1x20xi32, #tpu.memory_space<vmem>>
      %dma_wait3A_564 = tpu.memref_squeeze %dma_wait3A_563 : memref<1x20xi32, #tpu.memory_space<vmem>> -> memref<20xi32, #tpu.memory_space<vmem>>
      %dma_wait3A_565 = arith.constant 0 : i32
      %dma_wait3A_566 = arith.constant 0 : i32
      %dma_wait3A_567 = tpu.memref_slice %arg6[%dma_wait3A_565, %dma_wait3A_566] : memref<320000x128xf32, #tpu.memory_space<hbm>> -> memref<320000x128xf32, #tpu.memory_space<hbm>>
      tpu.wait_indirect_dma semaphore(%arg19 : memref<!tpu.dma_semaphore, #tpu.memory_space<semaphore_mem>>) src(%dma_wait3A_567 : memref<320000x128xf32, #tpu.memory_space<hbm>>) dst(%dma_wait3A_561 : memref<20x128xf32, #tpu.memory_space<vmem>>)
      %add3A_568 = arith.constant 4 : i32
      %add3A_569 = arith.addi %add3A_100, %add3A_568 : i32
      %add3A_570 = arith.constant 4 : i32
      %add3A_571 = arith.addi %add3A_100, %add3A_570 : i32
      %dma_start3A_572 = arith.constant 1 : i32
      %dma_start3A_573 = arith.constant 0 : i32
      %dma_start3A_574 = arith.constant 0 : i32
      %dma_start3A_575 = arith.constant 0 : i32
      %dma_start3A_576 = tpu.memref_slice %arg14[%dma_start3A_572, %dma_start3A_573, %dma_start3A_574, %dma_start3A_575] : memref<2x4x20x128xi32, #tpu.memory_space<vmem>> -> memref<1x4x20x128xi32, #tpu.memory_space<vmem>>
      %dma_start3A_577 = tpu.memref_squeeze %dma_start3A_576 : memref<1x4x20x128xi32, #tpu.memory_space<vmem>> -> memref<4x20x128xi32, #tpu.memory_space<vmem>>
      %dma_start3A_578 = arith.constant 0 : i32
      %dma_start3A_579 = arith.constant 0 : i32
      %dma_start3A_580 = tpu.memref_slice %arg7[%add3A_569, %dma_start3A_578, %dma_start3A_579] : memref<8192x20x128xi32, #tpu.memory_space<hbm>> -> memref<4x20x128xi32, #tpu.memory_space<hbm>>
      %dma_start3A_581 = arith.constant 0 : i32
      %dma_start3A_582 = arith.constant 0 : i32
      %dma_start3A_583 = tpu.memref_slice %arg7[%add3A_569, %dma_start3A_581, %dma_start3A_582] : memref<8192x20x128xi32, #tpu.memory_space<hbm>> -> memref<4x20x128xi32, #tpu.memory_space<hbm>>
      %dma_start3A_584 = arith.constant 0 : i32
      %dma_start3A_585 = arith.constant 0 : i32
      %dma_start3A_586 = arith.constant 0 : i32
      %dma_start3A_587 = tpu.memref_slice %arg14[%dma_start3A_572, %dma_start3A_584, %dma_start3A_585, %dma_start3A_586] : memref<2x4x20x128xi32, #tpu.memory_space<vmem>> -> memref<1x4x20x128xi32, #tpu.memory_space<vmem>>
      %dma_start3A_588 = tpu.memref_squeeze %dma_start3A_587 : memref<1x4x20x128xi32, #tpu.memory_space<vmem>> -> memref<4x20x128xi32, #tpu.memory_space<vmem>>
      tpu.enqueue_dma source(%dma_start3A_588 : memref<4x20x128xi32, #tpu.memory_space<vmem>>) target(%dma_start3A_583 : memref<4x20x128xi32, #tpu.memory_space<hbm>>) target_semaphore(%arg21 : memref<!tpu.dma_semaphore, #tpu.memory_space<semaphore_mem>>)
      %dma_start3A_589 = arith.constant 1 : i32
      %dma_start3A_590 = arith.constant 0 : i32
      %dma_start3A_591 = arith.constant 0 : i32
      %dma_start3A_592 = arith.constant 0 : i32
      %dma_start3A_593 = tpu.memref_slice %arg15[%dma_start3A_589, %dma_start3A_590, %dma_start3A_591, %dma_start3A_592] : memref<2x4x20x128xf32, #tpu.memory_space<vmem>> -> memref<1x4x20x128xf32, #tpu.memory_space<vmem>>
      %dma_start3A_594 = tpu.memref_squeeze %dma_start3A_593 : memref<1x4x20x128xf32, #tpu.memory_space<vmem>> -> memref<4x20x128xf32, #tpu.memory_space<vmem>>
      %dma_start3A_595 = arith.constant 0 : i32
      %dma_start3A_596 = arith.constant 0 : i32
      %dma_start3A_597 = tpu.memref_slice %arg8[%add3A_571, %dma_start3A_595, %dma_start3A_596] : memref<8192x20x128xf32, #tpu.memory_space<hbm>> -> memref<4x20x128xf32, #tpu.memory_space<hbm>>
      %dma_start3A_598 = arith.constant 0 : i32
      %dma_start3A_599 = arith.constant 0 : i32
      %dma_start3A_600 = tpu.memref_slice %arg8[%add3A_571, %dma_start3A_598, %dma_start3A_599] : memref<8192x20x128xf32, #tpu.memory_space<hbm>> -> memref<4x20x128xf32, #tpu.memory_space<hbm>>
      %dma_start3A_601 = arith.constant 0 : i32
      %dma_start3A_602 = arith.constant 0 : i32
      %dma_start3A_603 = arith.constant 0 : i32
      %dma_start3A_604 = tpu.memref_slice %arg15[%dma_start3A_589, %dma_start3A_601, %dma_start3A_602, %dma_start3A_603] : memref<2x4x20x128xf32, #tpu.memory_space<vmem>> -> memref<1x4x20x128xf32, #tpu.memory_space<vmem>>
      %dma_start3A_605 = tpu.memref_squeeze %dma_start3A_604 : memref<1x4x20x128xf32, #tpu.memory_space<vmem>> -> memref<4x20x128xf32, #tpu.memory_space<vmem>>
      tpu.enqueue_dma source(%dma_start3A_605 : memref<4x20x128xf32, #tpu.memory_space<vmem>>) target(%dma_start3A_600 : memref<4x20x128xf32, #tpu.memory_space<hbm>>) target_semaphore(%arg21 : memref<!tpu.dma_semaphore, #tpu.memory_space<semaphore_mem>>)
      %dma_start3A_606 = arith.constant 0 : i32
      %dma_start3A_607 = tpu.memref_slice %arg9[%add3A_100, %dma_start3A_606] : memref<8192x128xi32, #tpu.memory_space<hbm>> -> memref<8x128xi32, #tpu.memory_space<hbm>>
      %dma_start3A_608 = arith.constant 0 : i32
      %dma_start3A_609 = tpu.memref_slice %arg9[%add3A_100, %dma_start3A_608] : memref<8192x128xi32, #tpu.memory_space<hbm>> -> memref<8x128xi32, #tpu.memory_space<hbm>>
      tpu.enqueue_dma source(%arg12 : memref<8x128xi32, #tpu.memory_space<vmem>>) target(%dma_start3A_609 : memref<8x128xi32, #tpu.memory_space<hbm>>) target_semaphore(%arg21 : memref<!tpu.dma_semaphore, #tpu.memory_space<semaphore_mem>>)
      %dma_start3A_610 = arith.constant 0 : i32
      %dma_start3A_611 = tpu.memref_slice %arg10[%add3A_100, %dma_start3A_610] : memref<8192x256xf32, #tpu.memory_space<hbm>> -> memref<8x256xf32, #tpu.memory_space<hbm>>
      %dma_start3A_612 = arith.constant 0 : i32
      %dma_start3A_613 = tpu.memref_slice %arg10[%add3A_100, %dma_start3A_612] : memref<8192x256xf32, #tpu.memory_space<hbm>> -> memref<8x256xf32, #tpu.memory_space<hbm>>
      tpu.enqueue_dma source(%arg13 : memref<8x256xf32, #tpu.memory_space<vmem>>) target(%dma_start3A_613 : memref<8x256xf32, #tpu.memory_space<hbm>>) target_semaphore(%arg21 : memref<!tpu.dma_semaphore, #tpu.memory_space<semaphore_mem>>)
    }
    %scan3A_7 = arith.constant 32 : i32
    %add3A_8 = arith.constant 248 : i32
    %add3A_9 = arith.addi %mul3A_2, %add3A_8 : i32
    %add3A_10 = arith.constant 0 : i32
    %add3A_11 = arith.addi %add3A_9, %add3A_10 : i32
    %add3A_12 = arith.constant 0 : i32
    %add3A_13 = arith.addi %add3A_9, %add3A_12 : i32
    %dma_wait3A = arith.constant 0 : i32
    %dma_wait3A_14 = arith.constant 0 : i32
    %dma_wait3A_15 = arith.constant 0 : i32
    %dma_wait3A_16 = arith.constant 0 : i32
    %dma_wait3A_17 = tpu.memref_slice %arg14[%dma_wait3A, %dma_wait3A_14, %dma_wait3A_15, %dma_wait3A_16] : memref<2x4x20x128xi32, #tpu.memory_space<vmem>> -> memref<1x4x20x128xi32, #tpu.memory_space<vmem>>
    %dma_wait3A_18 = tpu.memref_squeeze %dma_wait3A_17 : memref<1x4x20x128xi32, #tpu.memory_space<vmem>> -> memref<4x20x128xi32, #tpu.memory_space<vmem>>
    %dma_wait3A_19 = arith.constant 0 : i32
    %dma_wait3A_20 = arith.constant 0 : i32
    %dma_wait3A_21 = tpu.memref_slice %arg7[%add3A_11, %dma_wait3A_19, %dma_wait3A_20] : memref<8192x20x128xi32, #tpu.memory_space<hbm>> -> memref<4x20x128xi32, #tpu.memory_space<hbm>>
    %dma_wait3A_22 = arith.constant 0 : i32
    %dma_wait3A_23 = arith.constant 0 : i32
    %dma_wait3A_24 = tpu.memref_slice %arg7[%add3A_11, %dma_wait3A_22, %dma_wait3A_23] : memref<8192x20x128xi32, #tpu.memory_space<hbm>> -> memref<4x20x128xi32, #tpu.memory_space<hbm>>
    %dma_wait3A_25 = arith.constant 0 : i32
    %dma_wait3A_26 = arith.constant 0 : i32
    %dma_wait3A_27 = arith.constant 0 : i32
    %dma_wait3A_28 = tpu.memref_slice %arg14[%dma_wait3A, %dma_wait3A_25, %dma_wait3A_26, %dma_wait3A_27] : memref<2x4x20x128xi32, #tpu.memory_space<vmem>> -> memref<1x4x20x128xi32, #tpu.memory_space<vmem>>
    %dma_wait3A_29 = tpu.memref_squeeze %dma_wait3A_28 : memref<1x4x20x128xi32, #tpu.memory_space<vmem>> -> memref<4x20x128xi32, #tpu.memory_space<vmem>>
    tpu.wait_dma2 semaphore(%arg20 : memref<!tpu.dma_semaphore, #tpu.memory_space<semaphore_mem>>) src(%dma_wait3A_29 : memref<4x20x128xi32, #tpu.memory_space<vmem>>) dst(%dma_wait3A_24 : memref<4x20x128xi32, #tpu.memory_space<hbm>>)
    %dma_wait3A_30 = arith.constant 0 : i32
    %dma_wait3A_31 = arith.constant 0 : i32
    %dma_wait3A_32 = arith.constant 0 : i32
    %dma_wait3A_33 = arith.constant 0 : i32
    %dma_wait3A_34 = tpu.memref_slice %arg15[%dma_wait3A_30, %dma_wait3A_31, %dma_wait3A_32, %dma_wait3A_33] : memref<2x4x20x128xf32, #tpu.memory_space<vmem>> -> memref<1x4x20x128xf32, #tpu.memory_space<vmem>>
    %dma_wait3A_35 = tpu.memref_squeeze %dma_wait3A_34 : memref<1x4x20x128xf32, #tpu.memory_space<vmem>> -> memref<4x20x128xf32, #tpu.memory_space<vmem>>
    %dma_wait3A_36 = arith.constant 0 : i32
    %dma_wait3A_37 = arith.constant 0 : i32
    %dma_wait3A_38 = tpu.memref_slice %arg8[%add3A_13, %dma_wait3A_36, %dma_wait3A_37] : memref<8192x20x128xf32, #tpu.memory_space<hbm>> -> memref<4x20x128xf32, #tpu.memory_space<hbm>>
    %dma_wait3A_39 = arith.constant 0 : i32
    %dma_wait3A_40 = arith.constant 0 : i32
    %dma_wait3A_41 = tpu.memref_slice %arg8[%add3A_13, %dma_wait3A_39, %dma_wait3A_40] : memref<8192x20x128xf32, #tpu.memory_space<hbm>> -> memref<4x20x128xf32, #tpu.memory_space<hbm>>
    %dma_wait3A_42 = arith.constant 0 : i32
    %dma_wait3A_43 = arith.constant 0 : i32
    %dma_wait3A_44 = arith.constant 0 : i32
    %dma_wait3A_45 = tpu.memref_slice %arg15[%dma_wait3A_30, %dma_wait3A_42, %dma_wait3A_43, %dma_wait3A_44] : memref<2x4x20x128xf32, #tpu.memory_space<vmem>> -> memref<1x4x20x128xf32, #tpu.memory_space<vmem>>
    %dma_wait3A_46 = tpu.memref_squeeze %dma_wait3A_45 : memref<1x4x20x128xf32, #tpu.memory_space<vmem>> -> memref<4x20x128xf32, #tpu.memory_space<vmem>>
    tpu.wait_dma2 semaphore(%arg20 : memref<!tpu.dma_semaphore, #tpu.memory_space<semaphore_mem>>) src(%dma_wait3A_46 : memref<4x20x128xf32, #tpu.memory_space<vmem>>) dst(%dma_wait3A_41 : memref<4x20x128xf32, #tpu.memory_space<hbm>>)
    %add3A_47 = arith.constant 248 : i32
    %add3A_48 = arith.addi %mul3A_2, %add3A_47 : i32
    %add3A_49 = arith.constant 4 : i32
    %add3A_50 = arith.addi %add3A_48, %add3A_49 : i32
    %add3A_51 = arith.constant 4 : i32
    %add3A_52 = arith.addi %add3A_48, %add3A_51 : i32
    %dma_wait3A_53 = arith.constant 1 : i32
    %dma_wait3A_54 = arith.constant 0 : i32
    %dma_wait3A_55 = arith.constant 0 : i32
    %dma_wait3A_56 = arith.constant 0 : i32
    %dma_wait3A_57 = tpu.memref_slice %arg14[%dma_wait3A_53, %dma_wait3A_54, %dma_wait3A_55, %dma_wait3A_56] : memref<2x4x20x128xi32, #tpu.memory_space<vmem>> -> memref<1x4x20x128xi32, #tpu.memory_space<vmem>>
    %dma_wait3A_58 = tpu.memref_squeeze %dma_wait3A_57 : memref<1x4x20x128xi32, #tpu.memory_space<vmem>> -> memref<4x20x128xi32, #tpu.memory_space<vmem>>
    %dma_wait3A_59 = arith.constant 0 : i32
    %dma_wait3A_60 = arith.constant 0 : i32
    %dma_wait3A_61 = tpu.memref_slice %arg7[%add3A_50, %dma_wait3A_59, %dma_wait3A_60] : memref<8192x20x128xi32, #tpu.memory_space<hbm>> -> memref<4x20x128xi32, #tpu.memory_space<hbm>>
    %dma_wait3A_62 = arith.constant 0 : i32
    %dma_wait3A_63 = arith.constant 0 : i32
    %dma_wait3A_64 = tpu.memref_slice %arg7[%add3A_50, %dma_wait3A_62, %dma_wait3A_63] : memref<8192x20x128xi32, #tpu.memory_space<hbm>> -> memref<4x20x128xi32, #tpu.memory_space<hbm>>
    %dma_wait3A_65 = arith.constant 0 : i32
    %dma_wait3A_66 = arith.constant 0 : i32
    %dma_wait3A_67 = arith.constant 0 : i32
    %dma_wait3A_68 = tpu.memref_slice %arg14[%dma_wait3A_53, %dma_wait3A_65, %dma_wait3A_66, %dma_wait3A_67] : memref<2x4x20x128xi32, #tpu.memory_space<vmem>> -> memref<1x4x20x128xi32, #tpu.memory_space<vmem>>
    %dma_wait3A_69 = tpu.memref_squeeze %dma_wait3A_68 : memref<1x4x20x128xi32, #tpu.memory_space<vmem>> -> memref<4x20x128xi32, #tpu.memory_space<vmem>>
    tpu.wait_dma2 semaphore(%arg21 : memref<!tpu.dma_semaphore, #tpu.memory_space<semaphore_mem>>) src(%dma_wait3A_69 : memref<4x20x128xi32, #tpu.memory_space<vmem>>) dst(%dma_wait3A_64 : memref<4x20x128xi32, #tpu.memory_space<hbm>>)
    %dma_wait3A_70 = arith.constant 1 : i32
    %dma_wait3A_71 = arith.constant 0 : i32
    %dma_wait3A_72 = arith.constant 0 : i32
    %dma_wait3A_73 = arith.constant 0 : i32
    %dma_wait3A_74 = tpu.memref_slice %arg15[%dma_wait3A_70, %dma_wait3A_71, %dma_wait3A_72, %dma_wait3A_73] : memref<2x4x20x128xf32, #tpu.memory_space<vmem>> -> memref<1x4x20x128xf32, #tpu.memory_space<vmem>>
    %dma_wait3A_75 = tpu.memref_squeeze %dma_wait3A_74 : memref<1x4x20x128xf32, #tpu.memory_space<vmem>> -> memref<4x20x128xf32, #tpu.memory_space<vmem>>
    %dma_wait3A_76 = arith.constant 0 : i32
    %dma_wait3A_77 = arith.constant 0 : i32
    %dma_wait3A_78 = tpu.memref_slice %arg8[%add3A_52, %dma_wait3A_76, %dma_wait3A_77] : memref<8192x20x128xf32, #tpu.memory_space<hbm>> -> memref<4x20x128xf32, #tpu.memory_space<hbm>>
    %dma_wait3A_79 = arith.constant 0 : i32
    %dma_wait3A_80 = arith.constant 0 : i32
    %dma_wait3A_81 = tpu.memref_slice %arg8[%add3A_52, %dma_wait3A_79, %dma_wait3A_80] : memref<8192x20x128xf32, #tpu.memory_space<hbm>> -> memref<4x20x128xf32, #tpu.memory_space<hbm>>
    %dma_wait3A_82 = arith.constant 0 : i32
    %dma_wait3A_83 = arith.constant 0 : i32
    %dma_wait3A_84 = arith.constant 0 : i32
    %dma_wait3A_85 = tpu.memref_slice %arg15[%dma_wait3A_70, %dma_wait3A_82, %dma_wait3A_83, %dma_wait3A_84] : memref<2x4x20x128xf32, #tpu.memory_space<vmem>> -> memref<1x4x20x128xf32, #tpu.memory_space<vmem>>
    %dma_wait3A_86 = tpu.memref_squeeze %dma_wait3A_85 : memref<1x4x20x128xf32, #tpu.memory_space<vmem>> -> memref<4x20x128xf32, #tpu.memory_space<vmem>>
    tpu.wait_dma2 semaphore(%arg21 : memref<!tpu.dma_semaphore, #tpu.memory_space<semaphore_mem>>) src(%dma_wait3A_86 : memref<4x20x128xf32, #tpu.memory_space<vmem>>) dst(%dma_wait3A_81 : memref<4x20x128xf32, #tpu.memory_space<hbm>>)
    %dma_wait3A_87 = arith.constant 0 : i32
    %dma_wait3A_88 = tpu.memref_slice %arg9[%add3A_48, %dma_wait3A_87] : memref<8192x128xi32, #tpu.memory_space<hbm>> -> memref<8x128xi32, #tpu.memory_space<hbm>>
    %dma_wait3A_89 = arith.constant 0 : i32
    %dma_wait3A_90 = tpu.memref_slice %arg9[%add3A_48, %dma_wait3A_89] : memref<8192x128xi32, #tpu.memory_space<hbm>> -> memref<8x128xi32, #tpu.memory_space<hbm>>
    tpu.wait_dma2 semaphore(%arg21 : memref<!tpu.dma_semaphore, #tpu.memory_space<semaphore_mem>>) src(%arg12 : memref<8x128xi32, #tpu.memory_space<vmem>>) dst(%dma_wait3A_90 : memref<8x128xi32, #tpu.memory_space<hbm>>)
    %dma_wait3A_91 = arith.constant 0 : i32
    %dma_wait3A_92 = tpu.memref_slice %arg10[%add3A_48, %dma_wait3A_91] : memref<8192x256xf32, #tpu.memory_space<hbm>> -> memref<8x256xf32, #tpu.memory_space<hbm>>
    %dma_wait3A_93 = arith.constant 0 : i32
    %dma_wait3A_94 = tpu.memref_slice %arg10[%add3A_48, %dma_wait3A_93] : memref<8192x256xf32, #tpu.memory_space<hbm>> -> memref<8x256xf32, #tpu.memory_space<hbm>>
    tpu.wait_dma2 semaphore(%arg21 : memref<!tpu.dma_semaphore, #tpu.memory_space<semaphore_mem>>) src(%arg13 : memref<8x256xf32, #tpu.memory_space<vmem>>) dst(%dma_wait3A_94 : memref<8x256xf32, #tpu.memory_space<hbm>>)
    return
  }
}

#map = affine_map<(d0, d1) -> (0)>
#map1 = affine_map<(d0, d1) -> (0, 0)>
#map2 = affine_map<(d0, d1) -> (0, 0, 0)>
module attributes {stable_mosaic.version = 14 : i64} {
  func.func @_gather_body(%arg0: i32, %arg1: i32, %arg2: memref<8192xi32, #tpu.memory_space<hbm>>, %arg3: memref<10000x128xi32, #tpu.memory_space<hbm>>, %arg4: memref<10000x128xi32, #tpu.memory_space<hbm>>, %arg5: memref<10000x256xf32, #tpu.memory_space<hbm>>, %arg6: memref<320000x128xf32, #tpu.memory_space<hbm>>, %arg7: memref<8192x20x128xi32, #tpu.memory_space<hbm>>, %arg8: memref<8192x20x128xf32, #tpu.memory_space<hbm>>, %arg9: memref<8192x128xi32, #tpu.memory_space<hbm>>, %arg10: memref<8192x256xf32, #tpu.memory_space<hbm>>, %arg11: memref<8xi32, #tpu.memory_space<vmem>>, %arg12: memref<8x128xi32, #tpu.memory_space<vmem>>, %arg13: memref<8x256xf32, #tpu.memory_space<vmem>>, %arg14: memref<2x4x20x128xi32, #tpu.memory_space<vmem>>, %arg15: memref<2x4x20x128xf32, #tpu.memory_space<vmem>>, %arg16: memref<!tpu.dma_semaphore, #tpu.memory_space<semaphore_mem>>, %arg17: memref<!tpu.dma_semaphore, #tpu.memory_space<semaphore_mem>>, %arg18: memref<!tpu.dma_semaphore, #tpu.memory_space<semaphore_mem>>, %arg19: memref<!tpu.dma_semaphore, #tpu.memory_space<semaphore_mem>>, %arg20: memref<!tpu.dma_semaphore, #tpu.memory_space<semaphore_mem>>, %arg21: memref<!tpu.dma_semaphore, #tpu.memory_space<semaphore_mem>>) attributes {dimension_semantics = [#tpu.dimension_semantics<core_parallel>, #tpu.dimension_semantics<subcore_parallel>], iteration_bounds = array<i64: 2, 16>, scalar_prefetch = 0 : i64, scratch_operands = 11 : i64, tpu.core_type = #tpu.core_type<sc_vector_subcore>, window_params = [{transform_indices = #map}, {transform_indices = #map1}, {transform_indices = #map1}, {transform_indices = #map1}, {transform_indices = #map1}, {transform_indices = #map2}, {transform_indices = #map2}, {transform_indices = #map1}, {transform_indices = #map1}]} {
    %mul3A = arith.constant 2 : i32
    %mul3A_0 = arith.muli %arg1, %mul3A : i32
    %add3A = arith.addi %mul3A_0, %arg0 : i32
    %mul3A_1 = arith.constant 256 : i32
    %mul3A_2 = arith.muli %add3A, %mul3A_1 : i32
    %scan3A = arith.constant 0 : i32
    %scan3A_3 = arith.constant 0 : i32
    %scan3A_4 = arith.constant 32 : i32
    %scan3A_5 = arith.addi %scan3A_3, %scan3A_4 : i32
    %scan3A_6 = arith.constant 1 : i32
    scf.for %scan3A_95 = %scan3A_3 to %scan3A_5 step %scan3A_6  : i32 {
      %mul3A_96 = arith.constant 2 : i32
      %mul3A_97 = arith.muli %scan3A_95, %mul3A_96 : i32
      %mul3A_98 = arith.constant 4 : i32
      %mul3A_99 = arith.muli %mul3A_97, %mul3A_98 : i32
      %add3A_100 = arith.addi %mul3A_2, %mul3A_99 : i32
      %gt3A = arith.constant 0 : i32
      %gt3A_101 = arith.cmpi sgt, %scan3A_95, %gt3A : i32
      %convert_element_type3A = arith.extui %gt3A_101 : i1 to i32
      %cond3A = arith.constant 0 : i32
      %cond3A_102 = arith.cmpi ne, %convert_element_type3A, %cond3A : i32
      scf.if %cond3A_102 {
        %sub3A = arith.constant 1 : i32
        %sub3A_614 = arith.subi %scan3A_95, %sub3A : i32
        %mul3A_615 = arith.constant 2 : i32
        %mul3A_616 = arith.muli %sub3A_614, %mul3A_615 : i32
        %mul3A_617 = arith.constant 4 : i32
        %mul3A_618 = arith.muli %mul3A_616, %mul3A_617 : i32
        %add3A_619 = arith.addi %mul3A_2, %mul3A_618 : i32
        %add3A_620 = arith.constant 0 : i32
        %add3A_621 = arith.addi %add3A_619, %add3A_620 : i32
        %add3A_622 = arith.constant 0 : i32
        %add3A_623 = arith.addi %add3A_619, %add3A_622 : i32
        %dma_wait3A_624 = arith.constant 0 : i32
        %dma_wait3A_625 = arith.constant 0 : i32
        %dma_wait3A_626 = arith.constant 0 : i32
        %dma_wait3A_627 = arith.constant 0 : i32
        %dma_wait3A_628 = tpu.memref_slice %arg14[%dma_wait3A_624, %dma_wait3A_625, %dma_wait3A_626, %dma_wait3A_627] : memref<2x4x20x128xi32, #tpu.memory_space<vmem>> -> memref<1x4x20x128xi32, #tpu.memory_space<vmem>>
        %dma_wait3A_629 = tpu.memref_squeeze %dma_wait3A_628 : memref<1x4x20x128xi32, #tpu.memory_space<vmem>> -> memref<4x20x128xi32, #tpu.memory_space<vmem>>
        %dma_wait3A_630 = arith.constant 0 : i32
        %dma_wait3A_631 = arith.constant 0 : i32
        %dma_wait3A_632 = tpu.memref_slice %arg7[%add3A_621, %dma_wait3A_630, %dma_wait3A_631] : memref<8192x20x128xi32, #tpu.memory_space<hbm>> -> memref<4x20x128xi32, #tpu.memory_space<hbm>>
        %dma_wait3A_633 = arith.constant 0 : i32
        %dma_wait3A_634 = arith.constant 0 : i32
        %dma_wait3A_635 = tpu.memref_slice %arg7[%add3A_621, %dma_wait3A_633, %dma_wait3A_634] : memref<8192x20x128xi32, #tpu.memory_space<hbm>> -> memref<4x20x128xi32, #tpu.memory_space<hbm>>
        %dma_wait3A_636 = arith.constant 0 : i32
        %dma_wait3A_637 = arith.constant 0 : i32
        %dma_wait3A_638 = arith.constant 0 : i32
        %dma_wait3A_639 = tpu.memref_slice %arg14[%dma_wait3A_624, %dma_wait3A_636, %dma_wait3A_637, %dma_wait3A_638] : memref<2x4x20x128xi32, #tpu.memory_space<vmem>> -> memref<1x4x20x128xi32, #tpu.memory_space<vmem>>
        %dma_wait3A_640 = tpu.memref_squeeze %dma_wait3A_639 : memref<1x4x20x128xi32, #tpu.memory_space<vmem>> -> memref<4x20x128xi32, #tpu.memory_space<vmem>>
        tpu.wait_dma2 semaphore(%arg20 : memref<!tpu.dma_semaphore, #tpu.memory_space<semaphore_mem>>) src(%dma_wait3A_640 : memref<4x20x128xi32, #tpu.memory_space<vmem>>) dst(%dma_wait3A_635 : memref<4x20x128xi32, #tpu.memory_space<hbm>>)
        %dma_wait3A_641 = arith.constant 0 : i32
        %dma_wait3A_642 = arith.constant 0 : i32
        %dma_wait3A_643 = arith.constant 0 : i32
        %dma_wait3A_644 = arith.constant 0 : i32
        %dma_wait3A_645 = tpu.memref_slice %arg15[%dma_wait3A_641, %dma_wait3A_642, %dma_wait3A_643, %dma_wait3A_644] : memref<2x4x20x128xf32, #tpu.memory_space<vmem>> -> memref<1x4x20x128xf32, #tpu.memory_space<vmem>>
        %dma_wait3A_646 = tpu.memref_squeeze %dma_wait3A_645 : memref<1x4x20x128xf32, #tpu.memory_space<vmem>> -> memref<4x20x128xf32, #tpu.memory_space<vmem>>
        %dma_wait3A_647 = arith.constant 0 : i32
        %dma_wait3A_648 = arith.constant 0 : i32
        %dma_wait3A_649 = tpu.memref_slice %arg8[%add3A_623, %dma_wait3A_647, %dma_wait3A_648] : memref<8192x20x128xf32, #tpu.memory_space<hbm>> -> memref<4x20x128xf32, #tpu.memory_space<hbm>>
        %dma_wait3A_650 = arith.constant 0 : i32
        %dma_wait3A_651 = arith.constant 0 : i32
        %dma_wait3A_652 = tpu.memref_slice %arg8[%add3A_623, %dma_wait3A_650, %dma_wait3A_651] : memref<8192x20x128xf32, #tpu.memory_space<hbm>> -> memref<4x20x128xf32, #tpu.memory_space<hbm>>
        %dma_wait3A_653 = arith.constant 0 : i32
        %dma_wait3A_654 = arith.constant 0 : i32
        %dma_wait3A_655 = arith.constant 0 : i32
        %dma_wait3A_656 = tpu.memref_slice %arg15[%dma_wait3A_641, %dma_wait3A_653, %dma_wait3A_654, %dma_wait3A_655] : memref<2x4x20x128xf32, #tpu.memory_space<vmem>> -> memref<1x4x20x128xf32, #tpu.memory_space<vmem>>
        %dma_wait3A_657 = tpu.memref_squeeze %dma_wait3A_656 : memref<1x4x20x128xf32, #tpu.memory_space<vmem>> -> memref<4x20x128xf32, #tpu.memory_space<vmem>>
        tpu.wait_dma2 semaphore(%arg20 : memref<!tpu.dma_semaphore, #tpu.memory_space<semaphore_mem>>) src(%dma_wait3A_657 : memref<4x20x128xf32, #tpu.memory_space<vmem>>) dst(%dma_wait3A_652 : memref<4x20x128xf32, #tpu.memory_space<hbm>>)
        %sub3A_658 = arith.constant 1 : i32
        %sub3A_659 = arith.subi %scan3A_95, %sub3A_658 : i32
        %mul3A_660 = arith.constant 2 : i32
        %mul3A_661 = arith.muli %sub3A_659, %mul3A_660 : i32
        %mul3A_662 = arith.constant 4 : i32
        %mul3A_663 = arith.muli %mul3A_661, %mul3A_662 : i32
        %add3A_664 = arith.addi %mul3A_2, %mul3A_663 : i32
        %add3A_665 = arith.constant 4 : i32
        %add3A_666 = arith.addi %add3A_664, %add3A_665 : i32
        %add3A_667 = arith.constant 4 : i32
        %add3A_668 = arith.addi %add3A_664, %add3A_667 : i32
        %dma_wait3A_669 = arith.constant 1 : i32
        %dma_wait3A_670 = arith.constant 0 : i32
        %dma_wait3A_671 = arith.constant 0 : i32
        %dma_wait3A_672 = arith.constant 0 : i32
        %dma_wait3A_673 = tpu.memref_slice %arg14[%dma_wait3A_669, %dma_wait3A_670, %dma_wait3A_671, %dma_wait3A_672] : memref<2x4x20x128xi32, #tpu.memory_space<vmem>> -> memref<1x4x20x128xi32, #tpu.memory_space<vmem>>
        %dma_wait3A_674 = tpu.memref_squeeze %dma_wait3A_673 : memref<1x4x20x128xi32, #tpu.memory_space<vmem>> -> memref<4x20x128xi32, #tpu.memory_space<vmem>>
        %dma_wait3A_675 = arith.constant 0 : i32
        %dma_wait3A_676 = arith.constant 0 : i32
        %dma_wait3A_677 = tpu.memref_slice %arg7[%add3A_666, %dma_wait3A_675, %dma_wait3A_676] : memref<8192x20x128xi32, #tpu.memory_space<hbm>> -> memref<4x20x128xi32, #tpu.memory_space<hbm>>
        %dma_wait3A_678 = arith.constant 0 : i32
        %dma_wait3A_679 = arith.constant 0 : i32
        %dma_wait3A_680 = tpu.memref_slice %arg7[%add3A_666, %dma_wait3A_678, %dma_wait3A_679] : memref<8192x20x128xi32, #tpu.memory_space<hbm>> -> memref<4x20x128xi32, #tpu.memory_space<hbm>>
        %dma_wait3A_681 = arith.constant 0 : i32
        %dma_wait3A_682 = arith.constant 0 : i32
        %dma_wait3A_683 = arith.constant 0 : i32
        %dma_wait3A_684 = tpu.memref_slice %arg14[%dma_wait3A_669, %dma_wait3A_681, %dma_wait3A_682, %dma_wait3A_683] : memref<2x4x20x128xi32, #tpu.memory_space<vmem>> -> memref<1x4x20x128xi32, #tpu.memory_space<vmem>>
        %dma_wait3A_685 = tpu.memref_squeeze %dma_wait3A_684 : memref<1x4x20x128xi32, #tpu.memory_space<vmem>> -> memref<4x20x128xi32, #tpu.memory_space<vmem>>
        tpu.wait_dma2 semaphore(%arg21 : memref<!tpu.dma_semaphore, #tpu.memory_space<semaphore_mem>>) src(%dma_wait3A_685 : memref<4x20x128xi32, #tpu.memory_space<vmem>>) dst(%dma_wait3A_680 : memref<4x20x128xi32, #tpu.memory_space<hbm>>)
        %dma_wait3A_686 = arith.constant 1 : i32
        %dma_wait3A_687 = arith.constant 0 : i32
        %dma_wait3A_688 = arith.constant 0 : i32
        %dma_wait3A_689 = arith.constant 0 : i32
        %dma_wait3A_690 = tpu.memref_slice %arg15[%dma_wait3A_686, %dma_wait3A_687, %dma_wait3A_688, %dma_wait3A_689] : memref<2x4x20x128xf32, #tpu.memory_space<vmem>> -> memref<1x4x20x128xf32, #tpu.memory_space<vmem>>
        %dma_wait3A_691 = tpu.memref_squeeze %dma_wait3A_690 : memref<1x4x20x128xf32, #tpu.memory_space<vmem>> -> memref<4x20x128xf32, #tpu.memory_space<vmem>>
        %dma_wait3A_692 = arith.constant 0 : i32
        %dma_wait3A_693 = arith.constant 0 : i32
        %dma_wait3A_694 = tpu.memref_slice %arg8[%add3A_668, %dma_wait3A_692, %dma_wait3A_693] : memref<8192x20x128xf32, #tpu.memory_space<hbm>> -> memref<4x20x128xf32, #tpu.memory_space<hbm>>
        %dma_wait3A_695 = arith.constant 0 : i32
        %dma_wait3A_696 = arith.constant 0 : i32
        %dma_wait3A_697 = tpu.memref_slice %arg8[%add3A_668, %dma_wait3A_695, %dma_wait3A_696] : memref<8192x20x128xf32, #tpu.memory_space<hbm>> -> memref<4x20x128xf32, #tpu.memory_space<hbm>>
        %dma_wait3A_698 = arith.constant 0 : i32
        %dma_wait3A_699 = arith.constant 0 : i32
        %dma_wait3A_700 = arith.constant 0 : i32
        %dma_wait3A_701 = tpu.memref_slice %arg15[%dma_wait3A_686, %dma_wait3A_698, %dma_wait3A_699, %dma_wait3A_700] : memref<2x4x20x128xf32, #tpu.memory_space<vmem>> -> memref<1x4x20x128xf32, #tpu.memory_space<vmem>>
        %dma_wait3A_702 = tpu.memref_squeeze %dma_wait3A_701 : memref<1x4x20x128xf32, #tpu.memory_space<vmem>> -> memref<4x20x128xf32, #tpu.memory_space<vmem>>
        tpu.wait_dma2 semaphore(%arg21 : memref<!tpu.dma_semaphore, #tpu.memory_space<semaphore_mem>>) src(%dma_wait3A_702 : memref<4x20x128xf32, #tpu.memory_space<vmem>>) dst(%dma_wait3A_697 : memref<4x20x128xf32, #tpu.memory_space<hbm>>)
        %dma_wait3A_703 = arith.constant 0 : i32
        %dma_wait3A_704 = tpu.memref_slice %arg9[%add3A_664, %dma_wait3A_703] : memref<8192x128xi32, #tpu.memory_space<hbm>> -> memref<8x128xi32, #tpu.memory_space<hbm>>
        %dma_wait3A_705 = arith.constant 0 : i32
        %dma_wait3A_706 = tpu.memref_slice %arg9[%add3A_664, %dma_wait3A_705] : memref<8192x128xi32, #tpu.memory_space<hbm>> -> memref<8x128xi32, #tpu.memory_space<hbm>>
        tpu.wait_dma2 semaphore(%arg21 : memref<!tpu.dma_semaphore, #tpu.memory_space<semaphore_mem>>) src(%arg12 : memref<8x128xi32, #tpu.memory_space<vmem>>) dst(%dma_wait3A_706 : memref<8x128xi32, #tpu.memory_space<hbm>>)
        %dma_wait3A_707 = arith.constant 0 : i32
        %dma_wait3A_708 = tpu.memref_slice %arg10[%add3A_664, %dma_wait3A_707] : memref<8192x256xf32, #tpu.memory_space<hbm>> -> memref<8x256xf32, #tpu.memory_space<hbm>>
        %dma_wait3A_709 = arith.constant 0 : i32
        %dma_wait3A_710 = tpu.memref_slice %arg10[%add3A_664, %dma_wait3A_709] : memref<8192x256xf32, #tpu.memory_space<hbm>> -> memref<8x256xf32, #tpu.memory_space<hbm>>
        tpu.wait_dma2 semaphore(%arg21 : memref<!tpu.dma_semaphore, #tpu.memory_space<semaphore_mem>>) src(%arg13 : memref<8x256xf32, #tpu.memory_space<vmem>>) dst(%dma_wait3A_710 : memref<8x256xf32, #tpu.memory_space<hbm>>)
      } else {
      }
      "tpu.region"() ({
        %run_scoped3A = tpu.sem_alloc : memref<!tpu.dma_semaphore, #tpu.memory_space<semaphore_mem>>
        %dma_start3A_614 = tpu.memref_slice %arg2[%add3A_100] : memref<8192xi32, #tpu.memory_space<hbm>> -> memref<8xi32, #tpu.memory_space<hbm>>
        %dma_start3A_615 = tpu.memref_slice %arg2[%add3A_100] : memref<8192xi32, #tpu.memory_space<hbm>> -> memref<8xi32, #tpu.memory_space<hbm>>
        tpu.enqueue_dma source(%dma_start3A_615 : memref<8xi32, #tpu.memory_space<hbm>>) target(%arg11 : memref<8xi32, #tpu.memory_space<vmem>>) target_semaphore(%run_scoped3A : memref<!tpu.dma_semaphore, #tpu.memory_space<semaphore_mem>>)
        %dma_wait3A_616 = tpu.memref_slice %arg2[%add3A_100] : memref<8192xi32, #tpu.memory_space<hbm>> -> memref<8xi32, #tpu.memory_space<hbm>>
        %dma_wait3A_617 = tpu.memref_slice %arg2[%add3A_100] : memref<8192xi32, #tpu.memory_space<hbm>> -> memref<8xi32, #tpu.memory_space<hbm>>
        tpu.wait_dma2 semaphore(%run_scoped3A : memref<!tpu.dma_semaphore, #tpu.memory_space<semaphore_mem>>) src(%dma_wait3A_617 : memref<8xi32, #tpu.memory_space<hbm>>) dst(%arg11 : memref<8xi32, #tpu.memory_space<vmem>>)
        tpu.yield
      }) : () -> ()
      %dma_start3A = arith.constant 0 : i32
      %dma_start3A_103 = arith.constant 0 : i32
      %dma_start3A_104 = tpu.memref_slice %arg3[%dma_start3A, %dma_start3A_103] : memref<10000x128xi32, #tpu.memory_space<hbm>> -> memref<10000x128xi32, #tpu.memory_space<hbm>>
      tpu.enqueue_indirect_dma source(%dma_start3A_104 : memref<10000x128xi32, #tpu.memory_space<hbm>>) target(%arg12 : memref<8x128xi32, #tpu.memory_space<vmem>>) offsets(%arg11 : memref<8xi32, #tpu.memory_space<vmem>>) semaphore(%arg16 : memref<!tpu.dma_semaphore, #tpu.memory_space<semaphore_mem>>)
      %dma_start3A_105 = arith.constant 0 : i32
      %dma_start3A_106 = arith.constant 0 : i32
      %dma_start3A_107 = tpu.memref_slice %arg5[%dma_start3A_105, %dma_start3A_106] : memref<10000x256xf32, #tpu.memory_space<hbm>> -> memref<10000x256xf32, #tpu.memory_space<hbm>>
      tpu.enqueue_indirect_dma source(%dma_start3A_107 : memref<10000x256xf32, #tpu.memory_space<hbm>>) target(%arg13 : memref<8x256xf32, #tpu.memory_space<vmem>>) offsets(%arg11 : memref<8xi32, #tpu.memory_space<vmem>>) semaphore(%arg16 : memref<!tpu.dma_semaphore, #tpu.memory_space<semaphore_mem>>)
      %dma_wait3A_108 = arith.constant 0 : i32
      %dma_wait3A_109 = arith.constant 0 : i32
      %dma_wait3A_110 = tpu.memref_slice %arg3[%dma_wait3A_108, %dma_wait3A_109] : memref<10000x128xi32, #tpu.memory_space<hbm>> -> memref<10000x128xi32, #tpu.memory_space<hbm>>
      tpu.wait_indirect_dma semaphore(%arg16 : memref<!tpu.dma_semaphore, #tpu.memory_space<semaphore_mem>>) src(%dma_wait3A_110 : memref<10000x128xi32, #tpu.memory_space<hbm>>) dst(%arg12 : memref<8x128xi32, #tpu.memory_space<vmem>>)
      %dma_wait3A_111 = arith.constant 0 : i32
      %dma_wait3A_112 = arith.constant 0 : i32
      %dma_wait3A_113 = tpu.memref_slice %arg5[%dma_wait3A_111, %dma_wait3A_112] : memref<10000x256xf32, #tpu.memory_space<hbm>> -> memref<10000x256xf32, #tpu.memory_space<hbm>>
      tpu.wait_indirect_dma semaphore(%arg16 : memref<!tpu.dma_semaphore, #tpu.memory_space<semaphore_mem>>) src(%dma_wait3A_113 : memref<10000x256xf32, #tpu.memory_space<hbm>>) dst(%arg13 : memref<8x256xf32, #tpu.memory_space<vmem>>)
      %dma_start3A_114 = arith.constant 0 : i32
      %dma_start3A_115 = arith.constant 0 : i32
      %dma_start3A_116 = arith.constant 0 : i32
      %dma_start3A_117 = arith.constant 0 : i32
      %dma_start3A_118 = arith.constant 0 : i32
      %dma_start3A_119 = tpu.memref_slice %arg14[%dma_start3A_115, %dma_start3A_116, %dma_start3A_117, %dma_start3A_118] : memref<2x4x20x128xi32, #tpu.memory_space<vmem>> -> memref<1x1x20x128xi32, #tpu.memory_space<vmem>>
      %dma_start3A_120 = tpu.memref_squeeze %dma_start3A_119 : memref<1x1x20x128xi32, #tpu.memory_space<vmem>> -> memref<20x128xi32, #tpu.memory_space<vmem>>
      %dma_start3A_121 = arith.constant 0 : i32
      %dma_start3A_122 = tpu.memref_slice %arg12[%dma_start3A_114, %dma_start3A_121] : memref<8x128xi32, #tpu.memory_space<vmem>> -> memref<1x20xi32, #tpu.memory_space<vmem>>
      %dma_start3A_123 = tpu.memref_squeeze %dma_start3A_122 : memref<1x20xi32, #tpu.memory_space<vmem>> -> memref<20xi32, #tpu.memory_space<vmem>>
      %dma_start3A_124 = arith.constant 0 : i32
      %dma_start3A_125 = arith.constant 0 : i32
      %dma_start3A_126 = tpu.memref_slice %arg4[%dma_start3A_124, %dma_start3A_125] : memref<10000x128xi32, #tpu.memory_space<hbm>> -> memref<10000x128xi32, #tpu.memory_space<hbm>>
      tpu.enqueue_indirect_dma source(%dma_start3A_126 : memref<10000x128xi32, #tpu.memory_space<hbm>>) target(%dma_start3A_120 : memref<20x128xi32, #tpu.memory_space<vmem>>) offsets(%dma_start3A_123 : memref<20xi32, #tpu.memory_space<vmem>>) semaphore(%arg18 : memref<!tpu.dma_semaphore, #tpu.memory_space<semaphore_mem>>)
      %dma_start3A_127 = arith.constant 0 : i32
      %dma_start3A_128 = arith.constant 0 : i32
      %dma_start3A_129 = arith.constant 0 : i32
      %dma_start3A_130 = arith.constant 0 : i32
      %dma_start3A_131 = arith.constant 0 : i32
      %dma_start3A_132 = tpu.memref_slice %arg15[%dma_start3A_128, %dma_start3A_129, %dma_start3A_130, %dma_start3A_131] : memref<2x4x20x128xf32, #tpu.memory_space<vmem>> -> memref<1x1x20x128xf32, #tpu.memory_space<vmem>>
      %dma_start3A_133 = tpu.memref_squeeze %dma_start3A_132 : memref<1x1x20x128xf32, #tpu.memory_space<vmem>> -> memref<20x128xf32, #tpu.memory_space<vmem>>
      %dma_start3A_134 = arith.constant 32 : i32
      %dma_start3A_135 = tpu.memref_slice %arg12[%dma_start3A_127, %dma_start3A_134] : memref<8x128xi32, #tpu.memory_space<vmem>> -> memref<1x20xi32, #tpu.memory_space<vmem>>
      %dma_start3A_136 = tpu.memref_squeeze %dma_start3A_135 : memref<1x20xi32, #tpu.memory_space<vmem>> -> memref<20xi32, #tpu.memory_space<vmem>>
      %dma_start3A_137 = arith.constant 0 : i32
      %dma_start3A_138 = arith.constant 0 : i32
      %dma_start3A_139 = tpu.memref_slice %arg6[%dma_start3A_137, %dma_start3A_138] : memref<320000x128xf32, #tpu.memory_space<hbm>> -> memref<320000x128xf32, #tpu.memory_space<hbm>>
      tpu.enqueue_indirect_dma source(%dma_start3A_139 : memref<320000x128xf32, #tpu.memory_space<hbm>>) target(%dma_start3A_133 : memref<20x128xf32, #tpu.memory_space<vmem>>) offsets(%dma_start3A_136 : memref<20xi32, #tpu.memory_space<vmem>>) semaphore(%arg18 : memref<!tpu.dma_semaphore, #tpu.memory_space<semaphore_mem>>)
      %dma_start3A_140 = arith.constant 1 : i32
      %dma_start3A_141 = arith.constant 0 : i32
      %dma_start3A_142 = arith.constant 1 : i32
      %dma_start3A_143 = arith.constant 0 : i32
      %dma_start3A_144 = arith.constant 0 : i32
      %dma_start3A_145 = tpu.memref_slice %arg14[%dma_start3A_141, %dma_start3A_142, %dma_start3A_143, %dma_start3A_144] : memref<2x4x20x128xi32, #tpu.memory_space<vmem>> -> memref<1x1x20x128xi32, #tpu.memory_space<vmem>>
      %dma_start3A_146 = tpu.memref_squeeze %dma_start3A_145 : memref<1x1x20x128xi32, #tpu.memory_space<vmem>> -> memref<20x128xi32, #tpu.memory_space<vmem>>
      %dma_start3A_147 = arith.constant 0 : i32
      %dma_start3A_148 = tpu.memref_slice %arg12[%dma_start3A_140, %dma_start3A_147] : memref<8x128xi32, #tpu.memory_space<vmem>> -> memref<1x20xi32, #tpu.memory_space<vmem>>
      %dma_start3A_149 = tpu.memref_squeeze %dma_start3A_148 : memref<1x20xi32, #tpu.memory_space<vmem>> -> memref<20xi32, #tpu.memory_space<vmem>>
      %dma_start3A_150 = arith.constant 0 : i32
      %dma_start3A_151 = arith.constant 0 : i32
      %dma_start3A_152 = tpu.memref_slice %arg4[%dma_start3A_150, %dma_start3A_151] : memref<10000x128xi32, #tpu.memory_space<hbm>> -> memref<10000x128xi32, #tpu.memory_space<hbm>>
      tpu.enqueue_indirect_dma source(%dma_start3A_152 : memref<10000x128xi32, #tpu.memory_space<hbm>>) target(%dma_start3A_146 : memref<20x128xi32, #tpu.memory_space<vmem>>) offsets(%dma_start3A_149 : memref<20xi32, #tpu.memory_space<vmem>>) semaphore(%arg18 : memref<!tpu.dma_semaphore, #tpu.memory_space<semaphore_mem>>)
      %dma_start3A_153 = arith.constant 1 : i32
      %dma_start3A_154 = arith.constant 0 : i32
      %dma_start3A_155 = arith.constant 1 : i32
      %dma_start3A_156 = arith.constant 0 : i32
      %dma_start3A_157 = arith.constant 0 : i32
      %dma_start3A_158 = tpu.memref_slice %arg15[%dma_start3A_154, %dma_start3A_155, %dma_start3A_156, %dma_start3A_157] : memref<2x4x20x128xf32, #tpu.memory_space<vmem>> -> memref<1x1x20x128xf32, #tpu.memory_space<vmem>>
      %dma_start3A_159 = tpu.memref_squeeze %dma_start3A_158 : memref<1x1x20x128xf32, #tpu.memory_space<vmem>> -> memref<20x128xf32, #tpu.memory_space<vmem>>
      %dma_start3A_160 = arith.constant 32 : i32
      %dma_start3A_161 = tpu.memref_slice %arg12[%dma_start3A_153, %dma_start3A_160] : memref<8x128xi32, #tpu.memory_space<vmem>> -> memref<1x20xi32, #tpu.memory_space<vmem>>
      %dma_start3A_162 = tpu.memref_squeeze %dma_start3A_161 : memref<1x20xi32, #tpu.memory_space<vmem>> -> memref<20xi32, #tpu.memory_space<vmem>>
      %dma_start3A_163 = arith.constant 0 : i32
      %dma_start3A_164 = arith.constant 0 : i32
      %dma_start3A_165 = tpu.memref_slice %arg6[%dma_start3A_163, %dma_start3A_164] : memref<320000x128xf32, #tpu.memory_space<hbm>> -> memref<320000x128xf32, #tpu.memory_space<hbm>>
      tpu.enqueue_indirect_dma source(%dma_start3A_165 : memref<320000x128xf32, #tpu.memory_space<hbm>>) target(%dma_start3A_159 : memref<20x128xf32, #tpu.memory_space<vmem>>) offsets(%dma_start3A_162 : memref<20xi32, #tpu.memory_space<vmem>>) semaphore(%arg18 : memref<!tpu.dma_semaphore, #tpu.memory_space<semaphore_mem>>)
      %dma_start3A_166 = arith.constant 2 : i32
      %dma_start3A_167 = arith.constant 0 : i32
      %dma_start3A_168 = arith.constant 2 : i32
      %dma_start3A_169 = arith.constant 0 : i32
      %dma_start3A_170 = arith.constant 0 : i32
      %dma_start3A_171 = tpu.memref_slice %arg14[%dma_start3A_167, %dma_start3A_168, %dma_start3A_169, %dma_start3A_170] : memref<2x4x20x128xi32, #tpu.memory_space<vmem>> -> memref<1x1x20x128xi32, #tpu.memory_space<vmem>>
      %dma_start3A_172 = tpu.memref_squeeze %dma_start3A_171 : memref<1x1x20x128xi32, #tpu.memory_space<vmem>> -> memref<20x128xi32, #tpu.memory_space<vmem>>
      %dma_start3A_173 = arith.constant 0 : i32
      %dma_start3A_174 = tpu.memref_slice %arg12[%dma_start3A_166, %dma_start3A_173] : memref<8x128xi32, #tpu.memory_space<vmem>> -> memref<1x20xi32, #tpu.memory_space<vmem>>
      %dma_start3A_175 = tpu.memref_squeeze %dma_start3A_174 : memref<1x20xi32, #tpu.memory_space<vmem>> -> memref<20xi32, #tpu.memory_space<vmem>>
      %dma_start3A_176 = arith.constant 0 : i32
      %dma_start3A_177 = arith.constant 0 : i32
      %dma_start3A_178 = tpu.memref_slice %arg4[%dma_start3A_176, %dma_start3A_177] : memref<10000x128xi32, #tpu.memory_space<hbm>> -> memref<10000x128xi32, #tpu.memory_space<hbm>>
      tpu.enqueue_indirect_dma source(%dma_start3A_178 : memref<10000x128xi32, #tpu.memory_space<hbm>>) target(%dma_start3A_172 : memref<20x128xi32, #tpu.memory_space<vmem>>) offsets(%dma_start3A_175 : memref<20xi32, #tpu.memory_space<vmem>>) semaphore(%arg18 : memref<!tpu.dma_semaphore, #tpu.memory_space<semaphore_mem>>)
      %dma_start3A_179 = arith.constant 2 : i32
      %dma_start3A_180 = arith.constant 0 : i32
      %dma_start3A_181 = arith.constant 2 : i32
      %dma_start3A_182 = arith.constant 0 : i32
      %dma_start3A_183 = arith.constant 0 : i32
      %dma_start3A_184 = tpu.memref_slice %arg15[%dma_start3A_180, %dma_start3A_181, %dma_start3A_182, %dma_start3A_183] : memref<2x4x20x128xf32, #tpu.memory_space<vmem>> -> memref<1x1x20x128xf32, #tpu.memory_space<vmem>>
      %dma_start3A_185 = tpu.memref_squeeze %dma_start3A_184 : memref<1x1x20x128xf32, #tpu.memory_space<vmem>> -> memref<20x128xf32, #tpu.memory_space<vmem>>
      %dma_start3A_186 = arith.constant 32 : i32
      %dma_start3A_187 = tpu.memref_slice %arg12[%dma_start3A_179, %dma_start3A_186] : memref<8x128xi32, #tpu.memory_space<vmem>> -> memref<1x20xi32, #tpu.memory_space<vmem>>
      %dma_start3A_188 = tpu.memref_squeeze %dma_start3A_187 : memref<1x20xi32, #tpu.memory_space<vmem>> -> memref<20xi32, #tpu.memory_space<vmem>>
      %dma_start3A_189 = arith.constant 0 : i32
      %dma_start3A_190 = arith.constant 0 : i32
      %dma_start3A_191 = tpu.memref_slice %arg6[%dma_start3A_189, %dma_start3A_190] : memref<320000x128xf32, #tpu.memory_space<hbm>> -> memref<320000x128xf32, #tpu.memory_space<hbm>>
      tpu.enqueue_indirect_dma source(%dma_start3A_191 : memref<320000x128xf32, #tpu.memory_space<hbm>>) target(%dma_start3A_185 : memref<20x128xf32, #tpu.memory_space<vmem>>) offsets(%dma_start3A_188 : memref<20xi32, #tpu.memory_space<vmem>>) semaphore(%arg18 : memref<!tpu.dma_semaphore, #tpu.memory_space<semaphore_mem>>)
      %dma_start3A_192 = arith.constant 3 : i32
      %dma_start3A_193 = arith.constant 0 : i32
      %dma_start3A_194 = arith.constant 3 : i32
      %dma_start3A_195 = arith.constant 0 : i32
      %dma_start3A_196 = arith.constant 0 : i32
      %dma_start3A_197 = tpu.memref_slice %arg14[%dma_start3A_193, %dma_start3A_194, %dma_start3A_195, %dma_start3A_196] : memref<2x4x20x128xi32, #tpu.memory_space<vmem>> -> memref<1x1x20x128xi32, #tpu.memory_space<vmem>>
      %dma_start3A_198 = tpu.memref_squeeze %dma_start3A_197 : memref<1x1x20x128xi32, #tpu.memory_space<vmem>> -> memref<20x128xi32, #tpu.memory_space<vmem>>
      %dma_start3A_199 = arith.constant 0 : i32
      %dma_start3A_200 = tpu.memref_slice %arg12[%dma_start3A_192, %dma_start3A_199] : memref<8x128xi32, #tpu.memory_space<vmem>> -> memref<1x20xi32, #tpu.memory_space<vmem>>
      %dma_start3A_201 = tpu.memref_squeeze %dma_start3A_200 : memref<1x20xi32, #tpu.memory_space<vmem>> -> memref<20xi32, #tpu.memory_space<vmem>>
      %dma_start3A_202 = arith.constant 0 : i32
      %dma_start3A_203 = arith.constant 0 : i32
      %dma_start3A_204 = tpu.memref_slice %arg4[%dma_start3A_202, %dma_start3A_203] : memref<10000x128xi32, #tpu.memory_space<hbm>> -> memref<10000x128xi32, #tpu.memory_space<hbm>>
      tpu.enqueue_indirect_dma source(%dma_start3A_204 : memref<10000x128xi32, #tpu.memory_space<hbm>>) target(%dma_start3A_198 : memref<20x128xi32, #tpu.memory_space<vmem>>) offsets(%dma_start3A_201 : memref<20xi32, #tpu.memory_space<vmem>>) semaphore(%arg18 : memref<!tpu.dma_semaphore, #tpu.memory_space<semaphore_mem>>)
      %dma_start3A_205 = arith.constant 3 : i32
      %dma_start3A_206 = arith.constant 0 : i32
      %dma_start3A_207 = arith.constant 3 : i32
      %dma_start3A_208 = arith.constant 0 : i32
      %dma_start3A_209 = arith.constant 0 : i32
      %dma_start3A_210 = tpu.memref_slice %arg15[%dma_start3A_206, %dma_start3A_207, %dma_start3A_208, %dma_start3A_209] : memref<2x4x20x128xf32, #tpu.memory_space<vmem>> -> memref<1x1x20x128xf32, #tpu.memory_space<vmem>>
      %dma_start3A_211 = tpu.memref_squeeze %dma_start3A_210 : memref<1x1x20x128xf32, #tpu.memory_space<vmem>> -> memref<20x128xf32, #tpu.memory_space<vmem>>
      %dma_start3A_212 = arith.constant 32 : i32
      %dma_start3A_213 = tpu.memref_slice %arg12[%dma_start3A_205, %dma_start3A_212] : memref<8x128xi32, #tpu.memory_space<vmem>> -> memref<1x20xi32, #tpu.memory_space<vmem>>
      %dma_start3A_214 = tpu.memref_squeeze %dma_start3A_213 : memref<1x20xi32, #tpu.memory_space<vmem>> -> memref<20xi32, #tpu.memory_space<vmem>>
      %dma_start3A_215 = arith.constant 0 : i32
      %dma_start3A_216 = arith.constant 0 : i32
      %dma_start3A_217 = tpu.memref_slice %arg6[%dma_start3A_215, %dma_start3A_216] : memref<320000x128xf32, #tpu.memory_space<hbm>> -> memref<320000x128xf32, #tpu.memory_space<hbm>>
      tpu.enqueue_indirect_dma source(%dma_start3A_217 : memref<320000x128xf32, #tpu.memory_space<hbm>>) target(%dma_start3A_211 : memref<20x128xf32, #tpu.memory_space<vmem>>) offsets(%dma_start3A_214 : memref<20xi32, #tpu.memory_space<vmem>>) semaphore(%arg18 : memref<!tpu.dma_semaphore, #tpu.memory_space<semaphore_mem>>)
      %dma_start3A_218 = arith.constant 4 : i32
      %dma_start3A_219 = arith.constant 1 : i32
      %dma_start3A_220 = arith.constant 0 : i32
      %dma_start3A_221 = arith.constant 0 : i32
      %dma_start3A_222 = arith.constant 0 : i32
      %dma_start3A_223 = tpu.memref_slice %arg14[%dma_start3A_219, %dma_start3A_220, %dma_start3A_221, %dma_start3A_222] : memref<2x4x20x128xi32, #tpu.memory_space<vmem>> -> memref<1x1x20x128xi32, #tpu.memory_space<vmem>>
      %dma_start3A_224 = tpu.memref_squeeze %dma_start3A_223 : memref<1x1x20x128xi32, #tpu.memory_space<vmem>> -> memref<20x128xi32, #tpu.memory_space<vmem>>
      %dma_start3A_225 = arith.constant 0 : i32
      %dma_start3A_226 = tpu.memref_slice %arg12[%dma_start3A_218, %dma_start3A_225] : memref<8x128xi32, #tpu.memory_space<vmem>> -> memref<1x20xi32, #tpu.memory_space<vmem>>
      %dma_start3A_227 = tpu.memref_squeeze %dma_start3A_226 : memref<1x20xi32, #tpu.memory_space<vmem>> -> memref<20xi32, #tpu.memory_space<vmem>>
      %dma_start3A_228 = arith.constant 0 : i32
      %dma_start3A_229 = arith.constant 0 : i32
      %dma_start3A_230 = tpu.memref_slice %arg4[%dma_start3A_228, %dma_start3A_229] : memref<10000x128xi32, #tpu.memory_space<hbm>> -> memref<10000x128xi32, #tpu.memory_space<hbm>>
      tpu.enqueue_indirect_dma source(%dma_start3A_230 : memref<10000x128xi32, #tpu.memory_space<hbm>>) target(%dma_start3A_224 : memref<20x128xi32, #tpu.memory_space<vmem>>) offsets(%dma_start3A_227 : memref<20xi32, #tpu.memory_space<vmem>>) semaphore(%arg19 : memref<!tpu.dma_semaphore, #tpu.memory_space<semaphore_mem>>)
      %dma_start3A_231 = arith.constant 4 : i32
      %dma_start3A_232 = arith.constant 1 : i32
      %dma_start3A_233 = arith.constant 0 : i32
      %dma_start3A_234 = arith.constant 0 : i32
      %dma_start3A_235 = arith.constant 0 : i32
      %dma_start3A_236 = tpu.memref_slice %arg15[%dma_start3A_232, %dma_start3A_233, %dma_start3A_234, %dma_start3A_235] : memref<2x4x20x128xf32, #tpu.memory_space<vmem>> -> memref<1x1x20x128xf32, #tpu.memory_space<vmem>>
      %dma_start3A_237 = tpu.memref_squeeze %dma_start3A_236 : memref<1x1x20x128xf32, #tpu.memory_space<vmem>> -> memref<20x128xf32, #tpu.memory_space<vmem>>
      %dma_start3A_238 = arith.constant 32 : i32
      %dma_start3A_239 = tpu.memref_slice %arg12[%dma_start3A_231, %dma_start3A_238] : memref<8x128xi32, #tpu.memory_space<vmem>> -> memref<1x20xi32, #tpu.memory_space<vmem>>
      %dma_start3A_240 = tpu.memref_squeeze %dma_start3A_239 : memref<1x20xi32, #tpu.memory_space<vmem>> -> memref<20xi32, #tpu.memory_space<vmem>>
      %dma_start3A_241 = arith.constant 0 : i32
      %dma_start3A_242 = arith.constant 0 : i32
      %dma_start3A_243 = tpu.memref_slice %arg6[%dma_start3A_241, %dma_start3A_242] : memref<320000x128xf32, #tpu.memory_space<hbm>> -> memref<320000x128xf32, #tpu.memory_space<hbm>>
      tpu.enqueue_indirect_dma source(%dma_start3A_243 : memref<320000x128xf32, #tpu.memory_space<hbm>>) target(%dma_start3A_237 : memref<20x128xf32, #tpu.memory_space<vmem>>) offsets(%dma_start3A_240 : memref<20xi32, #tpu.memory_space<vmem>>) semaphore(%arg19 : memref<!tpu.dma_semaphore, #tpu.memory_space<semaphore_mem>>)
      %dma_start3A_244 = arith.constant 5 : i32
      %dma_start3A_245 = arith.constant 1 : i32
      %dma_start3A_246 = arith.constant 1 : i32
      %dma_start3A_247 = arith.constant 0 : i32
      %dma_start3A_248 = arith.constant 0 : i32
      %dma_start3A_249 = tpu.memref_slice %arg14[%dma_start3A_245, %dma_start3A_246, %dma_start3A_247, %dma_start3A_248] : memref<2x4x20x128xi32, #tpu.memory_space<vmem>> -> memref<1x1x20x128xi32, #tpu.memory_space<vmem>>
      %dma_start3A_250 = tpu.memref_squeeze %dma_start3A_249 : memref<1x1x20x128xi32, #tpu.memory_space<vmem>> -> memref<20x128xi32, #tpu.memory_space<vmem>>
      %dma_start3A_251 = arith.constant 0 : i32
      %dma_start3A_252 = tpu.memref_slice %arg12[%dma_start3A_244, %dma_start3A_251] : memref<8x128xi32, #tpu.memory_space<vmem>> -> memref<1x20xi32, #tpu.memory_space<vmem>>
      %dma_start3A_253 = tpu.memref_squeeze %dma_start3A_252 : memref<1x20xi32, #tpu.memory_space<vmem>> -> memref<20xi32, #tpu.memory_space<vmem>>
      %dma_start3A_254 = arith.constant 0 : i32
      %dma_start3A_255 = arith.constant 0 : i32
      %dma_start3A_256 = tpu.memref_slice %arg4[%dma_start3A_254, %dma_start3A_255] : memref<10000x128xi32, #tpu.memory_space<hbm>> -> memref<10000x128xi32, #tpu.memory_space<hbm>>
      tpu.enqueue_indirect_dma source(%dma_start3A_256 : memref<10000x128xi32, #tpu.memory_space<hbm>>) target(%dma_start3A_250 : memref<20x128xi32, #tpu.memory_space<vmem>>) offsets(%dma_start3A_253 : memref<20xi32, #tpu.memory_space<vmem>>) semaphore(%arg19 : memref<!tpu.dma_semaphore, #tpu.memory_space<semaphore_mem>>)
      %dma_start3A_257 = arith.constant 5 : i32
      %dma_start3A_258 = arith.constant 1 : i32
      %dma_start3A_259 = arith.constant 1 : i32
      %dma_start3A_260 = arith.constant 0 : i32
      %dma_start3A_261 = arith.constant 0 : i32
      %dma_start3A_262 = tpu.memref_slice %arg15[%dma_start3A_258, %dma_start3A_259, %dma_start3A_260, %dma_start3A_261] : memref<2x4x20x128xf32, #tpu.memory_space<vmem>> -> memref<1x1x20x128xf32, #tpu.memory_space<vmem>>
      %dma_start3A_263 = tpu.memref_squeeze %dma_start3A_262 : memref<1x1x20x128xf32, #tpu.memory_space<vmem>> -> memref<20x128xf32, #tpu.memory_space<vmem>>
      %dma_start3A_264 = arith.constant 32 : i32
      %dma_start3A_265 = tpu.memref_slice %arg12[%dma_start3A_257, %dma_start3A_264] : memref<8x128xi32, #tpu.memory_space<vmem>> -> memref<1x20xi32, #tpu.memory_space<vmem>>
      %dma_start3A_266 = tpu.memref_squeeze %dma_start3A_265 : memref<1x20xi32, #tpu.memory_space<vmem>> -> memref<20xi32, #tpu.memory_space<vmem>>
      %dma_start3A_267 = arith.constant 0 : i32
      %dma_start3A_268 = arith.constant 0 : i32
      %dma_start3A_269 = tpu.memref_slice %arg6[%dma_start3A_267, %dma_start3A_268] : memref<320000x128xf32, #tpu.memory_space<hbm>> -> memref<320000x128xf32, #tpu.memory_space<hbm>>
      tpu.enqueue_indirect_dma source(%dma_start3A_269 : memref<320000x128xf32, #tpu.memory_space<hbm>>) target(%dma_start3A_263 : memref<20x128xf32, #tpu.memory_space<vmem>>) offsets(%dma_start3A_266 : memref<20xi32, #tpu.memory_space<vmem>>) semaphore(%arg19 : memref<!tpu.dma_semaphore, #tpu.memory_space<semaphore_mem>>)
      %dma_start3A_270 = arith.constant 6 : i32
      %dma_start3A_271 = arith.constant 1 : i32
      %dma_start3A_272 = arith.constant 2 : i32
      %dma_start3A_273 = arith.constant 0 : i32
      %dma_start3A_274 = arith.constant 0 : i32
      %dma_start3A_275 = tpu.memref_slice %arg14[%dma_start3A_271, %dma_start3A_272, %dma_start3A_273, %dma_start3A_274] : memref<2x4x20x128xi32, #tpu.memory_space<vmem>> -> memref<1x1x20x128xi32, #tpu.memory_space<vmem>>
      %dma_start3A_276 = tpu.memref_squeeze %dma_start3A_275 : memref<1x1x20x128xi32, #tpu.memory_space<vmem>> -> memref<20x128xi32, #tpu.memory_space<vmem>>
      %dma_start3A_277 = arith.constant 0 : i32
      %dma_start3A_278 = tpu.memref_slice %arg12[%dma_start3A_270, %dma_start3A_277] : memref<8x128xi32, #tpu.memory_space<vmem>> -> memref<1x20xi32, #tpu.memory_space<vmem>>
      %dma_start3A_279 = tpu.memref_squeeze %dma_start3A_278 : memref<1x20xi32, #tpu.memory_space<vmem>> -> memref<20xi32, #tpu.memory_space<vmem>>
      %dma_start3A_280 = arith.constant 0 : i32
      %dma_start3A_281 = arith.constant 0 : i32
      %dma_start3A_282 = tpu.memref_slice %arg4[%dma_start3A_280, %dma_start3A_281] : memref<10000x128xi32, #tpu.memory_space<hbm>> -> memref<10000x128xi32, #tpu.memory_space<hbm>>
      tpu.enqueue_indirect_dma source(%dma_start3A_282 : memref<10000x128xi32, #tpu.memory_space<hbm>>) target(%dma_start3A_276 : memref<20x128xi32, #tpu.memory_space<vmem>>) offsets(%dma_start3A_279 : memref<20xi32, #tpu.memory_space<vmem>>) semaphore(%arg19 : memref<!tpu.dma_semaphore, #tpu.memory_space<semaphore_mem>>)
      %dma_start3A_283 = arith.constant 6 : i32
      %dma_start3A_284 = arith.constant 1 : i32
      %dma_start3A_285 = arith.constant 2 : i32
      %dma_start3A_286 = arith.constant 0 : i32
      %dma_start3A_287 = arith.constant 0 : i32
      %dma_start3A_288 = tpu.memref_slice %arg15[%dma_start3A_284, %dma_start3A_285, %dma_start3A_286, %dma_start3A_287] : memref<2x4x20x128xf32, #tpu.memory_space<vmem>> -> memref<1x1x20x128xf32, #tpu.memory_space<vmem>>
      %dma_start3A_289 = tpu.memref_squeeze %dma_start3A_288 : memref<1x1x20x128xf32, #tpu.memory_space<vmem>> -> memref<20x128xf32, #tpu.memory_space<vmem>>
      %dma_start3A_290 = arith.constant 32 : i32
      %dma_start3A_291 = tpu.memref_slice %arg12[%dma_start3A_283, %dma_start3A_290] : memref<8x128xi32, #tpu.memory_space<vmem>> -> memref<1x20xi32, #tpu.memory_space<vmem>>
      %dma_start3A_292 = tpu.memref_squeeze %dma_start3A_291 : memref<1x20xi32, #tpu.memory_space<vmem>> -> memref<20xi32, #tpu.memory_space<vmem>>
      %dma_start3A_293 = arith.constant 0 : i32
      %dma_start3A_294 = arith.constant 0 : i32
      %dma_start3A_295 = tpu.memref_slice %arg6[%dma_start3A_293, %dma_start3A_294] : memref<320000x128xf32, #tpu.memory_space<hbm>> -> memref<320000x128xf32, #tpu.memory_space<hbm>>
      tpu.enqueue_indirect_dma source(%dma_start3A_295 : memref<320000x128xf32, #tpu.memory_space<hbm>>) target(%dma_start3A_289 : memref<20x128xf32, #tpu.memory_space<vmem>>) offsets(%dma_start3A_292 : memref<20xi32, #tpu.memory_space<vmem>>) semaphore(%arg19 : memref<!tpu.dma_semaphore, #tpu.memory_space<semaphore_mem>>)
      %dma_start3A_296 = arith.constant 7 : i32
      %dma_start3A_297 = arith.constant 1 : i32
      %dma_start3A_298 = arith.constant 3 : i32
      %dma_start3A_299 = arith.constant 0 : i32
      %dma_start3A_300 = arith.constant 0 : i32
      %dma_start3A_301 = tpu.memref_slice %arg14[%dma_start3A_297, %dma_start3A_298, %dma_start3A_299, %dma_start3A_300] : memref<2x4x20x128xi32, #tpu.memory_space<vmem>> -> memref<1x1x20x128xi32, #tpu.memory_space<vmem>>
      %dma_start3A_302 = tpu.memref_squeeze %dma_start3A_301 : memref<1x1x20x128xi32, #tpu.memory_space<vmem>> -> memref<20x128xi32, #tpu.memory_space<vmem>>
      %dma_start3A_303 = arith.constant 0 : i32
      %dma_start3A_304 = tpu.memref_slice %arg12[%dma_start3A_296, %dma_start3A_303] : memref<8x128xi32, #tpu.memory_space<vmem>> -> memref<1x20xi32, #tpu.memory_space<vmem>>
      %dma_start3A_305 = tpu.memref_squeeze %dma_start3A_304 : memref<1x20xi32, #tpu.memory_space<vmem>> -> memref<20xi32, #tpu.memory_space<vmem>>
      %dma_start3A_306 = arith.constant 0 : i32
      %dma_start3A_307 = arith.constant 0 : i32
      %dma_start3A_308 = tpu.memref_slice %arg4[%dma_start3A_306, %dma_start3A_307] : memref<10000x128xi32, #tpu.memory_space<hbm>> -> memref<10000x128xi32, #tpu.memory_space<hbm>>
      tpu.enqueue_indirect_dma source(%dma_start3A_308 : memref<10000x128xi32, #tpu.memory_space<hbm>>) target(%dma_start3A_302 : memref<20x128xi32, #tpu.memory_space<vmem>>) offsets(%dma_start3A_305 : memref<20xi32, #tpu.memory_space<vmem>>) semaphore(%arg19 : memref<!tpu.dma_semaphore, #tpu.memory_space<semaphore_mem>>)
      %dma_start3A_309 = arith.constant 7 : i32
      %dma_start3A_310 = arith.constant 1 : i32
      %dma_start3A_311 = arith.constant 3 : i32
      %dma_start3A_312 = arith.constant 0 : i32
      %dma_start3A_313 = arith.constant 0 : i32
      %dma_start3A_314 = tpu.memref_slice %arg15[%dma_start3A_310, %dma_start3A_311, %dma_start3A_312, %dma_start3A_313] : memref<2x4x20x128xf32, #tpu.memory_space<vmem>> -> memref<1x1x20x128xf32, #tpu.memory_space<vmem>>
      %dma_start3A_315 = tpu.memref_squeeze %dma_start3A_314 : memref<1x1x20x128xf32, #tpu.memory_space<vmem>> -> memref<20x128xf32, #tpu.memory_space<vmem>>
      %dma_start3A_316 = arith.constant 32 : i32
      %dma_start3A_317 = tpu.memref_slice %arg12[%dma_start3A_309, %dma_start3A_316] : memref<8x128xi32, #tpu.memory_space<vmem>> -> memref<1x20xi32, #tpu.memory_space<vmem>>
      %dma_start3A_318 = tpu.memref_squeeze %dma_start3A_317 : memref<1x20xi32, #tpu.memory_space<vmem>> -> memref<20xi32, #tpu.memory_space<vmem>>
      %dma_start3A_319 = arith.constant 0 : i32
      %dma_start3A_320 = arith.constant 0 : i32
      %dma_start3A_321 = tpu.memref_slice %arg6[%dma_start3A_319, %dma_start3A_320] : memref<320000x128xf32, #tpu.memory_space<hbm>> -> memref<320000x128xf32, #tpu.memory_space<hbm>>
      tpu.enqueue_indirect_dma source(%dma_start3A_321 : memref<320000x128xf32, #tpu.memory_space<hbm>>) target(%dma_start3A_315 : memref<20x128xf32, #tpu.memory_space<vmem>>) offsets(%dma_start3A_318 : memref<20xi32, #tpu.memory_space<vmem>>) semaphore(%arg19 : memref<!tpu.dma_semaphore, #tpu.memory_space<semaphore_mem>>)
      %dma_wait3A_322 = arith.constant 0 : i32
      %dma_wait3A_323 = arith.constant 0 : i32
      %dma_wait3A_324 = arith.constant 0 : i32
      %dma_wait3A_325 = arith.constant 0 : i32
      %dma_wait3A_326 = arith.constant 0 : i32
      %dma_wait3A_327 = tpu.memref_slice %arg14[%dma_wait3A_323, %dma_wait3A_324, %dma_wait3A_325, %dma_wait3A_326] : memref<2x4x20x128xi32, #tpu.memory_space<vmem>> -> memref<1x1x20x128xi32, #tpu.memory_space<vmem>>
      %dma_wait3A_328 = tpu.memref_squeeze %dma_wait3A_327 : memref<1x1x20x128xi32, #tpu.memory_space<vmem>> -> memref<20x128xi32, #tpu.memory_space<vmem>>
      %dma_wait3A_329 = arith.constant 0 : i32
      %dma_wait3A_330 = tpu.memref_slice %arg12[%dma_wait3A_322, %dma_wait3A_329] : memref<8x128xi32, #tpu.memory_space<vmem>> -> memref<1x20xi32, #tpu.memory_space<vmem>>
      %dma_wait3A_331 = tpu.memref_squeeze %dma_wait3A_330 : memref<1x20xi32, #tpu.memory_space<vmem>> -> memref<20xi32, #tpu.memory_space<vmem>>
      %dma_wait3A_332 = arith.constant 0 : i32
      %dma_wait3A_333 = arith.constant 0 : i32
      %dma_wait3A_334 = tpu.memref_slice %arg4[%dma_wait3A_332, %dma_wait3A_333] : memref<10000x128xi32, #tpu.memory_space<hbm>> -> memref<10000x128xi32, #tpu.memory_space<hbm>>
      tpu.wait_indirect_dma semaphore(%arg18 : memref<!tpu.dma_semaphore, #tpu.memory_space<semaphore_mem>>) src(%dma_wait3A_334 : memref<10000x128xi32, #tpu.memory_space<hbm>>) dst(%dma_wait3A_328 : memref<20x128xi32, #tpu.memory_space<vmem>>)
      %dma_wait3A_335 = arith.constant 0 : i32
      %dma_wait3A_336 = arith.constant 0 : i32
      %dma_wait3A_337 = arith.constant 0 : i32
      %dma_wait3A_338 = arith.constant 0 : i32
      %dma_wait3A_339 = arith.constant 0 : i32
      %dma_wait3A_340 = tpu.memref_slice %arg15[%dma_wait3A_336, %dma_wait3A_337, %dma_wait3A_338, %dma_wait3A_339] : memref<2x4x20x128xf32, #tpu.memory_space<vmem>> -> memref<1x1x20x128xf32, #tpu.memory_space<vmem>>
      %dma_wait3A_341 = tpu.memref_squeeze %dma_wait3A_340 : memref<1x1x20x128xf32, #tpu.memory_space<vmem>> -> memref<20x128xf32, #tpu.memory_space<vmem>>
      %dma_wait3A_342 = arith.constant 32 : i32
      %dma_wait3A_343 = tpu.memref_slice %arg12[%dma_wait3A_335, %dma_wait3A_342] : memref<8x128xi32, #tpu.memory_space<vmem>> -> memref<1x20xi32, #tpu.memory_space<vmem>>
      %dma_wait3A_344 = tpu.memref_squeeze %dma_wait3A_343 : memref<1x20xi32, #tpu.memory_space<vmem>> -> memref<20xi32, #tpu.memory_space<vmem>>
      %dma_wait3A_345 = arith.constant 0 : i32
      %dma_wait3A_346 = arith.constant 0 : i32
      %dma_wait3A_347 = tpu.memref_slice %arg6[%dma_wait3A_345, %dma_wait3A_346] : memref<320000x128xf32, #tpu.memory_space<hbm>> -> memref<320000x128xf32, #tpu.memory_space<hbm>>
      tpu.wait_indirect_dma semaphore(%arg18 : memref<!tpu.dma_semaphore, #tpu.memory_space<semaphore_mem>>) src(%dma_wait3A_347 : memref<320000x128xf32, #tpu.memory_space<hbm>>) dst(%dma_wait3A_341 : memref<20x128xf32, #tpu.memory_space<vmem>>)
      %dma_wait3A_348 = arith.constant 1 : i32
      %dma_wait3A_349 = arith.constant 0 : i32
      %dma_wait3A_350 = arith.constant 1 : i32
      %dma_wait3A_351 = arith.constant 0 : i32
      %dma_wait3A_352 = arith.constant 0 : i32
      %dma_wait3A_353 = tpu.memref_slice %arg14[%dma_wait3A_349, %dma_wait3A_350, %dma_wait3A_351, %dma_wait3A_352] : memref<2x4x20x128xi32, #tpu.memory_space<vmem>> -> memref<1x1x20x128xi32, #tpu.memory_space<vmem>>
      %dma_wait3A_354 = tpu.memref_squeeze %dma_wait3A_353 : memref<1x1x20x128xi32, #tpu.memory_space<vmem>> -> memref<20x128xi32, #tpu.memory_space<vmem>>
      %dma_wait3A_355 = arith.constant 0 : i32
      %dma_wait3A_356 = tpu.memref_slice %arg12[%dma_wait3A_348, %dma_wait3A_355] : memref<8x128xi32, #tpu.memory_space<vmem>> -> memref<1x20xi32, #tpu.memory_space<vmem>>
      %dma_wait3A_357 = tpu.memref_squeeze %dma_wait3A_356 : memref<1x20xi32, #tpu.memory_space<vmem>> -> memref<20xi32, #tpu.memory_space<vmem>>
      %dma_wait3A_358 = arith.constant 0 : i32
      %dma_wait3A_359 = arith.constant 0 : i32
      %dma_wait3A_360 = tpu.memref_slice %arg4[%dma_wait3A_358, %dma_wait3A_359] : memref<10000x128xi32, #tpu.memory_space<hbm>> -> memref<10000x128xi32, #tpu.memory_space<hbm>>
      tpu.wait_indirect_dma semaphore(%arg18 : memref<!tpu.dma_semaphore, #tpu.memory_space<semaphore_mem>>) src(%dma_wait3A_360 : memref<10000x128xi32, #tpu.memory_space<hbm>>) dst(%dma_wait3A_354 : memref<20x128xi32, #tpu.memory_space<vmem>>)
      %dma_wait3A_361 = arith.constant 1 : i32
      %dma_wait3A_362 = arith.constant 0 : i32
      %dma_wait3A_363 = arith.constant 1 : i32
      %dma_wait3A_364 = arith.constant 0 : i32
      %dma_wait3A_365 = arith.constant 0 : i32
      %dma_wait3A_366 = tpu.memref_slice %arg15[%dma_wait3A_362, %dma_wait3A_363, %dma_wait3A_364, %dma_wait3A_365] : memref<2x4x20x128xf32, #tpu.memory_space<vmem>> -> memref<1x1x20x128xf32, #tpu.memory_space<vmem>>
      %dma_wait3A_367 = tpu.memref_squeeze %dma_wait3A_366 : memref<1x1x20x128xf32, #tpu.memory_space<vmem>> -> memref<20x128xf32, #tpu.memory_space<vmem>>
      %dma_wait3A_368 = arith.constant 32 : i32
      %dma_wait3A_369 = tpu.memref_slice %arg12[%dma_wait3A_361, %dma_wait3A_368] : memref<8x128xi32, #tpu.memory_space<vmem>> -> memref<1x20xi32, #tpu.memory_space<vmem>>
      %dma_wait3A_370 = tpu.memref_squeeze %dma_wait3A_369 : memref<1x20xi32, #tpu.memory_space<vmem>> -> memref<20xi32, #tpu.memory_space<vmem>>
      %dma_wait3A_371 = arith.constant 0 : i32
      %dma_wait3A_372 = arith.constant 0 : i32
      %dma_wait3A_373 = tpu.memref_slice %arg6[%dma_wait3A_371, %dma_wait3A_372] : memref<320000x128xf32, #tpu.memory_space<hbm>> -> memref<320000x128xf32, #tpu.memory_space<hbm>>
      tpu.wait_indirect_dma semaphore(%arg18 : memref<!tpu.dma_semaphore, #tpu.memory_space<semaphore_mem>>) src(%dma_wait3A_373 : memref<320000x128xf32, #tpu.memory_space<hbm>>) dst(%dma_wait3A_367 : memref<20x128xf32, #tpu.memory_space<vmem>>)
      %dma_wait3A_374 = arith.constant 2 : i32
      %dma_wait3A_375 = arith.constant 0 : i32
      %dma_wait3A_376 = arith.constant 2 : i32
      %dma_wait3A_377 = arith.constant 0 : i32
      %dma_wait3A_378 = arith.constant 0 : i32
      %dma_wait3A_379 = tpu.memref_slice %arg14[%dma_wait3A_375, %dma_wait3A_376, %dma_wait3A_377, %dma_wait3A_378] : memref<2x4x20x128xi32, #tpu.memory_space<vmem>> -> memref<1x1x20x128xi32, #tpu.memory_space<vmem>>
      %dma_wait3A_380 = tpu.memref_squeeze %dma_wait3A_379 : memref<1x1x20x128xi32, #tpu.memory_space<vmem>> -> memref<20x128xi32, #tpu.memory_space<vmem>>
      %dma_wait3A_381 = arith.constant 0 : i32
      %dma_wait3A_382 = tpu.memref_slice %arg12[%dma_wait3A_374, %dma_wait3A_381] : memref<8x128xi32, #tpu.memory_space<vmem>> -> memref<1x20xi32, #tpu.memory_space<vmem>>
      %dma_wait3A_383 = tpu.memref_squeeze %dma_wait3A_382 : memref<1x20xi32, #tpu.memory_space<vmem>> -> memref<20xi32, #tpu.memory_space<vmem>>
      %dma_wait3A_384 = arith.constant 0 : i32
      %dma_wait3A_385 = arith.constant 0 : i32
      %dma_wait3A_386 = tpu.memref_slice %arg4[%dma_wait3A_384, %dma_wait3A_385] : memref<10000x128xi32, #tpu.memory_space<hbm>> -> memref<10000x128xi32, #tpu.memory_space<hbm>>
      tpu.wait_indirect_dma semaphore(%arg18 : memref<!tpu.dma_semaphore, #tpu.memory_space<semaphore_mem>>) src(%dma_wait3A_386 : memref<10000x128xi32, #tpu.memory_space<hbm>>) dst(%dma_wait3A_380 : memref<20x128xi32, #tpu.memory_space<vmem>>)
      %dma_wait3A_387 = arith.constant 2 : i32
      %dma_wait3A_388 = arith.constant 0 : i32
      %dma_wait3A_389 = arith.constant 2 : i32
      %dma_wait3A_390 = arith.constant 0 : i32
      %dma_wait3A_391 = arith.constant 0 : i32
      %dma_wait3A_392 = tpu.memref_slice %arg15[%dma_wait3A_388, %dma_wait3A_389, %dma_wait3A_390, %dma_wait3A_391] : memref<2x4x20x128xf32, #tpu.memory_space<vmem>> -> memref<1x1x20x128xf32, #tpu.memory_space<vmem>>
      %dma_wait3A_393 = tpu.memref_squeeze %dma_wait3A_392 : memref<1x1x20x128xf32, #tpu.memory_space<vmem>> -> memref<20x128xf32, #tpu.memory_space<vmem>>
      %dma_wait3A_394 = arith.constant 32 : i32
      %dma_wait3A_395 = tpu.memref_slice %arg12[%dma_wait3A_387, %dma_wait3A_394] : memref<8x128xi32, #tpu.memory_space<vmem>> -> memref<1x20xi32, #tpu.memory_space<vmem>>
      %dma_wait3A_396 = tpu.memref_squeeze %dma_wait3A_395 : memref<1x20xi32, #tpu.memory_space<vmem>> -> memref<20xi32, #tpu.memory_space<vmem>>
      %dma_wait3A_397 = arith.constant 0 : i32
      %dma_wait3A_398 = arith.constant 0 : i32
      %dma_wait3A_399 = tpu.memref_slice %arg6[%dma_wait3A_397, %dma_wait3A_398] : memref<320000x128xf32, #tpu.memory_space<hbm>> -> memref<320000x128xf32, #tpu.memory_space<hbm>>
      tpu.wait_indirect_dma semaphore(%arg18 : memref<!tpu.dma_semaphore, #tpu.memory_space<semaphore_mem>>) src(%dma_wait3A_399 : memref<320000x128xf32, #tpu.memory_space<hbm>>) dst(%dma_wait3A_393 : memref<20x128xf32, #tpu.memory_space<vmem>>)
      %dma_wait3A_400 = arith.constant 3 : i32
      %dma_wait3A_401 = arith.constant 0 : i32
      %dma_wait3A_402 = arith.constant 3 : i32
      %dma_wait3A_403 = arith.constant 0 : i32
      %dma_wait3A_404 = arith.constant 0 : i32
      %dma_wait3A_405 = tpu.memref_slice %arg14[%dma_wait3A_401, %dma_wait3A_402, %dma_wait3A_403, %dma_wait3A_404] : memref<2x4x20x128xi32, #tpu.memory_space<vmem>> -> memref<1x1x20x128xi32, #tpu.memory_space<vmem>>
      %dma_wait3A_406 = tpu.memref_squeeze %dma_wait3A_405 : memref<1x1x20x128xi32, #tpu.memory_space<vmem>> -> memref<20x128xi32, #tpu.memory_space<vmem>>
      %dma_wait3A_407 = arith.constant 0 : i32
      %dma_wait3A_408 = tpu.memref_slice %arg12[%dma_wait3A_400, %dma_wait3A_407] : memref<8x128xi32, #tpu.memory_space<vmem>> -> memref<1x20xi32, #tpu.memory_space<vmem>>
      %dma_wait3A_409 = tpu.memref_squeeze %dma_wait3A_408 : memref<1x20xi32, #tpu.memory_space<vmem>> -> memref<20xi32, #tpu.memory_space<vmem>>
      %dma_wait3A_410 = arith.constant 0 : i32
      %dma_wait3A_411 = arith.constant 0 : i32
      %dma_wait3A_412 = tpu.memref_slice %arg4[%dma_wait3A_410, %dma_wait3A_411] : memref<10000x128xi32, #tpu.memory_space<hbm>> -> memref<10000x128xi32, #tpu.memory_space<hbm>>
      tpu.wait_indirect_dma semaphore(%arg18 : memref<!tpu.dma_semaphore, #tpu.memory_space<semaphore_mem>>) src(%dma_wait3A_412 : memref<10000x128xi32, #tpu.memory_space<hbm>>) dst(%dma_wait3A_406 : memref<20x128xi32, #tpu.memory_space<vmem>>)
      %dma_wait3A_413 = arith.constant 3 : i32
      %dma_wait3A_414 = arith.constant 0 : i32
      %dma_wait3A_415 = arith.constant 3 : i32
      %dma_wait3A_416 = arith.constant 0 : i32
      %dma_wait3A_417 = arith.constant 0 : i32
      %dma_wait3A_418 = tpu.memref_slice %arg15[%dma_wait3A_414, %dma_wait3A_415, %dma_wait3A_416, %dma_wait3A_417] : memref<2x4x20x128xf32, #tpu.memory_space<vmem>> -> memref<1x1x20x128xf32, #tpu.memory_space<vmem>>
      %dma_wait3A_419 = tpu.memref_squeeze %dma_wait3A_418 : memref<1x1x20x128xf32, #tpu.memory_space<vmem>> -> memref<20x128xf32, #tpu.memory_space<vmem>>
      %dma_wait3A_420 = arith.constant 32 : i32
      %dma_wait3A_421 = tpu.memref_slice %arg12[%dma_wait3A_413, %dma_wait3A_420] : memref<8x128xi32, #tpu.memory_space<vmem>> -> memref<1x20xi32, #tpu.memory_space<vmem>>
      %dma_wait3A_422 = tpu.memref_squeeze %dma_wait3A_421 : memref<1x20xi32, #tpu.memory_space<vmem>> -> memref<20xi32, #tpu.memory_space<vmem>>
      %dma_wait3A_423 = arith.constant 0 : i32
      %dma_wait3A_424 = arith.constant 0 : i32
      %dma_wait3A_425 = tpu.memref_slice %arg6[%dma_wait3A_423, %dma_wait3A_424] : memref<320000x128xf32, #tpu.memory_space<hbm>> -> memref<320000x128xf32, #tpu.memory_space<hbm>>
      tpu.wait_indirect_dma semaphore(%arg18 : memref<!tpu.dma_semaphore, #tpu.memory_space<semaphore_mem>>) src(%dma_wait3A_425 : memref<320000x128xf32, #tpu.memory_space<hbm>>) dst(%dma_wait3A_419 : memref<20x128xf32, #tpu.memory_space<vmem>>)
      %add3A_426 = arith.constant 0 : i32
      %add3A_427 = arith.addi %add3A_100, %add3A_426 : i32
      %add3A_428 = arith.constant 0 : i32
      %add3A_429 = arith.addi %add3A_100, %add3A_428 : i32
      %dma_start3A_430 = arith.constant 0 : i32
      %dma_start3A_431 = arith.constant 0 : i32
      %dma_start3A_432 = arith.constant 0 : i32
      %dma_start3A_433 = arith.constant 0 : i32
      %dma_start3A_434 = tpu.memref_slice %arg14[%dma_start3A_430, %dma_start3A_431, %dma_start3A_432, %dma_start3A_433] : memref<2x4x20x128xi32, #tpu.memory_space<vmem>> -> memref<1x4x20x128xi32, #tpu.memory_space<vmem>>
      %dma_start3A_435 = tpu.memref_squeeze %dma_start3A_434 : memref<1x4x20x128xi32, #tpu.memory_space<vmem>> -> memref<4x20x128xi32, #tpu.memory_space<vmem>>
      %dma_start3A_436 = arith.constant 0 : i32
      %dma_start3A_437 = arith.constant 0 : i32
      %dma_start3A_438 = tpu.memref_slice %arg7[%add3A_427, %dma_start3A_436, %dma_start3A_437] : memref<8192x20x128xi32, #tpu.memory_space<hbm>> -> memref<4x20x128xi32, #tpu.memory_space<hbm>>
      %dma_start3A_439 = arith.constant 0 : i32
      %dma_start3A_440 = arith.constant 0 : i32
      %dma_start3A_441 = tpu.memref_slice %arg7[%add3A_427, %dma_start3A_439, %dma_start3A_440] : memref<8192x20x128xi32, #tpu.memory_space<hbm>> -> memref<4x20x128xi32, #tpu.memory_space<hbm>>
      %dma_start3A_442 = arith.constant 0 : i32
      %dma_start3A_443 = arith.constant 0 : i32
      %dma_start3A_444 = arith.constant 0 : i32
      %dma_start3A_445 = tpu.memref_slice %arg14[%dma_start3A_430, %dma_start3A_442, %dma_start3A_443, %dma_start3A_444] : memref<2x4x20x128xi32, #tpu.memory_space<vmem>> -> memref<1x4x20x128xi32, #tpu.memory_space<vmem>>
      %dma_start3A_446 = tpu.memref_squeeze %dma_start3A_445 : memref<1x4x20x128xi32, #tpu.memory_space<vmem>> -> memref<4x20x128xi32, #tpu.memory_space<vmem>>
      tpu.enqueue_dma source(%dma_start3A_446 : memref<4x20x128xi32, #tpu.memory_space<vmem>>) target(%dma_start3A_441 : memref<4x20x128xi32, #tpu.memory_space<hbm>>) target_semaphore(%arg20 : memref<!tpu.dma_semaphore, #tpu.memory_space<semaphore_mem>>)
      %dma_start3A_447 = arith.constant 0 : i32
      %dma_start3A_448 = arith.constant 0 : i32
      %dma_start3A_449 = arith.constant 0 : i32
      %dma_start3A_450 = arith.constant 0 : i32
      %dma_start3A_451 = tpu.memref_slice %arg15[%dma_start3A_447, %dma_start3A_448, %dma_start3A_449, %dma_start3A_450] : memref<2x4x20x128xf32, #tpu.memory_space<vmem>> -> memref<1x4x20x128xf32, #tpu.memory_space<vmem>>
      %dma_start3A_452 = tpu.memref_squeeze %dma_start3A_451 : memref<1x4x20x128xf32, #tpu.memory_space<vmem>> -> memref<4x20x128xf32, #tpu.memory_space<vmem>>
      %dma_start3A_453 = arith.constant 0 : i32
      %dma_start3A_454 = arith.constant 0 : i32
      %dma_start3A_455 = tpu.memref_slice %arg8[%add3A_429, %dma_start3A_453, %dma_start3A_454] : memref<8192x20x128xf32, #tpu.memory_space<hbm>> -> memref<4x20x128xf32, #tpu.memory_space<hbm>>
      %dma_start3A_456 = arith.constant 0 : i32
      %dma_start3A_457 = arith.constant 0 : i32
      %dma_start3A_458 = tpu.memref_slice %arg8[%add3A_429, %dma_start3A_456, %dma_start3A_457] : memref<8192x20x128xf32, #tpu.memory_space<hbm>> -> memref<4x20x128xf32, #tpu.memory_space<hbm>>
      %dma_start3A_459 = arith.constant 0 : i32
      %dma_start3A_460 = arith.constant 0 : i32
      %dma_start3A_461 = arith.constant 0 : i32
      %dma_start3A_462 = tpu.memref_slice %arg15[%dma_start3A_447, %dma_start3A_459, %dma_start3A_460, %dma_start3A_461] : memref<2x4x20x128xf32, #tpu.memory_space<vmem>> -> memref<1x4x20x128xf32, #tpu.memory_space<vmem>>
      %dma_start3A_463 = tpu.memref_squeeze %dma_start3A_462 : memref<1x4x20x128xf32, #tpu.memory_space<vmem>> -> memref<4x20x128xf32, #tpu.memory_space<vmem>>
      tpu.enqueue_dma source(%dma_start3A_463 : memref<4x20x128xf32, #tpu.memory_space<vmem>>) target(%dma_start3A_458 : memref<4x20x128xf32, #tpu.memory_space<hbm>>) target_semaphore(%arg20 : memref<!tpu.dma_semaphore, #tpu.memory_space<semaphore_mem>>)
      %dma_wait3A_464 = arith.constant 4 : i32
      %dma_wait3A_465 = arith.constant 1 : i32
      %dma_wait3A_466 = arith.constant 0 : i32
      %dma_wait3A_467 = arith.constant 0 : i32
      %dma_wait3A_468 = arith.constant 0 : i32
      %dma_wait3A_469 = tpu.memref_slice %arg14[%dma_wait3A_465, %dma_wait3A_466, %dma_wait3A_467, %dma_wait3A_468] : memref<2x4x20x128xi32, #tpu.memory_space<vmem>> -> memref<1x1x20x128xi32, #tpu.memory_space<vmem>>
      %dma_wait3A_470 = tpu.memref_squeeze %dma_wait3A_469 : memref<1x1x20x128xi32, #tpu.memory_space<vmem>> -> memref<20x128xi32, #tpu.memory_space<vmem>>
      %dma_wait3A_471 = arith.constant 0 : i32
      %dma_wait3A_472 = tpu.memref_slice %arg12[%dma_wait3A_464, %dma_wait3A_471] : memref<8x128xi32, #tpu.memory_space<vmem>> -> memref<1x20xi32, #tpu.memory_space<vmem>>
      %dma_wait3A_473 = tpu.memref_squeeze %dma_wait3A_472 : memref<1x20xi32, #tpu.memory_space<vmem>> -> memref<20xi32, #tpu.memory_space<vmem>>
      %dma_wait3A_474 = arith.constant 0 : i32
      %dma_wait3A_475 = arith.constant 0 : i32
      %dma_wait3A_476 = tpu.memref_slice %arg4[%dma_wait3A_474, %dma_wait3A_475] : memref<10000x128xi32, #tpu.memory_space<hbm>> -> memref<10000x128xi32, #tpu.memory_space<hbm>>
      tpu.wait_indirect_dma semaphore(%arg19 : memref<!tpu.dma_semaphore, #tpu.memory_space<semaphore_mem>>) src(%dma_wait3A_476 : memref<10000x128xi32, #tpu.memory_space<hbm>>) dst(%dma_wait3A_470 : memref<20x128xi32, #tpu.memory_space<vmem>>)
      %dma_wait3A_477 = arith.constant 4 : i32
      %dma_wait3A_478 = arith.constant 1 : i32
      %dma_wait3A_479 = arith.constant 0 : i32
      %dma_wait3A_480 = arith.constant 0 : i32
      %dma_wait3A_481 = arith.constant 0 : i32
      %dma_wait3A_482 = tpu.memref_slice %arg15[%dma_wait3A_478, %dma_wait3A_479, %dma_wait3A_480, %dma_wait3A_481] : memref<2x4x20x128xf32, #tpu.memory_space<vmem>> -> memref<1x1x20x128xf32, #tpu.memory_space<vmem>>
      %dma_wait3A_483 = tpu.memref_squeeze %dma_wait3A_482 : memref<1x1x20x128xf32, #tpu.memory_space<vmem>> -> memref<20x128xf32, #tpu.memory_space<vmem>>
      %dma_wait3A_484 = arith.constant 32 : i32
      %dma_wait3A_485 = tpu.memref_slice %arg12[%dma_wait3A_477, %dma_wait3A_484] : memref<8x128xi32, #tpu.memory_space<vmem>> -> memref<1x20xi32, #tpu.memory_space<vmem>>
      %dma_wait3A_486 = tpu.memref_squeeze %dma_wait3A_485 : memref<1x20xi32, #tpu.memory_space<vmem>> -> memref<20xi32, #tpu.memory_space<vmem>>
      %dma_wait3A_487 = arith.constant 0 : i32
      %dma_wait3A_488 = arith.constant 0 : i32
      %dma_wait3A_489 = tpu.memref_slice %arg6[%dma_wait3A_487, %dma_wait3A_488] : memref<320000x128xf32, #tpu.memory_space<hbm>> -> memref<320000x128xf32, #tpu.memory_space<hbm>>
      tpu.wait_indirect_dma semaphore(%arg19 : memref<!tpu.dma_semaphore, #tpu.memory_space<semaphore_mem>>) src(%dma_wait3A_489 : memref<320000x128xf32, #tpu.memory_space<hbm>>) dst(%dma_wait3A_483 : memref<20x128xf32, #tpu.memory_space<vmem>>)
      %dma_wait3A_490 = arith.constant 5 : i32
      %dma_wait3A_491 = arith.constant 1 : i32
      %dma_wait3A_492 = arith.constant 1 : i32
      %dma_wait3A_493 = arith.constant 0 : i32
      %dma_wait3A_494 = arith.constant 0 : i32
      %dma_wait3A_495 = tpu.memref_slice %arg14[%dma_wait3A_491, %dma_wait3A_492, %dma_wait3A_493, %dma_wait3A_494] : memref<2x4x20x128xi32, #tpu.memory_space<vmem>> -> memref<1x1x20x128xi32, #tpu.memory_space<vmem>>
      %dma_wait3A_496 = tpu.memref_squeeze %dma_wait3A_495 : memref<1x1x20x128xi32, #tpu.memory_space<vmem>> -> memref<20x128xi32, #tpu.memory_space<vmem>>
      %dma_wait3A_497 = arith.constant 0 : i32
      %dma_wait3A_498 = tpu.memref_slice %arg12[%dma_wait3A_490, %dma_wait3A_497] : memref<8x128xi32, #tpu.memory_space<vmem>> -> memref<1x20xi32, #tpu.memory_space<vmem>>
      %dma_wait3A_499 = tpu.memref_squeeze %dma_wait3A_498 : memref<1x20xi32, #tpu.memory_space<vmem>> -> memref<20xi32, #tpu.memory_space<vmem>>
      %dma_wait3A_500 = arith.constant 0 : i32
      %dma_wait3A_501 = arith.constant 0 : i32
      %dma_wait3A_502 = tpu.memref_slice %arg4[%dma_wait3A_500, %dma_wait3A_501] : memref<10000x128xi32, #tpu.memory_space<hbm>> -> memref<10000x128xi32, #tpu.memory_space<hbm>>
      tpu.wait_indirect_dma semaphore(%arg19 : memref<!tpu.dma_semaphore, #tpu.memory_space<semaphore_mem>>) src(%dma_wait3A_502 : memref<10000x128xi32, #tpu.memory_space<hbm>>) dst(%dma_wait3A_496 : memref<20x128xi32, #tpu.memory_space<vmem>>)
      %dma_wait3A_503 = arith.constant 5 : i32
      %dma_wait3A_504 = arith.constant 1 : i32
      %dma_wait3A_505 = arith.constant 1 : i32
      %dma_wait3A_506 = arith.constant 0 : i32
      %dma_wait3A_507 = arith.constant 0 : i32
      %dma_wait3A_508 = tpu.memref_slice %arg15[%dma_wait3A_504, %dma_wait3A_505, %dma_wait3A_506, %dma_wait3A_507] : memref<2x4x20x128xf32, #tpu.memory_space<vmem>> -> memref<1x1x20x128xf32, #tpu.memory_space<vmem>>
      %dma_wait3A_509 = tpu.memref_squeeze %dma_wait3A_508 : memref<1x1x20x128xf32, #tpu.memory_space<vmem>> -> memref<20x128xf32, #tpu.memory_space<vmem>>
      %dma_wait3A_510 = arith.constant 32 : i32
      %dma_wait3A_511 = tpu.memref_slice %arg12[%dma_wait3A_503, %dma_wait3A_510] : memref<8x128xi32, #tpu.memory_space<vmem>> -> memref<1x20xi32, #tpu.memory_space<vmem>>
      %dma_wait3A_512 = tpu.memref_squeeze %dma_wait3A_511 : memref<1x20xi32, #tpu.memory_space<vmem>> -> memref<20xi32, #tpu.memory_space<vmem>>
      %dma_wait3A_513 = arith.constant 0 : i32
      %dma_wait3A_514 = arith.constant 0 : i32
      %dma_wait3A_515 = tpu.memref_slice %arg6[%dma_wait3A_513, %dma_wait3A_514] : memref<320000x128xf32, #tpu.memory_space<hbm>> -> memref<320000x128xf32, #tpu.memory_space<hbm>>
      tpu.wait_indirect_dma semaphore(%arg19 : memref<!tpu.dma_semaphore, #tpu.memory_space<semaphore_mem>>) src(%dma_wait3A_515 : memref<320000x128xf32, #tpu.memory_space<hbm>>) dst(%dma_wait3A_509 : memref<20x128xf32, #tpu.memory_space<vmem>>)
      %dma_wait3A_516 = arith.constant 6 : i32
      %dma_wait3A_517 = arith.constant 1 : i32
      %dma_wait3A_518 = arith.constant 2 : i32
      %dma_wait3A_519 = arith.constant 0 : i32
      %dma_wait3A_520 = arith.constant 0 : i32
      %dma_wait3A_521 = tpu.memref_slice %arg14[%dma_wait3A_517, %dma_wait3A_518, %dma_wait3A_519, %dma_wait3A_520] : memref<2x4x20x128xi32, #tpu.memory_space<vmem>> -> memref<1x1x20x128xi32, #tpu.memory_space<vmem>>
      %dma_wait3A_522 = tpu.memref_squeeze %dma_wait3A_521 : memref<1x1x20x128xi32, #tpu.memory_space<vmem>> -> memref<20x128xi32, #tpu.memory_space<vmem>>
      %dma_wait3A_523 = arith.constant 0 : i32
      %dma_wait3A_524 = tpu.memref_slice %arg12[%dma_wait3A_516, %dma_wait3A_523] : memref<8x128xi32, #tpu.memory_space<vmem>> -> memref<1x20xi32, #tpu.memory_space<vmem>>
      %dma_wait3A_525 = tpu.memref_squeeze %dma_wait3A_524 : memref<1x20xi32, #tpu.memory_space<vmem>> -> memref<20xi32, #tpu.memory_space<vmem>>
      %dma_wait3A_526 = arith.constant 0 : i32
      %dma_wait3A_527 = arith.constant 0 : i32
      %dma_wait3A_528 = tpu.memref_slice %arg4[%dma_wait3A_526, %dma_wait3A_527] : memref<10000x128xi32, #tpu.memory_space<hbm>> -> memref<10000x128xi32, #tpu.memory_space<hbm>>
      tpu.wait_indirect_dma semaphore(%arg19 : memref<!tpu.dma_semaphore, #tpu.memory_space<semaphore_mem>>) src(%dma_wait3A_528 : memref<10000x128xi32, #tpu.memory_space<hbm>>) dst(%dma_wait3A_522 : memref<20x128xi32, #tpu.memory_space<vmem>>)
      %dma_wait3A_529 = arith.constant 6 : i32
      %dma_wait3A_530 = arith.constant 1 : i32
      %dma_wait3A_531 = arith.constant 2 : i32
      %dma_wait3A_532 = arith.constant 0 : i32
      %dma_wait3A_533 = arith.constant 0 : i32
      %dma_wait3A_534 = tpu.memref_slice %arg15[%dma_wait3A_530, %dma_wait3A_531, %dma_wait3A_532, %dma_wait3A_533] : memref<2x4x20x128xf32, #tpu.memory_space<vmem>> -> memref<1x1x20x128xf32, #tpu.memory_space<vmem>>
      %dma_wait3A_535 = tpu.memref_squeeze %dma_wait3A_534 : memref<1x1x20x128xf32, #tpu.memory_space<vmem>> -> memref<20x128xf32, #tpu.memory_space<vmem>>
      %dma_wait3A_536 = arith.constant 32 : i32
      %dma_wait3A_537 = tpu.memref_slice %arg12[%dma_wait3A_529, %dma_wait3A_536] : memref<8x128xi32, #tpu.memory_space<vmem>> -> memref<1x20xi32, #tpu.memory_space<vmem>>
      %dma_wait3A_538 = tpu.memref_squeeze %dma_wait3A_537 : memref<1x20xi32, #tpu.memory_space<vmem>> -> memref<20xi32, #tpu.memory_space<vmem>>
      %dma_wait3A_539 = arith.constant 0 : i32
      %dma_wait3A_540 = arith.constant 0 : i32
      %dma_wait3A_541 = tpu.memref_slice %arg6[%dma_wait3A_539, %dma_wait3A_540] : memref<320000x128xf32, #tpu.memory_space<hbm>> -> memref<320000x128xf32, #tpu.memory_space<hbm>>
      tpu.wait_indirect_dma semaphore(%arg19 : memref<!tpu.dma_semaphore, #tpu.memory_space<semaphore_mem>>) src(%dma_wait3A_541 : memref<320000x128xf32, #tpu.memory_space<hbm>>) dst(%dma_wait3A_535 : memref<20x128xf32, #tpu.memory_space<vmem>>)
      %dma_wait3A_542 = arith.constant 7 : i32
      %dma_wait3A_543 = arith.constant 1 : i32
      %dma_wait3A_544 = arith.constant 3 : i32
      %dma_wait3A_545 = arith.constant 0 : i32
      %dma_wait3A_546 = arith.constant 0 : i32
      %dma_wait3A_547 = tpu.memref_slice %arg14[%dma_wait3A_543, %dma_wait3A_544, %dma_wait3A_545, %dma_wait3A_546] : memref<2x4x20x128xi32, #tpu.memory_space<vmem>> -> memref<1x1x20x128xi32, #tpu.memory_space<vmem>>
      %dma_wait3A_548 = tpu.memref_squeeze %dma_wait3A_547 : memref<1x1x20x128xi32, #tpu.memory_space<vmem>> -> memref<20x128xi32, #tpu.memory_space<vmem>>
      %dma_wait3A_549 = arith.constant 0 : i32
      %dma_wait3A_550 = tpu.memref_slice %arg12[%dma_wait3A_542, %dma_wait3A_549] : memref<8x128xi32, #tpu.memory_space<vmem>> -> memref<1x20xi32, #tpu.memory_space<vmem>>
      %dma_wait3A_551 = tpu.memref_squeeze %dma_wait3A_550 : memref<1x20xi32, #tpu.memory_space<vmem>> -> memref<20xi32, #tpu.memory_space<vmem>>
      %dma_wait3A_552 = arith.constant 0 : i32
      %dma_wait3A_553 = arith.constant 0 : i32
      %dma_wait3A_554 = tpu.memref_slice %arg4[%dma_wait3A_552, %dma_wait3A_553] : memref<10000x128xi32, #tpu.memory_space<hbm>> -> memref<10000x128xi32, #tpu.memory_space<hbm>>
      tpu.wait_indirect_dma semaphore(%arg19 : memref<!tpu.dma_semaphore, #tpu.memory_space<semaphore_mem>>) src(%dma_wait3A_554 : memref<10000x128xi32, #tpu.memory_space<hbm>>) dst(%dma_wait3A_548 : memref<20x128xi32, #tpu.memory_space<vmem>>)
      %dma_wait3A_555 = arith.constant 7 : i32
      %dma_wait3A_556 = arith.constant 1 : i32
      %dma_wait3A_557 = arith.constant 3 : i32
      %dma_wait3A_558 = arith.constant 0 : i32
      %dma_wait3A_559 = arith.constant 0 : i32
      %dma_wait3A_560 = tpu.memref_slice %arg15[%dma_wait3A_556, %dma_wait3A_557, %dma_wait3A_558, %dma_wait3A_559] : memref<2x4x20x128xf32, #tpu.memory_space<vmem>> -> memref<1x1x20x128xf32, #tpu.memory_space<vmem>>
      %dma_wait3A_561 = tpu.memref_squeeze %dma_wait3A_560 : memref<1x1x20x128xf32, #tpu.memory_space<vmem>> -> memref<20x128xf32, #tpu.memory_space<vmem>>
      %dma_wait3A_562 = arith.constant 32 : i32
      %dma_wait3A_563 = tpu.memref_slice %arg12[%dma_wait3A_555, %dma_wait3A_562] : memref<8x128xi32, #tpu.memory_space<vmem>> -> memref<1x20xi32, #tpu.memory_space<vmem>>
      %dma_wait3A_564 = tpu.memref_squeeze %dma_wait3A_563 : memref<1x20xi32, #tpu.memory_space<vmem>> -> memref<20xi32, #tpu.memory_space<vmem>>
      %dma_wait3A_565 = arith.constant 0 : i32
      %dma_wait3A_566 = arith.constant 0 : i32
      %dma_wait3A_567 = tpu.memref_slice %arg6[%dma_wait3A_565, %dma_wait3A_566] : memref<320000x128xf32, #tpu.memory_space<hbm>> -> memref<320000x128xf32, #tpu.memory_space<hbm>>
      tpu.wait_indirect_dma semaphore(%arg19 : memref<!tpu.dma_semaphore, #tpu.memory_space<semaphore_mem>>) src(%dma_wait3A_567 : memref<320000x128xf32, #tpu.memory_space<hbm>>) dst(%dma_wait3A_561 : memref<20x128xf32, #tpu.memory_space<vmem>>)
      %add3A_568 = arith.constant 4 : i32
      %add3A_569 = arith.addi %add3A_100, %add3A_568 : i32
      %add3A_570 = arith.constant 4 : i32
      %add3A_571 = arith.addi %add3A_100, %add3A_570 : i32
      %dma_start3A_572 = arith.constant 1 : i32
      %dma_start3A_573 = arith.constant 0 : i32
      %dma_start3A_574 = arith.constant 0 : i32
      %dma_start3A_575 = arith.constant 0 : i32
      %dma_start3A_576 = tpu.memref_slice %arg14[%dma_start3A_572, %dma_start3A_573, %dma_start3A_574, %dma_start3A_575] : memref<2x4x20x128xi32, #tpu.memory_space<vmem>> -> memref<1x4x20x128xi32, #tpu.memory_space<vmem>>
      %dma_start3A_577 = tpu.memref_squeeze %dma_start3A_576 : memref<1x4x20x128xi32, #tpu.memory_space<vmem>> -> memref<4x20x128xi32, #tpu.memory_space<vmem>>
      %dma_start3A_578 = arith.constant 0 : i32
      %dma_start3A_579 = arith.constant 0 : i32
      %dma_start3A_580 = tpu.memref_slice %arg7[%add3A_569, %dma_start3A_578, %dma_start3A_579] : memref<8192x20x128xi32, #tpu.memory_space<hbm>> -> memref<4x20x128xi32, #tpu.memory_space<hbm>>
      %dma_start3A_581 = arith.constant 0 : i32
      %dma_start3A_582 = arith.constant 0 : i32
      %dma_start3A_583 = tpu.memref_slice %arg7[%add3A_569, %dma_start3A_581, %dma_start3A_582] : memref<8192x20x128xi32, #tpu.memory_space<hbm>> -> memref<4x20x128xi32, #tpu.memory_space<hbm>>
      %dma_start3A_584 = arith.constant 0 : i32
      %dma_start3A_585 = arith.constant 0 : i32
      %dma_start3A_586 = arith.constant 0 : i32
      %dma_start3A_587 = tpu.memref_slice %arg14[%dma_start3A_572, %dma_start3A_584, %dma_start3A_585, %dma_start3A_586] : memref<2x4x20x128xi32, #tpu.memory_space<vmem>> -> memref<1x4x20x128xi32, #tpu.memory_space<vmem>>
      %dma_start3A_588 = tpu.memref_squeeze %dma_start3A_587 : memref<1x4x20x128xi32, #tpu.memory_space<vmem>> -> memref<4x20x128xi32, #tpu.memory_space<vmem>>
      tpu.enqueue_dma source(%dma_start3A_588 : memref<4x20x128xi32, #tpu.memory_space<vmem>>) target(%dma_start3A_583 : memref<4x20x128xi32, #tpu.memory_space<hbm>>) target_semaphore(%arg21 : memref<!tpu.dma_semaphore, #tpu.memory_space<semaphore_mem>>)
      %dma_start3A_589 = arith.constant 1 : i32
      %dma_start3A_590 = arith.constant 0 : i32
      %dma_start3A_591 = arith.constant 0 : i32
      %dma_start3A_592 = arith.constant 0 : i32
      %dma_start3A_593 = tpu.memref_slice %arg15[%dma_start3A_589, %dma_start3A_590, %dma_start3A_591, %dma_start3A_592] : memref<2x4x20x128xf32, #tpu.memory_space<vmem>> -> memref<1x4x20x128xf32, #tpu.memory_space<vmem>>
      %dma_start3A_594 = tpu.memref_squeeze %dma_start3A_593 : memref<1x4x20x128xf32, #tpu.memory_space<vmem>> -> memref<4x20x128xf32, #tpu.memory_space<vmem>>
      %dma_start3A_595 = arith.constant 0 : i32
      %dma_start3A_596 = arith.constant 0 : i32
      %dma_start3A_597 = tpu.memref_slice %arg8[%add3A_571, %dma_start3A_595, %dma_start3A_596] : memref<8192x20x128xf32, #tpu.memory_space<hbm>> -> memref<4x20x128xf32, #tpu.memory_space<hbm>>
      %dma_start3A_598 = arith.constant 0 : i32
      %dma_start3A_599 = arith.constant 0 : i32
      %dma_start3A_600 = tpu.memref_slice %arg8[%add3A_571, %dma_start3A_598, %dma_start3A_599] : memref<8192x20x128xf32, #tpu.memory_space<hbm>> -> memref<4x20x128xf32, #tpu.memory_space<hbm>>
      %dma_start3A_601 = arith.constant 0 : i32
      %dma_start3A_602 = arith.constant 0 : i32
      %dma_start3A_603 = arith.constant 0 : i32
      %dma_start3A_604 = tpu.memref_slice %arg15[%dma_start3A_589, %dma_start3A_601, %dma_start3A_602, %dma_start3A_603] : memref<2x4x20x128xf32, #tpu.memory_space<vmem>> -> memref<1x4x20x128xf32, #tpu.memory_space<vmem>>
      %dma_start3A_605 = tpu.memref_squeeze %dma_start3A_604 : memref<1x4x20x128xf32, #tpu.memory_space<vmem>> -> memref<4x20x128xf32, #tpu.memory_space<vmem>>
      tpu.enqueue_dma source(%dma_start3A_605 : memref<4x20x128xf32, #tpu.memory_space<vmem>>) target(%dma_start3A_600 : memref<4x20x128xf32, #tpu.memory_space<hbm>>) target_semaphore(%arg21 : memref<!tpu.dma_semaphore, #tpu.memory_space<semaphore_mem>>)
      %dma_start3A_606 = arith.constant 0 : i32
      %dma_start3A_607 = tpu.memref_slice %arg9[%add3A_100, %dma_start3A_606] : memref<8192x128xi32, #tpu.memory_space<hbm>> -> memref<8x128xi32, #tpu.memory_space<hbm>>
      %dma_start3A_608 = arith.constant 0 : i32
      %dma_start3A_609 = tpu.memref_slice %arg9[%add3A_100, %dma_start3A_608] : memref<8192x128xi32, #tpu.memory_space<hbm>> -> memref<8x128xi32, #tpu.memory_space<hbm>>
      tpu.enqueue_dma source(%arg12 : memref<8x128xi32, #tpu.memory_space<vmem>>) target(%dma_start3A_609 : memref<8x128xi32, #tpu.memory_space<hbm>>) target_semaphore(%arg21 : memref<!tpu.dma_semaphore, #tpu.memory_space<semaphore_mem>>)
      %dma_start3A_610 = arith.constant 0 : i32
      %dma_start3A_611 = tpu.memref_slice %arg10[%add3A_100, %dma_start3A_610] : memref<8192x256xf32, #tpu.memory_space<hbm>> -> memref<8x256xf32, #tpu.memory_space<hbm>>
      %dma_start3A_612 = arith.constant 0 : i32
      %dma_start3A_613 = tpu.memref_slice %arg10[%add3A_100, %dma_start3A_612] : memref<8192x256xf32, #tpu.memory_space<hbm>> -> memref<8x256xf32, #tpu.memory_space<hbm>>
      tpu.enqueue_dma source(%arg13 : memref<8x256xf32, #tpu.memory_space<vmem>>) target(%dma_start3A_613 : memref<8x256xf32, #tpu.memory_space<hbm>>) target_semaphore(%arg21 : memref<!tpu.dma_semaphore, #tpu.memory_space<semaphore_mem>>)
    }
    %scan3A_7 = arith.constant 32 : i32
    %add3A_8 = arith.constant 248 : i32
    %add3A_9 = arith.addi %mul3A_2, %add3A_8 : i32
    %add3A_10 = arith.constant 0 : i32
    %add3A_11 = arith.addi %add3A_9, %add3A_10 : i32
    %add3A_12 = arith.constant 0 : i32
    %add3A_13 = arith.addi %add3A_9, %add3A_12 : i32
    %dma_wait3A = arith.constant 0 : i32
    %dma_wait3A_14 = arith.constant 0 : i32
    %dma_wait3A_15 = arith.constant 0 : i32
    %dma_wait3A_16 = arith.constant 0 : i32
    %dma_wait3A_17 = tpu.memref_slice %arg14[%dma_wait3A, %dma_wait3A_14, %dma_wait3A_15, %dma_wait3A_16] : memref<2x4x20x128xi32, #tpu.memory_space<vmem>> -> memref<1x4x20x128xi32, #tpu.memory_space<vmem>>
    %dma_wait3A_18 = tpu.memref_squeeze %dma_wait3A_17 : memref<1x4x20x128xi32, #tpu.memory_space<vmem>> -> memref<4x20x128xi32, #tpu.memory_space<vmem>>
    %dma_wait3A_19 = arith.constant 0 : i32
    %dma_wait3A_20 = arith.constant 0 : i32
    %dma_wait3A_21 = tpu.memref_slice %arg7[%add3A_11, %dma_wait3A_19, %dma_wait3A_20] : memref<8192x20x128xi32, #tpu.memory_space<hbm>> -> memref<4x20x128xi32, #tpu.memory_space<hbm>>
    %dma_wait3A_22 = arith.constant 0 : i32
    %dma_wait3A_23 = arith.constant 0 : i32
    %dma_wait3A_24 = tpu.memref_slice %arg7[%add3A_11, %dma_wait3A_22, %dma_wait3A_23] : memref<8192x20x128xi32, #tpu.memory_space<hbm>> -> memref<4x20x128xi32, #tpu.memory_space<hbm>>
    %dma_wait3A_25 = arith.constant 0 : i32
    %dma_wait3A_26 = arith.constant 0 : i32
    %dma_wait3A_27 = arith.constant 0 : i32
    %dma_wait3A_28 = tpu.memref_slice %arg14[%dma_wait3A, %dma_wait3A_25, %dma_wait3A_26, %dma_wait3A_27] : memref<2x4x20x128xi32, #tpu.memory_space<vmem>> -> memref<1x4x20x128xi32, #tpu.memory_space<vmem>>
    %dma_wait3A_29 = tpu.memref_squeeze %dma_wait3A_28 : memref<1x4x20x128xi32, #tpu.memory_space<vmem>> -> memref<4x20x128xi32, #tpu.memory_space<vmem>>
    tpu.wait_dma2 semaphore(%arg20 : memref<!tpu.dma_semaphore, #tpu.memory_space<semaphore_mem>>) src(%dma_wait3A_29 : memref<4x20x128xi32, #tpu.memory_space<vmem>>) dst(%dma_wait3A_24 : memref<4x20x128xi32, #tpu.memory_space<hbm>>)
    %dma_wait3A_30 = arith.constant 0 : i32
    %dma_wait3A_31 = arith.constant 0 : i32
    %dma_wait3A_32 = arith.constant 0 : i32
    %dma_wait3A_33 = arith.constant 0 : i32
    %dma_wait3A_34 = tpu.memref_slice %arg15[%dma_wait3A_30, %dma_wait3A_31, %dma_wait3A_32, %dma_wait3A_33] : memref<2x4x20x128xf32, #tpu.memory_space<vmem>> -> memref<1x4x20x128xf32, #tpu.memory_space<vmem>>
    %dma_wait3A_35 = tpu.memref_squeeze %dma_wait3A_34 : memref<1x4x20x128xf32, #tpu.memory_space<vmem>> -> memref<4x20x128xf32, #tpu.memory_space<vmem>>
    %dma_wait3A_36 = arith.constant 0 : i32
    %dma_wait3A_37 = arith.constant 0 : i32
    %dma_wait3A_38 = tpu.memref_slice %arg8[%add3A_13, %dma_wait3A_36, %dma_wait3A_37] : memref<8192x20x128xf32, #tpu.memory_space<hbm>> -> memref<4x20x128xf32, #tpu.memory_space<hbm>>
    %dma_wait3A_39 = arith.constant 0 : i32
    %dma_wait3A_40 = arith.constant 0 : i32
    %dma_wait3A_41 = tpu.memref_slice %arg8[%add3A_13, %dma_wait3A_39, %dma_wait3A_40] : memref<8192x20x128xf32, #tpu.memory_space<hbm>> -> memref<4x20x128xf32, #tpu.memory_space<hbm>>
    %dma_wait3A_42 = arith.constant 0 : i32
    %dma_wait3A_43 = arith.constant 0 : i32
    %dma_wait3A_44 = arith.constant 0 : i32
    %dma_wait3A_45 = tpu.memref_slice %arg15[%dma_wait3A_30, %dma_wait3A_42, %dma_wait3A_43, %dma_wait3A_44] : memref<2x4x20x128xf32, #tpu.memory_space<vmem>> -> memref<1x4x20x128xf32, #tpu.memory_space<vmem>>
    %dma_wait3A_46 = tpu.memref_squeeze %dma_wait3A_45 : memref<1x4x20x128xf32, #tpu.memory_space<vmem>> -> memref<4x20x128xf32, #tpu.memory_space<vmem>>
    tpu.wait_dma2 semaphore(%arg20 : memref<!tpu.dma_semaphore, #tpu.memory_space<semaphore_mem>>) src(%dma_wait3A_46 : memref<4x20x128xf32, #tpu.memory_space<vmem>>) dst(%dma_wait3A_41 : memref<4x20x128xf32, #tpu.memory_space<hbm>>)
    %add3A_47 = arith.constant 248 : i32
    %add3A_48 = arith.addi %mul3A_2, %add3A_47 : i32
    %add3A_49 = arith.constant 4 : i32
    %add3A_50 = arith.addi %add3A_48, %add3A_49 : i32
    %add3A_51 = arith.constant 4 : i32
    %add3A_52 = arith.addi %add3A_48, %add3A_51 : i32
    %dma_wait3A_53 = arith.constant 1 : i32
    %dma_wait3A_54 = arith.constant 0 : i32
    %dma_wait3A_55 = arith.constant 0 : i32
    %dma_wait3A_56 = arith.constant 0 : i32
    %dma_wait3A_57 = tpu.memref_slice %arg14[%dma_wait3A_53, %dma_wait3A_54, %dma_wait3A_55, %dma_wait3A_56] : memref<2x4x20x128xi32, #tpu.memory_space<vmem>> -> memref<1x4x20x128xi32, #tpu.memory_space<vmem>>
    %dma_wait3A_58 = tpu.memref_squeeze %dma_wait3A_57 : memref<1x4x20x128xi32, #tpu.memory_space<vmem>> -> memref<4x20x128xi32, #tpu.memory_space<vmem>>
    %dma_wait3A_59 = arith.constant 0 : i32
    %dma_wait3A_60 = arith.constant 0 : i32
    %dma_wait3A_61 = tpu.memref_slice %arg7[%add3A_50, %dma_wait3A_59, %dma_wait3A_60] : memref<8192x20x128xi32, #tpu.memory_space<hbm>> -> memref<4x20x128xi32, #tpu.memory_space<hbm>>
    %dma_wait3A_62 = arith.constant 0 : i32
    %dma_wait3A_63 = arith.constant 0 : i32
    %dma_wait3A_64 = tpu.memref_slice %arg7[%add3A_50, %dma_wait3A_62, %dma_wait3A_63] : memref<8192x20x128xi32, #tpu.memory_space<hbm>> -> memref<4x20x128xi32, #tpu.memory_space<hbm>>
    %dma_wait3A_65 = arith.constant 0 : i32
    %dma_wait3A_66 = arith.constant 0 : i32
    %dma_wait3A_67 = arith.constant 0 : i32
    %dma_wait3A_68 = tpu.memref_slice %arg14[%dma_wait3A_53, %dma_wait3A_65, %dma_wait3A_66, %dma_wait3A_67] : memref<2x4x20x128xi32, #tpu.memory_space<vmem>> -> memref<1x4x20x128xi32, #tpu.memory_space<vmem>>
    %dma_wait3A_69 = tpu.memref_squeeze %dma_wait3A_68 : memref<1x4x20x128xi32, #tpu.memory_space<vmem>> -> memref<4x20x128xi32, #tpu.memory_space<vmem>>
    tpu.wait_dma2 semaphore(%arg21 : memref<!tpu.dma_semaphore, #tpu.memory_space<semaphore_mem>>) src(%dma_wait3A_69 : memref<4x20x128xi32, #tpu.memory_space<vmem>>) dst(%dma_wait3A_64 : memref<4x20x128xi32, #tpu.memory_space<hbm>>)
    %dma_wait3A_70 = arith.constant 1 : i32
    %dma_wait3A_71 = arith.constant 0 : i32
    %dma_wait3A_72 = arith.constant 0 : i32
    %dma_wait3A_73 = arith.constant 0 : i32
    %dma_wait3A_74 = tpu.memref_slice %arg15[%dma_wait3A_70, %dma_wait3A_71, %dma_wait3A_72, %dma_wait3A_73] : memref<2x4x20x128xf32, #tpu.memory_space<vmem>> -> memref<1x4x20x128xf32, #tpu.memory_space<vmem>>
    %dma_wait3A_75 = tpu.memref_squeeze %dma_wait3A_74 : memref<1x4x20x128xf32, #tpu.memory_space<vmem>> -> memref<4x20x128xf32, #tpu.memory_space<vmem>>
    %dma_wait3A_76 = arith.constant 0 : i32
    %dma_wait3A_77 = arith.constant 0 : i32
    %dma_wait3A_78 = tpu.memref_slice %arg8[%add3A_52, %dma_wait3A_76, %dma_wait3A_77] : memref<8192x20x128xf32, #tpu.memory_space<hbm>> -> memref<4x20x128xf32, #tpu.memory_space<hbm>>
    %dma_wait3A_79 = arith.constant 0 : i32
    %dma_wait3A_80 = arith.constant 0 : i32
    %dma_wait3A_81 = tpu.memref_slice %arg8[%add3A_52, %dma_wait3A_79, %dma_wait3A_80] : memref<8192x20x128xf32, #tpu.memory_space<hbm>> -> memref<4x20x128xf32, #tpu.memory_space<hbm>>
    %dma_wait3A_82 = arith.constant 0 : i32
    %dma_wait3A_83 = arith.constant 0 : i32
    %dma_wait3A_84 = arith.constant 0 : i32
    %dma_wait3A_85 = tpu.memref_slice %arg15[%dma_wait3A_70, %dma_wait3A_82, %dma_wait3A_83, %dma_wait3A_84] : memref<2x4x20x128xf32, #tpu.memory_space<vmem>> -> memref<1x4x20x128xf32, #tpu.memory_space<vmem>>
    %dma_wait3A_86 = tpu.memref_squeeze %dma_wait3A_85 : memref<1x4x20x128xf32, #tpu.memory_space<vmem>> -> memref<4x20x128xf32, #tpu.memory_space<vmem>>
    tpu.wait_dma2 semaphore(%arg21 : memref<!tpu.dma_semaphore, #tpu.memory_space<semaphore_mem>>) src(%dma_wait3A_86 : memref<4x20x128xf32, #tpu.memory_space<vmem>>) dst(%dma_wait3A_81 : memref<4x20x128xf32, #tpu.memory_space<hbm>>)
    %dma_wait3A_87 = arith.constant 0 : i32
    %dma_wait3A_88 = tpu.memref_slice %arg9[%add3A_48, %dma_wait3A_87] : memref<8192x128xi32, #tpu.memory_space<hbm>> -> memref<8x128xi32, #tpu.memory_space<hbm>>
    %dma_wait3A_89 = arith.constant 0 : i32
    %dma_wait3A_90 = tpu.memref_slice %arg9[%add3A_48, %dma_wait3A_89] : memref<8192x128xi32, #tpu.memory_space<hbm>> -> memref<8x128xi32, #tpu.memory_space<hbm>>
    tpu.wait_dma2 semaphore(%arg21 : memref<!tpu.dma_semaphore, #tpu.memory_space<semaphore_mem>>) src(%arg12 : memref<8x128xi32, #tpu.memory_space<vmem>>) dst(%dma_wait3A_90 : memref<8x128xi32, #tpu.memory_space<hbm>>)
    %dma_wait3A_91 = arith.constant 0 : i32
    %dma_wait3A_92 = tpu.memref_slice %arg10[%add3A_48, %dma_wait3A_91] : memref<8192x256xf32, #tpu.memory_space<hbm>> -> memref<8x256xf32, #tpu.memory_space<hbm>>
    %dma_wait3A_93 = arith.constant 0 : i32
    %dma_wait3A_94 = tpu.memref_slice %arg10[%add3A_48, %dma_wait3A_93] : memref<8192x256xf32, #tpu.memory_space<hbm>> -> memref<8x256xf32, #tpu.memory_space<hbm>>
    tpu.wait_dma2 semaphore(%arg21 : memref<!tpu.dma_semaphore, #tpu.memory_space<semaphore_mem>>) src(%arg13 : memref<8x256xf32, #tpu.memory_space<vmem>>) dst(%dma_wait3A_94 : memref<8x256xf32, #tpu.memory_space<hbm>>)
    return
  }
}

module attributes {stable_mosaic.version = 14 : i64} {
  func.func @_proj_body(%arg0: memref<10000x128xf32, #tpu.memory_space<vmem>>, %arg1: memref<128x256xf32, #tpu.memory_space<vmem>>, %arg2: memref<128x256xf32, #tpu.memory_space<vmem>>, %arg3: memref<10000x128xi32, #tpu.memory_space<vmem>>, %arg4: memref<10000x256xf32, #tpu.memory_space<vmem>>) attributes {dimension_semantics = [], scalar_prefetch = 0 : i64, scratch_operands = 0 : i64, tpu.core_type = #tpu.core_type<tc>} {
    %get3A = arith.constant 0 : index
    %get3A_0 = arith.constant 0 : index
    %get3A_1 = vector.load %arg0[%get3A, %get3A_0] : memref<10000x128xf32, #tpu.memory_space<vmem>>, vector<10000x128xf32>
    %get3A_2 = arith.constant 0 : index
    %get3A_3 = arith.constant 0 : index
    %get3A_4 = vector.load %arg1[%get3A_2, %get3A_3] : memref<128x256xf32, #tpu.memory_space<vmem>>, vector<128x256xf32>
    %dot_general3A = arith.constant dense<0.000000e+00> : vector<10000x256xf32>
    %dot_general3A_5 = tpu.matmul %get3A_1, %get3A_4, %dot_general3A {dimension_numbers = #tpu.dot_dimension_numbers<[1], [0], [0], [1], [0, 0, 1, 1], [], []>, transpose_lhs_hint = false} : vector<10000x128xf32>, vector<128x256xf32>, vector<10000x256xf32> -> vector<10000x256xf32>
    %slice3A = vector.extract_strided_slice %dot_general3A_5 {offsets = [0, 0], sizes = [10000, 128], strides = [1, 1]} : vector<10000x256xf32> to vector<10000x128xf32>
    %convert_element_type3A = arith.truncf %slice3A : vector<10000x128xf32> to vector<10000x128xbf16>
    %bitcast_convert_type3A = tpu.bitcast %convert_element_type3A : vector<10000x128xbf16> -> vector<10000x128xi16>
    %convert_element_type3A_6 = arith.extui %bitcast_convert_type3A : vector<10000x128xi16> to vector<10000x128xi32>
    %slice3A_7 = vector.extract_strided_slice %dot_general3A_5 {offsets = [0, 128], sizes = [10000, 128], strides = [1, 1]} : vector<10000x256xf32> to vector<10000x128xf32>
    %convert_element_type3A_8 = arith.truncf %slice3A_7 : vector<10000x128xf32> to vector<10000x128xbf16>
    %bitcast_convert_type3A_9 = tpu.bitcast %convert_element_type3A_8 : vector<10000x128xbf16> -> vector<10000x128xi16>
    %convert_element_type3A_10 = arith.extui %bitcast_convert_type3A_9 : vector<10000x128xi16> to vector<10000x128xi32>
    %shift_left3A = arith.constant 16 : i32
    %shift_left3A_11 = vector.broadcast %shift_left3A : i32 to vector<10000x128xi32>
    %shift_left3A_12 = arith.shli %convert_element_type3A_10, %shift_left3A_11 : vector<10000x128xi32>
    %or3A = arith.ori %convert_element_type3A_6, %shift_left3A_12 : vector<10000x128xi32>
    %bitcast_convert_type3A_13 = tpu.bitcast %or3A : vector<10000x128xi32> -> vector<10000x128xi32>
    %swap3A = arith.constant 0 : index
    %swap3A_14 = arith.constant 0 : index
    %swap3A_15 = vector.load %arg3[%swap3A, %swap3A_14] : memref<10000x128xi32, #tpu.memory_space<vmem>>, vector<10000x128xi32>
    tpu.vector_store %arg3[%swap3A, %swap3A_14], %bitcast_convert_type3A_13 {strides = array<i32>} : memref<10000x128xi32, #tpu.memory_space<vmem>>, vector<10000x128xi32>,
    %get3A_16 = arith.constant 0 : index
    %get3A_17 = arith.constant 0 : index
    %get3A_18 = vector.load %arg2[%get3A_16, %get3A_17] : memref<128x256xf32, #tpu.memory_space<vmem>>, vector<128x256xf32>
    %dot_general3A_19 = arith.constant dense<0.000000e+00> : vector<10000x256xf32>
    %dot_general3A_20 = tpu.matmul %get3A_1, %get3A_18, %dot_general3A_19 {dimension_numbers = #tpu.dot_dimension_numbers<[1], [0], [0], [1], [0, 0, 1, 1], [], []>, transpose_lhs_hint = false} : vector<10000x128xf32>, vector<128x256xf32>, vector<10000x256xf32> -> vector<10000x256xf32>
    %swap3A_21 = arith.constant 0 : index
    %swap3A_22 = arith.constant 0 : index
    %swap3A_23 = vector.load %arg4[%swap3A_21, %swap3A_22] : memref<10000x256xf32, #tpu.memory_space<vmem>>, vector<10000x256xf32>
    tpu.vector_store %arg4[%swap3A_21, %swap3A_22], %dot_general3A_20 {strides = array<i32>} : memref<10000x256xf32, #tpu.memory_space<vmem>>, vector<10000x256xf32>,
    return
  }
}

module attributes {stable_mosaic.version = 14 : i64} {
  func.func @_attn_body(%arg0: i32, %arg1: memref<256x20x128xi32, #tpu.memory_space<vmem>>, %arg2: memref<256x20x128xf32, #tpu.memory_space<vmem>>, %arg3: memref<5120x1xf32, #tpu.memory_space<vmem>>, %arg4: memref<256x256xf32, #tpu.memory_space<vmem>>, %arg5: memref<1x100xf32, #tpu.memory_space<vmem>>, %arg6: memref<1x100xf32, #tpu.memory_space<vmem>>, %arg7: memref<100x256xf32, #tpu.memory_space<vmem>>, %arg8: memref<128x256xf32, #tpu.memory_space<vmem>>, %arg9: memref<100x128xf32, #tpu.memory_space<vmem>>, %arg10: memref<128x128xf32, #tpu.memory_space<vmem>>, %arg11: memref<1x128xf32, #tpu.memory_space<vmem>>, %arg12: memref<128x128xf32, #tpu.memory_space<vmem>>, %arg13: memref<1x128xf32, #tpu.memory_space<vmem>>, %arg14: memref<256x128xf32, #tpu.memory_space<vmem>>) attributes {dimension_semantics = [#tpu.dimension_semantics<arbitrary>], iteration_bounds = array<i64: 32>, scalar_prefetch = 0 : i64, scratch_operands = 0 : i64, tpu.core_type = #tpu.core_type<tc>, window_params = [{transform_indices = @transform_0, window_bounds = array<i64: 256, 20, 128>}, {transform_indices = @transform_1, window_bounds = array<i64: 256, 20, 128>}, {transform_indices = @transform_2, window_bounds = array<i64: 5120, 1>}, {transform_indices = @transform_3, window_bounds = array<i64: 256, 256>}, {pipeline_mode = #tpu.pipeline_mode<synchronous>, transform_indices = @transform_4, window_bounds = array<i64: 1, 100>}, {pipeline_mode = #tpu.pipeline_mode<synchronous>, transform_indices = @transform_5, window_bounds = array<i64: 1, 100>}, {pipeline_mode = #tpu.pipeline_mode<synchronous>, transform_indices = @transform_6, window_bounds = array<i64: 100, 256>}, {pipeline_mode = #tpu.pipeline_mode<synchronous>, transform_indices = @transform_7, window_bounds = array<i64: 128, 256>}, {pipeline_mode = #tpu.pipeline_mode<synchronous>, transform_indices = @transform_8, window_bounds = array<i64: 100, 128>}, {pipeline_mode = #tpu.pipeline_mode<synchronous>, transform_indices = @transform_9, window_bounds = array<i64: 128, 128>}, {pipeline_mode = #tpu.pipeline_mode<synchronous>, transform_indices = @transform_10, window_bounds = array<i64: 1, 128>}, {pipeline_mode = #tpu.pipeline_mode<synchronous>, transform_indices = @transform_11, window_bounds = array<i64: 128, 128>}, {pipeline_mode = #tpu.pipeline_mode<synchronous>, transform_indices = @transform_12, window_bounds = array<i64: 1, 128>}, {transform_indices = @transform_13, window_bounds = array<i64: 256, 128>}]} {
    %get3A = arith.constant 0 : index
    %get3A_0 = arith.constant 0 : index
    %get3A_1 = vector.load %arg6[%get3A, %get3A_0] : memref<1x100xf32, #tpu.memory_space<vmem>>, vector<1x100xf32>
    %get3A_2 = arith.constant 0 : index
    %get3A_3 = arith.constant 0 : index
    %get3A_4 = vector.load %arg3[%get3A_2, %get3A_3] : memref<5120x1xf32, #tpu.memory_space<vmem>>, vector<5120x1xf32>
    %get3A_5 = arith.constant 0 : index
    %get3A_6 = arith.constant 0 : index
    %get3A_7 = vector.load %arg5[%get3A_5, %get3A_6] : memref<1x100xf32, #tpu.memory_space<vmem>>, vector<1x100xf32>
    %mul3A = vector.broadcast %get3A_4 : vector<5120x1xf32> to vector<5120x100xf32>
    %mul3A_8 = vector.broadcast %get3A_7 : vector<1x100xf32> to vector<5120x100xf32>
    %mul3A_9 = arith.mulf %mul3A, %mul3A_8 : vector<5120x100xf32>
    %add3A = vector.broadcast %get3A_1 : vector<1x100xf32> to vector<5120x100xf32>
    %add3A_10 = arith.addf %mul3A_9, %add3A : vector<5120x100xf32>
    %mul3A_11 = arith.constant 0.159154937 : f32
    %mul3A_12 = vector.broadcast %mul3A_11 : f32 to vector<5120x100xf32>
    %mul3A_13 = arith.mulf %add3A_10, %mul3A_12 : vector<5120x100xf32>
    %round3A = math.roundeven %mul3A_13 : vector<5120x100xf32>
    %mul3A_14 = arith.constant 6.281250e+00 : f32
    %mul3A_15 = vector.broadcast %mul3A_14 : f32 to vector<5120x100xf32>
    %mul3A_16 = arith.mulf %round3A, %mul3A_15 : vector<5120x100xf32>
    %sub3A = arith.subf %add3A_10, %mul3A_16 : vector<5120x100xf32>
    %mul3A_17 = arith.constant 0.00193530717 : f32
    %mul3A_18 = vector.broadcast %mul3A_17 : f32 to vector<5120x100xf32>
    %mul3A_19 = arith.mulf %round3A, %mul3A_18 : vector<5120x100xf32>
    %sub3A_20 = arith.subf %sub3A, %mul3A_19 : vector<5120x100xf32>
    %mul3A_21 = arith.mulf %sub3A_20, %sub3A_20 : vector<5120x100xf32>
    %mul3A_22 = arith.constant 4.77947726E-14 : f32
    %mul3A_23 = vector.broadcast %mul3A_22 : f32 to vector<5120x100xf32>
    %mul3A_24 = arith.mulf %mul3A_23, %mul3A_21 : vector<5120x100xf32>
    %add3A_25 = arith.constant -1.14707454E-11 : f32
    %add3A_26 = vector.broadcast %add3A_25 : f32 to vector<5120x100xf32>
    %add3A_27 = arith.addf %mul3A_24, %add3A_26 : vector<5120x100xf32>
    %mul3A_28 = arith.mulf %add3A_27, %mul3A_21 : vector<5120x100xf32>
    %add3A_29 = arith.constant 2.08767559E-9 : f32
    %add3A_30 = vector.broadcast %add3A_29 : f32 to vector<5120x100xf32>
    %add3A_31 = arith.addf %mul3A_28, %add3A_30 : vector<5120x100xf32>
    %mul3A_32 = arith.mulf %add3A_31, %mul3A_21 : vector<5120x100xf32>
    %add3A_33 = arith.constant -2.755732E-7 : f32
    %add3A_34 = vector.broadcast %add3A_33 : f32 to vector<5120x100xf32>
    %add3A_35 = arith.addf %mul3A_32, %add3A_34 : vector<5120x100xf32>
    %mul3A_36 = arith.mulf %add3A_35, %mul3A_21 : vector<5120x100xf32>
    %add3A_37 = arith.constant 2.48015876E-5 : f32
    %add3A_38 = vector.broadcast %add3A_37 : f32 to vector<5120x100xf32>
    %add3A_39 = arith.addf %mul3A_36, %add3A_38 : vector<5120x100xf32>
    %mul3A_40 = arith.mulf %add3A_39, %mul3A_21 : vector<5120x100xf32>
    %add3A_41 = arith.constant -0.00138888892 : f32
    %add3A_42 = vector.broadcast %add3A_41 : f32 to vector<5120x100xf32>
    %add3A_43 = arith.addf %mul3A_40, %add3A_42 : vector<5120x100xf32>
    %mul3A_44 = arith.mulf %add3A_43, %mul3A_21 : vector<5120x100xf32>
    %add3A_45 = arith.constant 0.0416666679 : f32
    %add3A_46 = vector.broadcast %add3A_45 : f32 to vector<5120x100xf32>
    %add3A_47 = arith.addf %mul3A_44, %add3A_46 : vector<5120x100xf32>
    %mul3A_48 = arith.mulf %add3A_47, %mul3A_21 : vector<5120x100xf32>
    %add3A_49 = arith.constant -5.000000e-01 : f32
    %add3A_50 = vector.broadcast %add3A_49 : f32 to vector<5120x100xf32>
    %add3A_51 = arith.addf %mul3A_48, %add3A_50 : vector<5120x100xf32>
    %mul3A_52 = arith.mulf %add3A_51, %mul3A_21 : vector<5120x100xf32>
    %add3A_53 = arith.constant 1.000000e+00 : f32
    %add3A_54 = vector.broadcast %add3A_53 : f32 to vector<5120x100xf32>
    %add3A_55 = arith.addf %mul3A_52, %add3A_54 : vector<5120x100xf32>
    %get3A_56 = arith.constant 0 : index
    %get3A_57 = arith.constant 0 : index
    %get3A_58 = vector.load %arg7[%get3A_56, %get3A_57] : memref<100x256xf32, #tpu.memory_space<vmem>>, vector<100x256xf32>
    %dot_general3A = arith.constant dense<0.000000e+00> : vector<5120x256xf32>
    %dot_general3A_59 = tpu.matmul %add3A_55, %get3A_58, %dot_general3A {dimension_numbers = #tpu.dot_dimension_numbers<[1], [0], [0], [1], [0, 0, 1, 1], [], []>, transpose_lhs_hint = false} : vector<5120x100xf32>, vector<100x256xf32>, vector<5120x256xf32> -> vector<5120x256xf32>
    %get3A_60 = arith.constant 0 : index
    %get3A_61 = arith.constant 0 : index
    %get3A_62 = arith.constant 0 : index
    %get3A_63 = vector.load %arg2[%get3A_60, %get3A_61, %get3A_62] : memref<256x20x128xf32, #tpu.memory_space<vmem>>, vector<256x20x128xf32>
    %reshape3A = vector.shape_cast %get3A_63 : vector<256x20x128xf32> to vector<5120x128xf32>
    %get3A_64 = arith.constant 0 : index
    %get3A_65 = arith.constant 0 : index
    %get3A_66 = vector.load %arg8[%get3A_64, %get3A_65] : memref<128x256xf32, #tpu.memory_space<vmem>>, vector<128x256xf32>
    %dot_general3A_67 = arith.constant dense<0.000000e+00> : vector<5120x256xf32>
    %dot_general3A_68 = tpu.matmul %reshape3A, %get3A_66, %dot_general3A_67 {dimension_numbers = #tpu.dot_dimension_numbers<[1], [0], [0], [1], [0, 0, 1, 1], [], []>, transpose_lhs_hint = false} : vector<5120x128xf32>, vector<128x256xf32>, vector<5120x256xf32> -> vector<5120x256xf32>
    %add3A_69 = arith.addf %dot_general3A_59, %dot_general3A_68 : vector<5120x256xf32>
    %get3A_70 = arith.constant 0 : index
    %get3A_71 = arith.constant 0 : index
    %get3A_72 = arith.constant 0 : index
    %get3A_73 = vector.load %arg1[%get3A_70, %get3A_71, %get3A_72] : memref<256x20x128xi32, #tpu.memory_space<vmem>>, vector<256x20x128xi32>
    %bitcast_convert_type3A = tpu.bitcast %get3A_73 : vector<256x20x128xi32> -> vector<256x20x128xi32>
    %and3A = arith.constant 65535 : i32
    %and3A_74 = vector.broadcast %and3A : i32 to vector<256x20x128xi32>
    %and3A_75 = arith.andi %bitcast_convert_type3A, %and3A_74 : vector<256x20x128xi32>
    %convert_element_type3A = arith.trunci %and3A_75 : vector<256x20x128xi32> to vector<256x20x128xi16>
    %bitcast_convert_type3A_76 = tpu.bitcast %convert_element_type3A : vector<256x20x128xi16> -> vector<256x20x128xbf16>
    %convert_element_type3A_77 = arith.extf %bitcast_convert_type3A_76 : vector<256x20x128xbf16> to vector<256x20x128xf32>
    %shift_right_logical3A = arith.constant 16 : i32
    %shift_right_logical3A_78 = vector.broadcast %shift_right_logical3A : i32 to vector<256x20x128xi32>
    %shift_right_logical3A_79 = arith.shrui %bitcast_convert_type3A, %shift_right_logical3A_78 : vector<256x20x128xi32>
    %convert_element_type3A_80 = arith.trunci %shift_right_logical3A_79 : vector<256x20x128xi32> to vector<256x20x128xi16>
    %bitcast_convert_type3A_81 = tpu.bitcast %convert_element_type3A_80 : vector<256x20x128xi16> -> vector<256x20x128xbf16>
    %convert_element_type3A_82 = arith.extf %bitcast_convert_type3A_81 : vector<256x20x128xbf16> to vector<256x20x128xf32>
    %slice3A = vector.extract_strided_slice %add3A_69 {offsets = [0, 0], sizes = [5120, 128], strides = [1, 1]} : vector<5120x256xf32> to vector<5120x128xf32>
    %reshape3A_83 = vector.shape_cast %slice3A : vector<5120x128xf32> to vector<256x20x128xf32>
    %add3A_84 = arith.addf %convert_element_type3A_77, %reshape3A_83 : vector<256x20x128xf32>
    %slice3A_85 = vector.extract_strided_slice %add3A_69 {offsets = [0, 128], sizes = [5120, 128], strides = [1, 1]} : vector<5120x256xf32> to vector<5120x128xf32>
    %reshape3A_86 = vector.shape_cast %slice3A_85 : vector<5120x128xf32> to vector<256x20x128xf32>
    %add3A_87 = arith.addf %convert_element_type3A_82, %reshape3A_86 : vector<256x20x128xf32>
    %cos3A = math.cos %get3A_1 : vector<1x100xf32>
    %get3A_88 = arith.constant 0 : index
    %get3A_89 = arith.constant 0 : index
    %get3A_90 = vector.load %arg9[%get3A_88, %get3A_89] : memref<100x128xf32, #tpu.memory_space<vmem>>, vector<100x128xf32>
    %dot_general3A_91 = arith.constant dense<0.000000e+00> : vector<1x128xf32>
    %dot_general3A_92 = tpu.matmul %cos3A, %get3A_90, %dot_general3A_91 {dimension_numbers = #tpu.dot_dimension_numbers<[1], [0], [0], [1], [0, 0, 1, 1], [], []>, transpose_lhs_hint = false} : vector<1x100xf32>, vector<100x128xf32>, vector<1x128xf32> -> vector<1x128xf32>
    %get3A_93 = arith.constant 0 : index
    %get3A_94 = arith.constant 0 : index
    %get3A_95 = vector.load %arg4[%get3A_93, %get3A_94] : memref<256x256xf32, #tpu.memory_space<vmem>>, vector<256x128xf32>
    %add3A_96 = vector.broadcast %dot_general3A_92 : vector<1x128xf32> to vector<256x128xf32>
    %add3A_97 = arith.addf %get3A_95, %add3A_96 : vector<256x128xf32>
    %broadcast_in_dim3A = vector.shape_cast %add3A_97 : vector<256x128xf32> to vector<256x1x128xf32>
    %mul3A_98 = vector.broadcast %broadcast_in_dim3A : vector<256x1x128xf32> to vector<256x20x128xf32>
    %mul3A_99 = arith.mulf %mul3A_98, %add3A_84 : vector<256x20x128xf32>
    %reduce_sum3A = arith.constant dense<0.000000e+00> : vector<256x20xf32>
    %reduce_sum3A_100 = vector.multi_reduction <add>, %mul3A_99, %reduce_sum3A [2] : vector<256x20x128xf32> to vector<256x20xf32>
    %mul3A_101 = arith.constant 0.0883883461 : f32
    %mul3A_102 = vector.broadcast %mul3A_101 : f32 to vector<256x20xf32>
    %mul3A_103 = arith.mulf %reduce_sum3A_100, %mul3A_102 : vector<256x20xf32>
    %reduce_max3A = arith.constant dense<0xFF800000> : vector<256xf32>
    %reduce_max3A_104 = vector.multi_reduction <maximumf>, %mul3A_103, %reduce_max3A [1] : vector<256x20xf32> to vector<256xf32>
    %broadcast_in_dim3A_105 = vector.shape_cast %reduce_max3A_104 : vector<256xf32> to vector<256x1xf32>
    %sub3A_106 = vector.broadcast %broadcast_in_dim3A_105 : vector<256x1xf32> to vector<256x20xf32>
    %sub3A_107 = arith.subf %mul3A_103, %sub3A_106 : vector<256x20xf32>
    %mul3A_108 = arith.constant 1.44269502 : f32
    %mul3A_109 = vector.broadcast %mul3A_108 : f32 to vector<256x20xf32>
    %mul3A_110 = arith.mulf %sub3A_107, %mul3A_109 : vector<256x20xf32>
    %exp23A = math.exp2 %mul3A_110 : vector<256x20xf32>
    %reduce_sum3A_111 = arith.constant dense<0.000000e+00> : vector<256xf32>
    %reduce_sum3A_112 = vector.multi_reduction <add>, %exp23A, %reduce_sum3A_111 [1] : vector<256x20xf32> to vector<256xf32>
    %broadcast_in_dim3A_113 = vector.shape_cast %reduce_sum3A_112 : vector<256xf32> to vector<256x1xf32>
    %div3A = vector.broadcast %broadcast_in_dim3A_113 : vector<256x1xf32> to vector<256x20xf32>
    %div3A_114 = arith.divf %exp23A, %div3A : vector<256x20xf32>
    %broadcast_in_dim3A_115 = vector.shape_cast %div3A_114 : vector<256x20xf32> to vector<256x20x1xf32>
    %mul3A_116 = vector.broadcast %broadcast_in_dim3A_115 : vector<256x20x1xf32> to vector<256x20x128xf32>
    %mul3A_117 = arith.mulf %mul3A_116, %add3A_87 : vector<256x20x128xf32>
    %reduce_sum3A_118 = arith.constant dense<0.000000e+00> : vector<256x128xf32>
    %reduce_sum3A_119 = vector.multi_reduction <add>, %mul3A_117, %reduce_sum3A_118 [1] : vector<256x20x128xf32> to vector<256x128xf32>
    %get3A_120 = arith.constant 0 : index
    %get3A_121 = arith.constant 0 : index
    %get3A_122 = vector.load %arg10[%get3A_120, %get3A_121] : memref<128x128xf32, #tpu.memory_space<vmem>>, vector<128x128xf32>
    %dot_general3A_123 = arith.constant dense<0.000000e+00> : vector<256x128xf32>
    %dot_general3A_124 = tpu.matmul %reduce_sum3A_119, %get3A_122, %dot_general3A_123 {dimension_numbers = #tpu.dot_dimension_numbers<[1], [0], [0], [1], [0, 0, 1, 1], [], []>, transpose_lhs_hint = false} : vector<256x128xf32>, vector<128x128xf32>, vector<256x128xf32> -> vector<256x128xf32>
    %get3A_125 = arith.constant 0 : index
    %get3A_126 = arith.constant 128 : index
    %get3A_127 = vector.load %arg4[%get3A_125, %get3A_126] : memref<256x256xf32, #tpu.memory_space<vmem>>, vector<256x128xf32>
    %add3A_128 = arith.addf %dot_general3A_124, %get3A_127 : vector<256x128xf32>
    %get3A_129 = arith.constant 0 : index
    %get3A_130 = arith.constant 0 : index
    %get3A_131 = vector.load %arg11[%get3A_129, %get3A_130] : memref<1x128xf32, #tpu.memory_space<vmem>>, vector<1x128xf32>
    %get3A_132 = vector.shape_cast %get3A_131 : vector<1x128xf32> to vector<128xf32>
    %broadcast_in_dim3A_133 = vector.shape_cast %get3A_132 : vector<128xf32> to vector<1x128xf32>
    %add3A_134 = vector.broadcast %broadcast_in_dim3A_133 : vector<1x128xf32> to vector<256x128xf32>
    %add3A_135 = arith.addf %add3A_128, %add3A_134 : vector<256x128xf32>
    %max3A = arith.constant 0.000000e+00 : f32
    %max3A_136 = vector.broadcast %max3A : f32 to vector<256x128xf32>
    %max3A_137 = arith.maximumf %add3A_135, %max3A_136 : vector<256x128xf32>
    %get3A_138 = arith.constant 0 : index
    %get3A_139 = arith.constant 0 : index
    %get3A_140 = vector.load %arg12[%get3A_138, %get3A_139] : memref<128x128xf32, #tpu.memory_space<vmem>>, vector<128x128xf32>
    %dot_general3A_141 = arith.constant dense<0.000000e+00> : vector<256x128xf32>
    %dot_general3A_142 = tpu.matmul %max3A_137, %get3A_140, %dot_general3A_141 {dimension_numbers = #tpu.dot_dimension_numbers<[1], [0], [0], [1], [0, 0, 1, 1], [], []>, transpose_lhs_hint = false} : vector<256x128xf32>, vector<128x128xf32>, vector<256x128xf32> -> vector<256x128xf32>
    %get3A_143 = arith.constant 0 : index
    %get3A_144 = arith.constant 0 : index
    %get3A_145 = vector.load %arg13[%get3A_143, %get3A_144] : memref<1x128xf32, #tpu.memory_space<vmem>>, vector<1x128xf32>
    %get3A_146 = vector.shape_cast %get3A_145 : vector<1x128xf32> to vector<128xf32>
    %broadcast_in_dim3A_147 = vector.shape_cast %get3A_146 : vector<128xf32> to vector<1x128xf32>
    %add3A_148 = vector.broadcast %broadcast_in_dim3A_147 : vector<1x128xf32> to vector<256x128xf32>
    %add3A_149 = arith.addf %dot_general3A_142, %add3A_148 : vector<256x128xf32>
    %swap3A = arith.constant 0 : index
    %swap3A_150 = arith.constant 0 : index
    %swap3A_151 = vector.load %arg14[%swap3A, %swap3A_150] : memref<256x128xf32, #tpu.memory_space<vmem>>, vector<256x128xf32>
    tpu.vector_store %arg14[%swap3A, %swap3A_150], %add3A_149 {strides = array<i32>} : memref<256x128xf32, #tpu.memory_space<vmem>>, vector<256x128xf32>,
    return
  }
  func.func @transform_0(%arg0: i32) -> (i32, i32, i32) {
    %c0_i32 = arith.constant 0 : i32
    %c0_i32_0 = arith.constant 0 : i32
    %c0_i32_1 = arith.constant 0 : i32
    return %arg0, %c0_i32, %c0_i32_0 : i32, i32, i32
  }
  func.func @transform_1(%arg0: i32) -> (i32, i32, i32) {
    %c0_i32 = arith.constant 0 : i32
    %c0_i32_0 = arith.constant 0 : i32
    %c0_i32_1 = arith.constant 0 : i32
    return %arg0, %c0_i32, %c0_i32_0 : i32, i32, i32
  }
  func.func @transform_2(%arg0: i32) -> (i32, i32) {
    %c0_i32 = arith.constant 0 : i32
    %c0_i32_0 = arith.constant 0 : i32
    return %arg0, %c0_i32 : i32, i32
  }
  func.func @transform_3(%arg0: i32) -> (i32, i32) {
    %c0_i32 = arith.constant 0 : i32
    %c0_i32_0 = arith.constant 0 : i32
    return %arg0, %c0_i32 : i32, i32
  }
  func.func @transform_4(%arg0: i32) -> (i32, i32) {
    %c0_i32 = arith.constant 0 : i32
    %c0_i32_0 = arith.constant 0 : i32
    %c0_i32_1 = arith.constant 0 : i32
    return %c0_i32, %c0_i32_0 : i32, i32
  }
  func.func @transform_5(%arg0: i32) -> (i32, i32) {
    %c0_i32 = arith.constant 0 : i32
    %c0_i32_0 = arith.constant 0 : i32
    %c0_i32_1 = arith.constant 0 : i32
    return %c0_i32, %c0_i32_0 : i32, i32
  }
  func.func @transform_6(%arg0: i32) -> (i32, i32) {
    %c0_i32 = arith.constant 0 : i32
    %c0_i32_0 = arith.constant 0 : i32
    %c0_i32_1 = arith.constant 0 : i32
    return %c0_i32, %c0_i32_0 : i32, i32
  }
  func.func @transform_7(%arg0: i32) -> (i32, i32) {
    %c0_i32 = arith.constant 0 : i32
    %c0_i32_0 = arith.constant 0 : i32
    %c0_i32_1 = arith.constant 0 : i32
    return %c0_i32, %c0_i32_0 : i32, i32
  }
  func.func @transform_8(%arg0: i32) -> (i32, i32) {
    %c0_i32 = arith.constant 0 : i32
    %c0_i32_0 = arith.constant 0 : i32
    %c0_i32_1 = arith.constant 0 : i32
    return %c0_i32, %c0_i32_0 : i32, i32
  }
  func.func @transform_9(%arg0: i32) -> (i32, i32) {
    %c0_i32 = arith.constant 0 : i32
    %c0_i32_0 = arith.constant 0 : i32
    %c0_i32_1 = arith.constant 0 : i32
    return %c0_i32, %c0_i32_0 : i32, i32
  }
  func.func @transform_10(%arg0: i32) -> (i32, i32) {
    %c0_i32 = arith.constant 0 : i32
    %c0_i32_0 = arith.constant 0 : i32
    %c0_i32_1 = arith.constant 0 : i32
    return %c0_i32, %c0_i32_0 : i32, i32
  }
  func.func @transform_11(%arg0: i32) -> (i32, i32) {
    %c0_i32 = arith.constant 0 : i32
    %c0_i32_0 = arith.constant 0 : i32
    %c0_i32_1 = arith.constant 0 : i32
    return %c0_i32, %c0_i32_0 : i32, i32
  }
  func.func @transform_12(%arg0: i32) -> (i32, i32) {
    %c0_i32 = arith.constant 0 : i32
    %c0_i32_0 = arith.constant 0 : i32
    %c0_i32_1 = arith.constant 0 : i32
    return %c0_i32, %c0_i32_0 : i32, i32
  }
  func.func @transform_13(%arg0: i32) -> (i32, i32) {
    %c0_i32 = arith.constant 0 : i32
    %c0_i32_0 = arith.constant 0 : i32
    return %arg0, %c0_i32 : i32, i32
  }
}

</mosaic_0001>

<sc_bundles>
// kernel: kernel.10.cloned.1.call-start
scs
__scs_entry_jumppad:
0x0: {  	(pc) =	sbr.rel $0x88, $3  }
0x1: {  	(tag) =	ssettag $0x0;
	lr =	simm.s32 $0x1  }
0x2: {  	[smem:$0x3F90] =	sst lr;
	_ =	strace $0xD0000000  }
0x3: {  	_ = 	snop  }
0x4: {  	_ = 	snop  }
0x5: {  	_ = 	snop  }
0x6: {  	_ = 	snop  }
0x7: {  	_ = 	snop  }
__scs_overlays_trampoline_lowered:
0x8: {  	[smem:$0x3F9F] =	sst s0  }
0x9: {  	[smem:$0x3FA0] =	sst s1  }
0xa: {  	[smem:$0x3FA1] =	sst s2  }
0xb: {  	[smem:$0x3FA2] =	sst s3  }
0xc: {  	[smem:$0x3FA3] =	sst s4  }
0xd: {  	[smem:$0x3FA4] =	sst s5  }
0xe: {  	[smem:$0x3FA5] =	sst s6  }
0xf: {  	[smem:$0x3FA6] =	sst s7  }
0x10: {  	[smem:$0x3FA7] =	sst s8  }
0x11: {  	[smem:$0x3FA8] =	sst s9;
	s0 =	simm.s32 @!p0 $0x0  }
0x12: {  	s1 =	sld [smem:$0x3F8E];
	s0 =	simm.s32 @p0 $0x1  }
0x13: {  	[smem:$0x3FA9] =	sst s0;
	s0 =	simm.s32 @!p1 $0x0  }
0x14: {  	s2 =	sld [smem:$0x3F8D];
	s0 =	simm.s32 @p1 $0x1  }
0x15: {  	[smem:$0x3FAA] =	sst s0;
	s0 =	simm.s32 @!p2 $0x0  }
0x16: {  	s3 =	sld [smem:$0x3FDB];
	s0 =	simm.s32 @p2 $0x1  }
0x17: {  	s4 =	simm.s32 $0x1BF5;
	[smem:$0x3FAC] =	sst s0  }
0x18: {  	s0 =	sld [smem:$0x3F8F];
	_ =	swait.ge [sflag:s4], $0x0  }
0x19: {  	s7 =	sld [smem:$0x3F90]  }
0x1a: {  	s8 =	sadd.s32 $0xFFFFE003, lr  }
0x1b: {  	s9 =	sadd.s32 $0xFFFFFEF7, lr;
	s5 =	simm.s32 $0xFFFFFFFF;
	p2 =	slt.u32 s8, $0xFFFFF086  }
0x1c: {  	p1 =	slt.u32 s9, $0xF7A;
	s5 =	simm.s32 @!p2 $0x0  }
0x1d: {  	s5 =	simm.s32 @p1 $0x1;
	p0 =	seq.s32 s7, s2  }
0x1e: {  	s7 =	smul.u32 @!p0 $0xF7A, s2;
	p2 =	seq.s32 @!p0 s5, $0x0  }
0x1f: {  	s9 =	smul.u32 $0xF7A, s1;
	s8 =	simm.s32 @!p0 $0x1BF5;
	p2 =	por !p2, p0  }
0x20: {  	[sflag:s8] =	ssyncset.s32 @!p0 $0xFFFFF086;
	s6 =	sadd.s32 @!p0 s3, s7;
	s7 =	simm.s32 @!p0 $0x108  }
0x21: {  	s3 =	sadd.s32 s3, s9;
	s6 =	sadd.s32 @!p0 $0x88, s6;
	s7 =	simm.s32 @p2 $0x1082  }
0x22: {  	[simem:s7], [sflag:s8] =	dma.local @!p0 [hbm:s6], $0xF7A  }
0x23: {  	s9 =	sor.u32 $0xD0000000, s2;
	s6 =	simm.s32 $0x108;
	_ =	swait.ge @!p0 [sflag:s8], $0x0  }
0x24: {  	s3 =	sadd.s32 $0x88, s3;
	s6 =	simm.s32 @!p1 $0x1082;
	[sflag:s4] =	ssyncset.s32 $0xFFFFF086  }
0x25: {  	[simem:s6], [sflag:s4] =	dma.local [hbm:s3], $0xF7A  }
0x26: {  	[smem:$0x3F90] =	sst s1;
	(tag) =	ssettag s2;
	_ =	strace s9  }
0x27: {  	s1 =	sld [smem:$0x3FA0]  }
0x28: {  	s2 =	sld [smem:$0x3FA1]  }
0x29: {  	s4 =	sld [smem:$0x3FA3]  }
0x2a: {  	p0 =	seq.s32 s5, $0x0;
	s5 =	sld [smem:$0x3FA4]  }
0x2b: {  	s6 =	sld [smem:$0x3FA5]  }
0x2c: {  	s7 =	sld [smem:$0x3FA6]  }
0x2d: {  	s3 =	simm.s32 $0x108;
	s8 =	sld [smem:$0x3FA7]  }
0x2e: {  	s3 =	simm.s32 @!p0 $0x1082;
	s9 =	sld [smem:$0x3FA8]  }
0x2f: {  	lr =	sadd.s32 s0, s3;
	s0 =	sld [smem:$0x3F9F]  }
0x30: {  	s3 =	sld [smem:$0x3FA2]  }
0x31: {  	[smem:$0x3FAB] =	sst s10  }
0x32: {  	s10 =	sld [smem:$0x3FA9];
	_ =	sdelay $0x3  }
0x33: {  	p0 =	seq.s32 s10, $0x1;
	s10 =	sld [smem:$0x3FAB];
	_ =	sdelay $0x3  }
0x34: {  	[smem:$0x3FAB] =	sst s10  }
0x35: {  	s10 =	sld [smem:$0x3FAA];
	_ =	sdelay $0x3  }
0x36: {  	p1 =	seq.s32 s10, $0x1;
	s10 =	sld [smem:$0x3FAB];
	_ =	sdelay $0x3  }
0x37: {  	[smem:$0x3FAB] =	sst s10  }
0x38: {  	s10 =	sld [smem:$0x3FAC]  }
0x39: {  	_ = 	snop;
	(pc) =	sbr.ind lr, $3  }
0x3a: {  	_ = 	snop  }
0x3b: {  	_ = 	snop  }
0x3c: {  	p2 =	seq.s32 s10, $0x1;
	s10 =	sld [smem:$0x3FAB]  }
0x3d: {  	_ =	shalt  }
0x3e: {  	_ =	shalt  }
0x3f: {  	_ =	shalt  }
0x40: {  	_ =	shalt  }
0x41: {  	_ =	shalt  }
0x42: {  	_ =	shalt  }
0x43: {  	_ =	shalt  }
0x44: {  	_ =	shalt  }
0x45: {  	_ =	shalt  }
0x46: {  	_ =	shalt  }
0x47: {  	_ =	shalt  }
0x48: {  	_ =	shalt  }
0x49: {  	_ =	shalt  }
0x4a: {  	_ =	shalt  }
0x4b: {  	_ =	shalt  }
0x4c: {  	_ =	shalt  }
0x4d: {  	_ =	shalt  }
0x4e: {  	_ =	shalt  }
0x4f: {  	_ =	shalt  }
0x50: {  	_ =	shalt  }
0x51: {  	_ =	shalt  }
0x52: {  	_ =	shalt  }
0x53: {  	_ =	shalt  }
0x54: {  	_ =	shalt  }
0x55: {  	_ =	shalt  }
0x56: {  	_ =	shalt  }
0x57: {  	_ =	shalt  }
0x58: {  	_ =	shalt  }
0x59: {  	_ =	shalt  }
0x5a: {  	_ =	shalt  }
0x5b: {  	_ =	shalt  }
0x5c: {  	_ =	shalt  }
0x5d: {  	_ =	shalt  }
0x5e: {  	_ =	shalt  }
0x5f: {  	_ =	shalt  }
0x60: {  	_ =	shalt  }
0x61: {  	_ =	shalt  }
0x62: {  	_ =	shalt  }
0x63: {  	_ =	shalt  }
0x64: {  	_ =	shalt  }
0x65: {  	_ =	shalt  }
0x66: {  	_ =	shalt  }
0x67: {  	_ =	shalt  }
0x68: {  	_ =	shalt  }
0x69: {  	_ =	shalt  }
0x6a: {  	_ =	shalt  }
0x6b: {  	_ =	shalt  }
0x6c: {  	_ =	shalt  }
0x6d: {  	_ =	shalt  }
0x6e: {  	_ =	shalt  }
0x6f: {  	_ =	shalt  }
0x70: {  	_ =	shalt  }
0x71: {  	_ =	shalt  }
0x72: {  	_ =	shalt  }
0x73: {  	_ =	shalt  }
0x74: {  	_ =	shalt  }
0x75: {  	_ =	shalt  }
0x76: {  	_ =	shalt  }
0x77: {  	_ =	shalt  }
0x78: {  	_ =	shalt  }
0x79: {  	_ =	shalt  }
0x7a: {  	_ =	shalt  }
0x7b: {  	_ =	shalt  }
0x7c: {  	_ =	shalt  }
0x7d: {  	_ =	shalt  }
0x7e: {  	_ =	shalt  }
0x7f: {  	_ =	shalt  }
0x80: {  	_ =	shalt  }
0x81: {  	_ =	shalt  }
0x82: {  	_ =	shalt  }
0x83: {  	_ =	shalt  }
0x84: {  	_ =	shalt  }
0x85: {  	_ =	shalt  }
0x86: {  	_ =	shalt  }
0x87: {  	_ =	shalt  }
.Lfunc_end0:
.L_simem_size_0:
called_computation.1_lowered:
.L_overlay_start_0:
0x88: {  	s2 =	sld [smem:$0x3FD9]  }
0x89: {  	s3 =	sld [smem:$0x3FFE];
	_ =	sdelay $0x1  }
0x8a: {  	s1 =	srdreg.scid  }
0x8b: {  	s0 =	sand.u32 $0x1, s1  }
0x8c: {  	s14 =	sshll.u32 s0, $0xA;
	s2 =	sadd.s32 s3, s2  }
0x8d: {  	s2 =	sadd.s32 s2, s14  }
0x8e: {  	[smem:$0x3FB7] =	sst s2  }
0x8f: {  	_ = 	snop  }
0x90: {  	s2 =	sld [smem:$0x3FD0];
	_ =	sdelay $0x2  }
0x91: {  	s4 =	simm.s32 $0xB;
	s5 =	simm.s32 $0x10;
	s15 =	sld [smem:$0x3FC8]  }
0x92: {  	[smem:s5], [sflag:s4] =	dma.local [hbm:s2], $0x1  }
0x93: {  	_ =	swait.eq [sflag:s4], $0x1  }
0x94: {  	[sflag:s4] =	ssyncset.done $0x0  }
0x95: {  	[sflag:s4] =	ssyncadd.s32 $0xFFFFFFFF  }
0x96: {  	s16 =	sld [smem:$0x10];
	(tm) =	ssettm $0x1  }
0x97: {  	s17 =	sld [smem:$0x3FFB];
	_ =	sdelay $0x3  }
0x98: {  	_ =	strace s17  }
0x99: {  	s4 =	sld [smem:$0x3FFC];
	_ =	sdelay $0x3  }
0x9a: {  	_ =	strace s4  }
0x9b: {  	s4 =	sld [smem:$0x3FFD];
	_ =	sdelay $0x3  }
0x9c: {  	_ =	strace s4  }
0x9d: {  	_ =	strace $0x8FFFFFFF  }
0x9e: {  	s18 =	sld [smem:$0x3FDB];
	_ =	sdelay $0x1  }
0x9f: {  	s19 =	simm.s32 $_scs_section_size  }
0xa0: {  	s6 =	simm.s32 $_size__tile_overlayer_lowered;
	s7 =	simm.s32 $_tile_overlayer_lowered  }
0xa1: {  	s22 =	simm.s32 $0x1BFF;
	s21 =	sshll.u32 s7, $0x1;
	s4 =	sadd.s32 s19, s18  }
0xa2: {  	s8 =	simm.s32 $0x0;
	s20 =	sshll.u32 s6, $0x1;
	s6 =	sadd.s32 s21, s4  }
0xa3: {  	[timem:s8], [sflag:s22] =	dma.local [hbm:s6], s20  }
0xa4: {  	_ =	swait.ge [sflag:s22], s20  }
0xa5: {  	s5 =	ssub.s32 $0x0, s20;
	[sflag:s22] =	ssyncset.done $0x0  }
0xa6: {  	[sflag:s22] =	ssyncadd.s32 s5;
	_ =	sdelay $0x1  }
0xa7: {  	s23 =	simm.s32 $0x1B8B  }
0xa8: {  	_ =	swait.ge [sflag:s23], $0x1  }
0xa9: {  	[sflag:s23] =	ssyncset.done $0x0  }
0xaa: {  	s25 =	simm.s32 $0x1B8E;
	s24 =	sld [smem:$0x3FFE];
	[sflag:s23] =	ssyncadd.s32 $0xFFFFFFFF  }
0xab: {  	s26 =	simm.s32 $execute0_lowered;
	[smem:$0x3FD2] =	sst s25  }
0xac: {  	s6 =	sshll.u32 s26, $0x1;
	_ =	strace $0x80000046;
	[dreg:$0x1] =	wrdreg $0xFFFFFFFF  }
0xad: {  	s28 =	simm.s32 $_size_execute0_lowered;
	s4 =	sadd.s32 s4, s6;
	[dreg:$0x0] =	wrdreg $0x0  }
0xae: {  	s6 =	sshll.u32 s28, $0x1;
	[dreg:$0x2] =	wrdreg s4  }
0xaf: {  	[dreg:$0x3] =	wrdreg s6  }
0xb0: {  	[dreg:$0x4] =	wrdreg $0xC0  }
0xb1: {  	_ =	task [dreg:s8], $0x5FFFF  }
0xb2: {  	[dreg:$0x1] =	wrdreg $0xFFFFFFFF  }
0xb3: {  	[dreg:$0x0] =	wrdreg $0x60  }
0xb4: {  	[dreg:$0x2] =	wrdreg s15  }
0xb5: {  	[dreg:$0x3] =	wrdreg s24  }
0xb6: {  	[dreg:$0x4] =	wrdreg s16  }
0xb7: {  	[dreg:$0x5] =	wrdreg $0xA  }
0xb8: {  	_ =	task.clear_ibuf [dreg:s8], $0x6FFFF;
	_ =	strace $0x90000046  }
0xb9: {  	s29 =	simm.s32 $0xA;
	_ =	strace $0x80000048  }
0xba: {  	_ =	swait.ge [sflag:s29], $0x1  }
0xbb: {  	[sflag:s29] =	ssyncadd.s32 $0xFFFFFFFF  }
0xbc: {  	_ =	strace $0x90000048  }
0xbd: {  	_ =	sfence  }
0xbe: {  	s30 =	sld [smem:$0x0];
	_ =	sdelay $0x2  }
0xbf: {  	s31 =	sshll.u32 s1, $0xD;
	s1 =	sshrl.u32 s1, $0x2  }
0xc0: {  	s3 =	sand.u32 $0x4000, s31;
	s1 =	sadd.s32 s1, s30  }
0xc1: {  	s0 =	sor.u32 s3, s0;
	s1 =	sshll.u32 s1, $0x11  }
0xc2: {  	s0 =	sor.u32 s1, s0  }
0xc3: {  	s0 =	sadd.s32 $0x8F2B, s0  }
0xc4: {  	[sflag:s0] =	ssyncadd.remote.s32 $0x1  }
0xc5: {  	_ =	sfence.sel $0xFFFF  }
0xc6: {  	[dreg:$0x0] =	wrdreg $0xFFFFFFFF;
	(pc) =	sbr.abs _section_cstart, $3  }
0xc7: {  	[dreg:$0x1] =	wrdreg $0xFFFFFFFF  }
0xc8: {  	_ =	task.clear_ibuf [dreg:s8], $0x2FFFF;
	_ =	strace $0x9FFFFFFF  }
0xc9: {  	(tm) =	ssettm $0x7FFFFFFF  }
tec
execute0_lowered:
.L_overlay_start_1:
0x0: {  	(tag) =	ssettag $0x1  }
0x1: {  	s0 =	rddreg [dreg:$0x0]  }
0x2: {  	s3 =	rddreg [dreg:$0x1]  }
0x3: {  	s5 =	rddreg [dreg:$0x2];
	s1 =	simm.s32 $0x0;
	s7 =	srdreg.scid  }
0x4: {  	s14 =	stileid.u32;
	s15 =	simm.s32 $0x120;
	s16 =	simm.s32 $0x180  }
0x5: {  	s17 =	simm.s32 $0x1A0;
	s18 =	simm.s32 $0x200;
	s19 =	simm.s32 $0x220  }
0x6: {  	[smem:$0x7FF] =	sst s1;
	s2 =	sadd.s32 $0xA3C00, s3;
	s4 =	sadd.s32 $0x2E800, s3  }
0x7: {  	s9 =	sshll.u32 s14, $0xE;
	s11 =	smul.u32 $0x180000, s14;
	s21 =	sshll.u32 s14, $0x9  }
0x8: {  	s23 =	sshll.u32 s14, $0xD;
	_ =	strace $0x80000047;
	[dreg:$0x4] =	wrdreg s2  }
0x9: {  	s28 =	smul.u32 $0x30000, s14;
	s14 =	simm.s32 $0x100;
	[dreg:$0x5] =	wrdreg s4  }
0xa: {  	s31 =	simm.s32 $0x2;
	s6 =	sadd.s32 $0x10AE00, s3;
	[dreg:$0xc] =	wrdreg s14  }
0xb: {  	s8 =	sadd.s32 $0x9F2800, s3;
	s7 =	sand.u32 $0x1, s7;
	[dreg:$0xd] =	wrdreg s15  }
0xc: {  	s2 =	sadd.s32 $0x7600, s3;
	s4 =	sadd.s32 $0x510800, s3;
	[dreg:$0xe] =	wrdreg s16  }
0xd: {  	s10 =	ssub.s32 $0x2, s7;
	s3 =	sadd.s32 s9, s3;
	[dreg:$0xf] =	wrdreg s17  }
0xe: {  	s12 =	smul.u32 $0xC0000, s7;
	s22 =	sshll.u32 s7, $0xD;
	[dreg:$0x10] =	wrdreg s18  }
0xf: {  	s24 =	sadd.s32 s23, s5;
	[dreg:$0x11] =	wrdreg s19;
	s23 =	simm.s32 $0x320  }
0x10: {  	s3 =	sadd.s32 s22, s3;
	s22 =	simm.s32 $0x300;
	[dreg:$0x15] =	wrdreg s23  }
0x11: {  	s20 =	sshrl.u32 s10, $0x1;
	s3 =	sadd.s32 $0xCAE00, s3;
	[dreg:$0x14] =	wrdreg s22  }
0x12: {  	s11 =	sadd.s32 s12, s11;
	s12 =	simm.s32 $0x8;
	[dreg:$0x1b] =	wrdreg s3  }
0x13: {  	s9 =	ssub.s32 s10, s20;
	s20 =	simm.s32 $0x280;
	[dreg:$0xa] =	wrdreg s12  }
0x14: {  	s26 =	sshll.u32 s7, $0xC;
	s9 =	smax.u32 s9, $0x1;
	[dreg:$0x12] =	wrdreg s20  }
0x15: {  	s29 =	simm.s32 $0x4880;
	s3 =	sadd.s32 s26, s24;
	[dreg:$0x1a] =	wrdreg s9  }
0x16: {  	s13 =	sshll.u32 s7, $0x8;
	s24 =	simm.s32 $0x380;
	[dreg:$0x1c] =	wrdreg s3  }
0x17: {  	s11 =	sor.u32 $0x3000, s11;
	s26 =	simm.s32 $0x400;
	[dreg:$0x16] =	wrdreg s24  }
0x18: {  	s9 =	sor.u32 s13, s21;
	s13 =	simm.s32 $0xA0;
	[dreg:$0x18] =	wrdreg s26  }
0x19: {  	s25 =	sshrl.u32 s11, $0x3;
	s21 =	simm.s32 $0x2A0;
	[dreg:$0xb] =	wrdreg s13  }
0x1a: {  	s30 =	simm.s32 $0xA880;
	s11 =	sadd.s32 s25, s8;
	[dreg:$0x13] =	wrdreg s21  }
0x1b: {  	s7 =	smul.u32 $0x18000, s7;
	s5 =	sadd.s32 s25, s6;
	[dreg:$0x6] =	wrdreg s11  }
0x1c: {  	s10 =	sadd.s32 s28, s8;
	s25 =	simm.s32 $0x3A0;
	[dreg:$0x7] =	wrdreg s5  }
0x1d: {  	s6 =	sadd.s32 s28, s6;
	s28 =	simm.s32 $0x420;
	[dreg:$0x17] =	wrdreg s25  }
0x1e: {  	s13 =	simm.s32 $0x14;
	s3 =	sadd.s32 s7, s6;
	[dreg:$0x19] =	wrdreg s28  }
0x1f: {  	v0 =	vlaneseq.u32;
	s5 =	sshrl.u32 s9, $0x3;
	s11 =	sadd.s32 s7, s10;
	[dreg:$0x8] =	wrdreg s3  }
0x20: {  	v1 =	vshrl.u32 v0, $0x3;
	s6 =	simm.s32 $0x480;
	s0 =	sadd.s32 s5, s0;
	[dreg:$0x9] =	wrdreg s11  }
0x21: {  	vm0 =	vmmov $0xffff;
	v0 =	vand.u32 $0x7, v0;
	v1 =	vmul.u32 $0x8, v1;
	s7 =	simm.s32 $0x0;
	[dreg:$0x1d] =	wrdreg s0;
	s0 =	simm.s32 $0x3  }
.LBB2_1:
0x22: {  	p0 =	por $0x1, $0x1  }
0x23: {  	p0 =	por p0, p0  }
0x24: {  	[dreg:$0x1e] =	wrdreg s7;
	s3 =	simm.s32 @!p0 $0x4  }
0x25: {  	_ =	swait.ge @!p0 [sflag:s3], $0x2800  }
0x26: {  	[sflag:s3] =	ssyncset.done @!p0 $0x0  }
0x27: {  	[sflag:s3] =	ssyncadd.s32 @!p0 $0xFFFFD800  }
0x28: {  	_ =	swait.ge @!p0 [sflag:s3], $0x2800  }
0x29: {  	[sflag:s3] =	ssyncset.done @!p0 $0x0  }
0x2a: {  	[sflag:s3] =	ssyncadd.s32 @!p0 $0xFFFFD800;
	s3 =	simm.s32 @!p0 $0x5  }
0x2b: {  	_ =	swait.ge @!p0 [sflag:s3], $0x2800  }
0x2c: {  	[sflag:s3] =	ssyncset.done @!p0 $0x0  }
0x2d: {  	[sflag:s3] =	ssyncadd.s32 @!p0 $0xFFFFD800  }
0x2e: {  	_ =	swait.ge @!p0 [sflag:s3], $0x2800  }
0x2f: {  	[sflag:s3] =	ssyncset.done @!p0 $0x0  }
0x30: {  	[sflag:s3] =	ssyncadd.s32 @!p0 $0xFFFFD800  }
0x31: {  	_ =	swait.ge @!p0 [sflag:s3], $0x400  }
0x32: {  	[sflag:s3] =	ssyncset.done @!p0 $0x0  }
0x33: {  	[sflag:s3] =	ssyncadd.s32 @!p0 $0xFFFFFC00  }
0x34: {  	_ =	swait.ge @!p0 [sflag:s3], $0x800  }
0x35: {  	[sflag:s3] =	ssyncset.done @!p0 $0x0  }
0x36: {  	s26 =	simm.s32 $0x6;
	s15 =	rddreg [dreg:$0x1d];
	[sflag:s3] =	ssyncadd.s32 @!p0 $0xFFFFF800  }
0x37: {  	[tilespmem:s1], [sflag:$0x6] =	stream.linear.gather [hbm4b:s15+s1], $0x8, $0x38;
	[tilespmem:$0xCC80] =	vst v63  }
0x38: {  	_ =	swait.ge [sflag:s26], $0x8  }
0x39: {  	s28 =	rddreg [dreg:$0x4];
	[sflag:s26] =	ssyncset.done $0x0  }
0x3a: {  	s8 =	simm.s32 $0x80;
	s5 =	rddreg [dreg:$0xa];
	[sflag:s26] =	ssyncadd.s32 $0xFFFFFFF8  }
0x3b: {  	[tilespmem:s8], [sflag:$0x1] =	stream.indirect.gather [hbm4b:s28+s5], $0x80, s1, s5, $0xb8;
	[tilespmem:$0xCC80] =	vst v63  }
0x3c: {  	v2 =	vld.msk [tilespmem:$0x0], $0xff;
	_ =	sdelay $0x4  }
0x3d: {  	v3 =	vshll.u32 v2, $0x1  }
0x3e: {  	v2 =	vand.u32 $0x7, v2;
	v3 =	vand.u32 $0xFFFFFFF0, v3  }
0x3f: {  	v2 =	vor.u32 v2, v3  }
0x40: {  	v2 =	vperm.xlane v2, v0;
	_ =	sdelay $0x1  }
0x41: {  	v2 =	vadd.s32 v1, v2;
	_ =	sdelay $0x3  }
0x42: {  	s10 =	simm.s32 $0x1;
	s9 =	rddreg [dreg:$0x5]  }
0x43: {  	[tilespmem:s6], [sflag:$0x1] =	stream.indirect_vreg.gather [hbm4b:s9+s1], $0x80, v2, vm0, $0xb8;
	[tilespmem:$0xCC80] =	vst v63  }
0x44: {  	_ =	swait.ge [sflag:s10], $0x400  }
0x45: {  	[sflag:s10] =	ssyncset.done $0x0  }
0x46: {  	[sflag:s10] =	ssyncadd.s32 $0xFFFFFC00  }
0x47: {  	_ =	swait.ge [sflag:s10], $0x800  }
0x48: {  	[sflag:s10] =	ssyncset.done $0x0  }
0x49: {  	s6 =	simm.s32 $0xC80;
	[sflag:s10] =	ssyncadd.s32 $0xFFFFF800  }
0x4a: {  	[tilespmem:s6], [sflag:$0x2] =	stream.indirect.gather [hbm4b:s2+s13], $0x80, s8, s13, $0xb8;
	[tilespmem:$0xCC80] =	vst v63  }
0x4b: {  	s7 =	simm.s32 $0x6C80;
	s11 =	rddreg [dreg:$0xb]  }
0x4c: {  	[tilespmem:s7], [sflag:$0x2] =	stream.indirect.gather [hbm4b:s4+s13], $0x80, s11, s13, $0xb8;
	[tilespmem:$0xCC80] =	vst v63  }
0x4d: {  	s12 =	rddreg [dreg:$0xc];
	s8 =	simm.s32 $0x1880  }
0x4e: {  	[tilespmem:s8], [sflag:$0x2] =	stream.indirect.gather [hbm4b:s2+s13], $0x80, s12, s13, $0xb8;
	[tilespmem:$0xCC80] =	vst v63  }
0x4f: {  	s14 =	rddreg [dreg:$0xd];
	s11 =	simm.s32 $0x7880  }
0x50: {  	[tilespmem:s11], [sflag:$0x2] =	stream.indirect.gather [hbm4b:s4+s13], $0x80, s14, s13, $0xb8;
	[tilespmem:$0xCC80] =	vst v63  }
0x51: {  	s16 =	rddreg [dreg:$0xe];
	s14 =	simm.s32 $0x2480  }
0x52: {  	[tilespmem:s14], [sflag:$0x2] =	stream.indirect.gather [hbm4b:s2+s13], $0x80, s16, s13, $0xb8;
	[tilespmem:$0xCC80] =	vst v63  }
0x53: {  	s17 =	rddreg [dreg:$0xf];
	s16 =	simm.s32 $0x8480  }
0x54: {  	[tilespmem:s16], [sflag:$0x2] =	stream.indirect.gather [hbm4b:s4+s13], $0x80, s17, s13, $0xb8;
	[tilespmem:$0xCC80] =	vst v63  }
0x55: {  	s18 =	rddreg [dreg:$0x10];
	s17 =	simm.s32 $0x3080  }
0x56: {  	[tilespmem:s17], [sflag:$0x2] =	stream.indirect.gather [hbm4b:s2+s13], $0x80, s18, s13, $0xb8;
	[tilespmem:$0xCC80] =	vst v63  }
0x57: {  	s19 =	rddreg [dreg:$0x11];
	s18 =	simm.s32 $0x9080  }
0x58: {  	[tilespmem:s18], [sflag:$0x2] =	stream.indirect.gather [hbm4b:s4+s13], $0x80, s19, s13, $0xb8;
	[tilespmem:$0xCC80] =	vst v63  }
0x59: {  	s20 =	rddreg [dreg:$0x12];
	s19 =	simm.s32 $0x3C80  }
0x5a: {  	[tilespmem:s19], [sflag:$0x3] =	stream.indirect.gather [hbm4b:s2+s13], $0x80, s20, s13, $0xb8;
	[tilespmem:$0xCC80] =	vst v63  }
0x5b: {  	s21 =	rddreg [dreg:$0x13];
	s20 =	simm.s32 $0x9C80  }
0x5c: {  	[tilespmem:s20], [sflag:$0x3] =	stream.indirect.gather [hbm4b:s4+s13], $0x80, s21, s13, $0xb8;
	[tilespmem:$0xCC80] =	vst v63  }
0x5d: {  	s22 =	rddreg [dreg:$0x14];
	s21 =	simm.s32 $0x4880  }
0x5e: {  	[tilespmem:s21], [sflag:$0x3] =	stream.indirect.gather [hbm4b:s2+s13], $0x80, s22, s13, $0xb8;
	[tilespmem:$0xCC80] =	vst v63  }
0x5f: {  	s23 =	rddreg [dreg:$0x15];
	s22 =	simm.s32 $0xA880  }
0x60: {  	[tilespmem:s22], [sflag:$0x3] =	stream.indirect.gather [hbm4b:s4+s13], $0x80, s23, s13, $0xb8;
	[tilespmem:$0xCC80] =	vst v63  }
0x61: {  	s9 =	simm.s32 $0x5480;
	s24 =	rddreg [dreg:$0x16]  }
0x62: {  	[tilespmem:s9], [sflag:$0x3] =	stream.indirect.gather [hbm4b:s2+s13], $0x80, s24, s13, $0xb8;
	[tilespmem:$0xCC80] =	vst v63  }
0x63: {  	s25 =	rddreg [dreg:$0x17];
	s10 =	simm.s32 $0xB480  }
0x64: {  	[tilespmem:s10], [sflag:$0x3] =	stream.indirect.gather [hbm4b:s4+s13], $0x80, s25, s13, $0xb8;
	[tilespmem:$0xCC80] =	vst v63  }
0x65: {  	s26 =	rddreg [dreg:$0x18];
	s12 =	simm.s32 $0x6080  }
0x66: {  	[tilespmem:s12], [sflag:$0x3] =	stream.indirect.gather [hbm4b:s2+s13], $0x80, s26, s13, $0xb8;
	[tilespmem:$0xCC80] =	vst v63  }
0x67: {  	s28 =	rddreg [dreg:$0x19];
	s23 =	simm.s32 $0xC080  }
0x68: {  	[tilespmem:s23], [sflag:$0x3] =	stream.indirect.gather [hbm4b:s4+s13], $0x80, s28, s13, $0xb8;
	[tilespmem:$0xCC80] =	vst v63  }
0x69: {  	_ =	swait.ge [sflag:s31], $0xA00  }
0x6a: {  	[sflag:s31] =	ssyncset.done $0x0  }
0x6b: {  	[sflag:s31] =	ssyncadd.s32 $0xFFFFF600  }
0x6c: {  	_ =	swait.ge [sflag:s31], $0xA00  }
0x6d: {  	[sflag:s31] =	ssyncset.done $0x0  }
0x6e: {  	[sflag:s31] =	ssyncadd.s32 $0xFFFFF600  }
0x6f: {  	_ =	swait.ge [sflag:s31], $0xA00  }
0x70: {  	[sflag:s31] =	ssyncset.done $0x0  }
0x71: {  	[sflag:s31] =	ssyncadd.s32 $0xFFFFF600  }
0x72: {  	_ =	swait.ge [sflag:s31], $0xA00  }
0x73: {  	[sflag:s31] =	ssyncset.done $0x0  }
0x74: {  	[sflag:s31] =	ssyncadd.s32 $0xFFFFF600  }
0x75: {  	_ =	swait.ge [sflag:s31], $0xA00  }
0x76: {  	[sflag:s31] =	ssyncset.done $0x0  }
0x77: {  	[sflag:s31] =	ssyncadd.s32 $0xFFFFF600  }
0x78: {  	_ =	swait.ge [sflag:s31], $0xA00  }
0x79: {  	[sflag:s31] =	ssyncset.done $0x0  }
0x7a: {  	[sflag:s31] =	ssyncadd.s32 $0xFFFFF600  }
0x7b: {  	_ =	swait.ge [sflag:s31], $0xA00  }
0x7c: {  	[sflag:s31] =	ssyncset.done $0x0  }
0x7d: {  	[sflag:s31] =	ssyncadd.s32 $0xFFFFF600  }
0x7e: {  	_ =	swait.ge [sflag:s31], $0xA00  }
0x7f: {  	s24 =	rddreg [dreg:$0x8];
	[sflag:s31] =	ssyncset.done $0x0  }
0x80: {  	[sflag:s31] =	ssyncadd.s32 $0xFFFFF600;
	s3 =	sadd.s32 $0x0, s24  }
0x81: {  	[hbm4b:s3+s1] =	stream.linear.scatter [tilespmem:s6], [sflag:$0x4], $0xA00, $0x38;
	[tilespmem:$0xCC80] =	vst v63  }
0x82: {  	s25 =	sadd.s32 $0x180, s3  }
0x83: {  	[hbm4b:s25+s1] =	stream.linear.scatter [tilespmem:s8], [sflag:$0x4], $0xA00, $0x38;
	[tilespmem:$0xCC80] =	vst v63  }
0x84: {  	s26 =	sadd.s32 $0x300, s3  }
0x85: {  	[hbm4b:s26+s1] =	stream.linear.scatter [tilespmem:s14], [sflag:$0x4], $0xA00, $0x38;
	[tilespmem:$0xCC80] =	vst v63  }
0x86: {  	s28 =	rddreg [dreg:$0x9];
	s3 =	sadd.s32 $0x480, s3  }
0x87: {  	[hbm4b:s3+s1] =	stream.linear.scatter [tilespmem:s17], [sflag:$0x4], $0xA00, $0x38;
	[tilespmem:$0xCC80] =	vst v63  }
0x88: {  	s8 =	sadd.s32 $0x0, s28  }
0x89: {  	[hbm4b:s8+s1] =	stream.linear.scatter [tilespmem:s7], [sflag:$0x4], $0xA00, $0x38;
	[tilespmem:$0xCC80] =	vst v63  }
0x8a: {  	s14 =	sadd.s32 $0x180, s8  }
0x8b: {  	[hbm4b:s14+s1] =	stream.linear.scatter [tilespmem:s11], [sflag:$0x4], $0xA00, $0x38;
	[tilespmem:$0xCC80] =	vst v63  }
0x8c: {  	s17 =	sadd.s32 $0x300, s8  }
0x8d: {  	[hbm4b:s17+s1] =	stream.linear.scatter [tilespmem:s16], [sflag:$0x4], $0xA00, $0x38;
	[tilespmem:$0xCC80] =	vst v63  }
0x8e: {  	s3 =	sadd.s32 $0x480, s8  }
0x8f: {  	[hbm4b:s3+s1] =	stream.linear.scatter [tilespmem:s18], [sflag:$0x4], $0xA00, $0x38;
	[tilespmem:$0xCC80] =	vst v63  }
0x90: {  	_ =	swait.ge [sflag:s0], $0xA00  }
0x91: {  	[sflag:s0] =	ssyncset.done $0x0  }
0x92: {  	[sflag:s0] =	ssyncadd.s32 $0xFFFFF600  }
0x93: {  	_ =	swait.ge [sflag:s0], $0xA00  }
0x94: {  	[sflag:s0] =	ssyncset.done $0x0  }
0x95: {  	[sflag:s0] =	ssyncadd.s32 $0xFFFFF600  }
0x96: {  	_ =	swait.ge [sflag:s0], $0xA00  }
0x97: {  	[sflag:s0] =	ssyncset.done $0x0  }
0x98: {  	[sflag:s0] =	ssyncadd.s32 $0xFFFFF600  }
0x99: {  	_ =	swait.ge [sflag:s0], $0xA00  }
0x9a: {  	[sflag:s0] =	ssyncset.done $0x0  }
0x9b: {  	[sflag:s0] =	ssyncadd.s32 $0xFFFFF600  }
0x9c: {  	_ =	swait.ge [sflag:s0], $0xA00  }
0x9d: {  	[sflag:s0] =	ssyncset.done $0x0  }
0x9e: {  	[sflag:s0] =	ssyncadd.s32 $0xFFFFF600  }
0x9f: {  	_ =	swait.ge [sflag:s0], $0xA00  }
0xa0: {  	[sflag:s0] =	ssyncset.done $0x0  }
0xa1: {  	[sflag:s0] =	ssyncadd.s32 $0xFFFFF600  }
0xa2: {  	_ =	swait.ge [sflag:s0], $0xA00  }
0xa3: {  	[sflag:s0] =	ssyncset.done $0x0  }
0xa4: {  	[sflag:s0] =	ssyncadd.s32 $0xFFFFF600  }
0xa5: {  	_ =	swait.ge [sflag:s0], $0xA00  }
0xa6: {  	s18 =	rddreg [dreg:$0x7];
	[sflag:s0] =	ssyncset.done $0x0  }
0xa7: {  	[sflag:s0] =	ssyncadd.s32 $0xFFFFF600;
	s3 =	sadd.s32 $0x0, s18  }
0xa8: {  	[hbm4b:s3+s1] =	stream.linear.scatter [tilespmem:s19], [sflag:$0x5], $0xA00, $0x38;
	[tilespmem:$0xCC80] =	vst v63  }
0xa9: {  	s19 =	sadd.s32 $0x180, s3  }
0xaa: {  	[hbm4b:s19+s1] =	stream.linear.scatter [tilespmem:s21], [sflag:$0x5], $0xA00, $0x38;
	[tilespmem:$0xCC80] =	vst v63  }
0xab: {  	s25 =	sadd.s32 $0x300, s3  }
0xac: {  	[hbm4b:s25+s1] =	stream.linear.scatter [tilespmem:s9], [sflag:$0x5], $0xA00, $0x38;
	[tilespmem:$0xCC80] =	vst v63  }
0xad: {  	s24 =	rddreg [dreg:$0x6];
	s3 =	sadd.s32 $0x480, s3  }
0xae: {  	[hbm4b:s3+s1] =	stream.linear.scatter [tilespmem:s12], [sflag:$0x5], $0xA00, $0x38;
	[tilespmem:$0xCC80] =	vst v63  }
0xaf: {  	p6 =	por $0x0, $0x0;
	s26 =	sadd.s32 $0x0, s24  }
0xb0: {  	[hbm4b:s26+s1] =	stream.linear.scatter [tilespmem:s20], [sflag:$0x5], $0xA00, $0x38;
	[tilespmem:$0xCC80] =	vst v63  }
0xb1: {  	p0 =	por p6, p6;
	s5 =	sadd.s32 $0x180, s26  }
0xb2: {  	[hbm4b:s5+s1] =	stream.linear.scatter [tilespmem:s22], [sflag:$0x5], $0xA00, $0x38;
	[tilespmem:$0xCC80] =	vst v63  }
0xb3: {  	s6 =	simm.s32 $0x1800;
	s14 =	rddreg [dreg:$0x1b];
	s28 =	sadd.s32 $0x300, s26  }
0xb4: {  	[hbm4b:s28+s1] =	stream.linear.scatter [tilespmem:s10], [sflag:$0x5], $0xA00, $0x38;
	[tilespmem:$0xCC80] =	vst v63  }
0xb5: {  	s11 =	rddreg [dreg:$0x1c];
	s7 =	sadd.s32 $0x100, s14;
	s3 =	sadd.s32 $0x480, s26  }
0xb6: {  	[hbm4b:s3+s1] =	stream.linear.scatter [tilespmem:s23], [sflag:$0x5], $0xA00, $0x38;
	[tilespmem:$0xCC80] =	vst v63  }
0xb7: {  	s8 =	sadd.s32 $0x80, s11;
	s5 =	sadd.s32 $0x1, s15;
	s3 =	simm.s32 $0xC00  }
.LBB2_2:
0xb8: {  	s10 =	simm.s32 $0x80  }
0xb9: {  	[hbm4b:s11+s1] =	stream.linear.scatter [tilespmem:s10], [sflag:$0x5], $0x400, $0x38;
	[tilespmem:$0xCC80] =	vst v63  }
0xba: {  	s16 =	simm.s32 @!p0 $0x4;
	s18 =	simm.s32 $0x480  }
0xbb: {  	[hbm4b:s14+s1] =	stream.linear.scatter [tilespmem:s18], [sflag:$0x5], $0x800, $0x38;
	[tilespmem:$0xCC80] =	vst v63  }
0xbc: {  	_ =	swait.ge @!p0 [sflag:s16], $0x2800  }
0xbd: {  	[sflag:s16] =	ssyncset.done @!p0 $0x0  }
0xbe: {  	[sflag:s16] =	ssyncadd.s32 @!p0 $0xFFFFD800  }
0xbf: {  	_ =	swait.ge @!p0 [sflag:s16], $0x2800  }
0xc0: {  	[sflag:s16] =	ssyncset.done @!p0 $0x0  }
0xc1: {  	[sflag:s16] =	ssyncadd.s32 @!p0 $0xFFFFD800;
	s16 =	simm.s32 @!p0 $0x5  }
0xc2: {  	_ =	swait.ge @!p0 [sflag:s16], $0x2800  }
0xc3: {  	[sflag:s16] =	ssyncset.done @!p0 $0x0  }
0xc4: {  	[sflag:s16] =	ssyncadd.s32 @!p0 $0xFFFFD800  }
0xc5: {  	_ =	swait.ge @!p0 [sflag:s16], $0x2800  }
0xc6: {  	[sflag:s16] =	ssyncset.done @!p0 $0x0  }
0xc7: {  	[sflag:s16] =	ssyncadd.s32 @!p0 $0xFFFFD800  }
0xc8: {  	_ =	swait.ge @!p0 [sflag:s16], $0x400  }
0xc9: {  	[sflag:s16] =	ssyncset.done @!p0 $0x0  }
0xca: {  	[sflag:s16] =	ssyncadd.s32 @!p0 $0xFFFFFC00  }
0xcb: {  	_ =	swait.ge @!p0 [sflag:s16], $0x800  }
0xcc: {  	[sflag:s16] =	ssyncset.done @!p0 $0x0  }
0xcd: {  	s9 =	simm.s32 $0x6;
	[sflag:s16] =	ssyncadd.s32 @!p0 $0xFFFFF800  }
0xce: {  	[tilespmem:s1], [sflag:$0x6] =	stream.linear.gather [hbm4b:s5+s1], $0x8, $0x38;
	[tilespmem:$0xCC80] =	vst v63  }
0xcf: {  	_ =	swait.ge [sflag:s9], $0x8  }
0xd0: {  	[sflag:s9] =	ssyncset.done $0x0;
	s12 =	rddreg [dreg:$0x4]  }
0xd1: {  	s17 =	rddreg [dreg:$0xa];
	[sflag:s9] =	ssyncadd.s32 $0xFFFFFFF8  }
0xd2: {  	[tilespmem:s10], [sflag:$0x1] =	stream.indirect.gather [hbm4b:s12+s17], $0x80, s1, s17, $0xb8;
	[tilespmem:$0xCC80] =	vst v63  }
0xd3: {  	v2 =	vld.msk [tilespmem:$0x0], $0xff;
	_ =	sdelay $0x4  }
0xd4: {  	v3 =	vshll.u32 v2, $0x1  }
0xd5: {  	v2 =	vand.u32 $0x7, v2;
	v3 =	vand.u32 $0xFFFFFFF0, v3  }
0xd6: {  	v2 =	vor.u32 v2, v3  }
0xd7: {  	v2 =	vperm.xlane v2, v0;
	_ =	sdelay $0x1  }
0xd8: {  	v2 =	vadd.s32 v1, v2;
	_ =	sdelay $0x3  }
0xd9: {  	s20 =	simm.s32 $0x1;
	s19 =	rddreg [dreg:$0x5]  }
0xda: {  	[tilespmem:s18], [sflag:$0x1] =	stream.indirect_vreg.gather [hbm4b:s19+s1], $0x80, v2, vm0, $0xb8;
	[tilespmem:$0xCC80] =	vst v63  }
0xdb: {  	_ =	swait.ge [sflag:s20], $0x400  }
0xdc: {  	[sflag:s20] =	ssyncset.done $0x0  }
0xdd: {  	[sflag:s20] =	ssyncadd.s32 $0xFFFFFC00  }
0xde: {  	_ =	swait.ge [sflag:s20], $0x800  }
0xdf: {  	[sflag:s20] =	ssyncset.done $0x0  }
0xe0: {  	s18 =	simm.s32 $0xC80;
	[sflag:s20] =	ssyncadd.s32 $0xFFFFF800  }
0xe1: {  	[tilespmem:s18], [sflag:$0x2] =	stream.indirect.gather [hbm4b:s2+s13], $0x80, s10, s13, $0xb8;
	[tilespmem:$0xCC80] =	vst v63  }
0xe2: {  	s19 =	simm.s32 $0x6C80;
	s21 =	rddreg [dreg:$0xb]  }
0xe3: {  	[tilespmem:s19], [sflag:$0x2] =	stream.indirect.gather [hbm4b:s4+s13], $0x80, s21, s13, $0xb8;
	[tilespmem:$0xCC80] =	vst v63  }
0xe4: {  	s22 =	rddreg [dreg:$0xc];
	s20 =	simm.s32 $0x1880  }
0xe5: {  	[tilespmem:s20], [sflag:$0x2] =	stream.indirect.gather [hbm4b:s2+s13], $0x80, s22, s13, $0xb8;
	[tilespmem:$0xCC80] =	vst v63  }
0xe6: {  	s23 =	rddreg [dreg:$0xd];
	s21 =	simm.s32 $0x7880  }
0xe7: {  	[tilespmem:s21], [sflag:$0x2] =	stream.indirect.gather [hbm4b:s4+s13], $0x80, s23, s13, $0xb8;
	[tilespmem:$0xCC80] =	vst v63  }
0xe8: {  	s24 =	rddreg [dreg:$0xe];
	s22 =	simm.s32 $0x2480  }
0xe9: {  	[tilespmem:s22], [sflag:$0x2] =	stream.indirect.gather [hbm4b:s2+s13], $0x80, s24, s13, $0xb8;
	[tilespmem:$0xCC80] =	vst v63  }
0xea: {  	s25 =	rddreg [dreg:$0xf];
	s23 =	simm.s32 $0x8480  }
0xeb: {  	[tilespmem:s23], [sflag:$0x2] =	stream.indirect.gather [hbm4b:s4+s13], $0x80, s25, s13, $0xb8;
	[tilespmem:$0xCC80] =	vst v63  }
0xec: {  	s26 =	rddreg [dreg:$0x10];
	s24 =	simm.s32 $0x3080  }
0xed: {  	[tilespmem:s24], [sflag:$0x2] =	stream.indirect.gather [hbm4b:s2+s13], $0x80, s26, s13, $0xb8;
	[tilespmem:$0xCC80] =	vst v63  }
0xee: {  	s28 =	rddreg [dreg:$0x11];
	s25 =	simm.s32 $0x9080  }
0xef: {  	[tilespmem:s25], [sflag:$0x2] =	stream.indirect.gather [hbm4b:s4+s13], $0x80, s28, s13, $0xb8;
	[tilespmem:$0xCC80] =	vst v63  }
0xf0: {  	s9 =	rddreg [dreg:$0x12];
	s26 =	simm.s32 $0x3C80  }
0xf1: {  	[tilespmem:s26], [sflag:$0x3] =	stream.indirect.gather [hbm4b:s2+s13], $0x80, s9, s13, $0xb8;
	[tilespmem:$0xCC80] =	vst v63  }
0xf2: {  	s10 =	rddreg [dreg:$0x13];
	s28 =	simm.s32 $0x9C80  }
0xf3: {  	[tilespmem:s28], [sflag:$0x3] =	stream.indirect.gather [hbm4b:s4+s13], $0x80, s10, s13, $0xb8;
	[tilespmem:$0xCC80] =	vst v63  }
0xf4: {  	s12 =	rddreg [dreg:$0x14]  }
0xf5: {  	[tilespmem:s29], [sflag:$0x3] =	stream.indirect.gather [hbm4b:s2+s13], $0x80, s12, s13, $0xb8;
	[tilespmem:$0xCC80] =	vst v63  }
0xf6: {  	s9 =	rddreg [dreg:$0x15]  }
0xf7: {  	[tilespmem:s30], [sflag:$0x3] =	stream.indirect.gather [hbm4b:s4+s13], $0x80, s9, s13, $0xb8;
	[tilespmem:$0xCC80] =	vst v63  }
0xf8: {  	s10 =	rddreg [dreg:$0x16];
	s9 =	simm.s32 $0x5480  }
0xf9: {  	[tilespmem:s9], [sflag:$0x3] =	stream.indirect.gather [hbm4b:s2+s13], $0x80, s10, s13, $0xb8;
	[tilespmem:$0xCC80] =	vst v63  }
0xfa: {  	s28 =	simm.s32 $0xB480;
	s12 =	rddreg [dreg:$0x17]  }
0xfb: {  	[tilespmem:s28], [sflag:$0x3] =	stream.indirect.gather [hbm4b:s4+s13], $0x80, s12, s13, $0xb8;
	[tilespmem:$0xCC80] =	vst v63  }
0xfc: {  	s10 =	rddreg [dreg:$0x18];
	s12 =	simm.s32 $0x6080  }
0xfd: {  	[tilespmem:s12], [sflag:$0x3] =	stream.indirect.gather [hbm4b:s2+s13], $0x80, s10, s13, $0xb8;
	[tilespmem:$0xCC80] =	vst v63  }
0xfe: {  	s16 =	rddreg [dreg:$0x19];
	s10 =	simm.s32 $0xC080  }
0xff: {  	[tilespmem:s10], [sflag:$0x3] =	stream.indirect.gather [hbm4b:s4+s13], $0x80, s16, s13, $0xb8;
	[tilespmem:$0xCC80] =	vst v63  }
0x100: {  	_ =	swait.ge [sflag:s31], $0xA00  }
0x101: {  	[sflag:s31] =	ssyncset.done $0x0  }
0x102: {  	[sflag:s31] =	ssyncadd.s32 $0xFFFFF600  }
0x103: {  	_ =	swait.ge [sflag:s31], $0xA00  }
0x104: {  	[sflag:s31] =	ssyncset.done $0x0  }
0x105: {  	[sflag:s31] =	ssyncadd.s32 $0xFFFFF600  }
0x106: {  	_ =	swait.ge [sflag:s31], $0xA00  }
0x107: {  	[sflag:s31] =	ssyncset.done $0x0  }
0x108: {  	[sflag:s31] =	ssyncadd.s32 $0xFFFFF600  }
0x109: {  	_ =	swait.ge [sflag:s31], $0xA00  }
0x10a: {  	[sflag:s31] =	ssyncset.done $0x0  }
0x10b: {  	[sflag:s31] =	ssyncadd.s32 $0xFFFFF600  }
0x10c: {  	_ =	swait.ge [sflag:s31], $0xA00  }
0x10d: {  	[sflag:s31] =	ssyncset.done $0x0  }
0x10e: {  	[sflag:s31] =	ssyncadd.s32 $0xFFFFF600  }
0x10f: {  	_ =	swait.ge [sflag:s31], $0xA00  }
0x110: {  	[sflag:s31] =	ssyncset.done $0x0  }
0x111: {  	[sflag:s31] =	ssyncadd.s32 $0xFFFFF600  }
0x112: {  	_ =	swait.ge [sflag:s31], $0xA00  }
0x113: {  	[sflag:s31] =	ssyncset.done $0x0  }
0x114: {  	[sflag:s31] =	ssyncadd.s32 $0xFFFFF600  }
0x115: {  	_ =	swait.ge [sflag:s31], $0xA00  }
0x116: {  	s17 =	rddreg [dreg:$0x8];
	[sflag:s31] =	ssyncset.done $0x0  }
0x117: {  	[sflag:s31] =	ssyncadd.s32 $0xFFFFF600;
	s16 =	sadd.s32 s3, s17  }
0x118: {  	[hbm4b:s16+s1] =	stream.linear.scatter [tilespmem:s18], [sflag:$0x4], $0xA00, $0x38;
	[tilespmem:$0xCC80] =	vst v63  }
0x119: {  	s18 =	sadd.s32 $0x180, s16  }
0x11a: {  	[hbm4b:s18+s1] =	stream.linear.scatter [tilespmem:s20], [sflag:$0x4], $0xA00, $0x38;
	[tilespmem:$0xCC80] =	vst v63  }
0x11b: {  	s18 =	sadd.s32 $0x300, s16  }
0x11c: {  	[hbm4b:s18+s1] =	stream.linear.scatter [tilespmem:s22], [sflag:$0x4], $0xA00, $0x38;
	[tilespmem:$0xCC80] =	vst v63  }
0x11d: {  	s20 =	rddreg [dreg:$0x9];
	s16 =	sadd.s32 $0x480, s16  }
0x11e: {  	[hbm4b:s16+s1] =	stream.linear.scatter [tilespmem:s24], [sflag:$0x4], $0xA00, $0x38;
	[tilespmem:$0xCC80] =	vst v63  }
0x11f: {  	s22 =	sadd.s32 s3, s20  }
0x120: {  	[hbm4b:s22+s1] =	stream.linear.scatter [tilespmem:s19], [sflag:$0x4], $0xA00, $0x38;
	[tilespmem:$0xCC80] =	vst v63  }
0x121: {  	s24 =	sadd.s32 $0x180, s22  }
0x122: {  	[hbm4b:s24+s1] =	stream.linear.scatter [tilespmem:s21], [sflag:$0x4], $0xA00, $0x38;
	[tilespmem:$0xCC80] =	vst v63  }
0x123: {  	s18 =	sadd.s32 $0x300, s22  }
0x124: {  	[hbm4b:s18+s1] =	stream.linear.scatter [tilespmem:s23], [sflag:$0x4], $0xA00, $0x38;
	[tilespmem:$0xCC80] =	vst v63  }
0x125: {  	s16 =	sadd.s32 $0x480, s22  }
0x126: {  	[hbm4b:s16+s1] =	stream.linear.scatter [tilespmem:s25], [sflag:$0x4], $0xA00, $0x38;
	[tilespmem:$0xCC80] =	vst v63  }
0x127: {  	_ =	swait.ge [sflag:s0], $0xA00  }
0x128: {  	[sflag:s0] =	ssyncset.done $0x0  }
0x129: {  	[sflag:s0] =	ssyncadd.s32 $0xFFFFF600  }
0x12a: {  	_ =	swait.ge [sflag:s0], $0xA00  }
0x12b: {  	[sflag:s0] =	ssyncset.done $0x0  }
0x12c: {  	[sflag:s0] =	ssyncadd.s32 $0xFFFFF600  }
0x12d: {  	_ =	swait.ge [sflag:s0], $0xA00  }
0x12e: {  	[sflag:s0] =	ssyncset.done $0x0  }
0x12f: {  	[sflag:s0] =	ssyncadd.s32 $0xFFFFF600  }
0x130: {  	_ =	swait.ge [sflag:s0], $0xA00  }
0x131: {  	[sflag:s0] =	ssyncset.done $0x0  }
0x132: {  	[sflag:s0] =	ssyncadd.s32 $0xFFFFF600  }
0x133: {  	_ =	swait.ge [sflag:s0], $0xA00  }
0x134: {  	[sflag:s0] =	ssyncset.done $0x0  }
0x135: {  	[sflag:s0] =	ssyncadd.s32 $0xFFFFF600  }
0x136: {  	_ =	swait.ge [sflag:s0], $0xA00  }
0x137: {  	[sflag:s0] =	ssyncset.done $0x0  }
0x138: {  	[sflag:s0] =	ssyncadd.s32 $0xFFFFF600  }
0x139: {  	_ =	swait.ge [sflag:s0], $0xA00  }
0x13a: {  	[sflag:s0] =	ssyncset.done $0x0  }
0x13b: {  	[sflag:s0] =	ssyncadd.s32 $0xFFFFF600  }
0x13c: {  	_ =	swait.ge [sflag:s0], $0xA00  }
0x13d: {  	s19 =	rddreg [dreg:$0x7];
	[sflag:s0] =	ssyncset.done $0x0  }
0x13e: {  	[sflag:s0] =	ssyncadd.s32 $0xFFFFF600;
	s16 =	sadd.s32 s3, s19  }
0x13f: {  	[hbm4b:s16+s1] =	stream.linear.scatter [tilespmem:s26], [sflag:$0x5], $0xA00, $0x38;
	[tilespmem:$0xCC80] =	vst v63  }
0x140: {  	s21 =	sadd.s32 $0x180, s16  }
0x141: {  	[hbm4b:s21+s1] =	stream.linear.scatter [tilespmem:s29], [sflag:$0x5], $0xA00, $0x38;
	[tilespmem:$0xCC80] =	vst v63  }
0x142: {  	s15 =	smov.u32 s6;
	s22 =	sadd.s32 $0x300, s16  }
0x143: {  	[hbm4b:s22+s1] =	stream.linear.scatter [tilespmem:s9], [sflag:$0x5], $0xA00, $0x38;
	[tilespmem:$0xCC80] =	vst v63  }
0x144: {  	s6 =	sadd.s32 $0xC00, s6;
	s20 =	rddreg [dreg:$0x6];
	s16 =	sadd.s32 $0x480, s16  }
0x145: {  	[hbm4b:s16+s1] =	stream.linear.scatter [tilespmem:s12], [sflag:$0x5], $0xA00, $0x38;
	[tilespmem:$0xCC80] =	vst v63  }
0x146: {  	s11 =	smov.u32 s8;
	s24 =	simm.s32 $0x9C80;
	s23 =	sadd.s32 s3, s20  }
0x147: {  	[hbm4b:s23+s1] =	stream.linear.scatter [tilespmem:s24], [sflag:$0x5], $0xA00, $0x38;
	[tilespmem:$0xCC80] =	vst v63  }
0x148: {  	p2 =	seq.s32 s15, $0x0;
	p1 =	sne.s32 s6, $0x18000;
	s25 =	sadd.s32 $0x180, s23  }
0x149: {  	[hbm4b:s25+s1] =	stream.linear.scatter [tilespmem:s30], [sflag:$0x5], $0xA00, $0x38;
	[tilespmem:$0xCC80] =	vst v63  }
.Ltmp0:
0x14a: {  	s8 =	sadd.s32 $0x80, s8;
	s14 =	smov.u32 s7;
	(pc) =	sbr.rel @p1 .LBB2_2-.Ltmp0, $4  }
0x14b: {  	s7 =	sadd.s32 $0x100, s7;
	p0 =	por p2, p2;
	s26 =	sadd.s32 $0x300, s23  }
0x14c: {  	[hbm4b:s26+s1] =	stream.linear.scatter [tilespmem:s28], [sflag:$0x5], $0xA00, $0x38;
	[tilespmem:$0xCC80] =	vst v63  }
0x14d: {  	s5 =	sadd.s32 $0x1, s5;
	s3 =	smov.u32 s15;
	s28 =	sadd.s32 $0x480, s23  }
0x14e: {  	[hbm4b:s28+s1] =	stream.linear.scatter [tilespmem:s10], [sflag:$0x5], $0xA00, $0x38;
	[tilespmem:$0xCC80] =	vst v63  }
0x14f: {  	s26 =	simm.s32 $0x80  }
0x150: {  	[hbm4b:s11+s1] =	stream.linear.scatter [tilespmem:s26], [sflag:$0x5], $0x400, $0x38;
	[tilespmem:$0xCC80] =	vst v63  }
0x151: {  	s6 =	simm.s32 @!p0 $0x4;
	s11 =	simm.s32 $0x480  }
0x152: {  	[hbm4b:s14+s1] =	stream.linear.scatter [tilespmem:s11], [sflag:$0x5], $0x800, $0x38;
	[tilespmem:$0xCC80] =	vst v63  }
0x153: {  	_ =	swait.ge @!p0 [sflag:s6], $0x2800  }
0x154: {  	[sflag:s6] =	ssyncset.done @!p0 $0x0  }
0x155: {  	[sflag:s6] =	ssyncadd.s32 @!p0 $0xFFFFD800  }
0x156: {  	_ =	swait.ge @!p0 [sflag:s6], $0x2800  }
0x157: {  	[sflag:s6] =	ssyncset.done @!p0 $0x0  }
0x158: {  	[sflag:s6] =	ssyncadd.s32 @!p0 $0xFFFFD800;
	s6 =	simm.s32 @!p0 $0x5  }
0x159: {  	_ =	swait.ge @!p0 [sflag:s6], $0x2800  }
0x15a: {  	[sflag:s6] =	ssyncset.done @!p0 $0x0  }
0x15b: {  	[sflag:s6] =	ssyncadd.s32 @!p0 $0xFFFFD800  }
0x15c: {  	_ =	swait.ge @!p0 [sflag:s6], $0x2800  }
0x15d: {  	[sflag:s6] =	ssyncset.done @!p0 $0x0  }
0x15e: {  	[sflag:s6] =	ssyncadd.s32 @!p0 $0xFFFFD800  }
0x15f: {  	_ =	swait.ge @!p0 [sflag:s6], $0x400  }
0x160: {  	[sflag:s6] =	ssyncset.done @!p0 $0x0  }
0x161: {  	[sflag:s6] =	ssyncadd.s32 @!p0 $0xFFFFFC00  }
0x162: {  	_ =	swait.ge @!p0 [sflag:s6], $0x800  }
0x163: {  	[sflag:s6] =	ssyncset.done @!p0 $0x0  }
0x164: {  	s9 =	simm.s32 $0x6;
	[sflag:s6] =	ssyncadd.s32 @!p0 $0xFFFFF800  }
0x165: {  	[tilespmem:s1], [sflag:$0x6] =	stream.linear.gather [hbm4b:s5+s1], $0x8, $0x38;
	[tilespmem:$0xCC80] =	vst v63  }
0x166: {  	_ =	swait.ge [sflag:s9], $0x8  }
0x167: {  	s12 =	rddreg [dreg:$0x4];
	[sflag:s9] =	ssyncset.done $0x0  }
0x168: {  	s14 =	rddreg [dreg:$0xa];
	[sflag:s9] =	ssyncadd.s32 $0xFFFFFFF8  }
0x169: {  	[tilespmem:s26], [sflag:$0x1] =	stream.indirect.gather [hbm4b:s12+s14], $0x80, s1, s14, $0xb8;
	[tilespmem:$0xCC80] =	vst v63  }
0x16a: {  	v2 =	vld.msk [tilespmem:$0x0], $0xff;
	_ =	sdelay $0x4  }
0x16b: {  	v3 =	vshll.u32 v2, $0x1  }
0x16c: {  	v2 =	vand.u32 $0x7, v2;
	v3 =	vand.u32 $0xFFFFFFF0, v3  }
0x16d: {  	v2 =	vor.u32 v2, v3  }
0x16e: {  	v2 =	vperm.xlane v2, v0;
	_ =	sdelay $0x1  }
0x16f: {  	v2 =	vadd.s32 v1, v2;
	_ =	sdelay $0x3  }
0x170: {  	s16 =	simm.s32 $0x1;
	s15 =	rddreg [dreg:$0x5]  }
0x171: {  	[tilespmem:s11], [sflag:$0x1] =	stream.indirect_vreg.gather [hbm4b:s15+s1], $0x80, v2, vm0, $0xb8;
	[tilespmem:$0xCC80] =	vst v63  }
0x172: {  	_ =	swait.ge [sflag:s16], $0x400  }
0x173: {  	[sflag:s16] =	ssyncset.done $0x0  }
0x174: {  	[sflag:s16] =	ssyncadd.s32 $0xFFFFFC00  }
0x175: {  	_ =	swait.ge [sflag:s16], $0x800  }
0x176: {  	[sflag:s16] =	ssyncset.done $0x0  }
0x177: {  	s14 =	simm.s32 $0xC80;
	[sflag:s16] =	ssyncadd.s32 $0xFFFFF800  }
0x178: {  	[tilespmem:s14], [sflag:$0x2] =	stream.indirect.gather [hbm4b:s2+s13], $0x80, s26, s13, $0xb8;
	[tilespmem:$0xCC80] =	vst v63  }
0x179: {  	s15 =	simm.s32 $0x6C80;
	s17 =	rddreg [dreg:$0xb]  }
0x17a: {  	[tilespmem:s15], [sflag:$0x2] =	stream.indirect.gather [hbm4b:s4+s13], $0x80, s17, s13, $0xb8;
	[tilespmem:$0xCC80] =	vst v63  }
0x17b: {  	s18 =	rddreg [dreg:$0xc];
	s16 =	simm.s32 $0x1880  }
0x17c: {  	[tilespmem:s16], [sflag:$0x2] =	stream.indirect.gather [hbm4b:s2+s13], $0x80, s18, s13, $0xb8;
	[tilespmem:$0xCC80] =	vst v63  }
0x17d: {  	s19 =	rddreg [dreg:$0xd];
	s17 =	simm.s32 $0x7880  }
0x17e: {  	[tilespmem:s17], [sflag:$0x2] =	stream.indirect.gather [hbm4b:s4+s13], $0x80, s19, s13, $0xb8;
	[tilespmem:$0xCC80] =	vst v63  }
0x17f: {  	s20 =	rddreg [dreg:$0xe];
	s18 =	simm.s32 $0x2480  }
0x180: {  	[tilespmem:s18], [sflag:$0x2] =	stream.indirect.gather [hbm4b:s2+s13], $0x80, s20, s13, $0xb8;
	[tilespmem:$0xCC80] =	vst v63  }
0x181: {  	s21 =	rddreg [dreg:$0xf];
	s19 =	simm.s32 $0x8480  }
0x182: {  	[tilespmem:s19], [sflag:$0x2] =	stream.indirect.gather [hbm4b:s4+s13], $0x80, s21, s13, $0xb8;
	[tilespmem:$0xCC80] =	vst v63  }
0x183: {  	s22 =	rddreg [dreg:$0x10];
	s20 =	simm.s32 $0x3080  }
0x184: {  	[tilespmem:s20], [sflag:$0x2] =	stream.indirect.gather [hbm4b:s2+s13], $0x80, s22, s13, $0xb8;
	[tilespmem:$0xCC80] =	vst v63  }
0x185: {  	s23 =	rddreg [dreg:$0x11];
	s21 =	simm.s32 $0x9080  }
0x186: {  	[tilespmem:s21], [sflag:$0x2] =	stream.indirect.gather [hbm4b:s4+s13], $0x80, s23, s13, $0xb8;
	[tilespmem:$0xCC80] =	vst v63  }
0x187: {  	s24 =	rddreg [dreg:$0x12];
	s22 =	simm.s32 $0x3C80  }
0x188: {  	[tilespmem:s22], [sflag:$0x3] =	stream.indirect.gather [hbm4b:s2+s13], $0x80, s24, s13, $0xb8;
	[tilespmem:$0xCC80] =	vst v63  }
0x189: {  	s25 =	rddreg [dreg:$0x13];
	s23 =	simm.s32 $0x9C80  }
0x18a: {  	[tilespmem:s23], [sflag:$0x3] =	stream.indirect.gather [hbm4b:s4+s13], $0x80, s25, s13, $0xb8;
	[tilespmem:$0xCC80] =	vst v63  }
0x18b: {  	s28 =	rddreg [dreg:$0x14];
	s24 =	simm.s32 $0x4880  }
0x18c: {  	[tilespmem:s24], [sflag:$0x3] =	stream.indirect.gather [hbm4b:s2+s13], $0x80, s28, s13, $0xb8;
	[tilespmem:$0xCC80] =	vst v63  }
0x18d: {  	s9 =	rddreg [dreg:$0x15];
	s25 =	simm.s32 $0xA880  }
0x18e: {  	[tilespmem:s25], [sflag:$0x3] =	stream.indirect.gather [hbm4b:s4+s13], $0x80, s9, s13, $0xb8;
	[tilespmem:$0xCC80] =	vst v63  }
0x18f: {  	s10 =	rddreg [dreg:$0x16];
	s9 =	simm.s32 $0x5480  }
0x190: {  	[tilespmem:s9], [sflag:$0x3] =	stream.indirect.gather [hbm4b:s2+s13], $0x80, s10, s13, $0xb8;
	[tilespmem:$0xCC80] =	vst v63  }
0x191: {  	s12 =	rddreg [dreg:$0x17];
	s10 =	simm.s32 $0xB480  }
0x192: {  	[tilespmem:s10], [sflag:$0x3] =	stream.indirect.gather [hbm4b:s4+s13], $0x80, s12, s13, $0xb8;
	[tilespmem:$0xCC80] =	vst v63  }
0x193: {  	s28 =	rddreg [dreg:$0x18];
	s12 =	simm.s32 $0x6080  }
0x194: {  	[tilespmem:s12], [sflag:$0x3] =	stream.indirect.gather [hbm4b:s2+s13], $0x80, s28, s13, $0xb8;
	[tilespmem:$0xCC80] =	vst v63  }
0x195: {  	s5 =	rddreg [dreg:$0x19];
	s28 =	simm.s32 $0xC080  }
0x196: {  	[tilespmem:s28], [sflag:$0x3] =	stream.indirect.gather [hbm4b:s4+s13], $0x80, s5, s13, $0xb8;
	[tilespmem:$0xCC80] =	vst v63  }
0x197: {  	_ =	swait.ge [sflag:s31], $0xA00  }
0x198: {  	[sflag:s31] =	ssyncset.done $0x0  }
0x199: {  	[sflag:s31] =	ssyncadd.s32 $0xFFFFF600  }
0x19a: {  	_ =	swait.ge [sflag:s31], $0xA00  }
0x19b: {  	[sflag:s31] =	ssyncset.done $0x0  }
0x19c: {  	[sflag:s31] =	ssyncadd.s32 $0xFFFFF600  }
0x19d: {  	_ =	swait.ge [sflag:s31], $0xA00  }
0x19e: {  	[sflag:s31] =	ssyncset.done $0x0  }
0x19f: {  	[sflag:s31] =	ssyncadd.s32 $0xFFFFF600  }
0x1a0: {  	_ =	swait.ge [sflag:s31], $0xA00  }
0x1a1: {  	[sflag:s31] =	ssyncset.done $0x0  }
0x1a2: {  	[sflag:s31] =	ssyncadd.s32 $0xFFFFF600  }
0x1a3: {  	_ =	swait.ge [sflag:s31], $0xA00  }
0x1a4: {  	[sflag:s31] =	ssyncset.done $0x0  }
0x1a5: {  	[sflag:s31] =	ssyncadd.s32 $0xFFFFF600  }
0x1a6: {  	_ =	swait.ge [sflag:s31], $0xA00  }
0x1a7: {  	[sflag:s31] =	ssyncset.done $0x0  }
0x1a8: {  	[sflag:s31] =	ssyncadd.s32 $0xFFFFF600  }
0x1a9: {  	_ =	swait.ge [sflag:s31], $0xA00  }
0x1aa: {  	[sflag:s31] =	ssyncset.done $0x0  }
0x1ab: {  	[sflag:s31] =	ssyncadd.s32 $0xFFFFF600  }
0x1ac: {  	_ =	swait.ge [sflag:s31], $0xA00  }
0x1ad: {  	s6 =	rddreg [dreg:$0x8];
	[sflag:s31] =	ssyncset.done $0x0  }
0x1ae: {  	[sflag:s31] =	ssyncadd.s32 $0xFFFFF600;
	s5 =	sadd.s32 s3, s6  }
0x1af: {  	[hbm4b:s5+s1] =	stream.linear.scatter [tilespmem:s14], [sflag:$0x4], $0xA00, $0x38;
	[tilespmem:$0xCC80] =	vst v63  }
0x1b0: {  	s14 =	sadd.s32 $0x180, s5  }
0x1b1: {  	[hbm4b:s14+s1] =	stream.linear.scatter [tilespmem:s16], [sflag:$0x4], $0xA00, $0x38;
	[tilespmem:$0xCC80] =	vst v63  }
0x1b2: {  	s16 =	sadd.s32 $0x300, s5  }
0x1b3: {  	[hbm4b:s16+s1] =	stream.linear.scatter [tilespmem:s18], [sflag:$0x4], $0xA00, $0x38;
	[tilespmem:$0xCC80] =	vst v63  }
0x1b4: {  	s5 =	sadd.s32 $0x480, s5;
	s18 =	rddreg [dreg:$0x9]  }
0x1b5: {  	[hbm4b:s5+s1] =	stream.linear.scatter [tilespmem:s20], [sflag:$0x4], $0xA00, $0x38;
	[tilespmem:$0xCC80] =	vst v63  }
0x1b6: {  	s14 =	sadd.s32 s3, s18  }
0x1b7: {  	[hbm4b:s14+s1] =	stream.linear.scatter [tilespmem:s15], [sflag:$0x4], $0xA00, $0x38;
	[tilespmem:$0xCC80] =	vst v63  }
0x1b8: {  	s6 =	sadd.s32 $0x180, s14  }
0x1b9: {  	[hbm4b:s6+s1] =	stream.linear.scatter [tilespmem:s17], [sflag:$0x4], $0xA00, $0x38;
	[tilespmem:$0xCC80] =	vst v63  }
0x1ba: {  	s16 =	sadd.s32 $0x300, s14  }
0x1bb: {  	[hbm4b:s16+s1] =	stream.linear.scatter [tilespmem:s19], [sflag:$0x4], $0xA00, $0x38;
	[tilespmem:$0xCC80] =	vst v63  }
0x1bc: {  	s5 =	sadd.s32 $0x480, s14  }
0x1bd: {  	[hbm4b:s5+s1] =	stream.linear.scatter [tilespmem:s21], [sflag:$0x4], $0xA00, $0x38;
	[tilespmem:$0xCC80] =	vst v63  }
0x1be: {  	_ =	swait.ge [sflag:s0], $0xA00  }
0x1bf: {  	[sflag:s0] =	ssyncset.done $0x0  }
0x1c0: {  	[sflag:s0] =	ssyncadd.s32 $0xFFFFF600  }
0x1c1: {  	_ =	swait.ge [sflag:s0], $0xA00  }
0x1c2: {  	[sflag:s0] =	ssyncset.done $0x0  }
0x1c3: {  	[sflag:s0] =	ssyncadd.s32 $0xFFFFF600  }
0x1c4: {  	_ =	swait.ge [sflag:s0], $0xA00  }
0x1c5: {  	[sflag:s0] =	ssyncset.done $0x0  }
0x1c6: {  	[sflag:s0] =	ssyncadd.s32 $0xFFFFF600  }
0x1c7: {  	_ =	swait.ge [sflag:s0], $0xA00  }
0x1c8: {  	[sflag:s0] =	ssyncset.done $0x0  }
0x1c9: {  	[sflag:s0] =	ssyncadd.s32 $0xFFFFF600  }
0x1ca: {  	_ =	swait.ge [sflag:s0], $0xA00  }
0x1cb: {  	[sflag:s0] =	ssyncset.done $0x0  }
0x1cc: {  	[sflag:s0] =	ssyncadd.s32 $0xFFFFF600  }
0x1cd: {  	_ =	swait.ge [sflag:s0], $0xA00  }
0x1ce: {  	[sflag:s0] =	ssyncset.done $0x0  }
0x1cf: {  	[sflag:s0] =	ssyncadd.s32 $0xFFFFF600  }
0x1d0: {  	_ =	swait.ge [sflag:s0], $0xA00  }
0x1d1: {  	[sflag:s0] =	ssyncset.done $0x0  }
0x1d2: {  	[sflag:s0] =	ssyncadd.s32 $0xFFFFF600  }
0x1d3: {  	_ =	swait.ge [sflag:s0], $0xA00  }
0x1d4: {  	s17 =	rddreg [dreg:$0x7];
	[sflag:s0] =	ssyncset.done $0x0  }
0x1d5: {  	[sflag:s0] =	ssyncadd.s32 $0xFFFFF600;
	s5 =	sadd.s32 s3, s17  }
0x1d6: {  	[hbm4b:s5+s1] =	stream.linear.scatter [tilespmem:s22], [sflag:$0x5], $0xA00, $0x38;
	[tilespmem:$0xCC80] =	vst v63  }
0x1d7: {  	s18 =	sadd.s32 $0x180, s5  }
0x1d8: {  	[hbm4b:s18+s1] =	stream.linear.scatter [tilespmem:s24], [sflag:$0x5], $0xA00, $0x38;
	[tilespmem:$0xCC80] =	vst v63  }
0x1d9: {  	s19 =	sadd.s32 $0x300, s5  }
0x1da: {  	[hbm4b:s19+s1] =	stream.linear.scatter [tilespmem:s9], [sflag:$0x5], $0xA00, $0x38;
	[tilespmem:$0xCC80] =	vst v63  }
0x1db: {  	s20 =	rddreg [dreg:$0x6];
	s5 =	sadd.s32 $0x480, s5  }
0x1dc: {  	[hbm4b:s5+s1] =	stream.linear.scatter [tilespmem:s12], [sflag:$0x5], $0xA00, $0x38;
	[tilespmem:$0xCC80] =	vst v63  }
0x1dd: {  	s21 =	sadd.s32 s3, s20  }
0x1de: {  	[hbm4b:s21+s1] =	stream.linear.scatter [tilespmem:s23], [sflag:$0x5], $0xA00, $0x38;
	[tilespmem:$0xCC80] =	vst v63  }
0x1df: {  	s22 =	sadd.s32 $0x180, s21  }
0x1e0: {  	[hbm4b:s22+s1] =	stream.linear.scatter [tilespmem:s25], [sflag:$0x5], $0xA00, $0x38;
	[tilespmem:$0xCC80] =	vst v63  }
0x1e1: {  	s23 =	sadd.s32 $0x300, s21  }
0x1e2: {  	[hbm4b:s23+s1] =	stream.linear.scatter [tilespmem:s10], [sflag:$0x5], $0xA00, $0x38;
	[tilespmem:$0xCC80] =	vst v63  }
0x1e3: {  	s3 =	sadd.s32 $0x480, s21  }
0x1e4: {  	[hbm4b:s3+s1] =	stream.linear.scatter [tilespmem:s28], [sflag:$0x5], $0xA00, $0x38;
	[tilespmem:$0xCC80] =	vst v63  }
0x1e5: {  	_ = 	snop  }
0x1e6: {  	[hbm4b:s8+s1] =	stream.linear.scatter [tilespmem:s26], [sflag:$0x5], $0x400, $0x38;
	[tilespmem:$0xCC80] =	vst v63  }
0x1e7: {  	s24 =	simm.s32 $0x4  }
0x1e8: {  	[hbm4b:s7+s1] =	stream.linear.scatter [tilespmem:s11], [sflag:$0x5], $0x800, $0x38;
	[tilespmem:$0xCC80] =	vst v63  }
0x1e9: {  	_ =	swait.ge [sflag:s24], $0x2800  }
0x1ea: {  	[sflag:s24] =	ssyncset.done $0x0  }
0x1eb: {  	[sflag:s24] =	ssyncadd.s32 $0xFFFFD800  }
0x1ec: {  	_ =	swait.ge [sflag:s24], $0x2800  }
0x1ed: {  	[sflag:s24] =	ssyncset.done $0x0  }
0x1ee: {  	s25 =	simm.s32 $0x5;
	[sflag:s24] =	ssyncadd.s32 $0xFFFFD800  }
0x1ef: {  	_ =	swait.ge [sflag:s25], $0x2800  }
0x1f0: {  	[sflag:s25] =	ssyncset.done $0x0  }
0x1f1: {  	[sflag:s25] =	ssyncadd.s32 $0xFFFFD800  }
0x1f2: {  	_ =	swait.ge [sflag:s25], $0x2800  }
0x1f3: {  	[sflag:s25] =	ssyncset.done $0x0  }
0x1f4: {  	[sflag:s25] =	ssyncadd.s32 $0xFFFFD800  }
0x1f5: {  	_ =	swait.ge [sflag:s25], $0x400  }
0x1f6: {  	[sflag:s25] =	ssyncset.done $0x0  }
0x1f7: {  	[sflag:s25] =	ssyncadd.s32 $0xFFFFFC00  }
0x1f8: {  	_ =	swait.ge [sflag:s25], $0x800  }
0x1f9: {  	s26 =	rddreg [dreg:$0x1e]  }
0x1fa: {  	s28 =	rddreg [dreg:$0x1a];
	s7 =	sadd.s32 $0x1, s26  }
0x1fb: {  	p0 =	sne.s32 s7, s28  }
.Ltmp1:
0x1fc: {  	_ = 	snop;
	(pc) =	sbr.rel @p0 .LBB2_1-.Ltmp1, $3  }
0x1fd: {  	_ =	sdelay $0x1  }
0x1fe: {  	[sflag:s25] =	ssyncset.done $0x0  }
0x1ff: {  	s6 =	simm.s32 $0x480;
	[sflag:s25] =	ssyncadd.s32 $0xFFFFF800  }
0x200: {  	_ =	sfence.sel $0x180000  }
0x201: {  	[bflag:$0x0] =	sbarrier.arrive $0xFFFF  }
0x202: {  	_ =	strace $0x90000047  }
0x203: {  	s0 =	stileid.u32;
	[bflag:$0x2] =	sbarrier.arrive $0xFFFF  }
0x204: {  	p0 =	sne.s32 s0, $0x0;
	s0 =	rddreg [dreg:$0x3]  }
0x205: {  	s0 =	sadd.s32 @!p0 $0x100000, s0  }
0x206: {  	[sflag:s0] =	ssyncadd.tile.s32 @!p0 $0x1;
	_ =	shalt  }
.Lfunc_end2:
_tile_overlayer_lowered:
.L_overlay_start_2:
0x207: {  	(tag) =	ssettag $0x2  }
0x208: {  	s0 =	rddreg [dreg:$0x0];
	s2 =	stileid.u32  }
0x209: {  	s1 =	rddreg [dreg:$0x1];
	p0 =	sne.s32 s2, $0x0  }
0x20a: {  	s3 =	rddreg [dreg:$0x2];
	[bflag:$0x3] =	sbarrier.arrive $0xFFFF;
	s2 =	simm.s32 @!p0 $0x1C06  }
0x20b: {  	[timem:s3], [sflag:s2] =	dma.local @!p0 [hbm:s0], s1  }
0x20c: {  	s0 =	simm.s32 @!p0 $0x6  }
0x20d: {  	_ =	swait.ge @!p0 [sflag:s0], s1  }
0x20e: {  	s1 =	ssub.s32 @!p0 $0x0, s1;
	[sflag:s0] =	ssyncset.done @!p0 $0x0  }
0x20f: {  	[sflag:s0] =	ssyncadd.s32 @!p0 s1  }
0x210: {  	[bflag:$0x3] =	sbarrier.arrive $0xFFFF  }
0x211: {  	_ =	shalt  }

// kernel: kernel.7.cloned.1.call-start
scs
__scs_entry_jumppad:
0x0: {  	(pc) =	sbr.rel $0x88, $3  }
0x1: {  	(tag) =	ssettag $0x0;
	lr =	simm.s32 $0x1  }
0x2: {  	[smem:$0x3F90] =	sst lr;
	_ =	strace $0xD0000000  }
0x3: {  	_ = 	snop  }
0x4: {  	_ = 	snop  }
0x5: {  	_ = 	snop  }
0x6: {  	_ = 	snop  }
0x7: {  	_ = 	snop  }
__scs_overlays_trampoline_lowered:
0x8: {  	[smem:$0x3F9F] =	sst s0  }
0x9: {  	[smem:$0x3FA0] =	sst s1  }
0xa: {  	[smem:$0x3FA1] =	sst s2  }
0xb: {  	[smem:$0x3FA2] =	sst s3  }
0xc: {  	[smem:$0x3FA3] =	sst s4  }
0xd: {  	[smem:$0x3FA4] =	sst s5  }
0xe: {  	[smem:$0x3FA5] =	sst s6  }
0xf: {  	[smem:$0x3FA6] =	sst s7  }
0x10: {  	[smem:$0x3FA7] =	sst s8  }
0x11: {  	[smem:$0x3FA8] =	sst s9;
	s0 =	simm.s32 @!p0 $0x0  }
0x12: {  	s1 =	sld [smem:$0x3F8E];
	s0 =	simm.s32 @p0 $0x1  }
0x13: {  	[smem:$0x3FA9] =	sst s0;
	s0 =	simm.s32 @!p1 $0x0  }
0x14: {  	s2 =	sld [smem:$0x3F8D];
	s0 =	simm.s32 @p1 $0x1  }
0x15: {  	[smem:$0x3FAA] =	sst s0;
	s0 =	simm.s32 @!p2 $0x0  }
0x16: {  	s3 =	sld [smem:$0x3FDB];
	s0 =	simm.s32 @p2 $0x1  }
0x17: {  	s4 =	simm.s32 $0x1BF5;
	[smem:$0x3FAC] =	sst s0  }
0x18: {  	s0 =	sld [smem:$0x3F8F];
	_ =	swait.ge [sflag:s4], $0x0  }
0x19: {  	s7 =	sld [smem:$0x3F90]  }
0x1a: {  	s8 =	sadd.s32 $0xFFFFE003, lr  }
0x1b: {  	s9 =	sadd.s32 $0xFFFFFEF7, lr;
	s5 =	simm.s32 $0xFFFFFFFF;
	p2 =	slt.u32 s8, $0xFFFFF086  }
0x1c: {  	p1 =	slt.u32 s9, $0xF7A;
	s5 =	simm.s32 @!p2 $0x0  }
0x1d: {  	s5 =	simm.s32 @p1 $0x1;
	p0 =	seq.s32 s7, s2  }
0x1e: {  	s7 =	smul.u32 @!p0 $0xF7A, s2;
	p2 =	seq.s32 @!p0 s5, $0x0  }
0x1f: {  	s9 =	smul.u32 $0xF7A, s1;
	s8 =	simm.s32 @!p0 $0x1BF5;
	p2 =	por !p2, p0  }
0x20: {  	[sflag:s8] =	ssyncset.s32 @!p0 $0xFFFFF086;
	s6 =	sadd.s32 @!p0 s3, s7;
	s7 =	simm.s32 @!p0 $0x108  }
0x21: {  	s3 =	sadd.s32 s3, s9;
	s6 =	sadd.s32 @!p0 $0x88, s6;
	s7 =	simm.s32 @p2 $0x1082  }
0x22: {  	[simem:s7], [sflag:s8] =	dma.local @!p0 [hbm:s6], $0xF7A  }
0x23: {  	s9 =	sor.u32 $0xD0000000, s2;
	s6 =	simm.s32 $0x108;
	_ =	swait.ge @!p0 [sflag:s8], $0x0  }
0x24: {  	s3 =	sadd.s32 $0x88, s3;
	s6 =	simm.s32 @!p1 $0x1082;
	[sflag:s4] =	ssyncset.s32 $0xFFFFF086  }
0x25: {  	[simem:s6], [sflag:s4] =	dma.local [hbm:s3], $0xF7A  }
0x26: {  	[smem:$0x3F90] =	sst s1;
	(tag) =	ssettag s2;
	_ =	strace s9  }
0x27: {  	s1 =	sld [smem:$0x3FA0]  }
0x28: {  	s2 =	sld [smem:$0x3FA1]  }
0x29: {  	s4 =	sld [smem:$0x3FA3]  }
0x2a: {  	p0 =	seq.s32 s5, $0x0;
	s5 =	sld [smem:$0x3FA4]  }
0x2b: {  	s6 =	sld [smem:$0x3FA5]  }
0x2c: {  	s7 =	sld [smem:$0x3FA6]  }
0x2d: {  	s3 =	simm.s32 $0x108;
	s8 =	sld [smem:$0x3FA7]  }
0x2e: {  	s3 =	simm.s32 @!p0 $0x1082;
	s9 =	sld [smem:$0x3FA8]  }
0x2f: {  	lr =	sadd.s32 s0, s3;
	s0 =	sld [smem:$0x3F9F]  }
0x30: {  	s3 =	sld [smem:$0x3FA2]  }
0x31: {  	[smem:$0x3FAB] =	sst s10  }
0x32: {  	s10 =	sld [smem:$0x3FA9];
	_ =	sdelay $0x3  }
0x33: {  	p0 =	seq.s32 s10, $0x1;
	s10 =	sld [smem:$0x3FAB];
	_ =	sdelay $0x3  }
0x34: {  	[smem:$0x3FAB] =	sst s10  }
0x35: {  	s10 =	sld [smem:$0x3FAA];
	_ =	sdelay $0x3  }
0x36: {  	p1 =	seq.s32 s10, $0x1;
	s10 =	sld [smem:$0x3FAB];
	_ =	sdelay $0x3  }
0x37: {  	[smem:$0x3FAB] =	sst s10  }
0x38: {  	s10 =	sld [smem:$0x3FAC]  }
0x39: {  	_ = 	snop;
	(pc) =	sbr.ind lr, $3  }
0x3a: {  	_ = 	snop  }
0x3b: {  	_ = 	snop  }
0x3c: {  	p2 =	seq.s32 s10, $0x1;
	s10 =	sld [smem:$0x3FAB]  }
0x3d: {  	_ =	shalt  }
0x3e: {  	_ =	shalt  }
0x3f: {  	_ =	shalt  }
0x40: {  	_ =	shalt  }
0x41: {  	_ =	shalt  }
0x42: {  	_ =	shalt  }
0x43: {  	_ =	shalt  }
0x44: {  	_ =	shalt  }
0x45: {  	_ =	shalt  }
0x46: {  	_ =	shalt  }
0x47: {  	_ =	shalt  }
0x48: {  	_ =	shalt  }
0x49: {  	_ =	shalt  }
0x4a: {  	_ =	shalt  }
0x4b: {  	_ =	shalt  }
0x4c: {  	_ =	shalt  }
0x4d: {  	_ =	shalt  }
0x4e: {  	_ =	shalt  }
0x4f: {  	_ =	shalt  }
0x50: {  	_ =	shalt  }
0x51: {  	_ =	shalt  }
0x52: {  	_ =	shalt  }
0x53: {  	_ =	shalt  }
0x54: {  	_ =	shalt  }
0x55: {  	_ =	shalt  }
0x56: {  	_ =	shalt  }
0x57: {  	_ =	shalt  }
0x58: {  	_ =	shalt  }
0x59: {  	_ =	shalt  }
0x5a: {  	_ =	shalt  }
0x5b: {  	_ =	shalt  }
0x5c: {  	_ =	shalt  }
0x5d: {  	_ =	shalt  }
0x5e: {  	_ =	shalt  }
0x5f: {  	_ =	shalt  }
0x60: {  	_ =	shalt  }
0x61: {  	_ =	shalt  }
0x62: {  	_ =	shalt  }
0x63: {  	_ =	shalt  }
0x64: {  	_ =	shalt  }
0x65: {  	_ =	shalt  }
0x66: {  	_ =	shalt  }
0x67: {  	_ =	shalt  }
0x68: {  	_ =	shalt  }
0x69: {  	_ =	shalt  }
0x6a: {  	_ =	shalt  }
0x6b: {  	_ =	shalt  }
0x6c: {  	_ =	shalt  }
0x6d: {  	_ =	shalt  }
0x6e: {  	_ =	shalt  }
0x6f: {  	_ =	shalt  }
0x70: {  	_ =	shalt  }
0x71: {  	_ =	shalt  }
0x72: {  	_ =	shalt  }
0x73: {  	_ =	shalt  }
0x74: {  	_ =	shalt  }
0x75: {  	_ =	shalt  }
0x76: {  	_ =	shalt  }
0x77: {  	_ =	shalt  }
0x78: {  	_ =	shalt  }
0x79: {  	_ =	shalt  }
0x7a: {  	_ =	shalt  }
0x7b: {  	_ =	shalt  }
0x7c: {  	_ =	shalt  }
0x7d: {  	_ =	shalt  }
0x7e: {  	_ =	shalt  }
0x7f: {  	_ =	shalt  }
0x80: {  	_ =	shalt  }
0x81: {  	_ =	shalt  }
0x82: {  	_ =	shalt  }
0x83: {  	_ =	shalt  }
0x84: {  	_ =	shalt  }
0x85: {  	_ =	shalt  }
0x86: {  	_ =	shalt  }
0x87: {  	_ =	shalt  }
.Lfunc_end0:
.L_simem_size_0:
called_computation_lowered:
.L_overlay_start_0:
0x88: {  	s2 =	sld [smem:$0x3FD9]  }
0x89: {  	s3 =	sld [smem:$0x3FFE];
	_ =	sdelay $0x1  }
0x8a: {  	s1 =	srdreg.scid  }
0x8b: {  	s0 =	sand.u32 $0x1, s1  }
0x8c: {  	s15 =	sshll.u32 s0, $0xA;
	s2 =	sadd.s32 s3, s2  }
0x8d: {  	s2 =	sadd.s32 s2, s15  }
0x8e: {  	[smem:$0x3FB7] =	sst s2  }
0x8f: {  	_ = 	snop  }
0x90: {  	s16 =	sld [smem:$0x3FD0];
	_ =	sdelay $0x2  }
0x91: {  	s4 =	simm.s32 $0xB;
	s5 =	simm.s32 $0x10;
	s2 =	sld [smem:$0x3FC9]  }
0x92: {  	[smem:s5], [sflag:s4] =	dma.local [hbm:s16], $0x1  }
0x93: {  	_ =	swait.eq [sflag:s4], $0x1  }
0x94: {  	[sflag:s4] =	ssyncset.done $0x0  }
0x95: {  	[sflag:s4] =	ssyncadd.s32 $0xFFFFFFFF  }
0x96: {  	s17 =	sld [smem:$0x11];
	(tm) =	ssettm $0x1  }
0x97: {  	s18 =	sld [smem:$0x3FFB];
	_ =	sdelay $0x3  }
0x98: {  	_ =	strace s18  }
0x99: {  	s3 =	sld [smem:$0x3FFC];
	_ =	sdelay $0x3  }
0x9a: {  	_ =	strace s3  }
0x9b: {  	s3 =	sld [smem:$0x3FFD];
	_ =	sdelay $0x3  }
0x9c: {  	_ =	strace s3  }
0x9d: {  	_ =	strace $0x8FFFFFFF  }
0x9e: {  	s19 =	sld [smem:$0x3FDB];
	_ =	sdelay $0x1  }
0x9f: {  	s20 =	simm.s32 $_scs_section_size  }
0xa0: {  	s6 =	simm.s32 $_size__tile_overlayer_lowered;
	s7 =	simm.s32 $_tile_overlayer_lowered  }
0xa1: {  	s8 =	simm.s32 $0x1BFF;
	s21 =	sshll.u32 s7, $0x1;
	s5 =	sadd.s32 s20, s19  }
0xa2: {  	s22 =	simm.s32 $0x0;
	s6 =	sshll.u32 s6, $0x1;
	s7 =	sadd.s32 s21, s5  }
0xa3: {  	[timem:s22], [sflag:s8] =	dma.local [hbm:s7], s6  }
0xa4: {  	_ =	swait.ge [sflag:s8], s6  }
0xa5: {  	s6 =	ssub.s32 $0x0, s6;
	[sflag:s8] =	ssyncset.done $0x0  }
0xa6: {  	[sflag:s8] =	ssyncadd.s32 s6;
	_ =	sdelay $0x1  }
0xa7: {  	s23 =	simm.s32 $0x1B8B  }
0xa8: {  	_ =	swait.ge [sflag:s23], $0x1  }
0xa9: {  	[sflag:s23] =	ssyncset.done $0x0  }
0xaa: {  	[sflag:s23] =	ssyncadd.s32 $0xFFFFFFFF  }
0xab: {  	s6 =	sld [smem:$0x0]  }
0xac: {  	s7 =	sand.u32 $0xFFFFFFFE, s1  }
0xad: {  	p0 =	sne.s32 s1, s7  }
0xae: {  	s7 =	sshll.u32 @p0 s7, $0xE  }
0xaf: {  	s7 =	sadd.s32 @p0 $0x11B8D, s7;
	s8 =	sshll.u32 @p0 s6, $0x11  }
0xb0: {  	s7 =	sor.u32 @p0 s8, s7  }
0xb1: {  	[sflag:s7] =	ssyncadd.remote.s32 @p0 $0x1;
	_ =	sdelay $0x1  }
0xb2: {  	s7 =	simm.s32 @p0 $0x1B8D  }
0xb3: {  	_ =	swait.eq @p0 [sflag:s7], $0x1  }
0xb4: {  	[sflag:s7] =	ssyncadd.s32 @p0 $0xFFFFFFFF  }
0xb5: {  	s8 =	sshll.u32 @!p0 s1, $0xE  }
0xb6: {  	s8 =	sor.u32 @!p0 $0x4000, s8;
	s7 =	simm.s32 @!p0 $0x1B8D  }
0xb7: {  	s6 =	sshll.u32 @!p0 s6, $0x11;
	s8 =	sadd.s32 @!p0 $0x11B8D, s8;
	_ =	swait.eq @!p0 [sflag:s7], $0x1  }
0xb8: {  	s6 =	sor.u32 @!p0 s6, s8;
	[sflag:s7] =	ssyncadd.s32 @!p0 $0xFFFFFFFF  }
0xb9: {  	s25 =	simm.s32 $0x1B8E;
	s24 =	sld [smem:$0x3FFE];
	[sflag:s6] =	ssyncadd.remote.s32 @!p0 $0x1  }
0xba: {  	s26 =	simm.s32 $execute0_lowered;
	[smem:$0x3FD2] =	sst s25  }
0xbb: {  	s7 =	sshll.u32 s26, $0x1;
	_ =	strace $0x80000049;
	[dreg:$0x1] =	wrdreg $0xFFFFFFFF  }
0xbc: {  	s28 =	simm.s32 $_size_execute0_lowered;
	s5 =	sadd.s32 s5, s7;
	[dreg:$0x0] =	wrdreg $0x0  }
0xbd: {  	s7 =	sshll.u32 s28, $0x1;
	[dreg:$0x2] =	wrdreg s5  }
0xbe: {  	[dreg:$0x3] =	wrdreg s7  }
0xbf: {  	[dreg:$0x4] =	wrdreg $0xC0  }
0xc0: {  	_ =	task [dreg:s22], $0x5FFFF  }
0xc1: {  	[dreg:$0x1] =	wrdreg $0xFFFFFFFF  }
0xc2: {  	[dreg:$0x0] =	wrdreg $0x60  }
0xc3: {  	[dreg:$0x2] =	wrdreg s2  }
0xc4: {  	[dreg:$0x3] =	wrdreg s24  }
0xc5: {  	[dreg:$0x4] =	wrdreg s17  }
0xc6: {  	[dreg:$0x5] =	wrdreg $0x9  }
0xc7: {  	_ =	task.clear_ibuf [dreg:s22], $0x6FFFF;
	_ =	strace $0x90000049  }
0xc8: {  	s29 =	simm.s32 $0x9;
	_ =	strace $0x8000004B  }
0xc9: {  	_ =	swait.ge [sflag:s29], $0x1  }
0xca: {  	[sflag:s29] =	ssyncadd.s32 $0xFFFFFFFF  }
0xcb: {  	_ =	strace $0x9000004B  }
0xcc: {  	_ =	sfence  }
0xcd: {  	s30 =	sld [smem:$0x0];
	_ =	sdelay $0x2  }
0xce: {  	s31 =	sshll.u32 s1, $0xD;
	s1 =	sshrl.u32 s1, $0x2  }
0xcf: {  	s4 =	sand.u32 $0x4000, s31;
	s1 =	sadd.s32 s1, s30  }
0xd0: {  	s0 =	sor.u32 s4, s0;
	s1 =	sshll.u32 s1, $0x11  }
0xd1: {  	s0 =	sor.u32 s1, s0  }
0xd2: {  	s0 =	sadd.s32 $0x8F2B, s0  }
0xd3: {  	[sflag:s0] =	ssyncadd.remote.s32 $0x1  }
0xd4: {  	_ =	sfence.sel $0xFFFF  }
0xd5: {  	[dreg:$0x0] =	wrdreg $0xFFFFFFFF;
	(pc) =	sbr.abs _section_cstart, $3  }
0xd6: {  	[dreg:$0x1] =	wrdreg $0xFFFFFFFF  }
0xd7: {  	_ =	task.clear_ibuf [dreg:s22], $0x2FFFF;
	_ =	strace $0x9FFFFFFF  }
0xd8: {  	(tm) =	ssettm $0x7FFFFFFF  }
0xd9: {  	_ =	shalt  }
tec
execute0_lowered:
.L_overlay_start_1:
0x0: {  	(tag) =	ssettag $0x1  }
0x1: {  	s0 =	rddreg [dreg:$0x0]  }
0x2: {  	s3 =	rddreg [dreg:$0x1]  }
0x3: {  	s5 =	rddreg [dreg:$0x2];
	s1 =	simm.s32 $0x0;
	s7 =	srdreg.scid  }
0x4: {  	s14 =	stileid.u32;
	s15 =	simm.s32 $0x120;
	s16 =	simm.s32 $0x180  }
0x5: {  	s17 =	simm.s32 $0x1A0;
	s18 =	simm.s32 $0x200;
	s19 =	simm.s32 $0x220  }
0x6: {  	[smem:$0x7FF] =	sst s1;
	s2 =	sadd.s32 $0xA3C00, s3;
	s4 =	sadd.s32 $0x2E800, s3  }
0x7: {  	s9 =	sshll.u32 s14, $0xE;
	s11 =	smul.u32 $0x180000, s14;
	s21 =	sshll.u32 s14, $0x9  }
0x8: {  	s23 =	sshll.u32 s14, $0xD;
	_ =	strace $0x8000004A;
	[dreg:$0x4] =	wrdreg s2  }
0x9: {  	s28 =	smul.u32 $0x30000, s14;
	s14 =	simm.s32 $0x100;
	[dreg:$0x5] =	wrdreg s4  }
0xa: {  	s31 =	simm.s32 $0x2;
	s6 =	sadd.s32 $0xCF2800, s3;
	[dreg:$0xc] =	wrdreg s14  }
0xb: {  	s8 =	sadd.s32 $0xFF2800, s3;
	s7 =	sand.u32 $0x1, s7;
	[dreg:$0xd] =	wrdreg s15  }
0xc: {  	s2 =	sadd.s32 $0x7600, s3;
	s4 =	sadd.s32 $0x510800, s3;
	[dreg:$0xe] =	wrdreg s16  }
0xd: {  	s10 =	ssub.s32 $0x2, s7;
	s3 =	sadd.s32 s9, s3;
	[dreg:$0xf] =	wrdreg s17  }
0xe: {  	s12 =	smul.u32 $0xC0000, s7;
	s22 =	sshll.u32 s7, $0xD;
	[dreg:$0x10] =	wrdreg s18  }
0xf: {  	s24 =	sadd.s32 s23, s5;
	[dreg:$0x11] =	wrdreg s19;
	s23 =	simm.s32 $0x320  }
0x10: {  	s3 =	sadd.s32 s22, s3;
	s22 =	simm.s32 $0x300;
	[dreg:$0x15] =	wrdreg s23  }
0x11: {  	s20 =	sshrl.u32 s10, $0x1;
	s3 =	sadd.s32 $0x40AE00, s3;
	[dreg:$0x14] =	wrdreg s22  }
0x12: {  	s11 =	sadd.s32 s12, s11;
	s12 =	simm.s32 $0x8;
	[dreg:$0x1b] =	wrdreg s3  }
0x13: {  	s9 =	ssub.s32 s10, s20;
	s20 =	simm.s32 $0x280;
	[dreg:$0xa] =	wrdreg s12  }
0x14: {  	s26 =	sshll.u32 s7, $0xC;
	s9 =	smax.u32 s9, $0x1;
	[dreg:$0x12] =	wrdreg s20  }
0x15: {  	s29 =	simm.s32 $0x4880;
	s3 =	sadd.s32 s26, s24;
	[dreg:$0x1a] =	wrdreg s9  }
0x16: {  	s13 =	sshll.u32 s7, $0x8;
	s24 =	simm.s32 $0x380;
	[dreg:$0x1c] =	wrdreg s3  }
0x17: {  	s11 =	sor.u32 $0x3000, s11;
	s26 =	simm.s32 $0x400;
	[dreg:$0x16] =	wrdreg s24  }
0x18: {  	s9 =	sor.u32 s13, s21;
	s13 =	simm.s32 $0xA0;
	[dreg:$0x18] =	wrdreg s26  }
0x19: {  	s25 =	sshrl.u32 s11, $0x3;
	s21 =	simm.s32 $0x2A0;
	[dreg:$0xb] =	wrdreg s13  }
0x1a: {  	s30 =	simm.s32 $0xA880;
	s11 =	sadd.s32 s25, s8;
	[dreg:$0x13] =	wrdreg s21  }
0x1b: {  	s7 =	smul.u32 $0x18000, s7;
	s5 =	sadd.s32 s25, s6;
	[dreg:$0x6] =	wrdreg s11  }
0x1c: {  	s10 =	sadd.s32 s28, s8;
	s25 =	simm.s32 $0x3A0;
	[dreg:$0x7] =	wrdreg s5  }
0x1d: {  	s6 =	sadd.s32 s28, s6;
	s28 =	simm.s32 $0x420;
	[dreg:$0x17] =	wrdreg s25  }
0x1e: {  	s13 =	simm.s32 $0x14;
	s3 =	sadd.s32 s7, s6;
	[dreg:$0x19] =	wrdreg s28  }
0x1f: {  	v0 =	vlaneseq.u32;
	s5 =	sshrl.u32 s9, $0x3;
	s11 =	sadd.s32 s7, s10;
	[dreg:$0x8] =	wrdreg s3  }
0x20: {  	v1 =	vshrl.u32 v0, $0x3;
	s6 =	simm.s32 $0x480;
	s0 =	sadd.s32 s5, s0;
	[dreg:$0x9] =	wrdreg s11  }
0x21: {  	vm0 =	vmmov $0xffff;
	v0 =	vand.u32 $0x7, v0;
	v1 =	vmul.u32 $0x8, v1;
	s7 =	simm.s32 $0x0;
	[dreg:$0x1d] =	wrdreg s0;
	s0 =	simm.s32 $0x3  }
.LBB2_1:
0x22: {  	p0 =	por $0x1, $0x1  }
0x23: {  	p0 =	por p0, p0  }
0x24: {  	[dreg:$0x1e] =	wrdreg s7;
	s3 =	simm.s32 @!p0 $0x4  }
0x25: {  	_ =	swait.ge @!p0 [sflag:s3], $0x2800  }
0x26: {  	[sflag:s3] =	ssyncset.done @!p0 $0x0  }
0x27: {  	[sflag:s3] =	ssyncadd.s32 @!p0 $0xFFFFD800  }
0x28: {  	_ =	swait.ge @!p0 [sflag:s3], $0x2800  }
0x29: {  	[sflag:s3] =	ssyncset.done @!p0 $0x0  }
0x2a: {  	[sflag:s3] =	ssyncadd.s32 @!p0 $0xFFFFD800;
	s3 =	simm.s32 @!p0 $0x5  }
0x2b: {  	_ =	swait.ge @!p0 [sflag:s3], $0x2800  }
0x2c: {  	[sflag:s3] =	ssyncset.done @!p0 $0x0  }
0x2d: {  	[sflag:s3] =	ssyncadd.s32 @!p0 $0xFFFFD800  }
0x2e: {  	_ =	swait.ge @!p0 [sflag:s3], $0x2800  }
0x2f: {  	[sflag:s3] =	ssyncset.done @!p0 $0x0  }
0x30: {  	[sflag:s3] =	ssyncadd.s32 @!p0 $0xFFFFD800  }
0x31: {  	_ =	swait.ge @!p0 [sflag:s3], $0x400  }
0x32: {  	[sflag:s3] =	ssyncset.done @!p0 $0x0  }
0x33: {  	[sflag:s3] =	ssyncadd.s32 @!p0 $0xFFFFFC00  }
0x34: {  	_ =	swait.ge @!p0 [sflag:s3], $0x800  }
0x35: {  	[sflag:s3] =	ssyncset.done @!p0 $0x0  }
0x36: {  	s26 =	simm.s32 $0x6;
	s15 =	rddreg [dreg:$0x1d];
	[sflag:s3] =	ssyncadd.s32 @!p0 $0xFFFFF800  }
0x37: {  	[tilespmem:s1], [sflag:$0x6] =	stream.linear.gather [hbm4b:s15+s1], $0x8, $0x38;
	[tilespmem:$0xCC80] =	vst v63  }
0x38: {  	_ =	swait.ge [sflag:s26], $0x8  }
0x39: {  	s28 =	rddreg [dreg:$0x4];
	[sflag:s26] =	ssyncset.done $0x0  }
0x3a: {  	s8 =	simm.s32 $0x80;
	s5 =	rddreg [dreg:$0xa];
	[sflag:s26] =	ssyncadd.s32 $0xFFFFFFF8  }
0x3b: {  	[tilespmem:s8], [sflag:$0x1] =	stream.indirect.gather [hbm4b:s28+s5], $0x80, s1, s5, $0xb8;
	[tilespmem:$0xCC80] =	vst v63  }
0x3c: {  	v2 =	vld.msk [tilespmem:$0x0], $0xff;
	_ =	sdelay $0x4  }
0x3d: {  	v3 =	vshll.u32 v2, $0x1  }
0x3e: {  	v2 =	vand.u32 $0x7, v2;
	v3 =	vand.u32 $0xFFFFFFF0, v3  }
0x3f: {  	v2 =	vor.u32 v2, v3  }
0x40: {  	v2 =	vperm.xlane v2, v0;
	_ =	sdelay $0x1  }
0x41: {  	v2 =	vadd.s32 v1, v2;
	_ =	sdelay $0x3  }
0x42: {  	s10 =	simm.s32 $0x1;
	s9 =	rddreg [dreg:$0x5]  }
0x43: {  	[tilespmem:s6], [sflag:$0x1] =	stream.indirect_vreg.gather [hbm4b:s9+s1], $0x80, v2, vm0, $0xb8;
	[tilespmem:$0xCC80] =	vst v63  }
0x44: {  	_ =	swait.ge [sflag:s10], $0x400  }
0x45: {  	[sflag:s10] =	ssyncset.done $0x0  }
0x46: {  	[sflag:s10] =	ssyncadd.s32 $0xFFFFFC00  }
0x47: {  	_ =	swait.ge [sflag:s10], $0x800  }
0x48: {  	[sflag:s10] =	ssyncset.done $0x0  }
0x49: {  	s6 =	simm.s32 $0xC80;
	[sflag:s10] =	ssyncadd.s32 $0xFFFFF800  }
0x4a: {  	[tilespmem:s6], [sflag:$0x2] =	stream.indirect.gather [hbm4b:s2+s13], $0x80, s8, s13, $0xb8;
	[tilespmem:$0xCC80] =	vst v63  }
0x4b: {  	s7 =	simm.s32 $0x6C80;
	s11 =	rddreg [dreg:$0xb]  }
0x4c: {  	[tilespmem:s7], [sflag:$0x2] =	stream.indirect.gather [hbm4b:s4+s13], $0x80, s11, s13, $0xb8;
	[tilespmem:$0xCC80] =	vst v63  }
0x4d: {  	s12 =	rddreg [dreg:$0xc];
	s8 =	simm.s32 $0x1880  }
0x4e: {  	[tilespmem:s8], [sflag:$0x2] =	stream.indirect.gather [hbm4b:s2+s13], $0x80, s12, s13, $0xb8;
	[tilespmem:$0xCC80] =	vst v63  }
0x4f: {  	s14 =	rddreg [dreg:$0xd];
	s11 =	simm.s32 $0x7880  }
0x50: {  	[tilespmem:s11], [sflag:$0x2] =	stream.indirect.gather [hbm4b:s4+s13], $0x80, s14, s13, $0xb8;
	[tilespmem:$0xCC80] =	vst v63  }
0x51: {  	s16 =	rddreg [dreg:$0xe];
	s14 =	simm.s32 $0x2480  }
0x52: {  	[tilespmem:s14], [sflag:$0x2] =	stream.indirect.gather [hbm4b:s2+s13], $0x80, s16, s13, $0xb8;
	[tilespmem:$0xCC80] =	vst v63  }
0x53: {  	s17 =	rddreg [dreg:$0xf];
	s16 =	simm.s32 $0x8480  }
0x54: {  	[tilespmem:s16], [sflag:$0x2] =	stream.indirect.gather [hbm4b:s4+s13], $0x80, s17, s13, $0xb8;
	[tilespmem:$0xCC80] =	vst v63  }
0x55: {  	s18 =	rddreg [dreg:$0x10];
	s17 =	simm.s32 $0x3080  }
0x56: {  	[tilespmem:s17], [sflag:$0x2] =	stream.indirect.gather [hbm4b:s2+s13], $0x80, s18, s13, $0xb8;
	[tilespmem:$0xCC80] =	vst v63  }
0x57: {  	s19 =	rddreg [dreg:$0x11];
	s18 =	simm.s32 $0x9080  }
0x58: {  	[tilespmem:s18], [sflag:$0x2] =	stream.indirect.gather [hbm4b:s4+s13], $0x80, s19, s13, $0xb8;
	[tilespmem:$0xCC80] =	vst v63  }
0x59: {  	s20 =	rddreg [dreg:$0x12];
	s19 =	simm.s32 $0x3C80  }
0x5a: {  	[tilespmem:s19], [sflag:$0x3] =	stream.indirect.gather [hbm4b:s2+s13], $0x80, s20, s13, $0xb8;
	[tilespmem:$0xCC80] =	vst v63  }
0x5b: {  	s21 =	rddreg [dreg:$0x13];
	s20 =	simm.s32 $0x9C80  }
0x5c: {  	[tilespmem:s20], [sflag:$0x3] =	stream.indirect.gather [hbm4b:s4+s13], $0x80, s21, s13, $0xb8;
	[tilespmem:$0xCC80] =	vst v63  }
0x5d: {  	s22 =	rddreg [dreg:$0x14];
	s21 =	simm.s32 $0x4880  }
0x5e: {  	[tilespmem:s21], [sflag:$0x3] =	stream.indirect.gather [hbm4b:s2+s13], $0x80, s22, s13, $0xb8;
	[tilespmem:$0xCC80] =	vst v63  }
0x5f: {  	s23 =	rddreg [dreg:$0x15];
	s22 =	simm.s32 $0xA880  }
0x60: {  	[tilespmem:s22], [sflag:$0x3] =	stream.indirect.gather [hbm4b:s4+s13], $0x80, s23, s13, $0xb8;
	[tilespmem:$0xCC80] =	vst v63  }
0x61: {  	s9 =	simm.s32 $0x5480;
	s24 =	rddreg [dreg:$0x16]  }
0x62: {  	[tilespmem:s9], [sflag:$0x3] =	stream.indirect.gather [hbm4b:s2+s13], $0x80, s24, s13, $0xb8;
	[tilespmem:$0xCC80] =	vst v63  }
0x63: {  	s25 =	rddreg [dreg:$0x17];
	s10 =	simm.s32 $0xB480  }
0x64: {  	[tilespmem:s10], [sflag:$0x3] =	stream.indirect.gather [hbm4b:s4+s13], $0x80, s25, s13, $0xb8;
	[tilespmem:$0xCC80] =	vst v63  }
0x65: {  	s26 =	rddreg [dreg:$0x18];
	s12 =	simm.s32 $0x6080  }
0x66: {  	[tilespmem:s12], [sflag:$0x3] =	stream.indirect.gather [hbm4b:s2+s13], $0x80, s26, s13, $0xb8;
	[tilespmem:$0xCC80] =	vst v63  }
0x67: {  	s28 =	rddreg [dreg:$0x19];
	s23 =	simm.s32 $0xC080  }
0x68: {  	[tilespmem:s23], [sflag:$0x3] =	stream.indirect.gather [hbm4b:s4+s13], $0x80, s28, s13, $0xb8;
	[tilespmem:$0xCC80] =	vst v63  }
0x69: {  	_ =	swait.ge [sflag:s31], $0xA00  }
0x6a: {  	[sflag:s31] =	ssyncset.done $0x0  }
0x6b: {  	[sflag:s31] =	ssyncadd.s32 $0xFFFFF600  }
0x6c: {  	_ =	swait.ge [sflag:s31], $0xA00  }
0x6d: {  	[sflag:s31] =	ssyncset.done $0x0  }
0x6e: {  	[sflag:s31] =	ssyncadd.s32 $0xFFFFF600  }
0x6f: {  	_ =	swait.ge [sflag:s31], $0xA00  }
0x70: {  	[sflag:s31] =	ssyncset.done $0x0  }
0x71: {  	[sflag:s31] =	ssyncadd.s32 $0xFFFFF600  }
0x72: {  	_ =	swait.ge [sflag:s31], $0xA00  }
0x73: {  	[sflag:s31] =	ssyncset.done $0x0  }
0x74: {  	[sflag:s31] =	ssyncadd.s32 $0xFFFFF600  }
0x75: {  	_ =	swait.ge [sflag:s31], $0xA00  }
0x76: {  	[sflag:s31] =	ssyncset.done $0x0  }
0x77: {  	[sflag:s31] =	ssyncadd.s32 $0xFFFFF600  }
0x78: {  	_ =	swait.ge [sflag:s31], $0xA00  }
0x79: {  	[sflag:s31] =	ssyncset.done $0x0  }
0x7a: {  	[sflag:s31] =	ssyncadd.s32 $0xFFFFF600  }
0x7b: {  	_ =	swait.ge [sflag:s31], $0xA00  }
0x7c: {  	[sflag:s31] =	ssyncset.done $0x0  }
0x7d: {  	[sflag:s31] =	ssyncadd.s32 $0xFFFFF600  }
0x7e: {  	_ =	swait.ge [sflag:s31], $0xA00  }
0x7f: {  	s24 =	rddreg [dreg:$0x8];
	[sflag:s31] =	ssyncset.done $0x0  }
0x80: {  	[sflag:s31] =	ssyncadd.s32 $0xFFFFF600;
	s3 =	sadd.s32 $0x0, s24  }
0x81: {  	[hbm4b:s3+s1] =	stream.linear.scatter [tilespmem:s6], [sflag:$0x4], $0xA00, $0x38;
	[tilespmem:$0xCC80] =	vst v63  }
0x82: {  	s25 =	sadd.s32 $0x180, s3  }
0x83: {  	[hbm4b:s25+s1] =	stream.linear.scatter [tilespmem:s8], [sflag:$0x4], $0xA00, $0x38;
	[tilespmem:$0xCC80] =	vst v63  }
0x84: {  	s26 =	sadd.s32 $0x300, s3  }
0x85: {  	[hbm4b:s26+s1] =	stream.linear.scatter [tilespmem:s14], [sflag:$0x4], $0xA00, $0x38;
	[tilespmem:$0xCC80] =	vst v63  }
0x86: {  	s28 =	rddreg [dreg:$0x9];
	s3 =	sadd.s32 $0x480, s3  }
0x87: {  	[hbm4b:s3+s1] =	stream.linear.scatter [tilespmem:s17], [sflag:$0x4], $0xA00, $0x38;
	[tilespmem:$0xCC80] =	vst v63  }
0x88: {  	s8 =	sadd.s32 $0x0, s28  }
0x89: {  	[hbm4b:s8+s1] =	stream.linear.scatter [tilespmem:s7], [sflag:$0x4], $0xA00, $0x38;
	[tilespmem:$0xCC80] =	vst v63  }
0x8a: {  	s14 =	sadd.s32 $0x180, s8  }
0x8b: {  	[hbm4b:s14+s1] =	stream.linear.scatter [tilespmem:s11], [sflag:$0x4], $0xA00, $0x38;
	[tilespmem:$0xCC80] =	vst v63  }
0x8c: {  	s17 =	sadd.s32 $0x300, s8  }
0x8d: {  	[hbm4b:s17+s1] =	stream.linear.scatter [tilespmem:s16], [sflag:$0x4], $0xA00, $0x38;
	[tilespmem:$0xCC80] =	vst v63  }
0x8e: {  	s3 =	sadd.s32 $0x480, s8  }
0x8f: {  	[hbm4b:s3+s1] =	stream.linear.scatter [tilespmem:s18], [sflag:$0x4], $0xA00, $0x38;
	[tilespmem:$0xCC80] =	vst v63  }
0x90: {  	_ =	swait.ge [sflag:s0], $0xA00  }
0x91: {  	[sflag:s0] =	ssyncset.done $0x0  }
0x92: {  	[sflag:s0] =	ssyncadd.s32 $0xFFFFF600  }
0x93: {  	_ =	swait.ge [sflag:s0], $0xA00  }
0x94: {  	[sflag:s0] =	ssyncset.done $0x0  }
0x95: {  	[sflag:s0] =	ssyncadd.s32 $0xFFFFF600  }
0x96: {  	_ =	swait.ge [sflag:s0], $0xA00  }
0x97: {  	[sflag:s0] =	ssyncset.done $0x0  }
0x98: {  	[sflag:s0] =	ssyncadd.s32 $0xFFFFF600  }
0x99: {  	_ =	swait.ge [sflag:s0], $0xA00  }
0x9a: {  	[sflag:s0] =	ssyncset.done $0x0  }
0x9b: {  	[sflag:s0] =	ssyncadd.s32 $0xFFFFF600  }
0x9c: {  	_ =	swait.ge [sflag:s0], $0xA00  }
0x9d: {  	[sflag:s0] =	ssyncset.done $0x0  }
0x9e: {  	[sflag:s0] =	ssyncadd.s32 $0xFFFFF600  }
0x9f: {  	_ =	swait.ge [sflag:s0], $0xA00  }
0xa0: {  	[sflag:s0] =	ssyncset.done $0x0  }
0xa1: {  	[sflag:s0] =	ssyncadd.s32 $0xFFFFF600  }
0xa2: {  	_ =	swait.ge [sflag:s0], $0xA00  }
0xa3: {  	[sflag:s0] =	ssyncset.done $0x0  }
0xa4: {  	[sflag:s0] =	ssyncadd.s32 $0xFFFFF600  }
0xa5: {  	_ =	swait.ge [sflag:s0], $0xA00  }
0xa6: {  	s18 =	rddreg [dreg:$0x7];
	[sflag:s0] =	ssyncset.done $0x0  }
0xa7: {  	[sflag:s0] =	ssyncadd.s32 $0xFFFFF600;
	s3 =	sadd.s32 $0x0, s18  }
0xa8: {  	[hbm4b:s3+s1] =	stream.linear.scatter [tilespmem:s19], [sflag:$0x5], $0xA00, $0x38;
	[tilespmem:$0xCC80] =	vst v63  }
0xa9: {  	s19 =	sadd.s32 $0x180, s3  }
0xaa: {  	[hbm4b:s19+s1] =	stream.linear.scatter [tilespmem:s21], [sflag:$0x5], $0xA00, $0x38;
	[tilespmem:$0xCC80] =	vst v63  }
0xab: {  	s25 =	sadd.s32 $0x300, s3  }
0xac: {  	[hbm4b:s25+s1] =	stream.linear.scatter [tilespmem:s9], [sflag:$0x5], $0xA00, $0x38;
	[tilespmem:$0xCC80] =	vst v63  }
0xad: {  	s24 =	rddreg [dreg:$0x6];
	s3 =	sadd.s32 $0x480, s3  }
0xae: {  	[hbm4b:s3+s1] =	stream.linear.scatter [tilespmem:s12], [sflag:$0x5], $0xA00, $0x38;
	[tilespmem:$0xCC80] =	vst v63  }
0xaf: {  	p6 =	por $0x0, $0x0;
	s26 =	sadd.s32 $0x0, s24  }
0xb0: {  	[hbm4b:s26+s1] =	stream.linear.scatter [tilespmem:s20], [sflag:$0x5], $0xA00, $0x38;
	[tilespmem:$0xCC80] =	vst v63  }
0xb1: {  	p0 =	por p6, p6;
	s5 =	sadd.s32 $0x180, s26  }
0xb2: {  	[hbm4b:s5+s1] =	stream.linear.scatter [tilespmem:s22], [sflag:$0x5], $0xA00, $0x38;
	[tilespmem:$0xCC80] =	vst v63  }
0xb3: {  	s6 =	simm.s32 $0x1800;
	s14 =	rddreg [dreg:$0x1b];
	s28 =	sadd.s32 $0x300, s26  }
0xb4: {  	[hbm4b:s28+s1] =	stream.linear.scatter [tilespmem:s10], [sflag:$0x5], $0xA00, $0x38;
	[tilespmem:$0xCC80] =	vst v63  }
0xb5: {  	s11 =	rddreg [dreg:$0x1c];
	s7 =	sadd.s32 $0x100, s14;
	s3 =	sadd.s32 $0x480, s26  }
0xb6: {  	[hbm4b:s3+s1] =	stream.linear.scatter [tilespmem:s23], [sflag:$0x5], $0xA00, $0x38;
	[tilespmem:$0xCC80] =	vst v63  }
0xb7: {  	s8 =	sadd.s32 $0x80, s11;
	s5 =	sadd.s32 $0x1, s15;
	s3 =	simm.s32 $0xC00  }
.LBB2_2:
0xb8: {  	s10 =	simm.s32 $0x80  }
0xb9: {  	[hbm4b:s11+s1] =	stream.linear.scatter [tilespmem:s10], [sflag:$0x5], $0x400, $0x38;
	[tilespmem:$0xCC80] =	vst v63  }
0xba: {  	s16 =	simm.s32 @!p0 $0x4;
	s18 =	simm.s32 $0x480  }
0xbb: {  	[hbm4b:s14+s1] =	stream.linear.scatter [tilespmem:s18], [sflag:$0x5], $0x800, $0x38;
	[tilespmem:$0xCC80] =	vst v63  }
0xbc: {  	_ =	swait.ge @!p0 [sflag:s16], $0x2800  }
0xbd: {  	[sflag:s16] =	ssyncset.done @!p0 $0x0  }
0xbe: {  	[sflag:s16] =	ssyncadd.s32 @!p0 $0xFFFFD800  }
0xbf: {  	_ =	swait.ge @!p0 [sflag:s16], $0x2800  }
0xc0: {  	[sflag:s16] =	ssyncset.done @!p0 $0x0  }
0xc1: {  	[sflag:s16] =	ssyncadd.s32 @!p0 $0xFFFFD800;
	s16 =	simm.s32 @!p0 $0x5  }
0xc2: {  	_ =	swait.ge @!p0 [sflag:s16], $0x2800  }
0xc3: {  	[sflag:s16] =	ssyncset.done @!p0 $0x0  }
0xc4: {  	[sflag:s16] =	ssyncadd.s32 @!p0 $0xFFFFD800  }
0xc5: {  	_ =	swait.ge @!p0 [sflag:s16], $0x2800  }
0xc6: {  	[sflag:s16] =	ssyncset.done @!p0 $0x0  }
0xc7: {  	[sflag:s16] =	ssyncadd.s32 @!p0 $0xFFFFD800  }
0xc8: {  	_ =	swait.ge @!p0 [sflag:s16], $0x400  }
0xc9: {  	[sflag:s16] =	ssyncset.done @!p0 $0x0  }
0xca: {  	[sflag:s16] =	ssyncadd.s32 @!p0 $0xFFFFFC00  }
0xcb: {  	_ =	swait.ge @!p0 [sflag:s16], $0x800  }
0xcc: {  	[sflag:s16] =	ssyncset.done @!p0 $0x0  }
0xcd: {  	s9 =	simm.s32 $0x6;
	[sflag:s16] =	ssyncadd.s32 @!p0 $0xFFFFF800  }
0xce: {  	[tilespmem:s1], [sflag:$0x6] =	stream.linear.gather [hbm4b:s5+s1], $0x8, $0x38;
	[tilespmem:$0xCC80] =	vst v63  }
0xcf: {  	_ =	swait.ge [sflag:s9], $0x8  }
0xd0: {  	[sflag:s9] =	ssyncset.done $0x0;
	s12 =	rddreg [dreg:$0x4]  }
0xd1: {  	s17 =	rddreg [dreg:$0xa];
	[sflag:s9] =	ssyncadd.s32 $0xFFFFFFF8  }
0xd2: {  	[tilespmem:s10], [sflag:$0x1] =	stream.indirect.gather [hbm4b:s12+s17], $0x80, s1, s17, $0xb8;
	[tilespmem:$0xCC80] =	vst v63  }
0xd3: {  	v2 =	vld.msk [tilespmem:$0x0], $0xff;
	_ =	sdelay $0x4  }
0xd4: {  	v3 =	vshll.u32 v2, $0x1  }
0xd5: {  	v2 =	vand.u32 $0x7, v2;
	v3 =	vand.u32 $0xFFFFFFF0, v3  }
0xd6: {  	v2 =	vor.u32 v2, v3  }
0xd7: {  	v2 =	vperm.xlane v2, v0;
	_ =	sdelay $0x1  }
0xd8: {  	v2 =	vadd.s32 v1, v2;
	_ =	sdelay $0x3  }
0xd9: {  	s20 =	simm.s32 $0x1;
	s19 =	rddreg [dreg:$0x5]  }
0xda: {  	[tilespmem:s18], [sflag:$0x1] =	stream.indirect_vreg.gather [hbm4b:s19+s1], $0x80, v2, vm0, $0xb8;
	[tilespmem:$0xCC80] =	vst v63  }
0xdb: {  	_ =	swait.ge [sflag:s20], $0x400  }
0xdc: {  	[sflag:s20] =	ssyncset.done $0x0  }
0xdd: {  	[sflag:s20] =	ssyncadd.s32 $0xFFFFFC00  }
0xde: {  	_ =	swait.ge [sflag:s20], $0x800  }
0xdf: {  	[sflag:s20] =	ssyncset.done $0x0  }
0xe0: {  	s18 =	simm.s32 $0xC80;
	[sflag:s20] =	ssyncadd.s32 $0xFFFFF800  }
0xe1: {  	[tilespmem:s18], [sflag:$0x2] =	stream.indirect.gather [hbm4b:s2+s13], $0x80, s10, s13, $0xb8;
	[tilespmem:$0xCC80] =	vst v63  }
0xe2: {  	s19 =	simm.s32 $0x6C80;
	s21 =	rddreg [dreg:$0xb]  }
0xe3: {  	[tilespmem:s19], [sflag:$0x2] =	stream.indirect.gather [hbm4b:s4+s13], $0x80, s21, s13, $0xb8;
	[tilespmem:$0xCC80] =	vst v63  }
0xe4: {  	s22 =	rddreg [dreg:$0xc];
	s20 =	simm.s32 $0x1880  }
0xe5: {  	[tilespmem:s20], [sflag:$0x2] =	stream.indirect.gather [hbm4b:s2+s13], $0x80, s22, s13, $0xb8;
	[tilespmem:$0xCC80] =	vst v63  }
0xe6: {  	s23 =	rddreg [dreg:$0xd];
	s21 =	simm.s32 $0x7880  }
0xe7: {  	[tilespmem:s21], [sflag:$0x2] =	stream.indirect.gather [hbm4b:s4+s13], $0x80, s23, s13, $0xb8;
	[tilespmem:$0xCC80] =	vst v63  }
0xe8: {  	s24 =	rddreg [dreg:$0xe];
	s22 =	simm.s32 $0x2480  }
0xe9: {  	[tilespmem:s22], [sflag:$0x2] =	stream.indirect.gather [hbm4b:s2+s13], $0x80, s24, s13, $0xb8;
	[tilespmem:$0xCC80] =	vst v63  }
0xea: {  	s25 =	rddreg [dreg:$0xf];
	s23 =	simm.s32 $0x8480  }
0xeb: {  	[tilespmem:s23], [sflag:$0x2] =	stream.indirect.gather [hbm4b:s4+s13], $0x80, s25, s13, $0xb8;
	[tilespmem:$0xCC80] =	vst v63  }
0xec: {  	s26 =	rddreg [dreg:$0x10];
	s24 =	simm.s32 $0x3080  }
0xed: {  	[tilespmem:s24], [sflag:$0x2] =	stream.indirect.gather [hbm4b:s2+s13], $0x80, s26, s13, $0xb8;
	[tilespmem:$0xCC80] =	vst v63  }
0xee: {  	s28 =	rddreg [dreg:$0x11];
	s25 =	simm.s32 $0x9080  }
0xef: {  	[tilespmem:s25], [sflag:$0x2] =	stream.indirect.gather [hbm4b:s4+s13], $0x80, s28, s13, $0xb8;
	[tilespmem:$0xCC80] =	vst v63  }
0xf0: {  	s9 =	rddreg [dreg:$0x12];
	s26 =	simm.s32 $0x3C80  }
0xf1: {  	[tilespmem:s26], [sflag:$0x3] =	stream.indirect.gather [hbm4b:s2+s13], $0x80, s9, s13, $0xb8;
	[tilespmem:$0xCC80] =	vst v63  }
0xf2: {  	s10 =	rddreg [dreg:$0x13];
	s28 =	simm.s32 $0x9C80  }
0xf3: {  	[tilespmem:s28], [sflag:$0x3] =	stream.indirect.gather [hbm4b:s4+s13], $0x80, s10, s13, $0xb8;
	[tilespmem:$0xCC80] =	vst v63  }
0xf4: {  	s12 =	rddreg [dreg:$0x14]  }
0xf5: {  	[tilespmem:s29], [sflag:$0x3] =	stream.indirect.gather [hbm4b:s2+s13], $0x80, s12, s13, $0xb8;
	[tilespmem:$0xCC80] =	vst v63  }
0xf6: {  	s9 =	rddreg [dreg:$0x15]  }
0xf7: {  	[tilespmem:s30], [sflag:$0x3] =	stream.indirect.gather [hbm4b:s4+s13], $0x80, s9, s13, $0xb8;
	[tilespmem:$0xCC80] =	vst v63  }
0xf8: {  	s10 =	rddreg [dreg:$0x16];
	s9 =	simm.s32 $0x5480  }
0xf9: {  	[tilespmem:s9], [sflag:$0x3] =	stream.indirect.gather [hbm4b:s2+s13], $0x80, s10, s13, $0xb8;
	[tilespmem:$0xCC80] =	vst v63  }
0xfa: {  	s28 =	simm.s32 $0xB480;
	s12 =	rddreg [dreg:$0x17]  }
0xfb: {  	[tilespmem:s28], [sflag:$0x3] =	stream.indirect.gather [hbm4b:s4+s13], $0x80, s12, s13, $0xb8;
	[tilespmem:$0xCC80] =	vst v63  }
0xfc: {  	s10 =	rddreg [dreg:$0x18];
	s12 =	simm.s32 $0x6080  }
0xfd: {  	[tilespmem:s12], [sflag:$0x3] =	stream.indirect.gather [hbm4b:s2+s13], $0x80, s10, s13, $0xb8;
	[tilespmem:$0xCC80] =	vst v63  }
0xfe: {  	s16 =	rddreg [dreg:$0x19];
	s10 =	simm.s32 $0xC080  }
0xff: {  	[tilespmem:s10], [sflag:$0x3] =	stream.indirect.gather [hbm4b:s4+s13], $0x80, s16, s13, $0xb8;
	[tilespmem:$0xCC80] =	vst v63  }
0x100: {  	_ =	swait.ge [sflag:s31], $0xA00  }
0x101: {  	[sflag:s31] =	ssyncset.done $0x0  }
0x102: {  	[sflag:s31] =	ssyncadd.s32 $0xFFFFF600  }
0x103: {  	_ =	swait.ge [sflag:s31], $0xA00  }
0x104: {  	[sflag:s31] =	ssyncset.done $0x0  }
0x105: {  	[sflag:s31] =	ssyncadd.s32 $0xFFFFF600  }
0x106: {  	_ =	swait.ge [sflag:s31], $0xA00  }
0x107: {  	[sflag:s31] =	ssyncset.done $0x0  }
0x108: {  	[sflag:s31] =	ssyncadd.s32 $0xFFFFF600  }
0x109: {  	_ =	swait.ge [sflag:s31], $0xA00  }
0x10a: {  	[sflag:s31] =	ssyncset.done $0x0  }
0x10b: {  	[sflag:s31] =	ssyncadd.s32 $0xFFFFF600  }
0x10c: {  	_ =	swait.ge [sflag:s31], $0xA00  }
0x10d: {  	[sflag:s31] =	ssyncset.done $0x0  }
0x10e: {  	[sflag:s31] =	ssyncadd.s32 $0xFFFFF600  }
0x10f: {  	_ =	swait.ge [sflag:s31], $0xA00  }
0x110: {  	[sflag:s31] =	ssyncset.done $0x0  }
0x111: {  	[sflag:s31] =	ssyncadd.s32 $0xFFFFF600  }
0x112: {  	_ =	swait.ge [sflag:s31], $0xA00  }
0x113: {  	[sflag:s31] =	ssyncset.done $0x0  }
0x114: {  	[sflag:s31] =	ssyncadd.s32 $0xFFFFF600  }
0x115: {  	_ =	swait.ge [sflag:s31], $0xA00  }
0x116: {  	s17 =	rddreg [dreg:$0x8];
	[sflag:s31] =	ssyncset.done $0x0  }
0x117: {  	[sflag:s31] =	ssyncadd.s32 $0xFFFFF600;
	s16 =	sadd.s32 s3, s17  }
0x118: {  	[hbm4b:s16+s1] =	stream.linear.scatter [tilespmem:s18], [sflag:$0x4], $0xA00, $0x38;
	[tilespmem:$0xCC80] =	vst v63  }
0x119: {  	s18 =	sadd.s32 $0x180, s16  }
0x11a: {  	[hbm4b:s18+s1] =	stream.linear.scatter [tilespmem:s20], [sflag:$0x4], $0xA00, $0x38;
	[tilespmem:$0xCC80] =	vst v63  }
0x11b: {  	s18 =	sadd.s32 $0x300, s16  }
0x11c: {  	[hbm4b:s18+s1] =	stream.linear.scatter [tilespmem:s22], [sflag:$0x4], $0xA00, $0x38;
	[tilespmem:$0xCC80] =	vst v63  }
0x11d: {  	s20 =	rddreg [dreg:$0x9];
	s16 =	sadd.s32 $0x480, s16  }
0x11e: {  	[hbm4b:s16+s1] =	stream.linear.scatter [tilespmem:s24], [sflag:$0x4], $0xA00, $0x38;
	[tilespmem:$0xCC80] =	vst v63  }
0x11f: {  	s22 =	sadd.s32 s3, s20  }
0x120: {  	[hbm4b:s22+s1] =	stream.linear.scatter [tilespmem:s19], [sflag:$0x4], $0xA00, $0x38;
	[tilespmem:$0xCC80] =	vst v63  }
0x121: {  	s24 =	sadd.s32 $0x180, s22  }
0x122: {  	[hbm4b:s24+s1] =	stream.linear.scatter [tilespmem:s21], [sflag:$0x4], $0xA00, $0x38;
	[tilespmem:$0xCC80] =	vst v63  }
0x123: {  	s18 =	sadd.s32 $0x300, s22  }
0x124: {  	[hbm4b:s18+s1] =	stream.linear.scatter [tilespmem:s23], [sflag:$0x4], $0xA00, $0x38;
	[tilespmem:$0xCC80] =	vst v63  }
0x125: {  	s16 =	sadd.s32 $0x480, s22  }
0x126: {  	[hbm4b:s16+s1] =	stream.linear.scatter [tilespmem:s25], [sflag:$0x4], $0xA00, $0x38;
	[tilespmem:$0xCC80] =	vst v63  }
0x127: {  	_ =	swait.ge [sflag:s0], $0xA00  }
0x128: {  	[sflag:s0] =	ssyncset.done $0x0  }
0x129: {  	[sflag:s0] =	ssyncadd.s32 $0xFFFFF600  }
0x12a: {  	_ =	swait.ge [sflag:s0], $0xA00  }
0x12b: {  	[sflag:s0] =	ssyncset.done $0x0  }
0x12c: {  	[sflag:s0] =	ssyncadd.s32 $0xFFFFF600  }
0x12d: {  	_ =	swait.ge [sflag:s0], $0xA00  }
0x12e: {  	[sflag:s0] =	ssyncset.done $0x0  }
0x12f: {  	[sflag:s0] =	ssyncadd.s32 $0xFFFFF600  }
0x130: {  	_ =	swait.ge [sflag:s0], $0xA00  }
0x131: {  	[sflag:s0] =	ssyncset.done $0x0  }
0x132: {  	[sflag:s0] =	ssyncadd.s32 $0xFFFFF600  }
0x133: {  	_ =	swait.ge [sflag:s0], $0xA00  }
0x134: {  	[sflag:s0] =	ssyncset.done $0x0  }
0x135: {  	[sflag:s0] =	ssyncadd.s32 $0xFFFFF600  }
0x136: {  	_ =	swait.ge [sflag:s0], $0xA00  }
0x137: {  	[sflag:s0] =	ssyncset.done $0x0  }
0x138: {  	[sflag:s0] =	ssyncadd.s32 $0xFFFFF600  }
0x139: {  	_ =	swait.ge [sflag:s0], $0xA00  }
0x13a: {  	[sflag:s0] =	ssyncset.done $0x0  }
0x13b: {  	[sflag:s0] =	ssyncadd.s32 $0xFFFFF600  }
0x13c: {  	_ =	swait.ge [sflag:s0], $0xA00  }
0x13d: {  	s19 =	rddreg [dreg:$0x7];
	[sflag:s0] =	ssyncset.done $0x0  }
0x13e: {  	[sflag:s0] =	ssyncadd.s32 $0xFFFFF600;
	s16 =	sadd.s32 s3, s19  }
0x13f: {  	[hbm4b:s16+s1] =	stream.linear.scatter [tilespmem:s26], [sflag:$0x5], $0xA00, $0x38;
	[tilespmem:$0xCC80] =	vst v63  }
0x140: {  	s21 =	sadd.s32 $0x180, s16  }
0x141: {  	[hbm4b:s21+s1] =	stream.linear.scatter [tilespmem:s29], [sflag:$0x5], $0xA00, $0x38;
	[tilespmem:$0xCC80] =	vst v63  }
0x142: {  	s15 =	smov.u32 s6;
	s22 =	sadd.s32 $0x300, s16  }
0x143: {  	[hbm4b:s22+s1] =	stream.linear.scatter [tilespmem:s9], [sflag:$0x5], $0xA00, $0x38;
	[tilespmem:$0xCC80] =	vst v63  }
0x144: {  	s6 =	sadd.s32 $0xC00, s6;
	s20 =	rddreg [dreg:$0x6];
	s16 =	sadd.s32 $0x480, s16  }
0x145: {  	[hbm4b:s16+s1] =	stream.linear.scatter [tilespmem:s12], [sflag:$0x5], $0xA00, $0x38;
	[tilespmem:$0xCC80] =	vst v63  }
0x146: {  	s11 =	smov.u32 s8;
	s24 =	simm.s32 $0x9C80;
	s23 =	sadd.s32 s3, s20  }
0x147: {  	[hbm4b:s23+s1] =	stream.linear.scatter [tilespmem:s24], [sflag:$0x5], $0xA00, $0x38;
	[tilespmem:$0xCC80] =	vst v63  }
0x148: {  	p2 =	seq.s32 s15, $0x0;
	p1 =	sne.s32 s6, $0x18000;
	s25 =	sadd.s32 $0x180, s23  }
0x149: {  	[hbm4b:s25+s1] =	stream.linear.scatter [tilespmem:s30], [sflag:$0x5], $0xA00, $0x38;
	[tilespmem:$0xCC80] =	vst v63  }
.Ltmp0:
0x14a: {  	s8 =	sadd.s32 $0x80, s8;
	s14 =	smov.u32 s7;
	(pc) =	sbr.rel @p1 .LBB2_2-.Ltmp0, $4  }
0x14b: {  	s7 =	sadd.s32 $0x100, s7;
	p0 =	por p2, p2;
	s26 =	sadd.s32 $0x300, s23  }
0x14c: {  	[hbm4b:s26+s1] =	stream.linear.scatter [tilespmem:s28], [sflag:$0x5], $0xA00, $0x38;
	[tilespmem:$0xCC80] =	vst v63  }
0x14d: {  	s5 =	sadd.s32 $0x1, s5;
	s3 =	smov.u32 s15;
	s28 =	sadd.s32 $0x480, s23  }
0x14e: {  	[hbm4b:s28+s1] =	stream.linear.scatter [tilespmem:s10], [sflag:$0x5], $0xA00, $0x38;
	[tilespmem:$0xCC80] =	vst v63  }
0x14f: {  	s26 =	simm.s32 $0x80  }
0x150: {  	[hbm4b:s11+s1] =	stream.linear.scatter [tilespmem:s26], [sflag:$0x5], $0x400, $0x38;
	[tilespmem:$0xCC80] =	vst v63  }
0x151: {  	s6 =	simm.s32 @!p0 $0x4;
	s11 =	simm.s32 $0x480  }
0x152: {  	[hbm4b:s14+s1] =	stream.linear.scatter [tilespmem:s11], [sflag:$0x5], $0x800, $0x38;
	[tilespmem:$0xCC80] =	vst v63  }
0x153: {  	_ =	swait.ge @!p0 [sflag:s6], $0x2800  }
0x154: {  	[sflag:s6] =	ssyncset.done @!p0 $0x0  }
0x155: {  	[sflag:s6] =	ssyncadd.s32 @!p0 $0xFFFFD800  }
0x156: {  	_ =	swait.ge @!p0 [sflag:s6], $0x2800  }
0x157: {  	[sflag:s6] =	ssyncset.done @!p0 $0x0  }
0x158: {  	[sflag:s6] =	ssyncadd.s32 @!p0 $0xFFFFD800;
	s6 =	simm.s32 @!p0 $0x5  }
0x159: {  	_ =	swait.ge @!p0 [sflag:s6], $0x2800  }
0x15a: {  	[sflag:s6] =	ssyncset.done @!p0 $0x0  }
0x15b: {  	[sflag:s6] =	ssyncadd.s32 @!p0 $0xFFFFD800  }
0x15c: {  	_ =	swait.ge @!p0 [sflag:s6], $0x2800  }
0x15d: {  	[sflag:s6] =	ssyncset.done @!p0 $0x0  }
0x15e: {  	[sflag:s6] =	ssyncadd.s32 @!p0 $0xFFFFD800  }
0x15f: {  	_ =	swait.ge @!p0 [sflag:s6], $0x400  }
0x160: {  	[sflag:s6] =	ssyncset.done @!p0 $0x0  }
0x161: {  	[sflag:s6] =	ssyncadd.s32 @!p0 $0xFFFFFC00  }
0x162: {  	_ =	swait.ge @!p0 [sflag:s6], $0x800  }
0x163: {  	[sflag:s6] =	ssyncset.done @!p0 $0x0  }
0x164: {  	s9 =	simm.s32 $0x6;
	[sflag:s6] =	ssyncadd.s32 @!p0 $0xFFFFF800  }
0x165: {  	[tilespmem:s1], [sflag:$0x6] =	stream.linear.gather [hbm4b:s5+s1], $0x8, $0x38;
	[tilespmem:$0xCC80] =	vst v63  }
0x166: {  	_ =	swait.ge [sflag:s9], $0x8  }
0x167: {  	s12 =	rddreg [dreg:$0x4];
	[sflag:s9] =	ssyncset.done $0x0  }
0x168: {  	s14 =	rddreg [dreg:$0xa];
	[sflag:s9] =	ssyncadd.s32 $0xFFFFFFF8  }
0x169: {  	[tilespmem:s26], [sflag:$0x1] =	stream.indirect.gather [hbm4b:s12+s14], $0x80, s1, s14, $0xb8;
	[tilespmem:$0xCC80] =	vst v63  }
0x16a: {  	v2 =	vld.msk [tilespmem:$0x0], $0xff;
	_ =	sdelay $0x4  }
0x16b: {  	v3 =	vshll.u32 v2, $0x1  }
0x16c: {  	v2 =	vand.u32 $0x7, v2;
	v3 =	vand.u32 $0xFFFFFFF0, v3  }
0x16d: {  	v2 =	vor.u32 v2, v3  }
0x16e: {  	v2 =	vperm.xlane v2, v0;
	_ =	sdelay $0x1  }
0x16f: {  	v2 =	vadd.s32 v1, v2;
	_ =	sdelay $0x3  }
0x170: {  	s16 =	simm.s32 $0x1;
	s15 =	rddreg [dreg:$0x5]  }
0x171: {  	[tilespmem:s11], [sflag:$0x1] =	stream.indirect_vreg.gather [hbm4b:s15+s1], $0x80, v2, vm0, $0xb8;
	[tilespmem:$0xCC80] =	vst v63  }
0x172: {  	_ =	swait.ge [sflag:s16], $0x400  }
0x173: {  	[sflag:s16] =	ssyncset.done $0x0  }
0x174: {  	[sflag:s16] =	ssyncadd.s32 $0xFFFFFC00  }
0x175: {  	_ =	swait.ge [sflag:s16], $0x800  }
0x176: {  	[sflag:s16] =	ssyncset.done $0x0  }
0x177: {  	s14 =	simm.s32 $0xC80;
	[sflag:s16] =	ssyncadd.s32 $0xFFFFF800  }
0x178: {  	[tilespmem:s14], [sflag:$0x2] =	stream.indirect.gather [hbm4b:s2+s13], $0x80, s26, s13, $0xb8;
	[tilespmem:$0xCC80] =	vst v63  }
0x179: {  	s15 =	simm.s32 $0x6C80;
	s17 =	rddreg [dreg:$0xb]  }
0x17a: {  	[tilespmem:s15], [sflag:$0x2] =	stream.indirect.gather [hbm4b:s4+s13], $0x80, s17, s13, $0xb8;
	[tilespmem:$0xCC80] =	vst v63  }
0x17b: {  	s18 =	rddreg [dreg:$0xc];
	s16 =	simm.s32 $0x1880  }
0x17c: {  	[tilespmem:s16], [sflag:$0x2] =	stream.indirect.gather [hbm4b:s2+s13], $0x80, s18, s13, $0xb8;
	[tilespmem:$0xCC80] =	vst v63  }
0x17d: {  	s19 =	rddreg [dreg:$0xd];
	s17 =	simm.s32 $0x7880  }
0x17e: {  	[tilespmem:s17], [sflag:$0x2] =	stream.indirect.gather [hbm4b:s4+s13], $0x80, s19, s13, $0xb8;
	[tilespmem:$0xCC80] =	vst v63  }
0x17f: {  	s20 =	rddreg [dreg:$0xe];
	s18 =	simm.s32 $0x2480  }
0x180: {  	[tilespmem:s18], [sflag:$0x2] =	stream.indirect.gather [hbm4b:s2+s13], $0x80, s20, s13, $0xb8;
	[tilespmem:$0xCC80] =	vst v63  }
0x181: {  	s21 =	rddreg [dreg:$0xf];
	s19 =	simm.s32 $0x8480  }
0x182: {  	[tilespmem:s19], [sflag:$0x2] =	stream.indirect.gather [hbm4b:s4+s13], $0x80, s21, s13, $0xb8;
	[tilespmem:$0xCC80] =	vst v63  }
0x183: {  	s22 =	rddreg [dreg:$0x10];
	s20 =	simm.s32 $0x3080  }
0x184: {  	[tilespmem:s20], [sflag:$0x2] =	stream.indirect.gather [hbm4b:s2+s13], $0x80, s22, s13, $0xb8;
	[tilespmem:$0xCC80] =	vst v63  }
0x185: {  	s23 =	rddreg [dreg:$0x11];
	s21 =	simm.s32 $0x9080  }
0x186: {  	[tilespmem:s21], [sflag:$0x2] =	stream.indirect.gather [hbm4b:s4+s13], $0x80, s23, s13, $0xb8;
	[tilespmem:$0xCC80] =	vst v63  }
0x187: {  	s24 =	rddreg [dreg:$0x12];
	s22 =	simm.s32 $0x3C80  }
0x188: {  	[tilespmem:s22], [sflag:$0x3] =	stream.indirect.gather [hbm4b:s2+s13], $0x80, s24, s13, $0xb8;
	[tilespmem:$0xCC80] =	vst v63  }
0x189: {  	s25 =	rddreg [dreg:$0x13];
	s23 =	simm.s32 $0x9C80  }
0x18a: {  	[tilespmem:s23], [sflag:$0x3] =	stream.indirect.gather [hbm4b:s4+s13], $0x80, s25, s13, $0xb8;
	[tilespmem:$0xCC80] =	vst v63  }
0x18b: {  	s28 =	rddreg [dreg:$0x14];
	s24 =	simm.s32 $0x4880  }
0x18c: {  	[tilespmem:s24], [sflag:$0x3] =	stream.indirect.gather [hbm4b:s2+s13], $0x80, s28, s13, $0xb8;
	[tilespmem:$0xCC80] =	vst v63  }
0x18d: {  	s9 =	rddreg [dreg:$0x15];
	s25 =	simm.s32 $0xA880  }
0x18e: {  	[tilespmem:s25], [sflag:$0x3] =	stream.indirect.gather [hbm4b:s4+s13], $0x80, s9, s13, $0xb8;
	[tilespmem:$0xCC80] =	vst v63  }
0x18f: {  	s10 =	rddreg [dreg:$0x16];
	s9 =	simm.s32 $0x5480  }
0x190: {  	[tilespmem:s9], [sflag:$0x3] =	stream.indirect.gather [hbm4b:s2+s13], $0x80, s10, s13, $0xb8;
	[tilespmem:$0xCC80] =	vst v63  }
0x191: {  	s12 =	rddreg [dreg:$0x17];
	s10 =	simm.s32 $0xB480  }
0x192: {  	[tilespmem:s10], [sflag:$0x3] =	stream.indirect.gather [hbm4b:s4+s13], $0x80, s12, s13, $0xb8;
	[tilespmem:$0xCC80] =	vst v63  }
0x193: {  	s28 =	rddreg [dreg:$0x18];
	s12 =	simm.s32 $0x6080  }
0x194: {  	[tilespmem:s12], [sflag:$0x3] =	stream.indirect.gather [hbm4b:s2+s13], $0x80, s28, s13, $0xb8;
	[tilespmem:$0xCC80] =	vst v63  }
0x195: {  	s5 =	rddreg [dreg:$0x19];
	s28 =	simm.s32 $0xC080  }
0x196: {  	[tilespmem:s28], [sflag:$0x3] =	stream.indirect.gather [hbm4b:s4+s13], $0x80, s5, s13, $0xb8;
	[tilespmem:$0xCC80] =	vst v63  }
0x197: {  	_ =	swait.ge [sflag:s31], $0xA00  }
0x198: {  	[sflag:s31] =	ssyncset.done $0x0  }
0x199: {  	[sflag:s31] =	ssyncadd.s32 $0xFFFFF600  }
0x19a: {  	_ =	swait.ge [sflag:s31], $0xA00  }
0x19b: {  	[sflag:s31] =	ssyncset.done $0x0  }
0x19c: {  	[sflag:s31] =	ssyncadd.s32 $0xFFFFF600  }
0x19d: {  	_ =	swait.ge [sflag:s31], $0xA00  }
0x19e: {  	[sflag:s31] =	ssyncset.done $0x0  }
0x19f: {  	[sflag:s31] =	ssyncadd.s32 $0xFFFFF600  }
0x1a0: {  	_ =	swait.ge [sflag:s31], $0xA00  }
0x1a1: {  	[sflag:s31] =	ssyncset.done $0x0  }
0x1a2: {  	[sflag:s31] =	ssyncadd.s32 $0xFFFFF600  }
0x1a3: {  	_ =	swait.ge [sflag:s31], $0xA00  }
0x1a4: {  	[sflag:s31] =	ssyncset.done $0x0  }
0x1a5: {  	[sflag:s31] =	ssyncadd.s32 $0xFFFFF600  }
0x1a6: {  	_ =	swait.ge [sflag:s31], $0xA00  }
0x1a7: {  	[sflag:s31] =	ssyncset.done $0x0  }
0x1a8: {  	[sflag:s31] =	ssyncadd.s32 $0xFFFFF600  }
0x1a9: {  	_ =	swait.ge [sflag:s31], $0xA00  }
0x1aa: {  	[sflag:s31] =	ssyncset.done $0x0  }
0x1ab: {  	[sflag:s31] =	ssyncadd.s32 $0xFFFFF600  }
0x1ac: {  	_ =	swait.ge [sflag:s31], $0xA00  }
0x1ad: {  	s6 =	rddreg [dreg:$0x8];
	[sflag:s31] =	ssyncset.done $0x0  }
0x1ae: {  	[sflag:s31] =	ssyncadd.s32 $0xFFFFF600;
	s5 =	sadd.s32 s3, s6  }
0x1af: {  	[hbm4b:s5+s1] =	stream.linear.scatter [tilespmem:s14], [sflag:$0x4], $0xA00, $0x38;
	[tilespmem:$0xCC80] =	vst v63  }
0x1b0: {  	s14 =	sadd.s32 $0x180, s5  }
0x1b1: {  	[hbm4b:s14+s1] =	stream.linear.scatter [tilespmem:s16], [sflag:$0x4], $0xA00, $0x38;
	[tilespmem:$0xCC80] =	vst v63  }
0x1b2: {  	s16 =	sadd.s32 $0x300, s5  }
0x1b3: {  	[hbm4b:s16+s1] =	stream.linear.scatter [tilespmem:s18], [sflag:$0x4], $0xA00, $0x38;
	[tilespmem:$0xCC80] =	vst v63  }
0x1b4: {  	s5 =	sadd.s32 $0x480, s5;
	s18 =	rddreg [dreg:$0x9]  }
0x1b5: {  	[hbm4b:s5+s1] =	stream.linear.scatter [tilespmem:s20], [sflag:$0x4], $0xA00, $0x38;
	[tilespmem:$0xCC80] =	vst v63  }
0x1b6: {  	s14 =	sadd.s32 s3, s18  }
0x1b7: {  	[hbm4b:s14+s1] =	stream.linear.scatter [tilespmem:s15], [sflag:$0x4], $0xA00, $0x38;
	[tilespmem:$0xCC80] =	vst v63  }
0x1b8: {  	s6 =	sadd.s32 $0x180, s14  }
0x1b9: {  	[hbm4b:s6+s1] =	stream.linear.scatter [tilespmem:s17], [sflag:$0x4], $0xA00, $0x38;
	[tilespmem:$0xCC80] =	vst v63  }
0x1ba: {  	s16 =	sadd.s32 $0x300, s14  }
0x1bb: {  	[hbm4b:s16+s1] =	stream.linear.scatter [tilespmem:s19], [sflag:$0x4], $0xA00, $0x38;
	[tilespmem:$0xCC80] =	vst v63  }
0x1bc: {  	s5 =	sadd.s32 $0x480, s14  }
0x1bd: {  	[hbm4b:s5+s1] =	stream.linear.scatter [tilespmem:s21], [sflag:$0x4], $0xA00, $0x38;
	[tilespmem:$0xCC80] =	vst v63  }
0x1be: {  	_ =	swait.ge [sflag:s0], $0xA00  }
0x1bf: {  	[sflag:s0] =	ssyncset.done $0x0  }
0x1c0: {  	[sflag:s0] =	ssyncadd.s32 $0xFFFFF600  }
0x1c1: {  	_ =	swait.ge [sflag:s0], $0xA00  }
0x1c2: {  	[sflag:s0] =	ssyncset.done $0x0  }
0x1c3: {  	[sflag:s0] =	ssyncadd.s32 $0xFFFFF600  }
0x1c4: {  	_ =	swait.ge [sflag:s0], $0xA00  }
0x1c5: {  	[sflag:s0] =	ssyncset.done $0x0  }
0x1c6: {  	[sflag:s0] =	ssyncadd.s32 $0xFFFFF600  }
0x1c7: {  	_ =	swait.ge [sflag:s0], $0xA00  }
0x1c8: {  	[sflag:s0] =	ssyncset.done $0x0  }
0x1c9: {  	[sflag:s0] =	ssyncadd.s32 $0xFFFFF600  }
0x1ca: {  	_ =	swait.ge [sflag:s0], $0xA00  }
0x1cb: {  	[sflag:s0] =	ssyncset.done $0x0  }
0x1cc: {  	[sflag:s0] =	ssyncadd.s32 $0xFFFFF600  }
0x1cd: {  	_ =	swait.ge [sflag:s0], $0xA00  }
0x1ce: {  	[sflag:s0] =	ssyncset.done $0x0  }
0x1cf: {  	[sflag:s0] =	ssyncadd.s32 $0xFFFFF600  }
0x1d0: {  	_ =	swait.ge [sflag:s0], $0xA00  }
0x1d1: {  	[sflag:s0] =	ssyncset.done $0x0  }
0x1d2: {  	[sflag:s0] =	ssyncadd.s32 $0xFFFFF600  }
0x1d3: {  	_ =	swait.ge [sflag:s0], $0xA00  }
0x1d4: {  	s17 =	rddreg [dreg:$0x7];
	[sflag:s0] =	ssyncset.done $0x0  }
0x1d5: {  	[sflag:s0] =	ssyncadd.s32 $0xFFFFF600;
	s5 =	sadd.s32 s3, s17  }
0x1d6: {  	[hbm4b:s5+s1] =	stream.linear.scatter [tilespmem:s22], [sflag:$0x5], $0xA00, $0x38;
	[tilespmem:$0xCC80] =	vst v63  }
0x1d7: {  	s18 =	sadd.s32 $0x180, s5  }
0x1d8: {  	[hbm4b:s18+s1] =	stream.linear.scatter [tilespmem:s24], [sflag:$0x5], $0xA00, $0x38;
	[tilespmem:$0xCC80] =	vst v63  }
0x1d9: {  	s19 =	sadd.s32 $0x300, s5  }
0x1da: {  	[hbm4b:s19+s1] =	stream.linear.scatter [tilespmem:s9], [sflag:$0x5], $0xA00, $0x38;
	[tilespmem:$0xCC80] =	vst v63  }
0x1db: {  	s20 =	rddreg [dreg:$0x6];
	s5 =	sadd.s32 $0x480, s5  }
0x1dc: {  	[hbm4b:s5+s1] =	stream.linear.scatter [tilespmem:s12], [sflag:$0x5], $0xA00, $0x38;
	[tilespmem:$0xCC80] =	vst v63  }
0x1dd: {  	s21 =	sadd.s32 s3, s20  }
0x1de: {  	[hbm4b:s21+s1] =	stream.linear.scatter [tilespmem:s23], [sflag:$0x5], $0xA00, $0x38;
	[tilespmem:$0xCC80] =	vst v63  }
0x1df: {  	s22 =	sadd.s32 $0x180, s21  }
0x1e0: {  	[hbm4b:s22+s1] =	stream.linear.scatter [tilespmem:s25], [sflag:$0x5], $0xA00, $0x38;
	[tilespmem:$0xCC80] =	vst v63  }
0x1e1: {  	s23 =	sadd.s32 $0x300, s21  }
0x1e2: {  	[hbm4b:s23+s1] =	stream.linear.scatter [tilespmem:s10], [sflag:$0x5], $0xA00, $0x38;
	[tilespmem:$0xCC80] =	vst v63  }
0x1e3: {  	s3 =	sadd.s32 $0x480, s21  }
0x1e4: {  	[hbm4b:s3+s1] =	stream.linear.scatter [tilespmem:s28], [sflag:$0x5], $0xA00, $0x38;
	[tilespmem:$0xCC80] =	vst v63  }
0x1e5: {  	_ = 	snop  }
0x1e6: {  	[hbm4b:s8+s1] =	stream.linear.scatter [tilespmem:s26], [sflag:$0x5], $0x400, $0x38;
	[tilespmem:$0xCC80] =	vst v63  }
0x1e7: {  	s24 =	simm.s32 $0x4  }
0x1e8: {  	[hbm4b:s7+s1] =	stream.linear.scatter [tilespmem:s11], [sflag:$0x5], $0x800, $0x38;
	[tilespmem:$0xCC80] =	vst v63  }
0x1e9: {  	_ =	swait.ge [sflag:s24], $0x2800  }
0x1ea: {  	[sflag:s24] =	ssyncset.done $0x0  }
0x1eb: {  	[sflag:s24] =	ssyncadd.s32 $0xFFFFD800  }
0x1ec: {  	_ =	swait.ge [sflag:s24], $0x2800  }
0x1ed: {  	[sflag:s24] =	ssyncset.done $0x0  }
0x1ee: {  	s25 =	simm.s32 $0x5;
	[sflag:s24] =	ssyncadd.s32 $0xFFFFD800  }
0x1ef: {  	_ =	swait.ge [sflag:s25], $0x2800  }
0x1f0: {  	[sflag:s25] =	ssyncset.done $0x0  }
0x1f1: {  	[sflag:s25] =	ssyncadd.s32 $0xFFFFD800  }
0x1f2: {  	_ =	swait.ge [sflag:s25], $0x2800  }
0x1f3: {  	[sflag:s25] =	ssyncset.done $0x0  }
0x1f4: {  	[sflag:s25] =	ssyncadd.s32 $0xFFFFD800  }
0x1f5: {  	_ =	swait.ge [sflag:s25], $0x400  }
0x1f6: {  	[sflag:s25] =	ssyncset.done $0x0  }
0x1f7: {  	[sflag:s25] =	ssyncadd.s32 $0xFFFFFC00  }
0x1f8: {  	_ =	swait.ge [sflag:s25], $0x800  }
0x1f9: {  	s26 =	rddreg [dreg:$0x1e]  }
0x1fa: {  	s28 =	rddreg [dreg:$0x1a];
	s7 =	sadd.s32 $0x1, s26  }
0x1fb: {  	p0 =	sne.s32 s7, s28  }
.Ltmp1:
0x1fc: {  	_ = 	snop;
	(pc) =	sbr.rel @p0 .LBB2_1-.Ltmp1, $3  }
0x1fd: {  	_ =	sdelay $0x1  }
0x1fe: {  	[sflag:s25] =	ssyncset.done $0x0  }
0x1ff: {  	s6 =	simm.s32 $0x480;
	[sflag:s25] =	ssyncadd.s32 $0xFFFFF800  }
0x200: {  	_ =	sfence.sel $0x180000  }
0x201: {  	[bflag:$0x0] =	sbarrier.arrive $0xFFFF  }
0x202: {  	_ =	strace $0x9000004A  }
0x203: {  	s0 =	stileid.u32;
	[bflag:$0x2] =	sbarrier.arrive $0xFFFF  }
0x204: {  	p0 =	sne.s32 s0, $0x0;
	s0 =	rddreg [dreg:$0x3]  }
0x205: {  	s0 =	sadd.s32 @!p0 $0x100000, s0  }
0x206: {  	[sflag:s0] =	ssyncadd.tile.s32 @!p0 $0x1;
	_ =	shalt  }
.Lfunc_end2:
_tile_overlayer_lowered:
.L_overlay_start_2:
0x207: {  	(tag) =	ssettag $0x2  }
0x208: {  	s0 =	rddreg [dreg:$0x0];
	s2 =	stileid.u32  }
0x209: {  	s1 =	rddreg [dreg:$0x1];
	p0 =	sne.s32 s2, $0x0  }
0x20a: {  	s3 =	rddreg [dreg:$0x2];
	[bflag:$0x3] =	sbarrier.arrive $0xFFFF;
	s2 =	simm.s32 @!p0 $0x1C06  }
0x20b: {  	[timem:s3], [sflag:s2] =	dma.local @!p0 [hbm:s0], s1  }
0x20c: {  	s0 =	simm.s32 @!p0 $0x6  }
0x20d: {  	_ =	swait.ge @!p0 [sflag:s0], s1  }
0x20e: {  	s1 =	ssub.s32 @!p0 $0x0, s1;
	[sflag:s0] =	ssyncset.done @!p0 $0x0  }
0x20f: {  	[sflag:s0] =	ssyncadd.s32 @!p0 s1  }
0x210: {  	[bflag:$0x3] =	sbarrier.arrive $0xFFFF  }
0x211: {  	_ =	shalt  }

</sc_bundles>
